<compile_context>
chip_gen: v7x
topology: tpu7x:2x2x1
jax: 0.10.2.dev20260603
libtpu: 0.0.44.dev20260713+nightly
codegen_flags: <defaults>
</compile_context>

<pallas_src>
import functools

import jax
import jax.numpy as jnp
from jax import lax
from jax.experimental import pallas as pl
from jax.experimental.pallas import tpu as pltpu
from jax.experimental.pallas import tpu_sc as plsc

_C = 768
_H = 32
_W = 32
_N = 4096
_GRID = 29
_TABLE_ROWS = 848
_B = _N * 5


def _tc_pool_body(feat_ref, rois_ref, table_ref, idx_ref):
    f = feat_ref[...]
    p = lax.broadcasted_iota(jnp.int32, (_TABLE_ROWS, _H * _W), 0)
    q = lax.broadcasted_iota(jnp.int32, (_TABLE_ROWS, _H * _W), 1)
    py = p // _GRID
    px = p % _GRID
    qy = q // _W
    qx = q % _W
    dy = qy - py
    dx = qx - px
    m = (dy >= 0) & (dy < 4) & (dx >= 0) & (dx < 4)
    pool = m.astype(jnp.float32)
    acc = lax.dot_general(
        pool, f,
        dimension_numbers=(((1,), (1,)), ((), ())),
        preferred_element_type=jnp.float32,
        precision=lax.Precision.DEFAULT,
    )
    table_ref[...] = acc * (1.0 / 16.0)

    rt = rois_ref[...].T
    x0, y0, x1, y1, x2, y2, x3, y3 = [rt[i:i + 1] for i in range(8)]
    sums = [(x0 + x1, y0 + y1), (x1 + x2, y1 + y2),
            (x2 + x3, y2 + y3), (x3 + x0, y3 + y0),
            (x0 + x1 + x2 + x3, y0 + y1 + y2 + y3)]
    rows = []
    for pi, (sx, sy) in enumerate(sums):
        sh = 5 if pi < 4 else 6
        add = 31 if pi < 4 else 63
        xi = jnp.clip((sx + add) >> sh, 2, _W - 2)
        yi = jnp.clip((sy + add) >> sh, 2, _H - 2)
        rows.append((yi - 2) * _GRID + (xi - 2))
    idx_ref[...] = jnp.concatenate(rows, axis=0)


_tc_pool = pl.pallas_call(
    _tc_pool_body,
    out_shape=(
        jax.ShapeDtypeStruct((_TABLE_ROWS, _C), jnp.float32),
        jax.ShapeDtypeStruct((5, _N), jnp.int32),
    ),
)


@functools.cache
def _make_sc_gather():
    info = plsc.get_sparse_core_info()
    nc, ns = info.num_cores, info.num_subcores
    nw = nc * ns
    rois_per_w = _N // nw
    chunk = 32
    nbuf = 2
    n_parts = rois_per_w // chunk
    mesh = plsc.VectorSubcoreMesh(core_axis_name="c", subcore_axis_name="s")

    @functools.partial(
        pl.kernel, mesh=mesh,
        out_type=jax.ShapeDtypeStruct((_N, 5 * _C), jnp.float32),
        scratch_types=[
            pltpu.VMEM((5, rois_per_w), jnp.int32),
            pltpu.VMEM((nbuf, chunk, _C), jnp.float32),
            pltpu.VMEM_SHARED((ns, nbuf, chunk, _C), jnp.float32),
            pltpu.SemaphoreType.DMA,
            pltpu.SemaphoreType.DMA,
            pltpu.SemaphoreType.DMA,
            pltpu.SemaphoreType.DMA,
        ],
    )
    def sc_gather(table_hbm, idx_hbm, out_hbm, idx_v, rows_v, slab_sp, *sems):
        gsem = sems[:nbuf]
        ssem = sems[nbuf:]
        sid = lax.axis_index("s")
        wid = sid * nc + lax.axis_index("c")
        rbase = wid * rois_per_w
        pltpu.sync_copy(idx_hbm.at[:, pl.ds(rbase, rois_per_w)], idx_v)

        steps = [(pi, h) for pi in range(5) for h in range(n_parts)]

        def gather_start(step, b):
            pi, h = steps[step]
            return pltpu.async_copy(
                table_hbm.at[idx_v.at[pi, pl.ds(h * chunk, chunk)]],
                rows_v.at[b], gsem[b])

        def scatter_start(step, b):
            pi, h = steps[step]
            return pltpu.async_copy(
                slab_sp.at[sid, b],
                out_hbm.at[pl.ds(rbase + h * chunk, chunk),
                           pl.ds(pi * _C, _C)],
                ssem[b])

        g = [None] * nbuf
        s = [None] * nbuf
        for st in range(min(nbuf, len(steps))):
            g[st] = gather_start(st, st)
        for st in range(len(steps)):
            b = st % nbuf
            g[b].wait()
            if s[b] is not None:
                s[b].wait()
            pltpu.sync_copy(rows_v.at[b], slab_sp.at[sid, b])
            s[b] = scatter_start(st, b)
            nxt = st + nbuf
            if nxt < len(steps):
                g[b] = gather_start(nxt, b)
        for b in range(min(nbuf, len(steps))):
            s[b].wait()

    return sc_gather


def kernel(feat, rois):
    C, H, W = feat.shape
    table, idxpm = _tc_pool(feat.reshape(C, H * W), rois)
    return _make_sc_gather()(table, idxpm)

# --- scband reference (transcript-rebuilt; emitter-appended) ---
"""Pipeline reference for scband-node-ro-ipool-833223655740 (READ-ONLY COPY).

The authoritative reference and input builder live on the scoring server;
editing this copy changes nothing except your own understanding.
"""

import jax, jax.numpy as jnp
import numpy as np

SPATIAL_SCALE = 0.0625


def setup_inputs(seed: int = 0) -> dict:
    key = jax.random.key(seed)
    k1, k2 = jax.random.split(key)
    feat = jax.random.normal(k1, (768, 32, 32), dtype=jnp.float32)
    rois = jax.random.randint(k2, (4096, 8), 0, 512, dtype=jnp.int32)
    return {"feat": feat, "rois": rois}


def reference(feat, rois):
    # feat: [C, H, W]; rois: [N, 8] = 4 (x,y) corner points per roi
    C, H, W = feat.shape
    rrois = (rois.astype(jnp.float32) * SPATIAL_SCALE).reshape(-1, 4, 2)  # [N,4,2]
    # roib[:, i] = (rrois[:, i] + rrois[:, (i+1)%4]) / 2 for i in 0..3 (edge midpoints)
    mids = (rrois + jnp.roll(rrois, -1, axis=1)) / 2.0  # [N,4,2]
    center = jnp.mean(rrois, axis=1, keepdims=True)  # [N,1,2]
    pts = jnp.concatenate([mids, center], axis=1)  # [N,5,2]
    # maskconv: ceil point, clip so the 4x4 window stays in-bounds (stride=2)
    x = jnp.clip(jnp.ceil(pts[..., 0]), 2, W - 2).astype(jnp.int32)  # [N,5]
    y = jnp.clip(jnp.ceil(pts[..., 1]), 2, H - 2).astype(jnp.int32)  # [N,5]
    d = jnp.arange(-2, 2, dtype=jnp.int32)
    gy, gx = jnp.meshgrid(d, d, indexing='ij')  # matches torch.meshgrid(shifts_y, shifts_x)
    gx = gx.reshape(-1)  # [16]
    gy = gy.reshape(-1)  # [16]
    xs = x[..., None] + gx[None, None, :]  # [N,5,16]
    ys = y[..., None] + gy[None, None, :]  # [N,5,16]
    gathered = feat[:, ys, xs]  # [C, N, 5, 16]
    pooled = jnp.mean(gathered, axis=-1)  # [C, N, 5] (mean over 4x4 window)
    # pooling1 concatenates the 5 per-point [C] vectors -> [N, 5*C]
    out = jnp.transpose(pooled, (1, 2, 0)).reshape(pooled.shape[1], 5 * C)
    return out

if __name__ == "__main__":
    import jax
    _d = setup_inputs()
    print(jax.jit(kernel)(*tuple(_d.values())))

</pallas_src>

<mosaic_0001>
#map = affine_map<(d0, d1) -> (0, 0)>
module attributes {stable_mosaic.version = 14 : i64} {
  func.func @sc_gather(%arg0: i32, %arg1: i32, %arg2: memref<848x768xf32, #tpu.memory_space<hbm>>, %arg3: memref<5x4096xi32, #tpu.memory_space<hbm>>, %arg4: memref<4096x3840xf32, #tpu.memory_space<hbm>>, %arg5: memref<5x128xi32, #tpu.memory_space<vmem>>, %arg6: memref<2x32x768xf32, #tpu.memory_space<vmem>>, %arg7: memref<16x2x32x768xf32, #tpu.memory_space<vmem_shared>>, %arg8: memref<!tpu.dma_semaphore, #tpu.memory_space<semaphore_mem>>, %arg9: memref<!tpu.dma_semaphore, #tpu.memory_space<semaphore_mem>>, %arg10: memref<!tpu.dma_semaphore, #tpu.memory_space<semaphore_mem>>, %arg11: memref<!tpu.dma_semaphore, #tpu.memory_space<semaphore_mem>>) attributes {dimension_semantics = [#tpu.dimension_semantics<core_parallel>, #tpu.dimension_semantics<subcore_parallel>], iteration_bounds = array<i64: 2, 16>, scalar_prefetch = 0 : i64, scratch_operands = 7 : i64, tpu.core_type = #tpu.core_type<sc_vector_subcore>, window_params = [{transform_indices = #map}, {transform_indices = #map}, {transform_indices = #map}]} {
    %mul3A = arith.constant 2 : i32
    %mul3A_0 = arith.muli %arg1, %mul3A : i32
    %add3A = arith.addi %mul3A_0, %arg0 : i32
    %mul3A_1 = arith.constant 128 : i32
    %mul3A_2 = arith.muli %add3A, %mul3A_1 : i32
    "tpu.region"() ({
      %run_scoped3A_840 = tpu.sem_alloc : memref<!tpu.dma_semaphore, #tpu.memory_space<semaphore_mem>>
      %dma_start3A_841 = arith.constant 0 : i32
      %dma_start3A_842 = tpu.memref_slice %arg3[%dma_start3A_841, %mul3A_2] : memref<5x4096xi32, #tpu.memory_space<hbm>> -> memref<5x128xi32, #tpu.memory_space<hbm>>
      %dma_start3A_843 = arith.constant 0 : i32
      %dma_start3A_844 = tpu.memref_slice %arg3[%dma_start3A_843, %mul3A_2] : memref<5x4096xi32, #tpu.memory_space<hbm>> -> memref<5x128xi32, #tpu.memory_space<hbm>>
      tpu.enqueue_dma source(%dma_start3A_844 : memref<5x128xi32, #tpu.memory_space<hbm>>) target(%arg5 : memref<5x128xi32, #tpu.memory_space<vmem>>) target_semaphore(%run_scoped3A_840 : memref<!tpu.dma_semaphore, #tpu.memory_space<semaphore_mem>>)
      %dma_wait3A_845 = arith.constant 0 : i32
      %dma_wait3A_846 = tpu.memref_slice %arg3[%dma_wait3A_845, %mul3A_2] : memref<5x4096xi32, #tpu.memory_space<hbm>> -> memref<5x128xi32, #tpu.memory_space<hbm>>
      %dma_wait3A_847 = arith.constant 0 : i32
      %dma_wait3A_848 = tpu.memref_slice %arg3[%dma_wait3A_847, %mul3A_2] : memref<5x4096xi32, #tpu.memory_space<hbm>> -> memref<5x128xi32, #tpu.memory_space<hbm>>
      tpu.wait_dma2 semaphore(%run_scoped3A_840 : memref<!tpu.dma_semaphore, #tpu.memory_space<semaphore_mem>>) src(%dma_wait3A_848 : memref<5x128xi32, #tpu.memory_space<hbm>>) dst(%arg5 : memref<5x128xi32, #tpu.memory_space<vmem>>)
      tpu.yield
    }) : () -> ()
    %dma_start3A = arith.constant 0 : i32
    %dma_start3A_3 = arith.constant 0 : i32
    %dma_start3A_4 = arith.constant 0 : i32
    %dma_start3A_5 = arith.constant 0 : i32
    %dma_start3A_6 = tpu.memref_slice %arg6[%dma_start3A_3, %dma_start3A_4, %dma_start3A_5] : memref<2x32x768xf32, #tpu.memory_space<vmem>> -> memref<1x32x768xf32, #tpu.memory_space<vmem>>
    %dma_start3A_7 = tpu.memref_squeeze %dma_start3A_6 : memref<1x32x768xf32, #tpu.memory_space<vmem>> -> memref<32x768xf32, #tpu.memory_space<vmem>>
    %dma_start3A_8 = arith.constant 0 : i32
    %dma_start3A_9 = tpu.memref_slice %arg5[%dma_start3A, %dma_start3A_8] : memref<5x128xi32, #tpu.memory_space<vmem>> -> memref<1x32xi32, #tpu.memory_space<vmem>>
    %dma_start3A_10 = tpu.memref_squeeze %dma_start3A_9 : memref<1x32xi32, #tpu.memory_space<vmem>> -> memref<32xi32, #tpu.memory_space<vmem>>
    %dma_start3A_11 = arith.constant 0 : i32
    %dma_start3A_12 = arith.constant 0 : i32
    %dma_start3A_13 = tpu.memref_slice %arg2[%dma_start3A_11, %dma_start3A_12] : memref<848x768xf32, #tpu.memory_space<hbm>> -> memref<848x768xf32, #tpu.memory_space<hbm>>
    tpu.enqueue_indirect_dma source(%dma_start3A_13 : memref<848x768xf32, #tpu.memory_space<hbm>>) target(%dma_start3A_7 : memref<32x768xf32, #tpu.memory_space<vmem>>) offsets(%dma_start3A_10 : memref<32xi32, #tpu.memory_space<vmem>>) semaphore(%arg8 : memref<!tpu.dma_semaphore, #tpu.memory_space<semaphore_mem>>)
    %dma_start3A_14 = arith.constant 0 : i32
    %dma_start3A_15 = arith.constant 1 : i32
    %dma_start3A_16 = arith.constant 0 : i32
    %dma_start3A_17 = arith.constant 0 : i32
    %dma_start3A_18 = tpu.memref_slice %arg6[%dma_start3A_15, %dma_start3A_16, %dma_start3A_17] : memref<2x32x768xf32, #tpu.memory_space<vmem>> -> memref<1x32x768xf32, #tpu.memory_space<vmem>>
    %dma_start3A_19 = tpu.memref_squeeze %dma_start3A_18 : memref<1x32x768xf32, #tpu.memory_space<vmem>> -> memref<32x768xf32, #tpu.memory_space<vmem>>
    %dma_start3A_20 = arith.constant 32 : i32
    %dma_start3A_21 = tpu.memref_slice %arg5[%dma_start3A_14, %dma_start3A_20] : memref<5x128xi32, #tpu.memory_space<vmem>> -> memref<1x32xi32, #tpu.memory_space<vmem>>
    %dma_start3A_22 = tpu.memref_squeeze %dma_start3A_21 : memref<1x32xi32, #tpu.memory_space<vmem>> -> memref<32xi32, #tpu.memory_space<vmem>>
    %dma_start3A_23 = arith.constant 0 : i32
    %dma_start3A_24 = arith.constant 0 : i32
    %dma_start3A_25 = tpu.memref_slice %arg2[%dma_start3A_23, %dma_start3A_24] : memref<848x768xf32, #tpu.memory_space<hbm>> -> memref<848x768xf32, #tpu.memory_space<hbm>>
    tpu.enqueue_indirect_dma source(%dma_start3A_25 : memref<848x768xf32, #tpu.memory_space<hbm>>) target(%dma_start3A_19 : memref<32x768xf32, #tpu.memory_space<vmem>>) offsets(%dma_start3A_22 : memref<32xi32, #tpu.memory_space<vmem>>) semaphore(%arg9 : memref<!tpu.dma_semaphore, #tpu.memory_space<semaphore_mem>>)
    %dma_wait3A = arith.constant 0 : i32
    %dma_wait3A_26 = arith.constant 0 : i32
    %dma_wait3A_27 = arith.constant 0 : i32
    %dma_wait3A_28 = arith.constant 0 : i32
    %dma_wait3A_29 = tpu.memref_slice %arg6[%dma_wait3A_26, %dma_wait3A_27, %dma_wait3A_28] : memref<2x32x768xf32, #tpu.memory_space<vmem>> -> memref<1x32x768xf32, #tpu.memory_space<vmem>>
    %dma_wait3A_30 = tpu.memref_squeeze %dma_wait3A_29 : memref<1x32x768xf32, #tpu.memory_space<vmem>> -> memref<32x768xf32, #tpu.memory_space<vmem>>
    %dma_wait3A_31 = arith.constant 0 : i32
    %dma_wait3A_32 = tpu.memref_slice %arg5[%dma_wait3A, %dma_wait3A_31] : memref<5x128xi32, #tpu.memory_space<vmem>> -> memref<1x32xi32, #tpu.memory_space<vmem>>
    %dma_wait3A_33 = tpu.memref_squeeze %dma_wait3A_32 : memref<1x32xi32, #tpu.memory_space<vmem>> -> memref<32xi32, #tpu.memory_space<vmem>>
    %dma_wait3A_34 = arith.constant 0 : i32
    %dma_wait3A_35 = arith.constant 0 : i32
    %dma_wait3A_36 = tpu.memref_slice %arg2[%dma_wait3A_34, %dma_wait3A_35] : memref<848x768xf32, #tpu.memory_space<hbm>> -> memref<848x768xf32, #tpu.memory_space<hbm>>
    tpu.wait_indirect_dma semaphore(%arg8 : memref<!tpu.dma_semaphore, #tpu.memory_space<semaphore_mem>>) src(%dma_wait3A_36 : memref<848x768xf32, #tpu.memory_space<hbm>>) dst(%dma_wait3A_30 : memref<32x768xf32, #tpu.memory_space<vmem>>)
    %run_scoped3A = arith.constant 0 : i32
    %run_scoped3A_37 = arith.constant 0 : i32
    "tpu.region"() ({
      %run_scoped3A_840 = tpu.sem_alloc : memref<!tpu.dma_semaphore, #tpu.memory_space<semaphore_mem>>
      %dma_start3A_841 = arith.constant 0 : i32
      %dma_start3A_842 = arith.constant 0 : i32
      %dma_start3A_843 = tpu.memref_slice %arg6[%run_scoped3A, %dma_start3A_841, %dma_start3A_842] : memref<2x32x768xf32, #tpu.memory_space<vmem>> -> memref<1x32x768xf32, #tpu.memory_space<vmem>>
      %dma_start3A_844 = tpu.memref_squeeze %dma_start3A_843 : memref<1x32x768xf32, #tpu.memory_space<vmem>> -> memref<32x768xf32, #tpu.memory_space<vmem>>
      %dma_start3A_845 = arith.constant 0 : i32
      %dma_start3A_846 = arith.constant 0 : i32
      %dma_start3A_847 = tpu.memref_slice %arg7[%arg1, %run_scoped3A_37, %dma_start3A_845, %dma_start3A_846] : memref<16x2x32x768xf32, #tpu.memory_space<vmem_shared>> -> memref<1x1x32x768xf32, #tpu.memory_space<vmem_shared>>
      %dma_start3A_848 = tpu.memref_squeeze %dma_start3A_847 : memref<1x1x32x768xf32, #tpu.memory_space<vmem_shared>> -> memref<32x768xf32, #tpu.memory_space<vmem_shared>>
      %dma_start3A_849 = arith.constant 0 : i32
      %dma_start3A_850 = arith.constant 0 : i32
      %dma_start3A_851 = tpu.memref_slice %arg7[%arg1, %run_scoped3A_37, %dma_start3A_849, %dma_start3A_850] : memref<16x2x32x768xf32, #tpu.memory_space<vmem_shared>> -> memref<1x1x32x768xf32, #tpu.memory_space<vmem_shared>>
      %dma_start3A_852 = tpu.memref_squeeze %dma_start3A_851 : memref<1x1x32x768xf32, #tpu.memory_space<vmem_shared>> -> memref<32x768xf32, #tpu.memory_space<vmem_shared>>
      %dma_start3A_853 = arith.constant 0 : i32
      %dma_start3A_854 = arith.constant 0 : i32
      %dma_start3A_855 = tpu.memref_slice %arg6[%run_scoped3A, %dma_start3A_853, %dma_start3A_854] : memref<2x32x768xf32, #tpu.memory_space<vmem>> -> memref<1x32x768xf32, #tpu.memory_space<vmem>>
      %dma_start3A_856 = tpu.memref_squeeze %dma_start3A_855 : memref<1x32x768xf32, #tpu.memory_space<vmem>> -> memref<32x768xf32, #tpu.memory_space<vmem>>
      tpu.enqueue_dma source(%dma_start3A_856 : memref<32x768xf32, #tpu.memory_space<vmem>>) target(%dma_start3A_852 : memref<32x768xf32, #tpu.memory_space<vmem_shared>>) target_semaphore(%run_scoped3A_840 : memref<!tpu.dma_semaphore, #tpu.memory_space<semaphore_mem>>)
      %dma_wait3A_857 = arith.constant 0 : i32
      %dma_wait3A_858 = arith.constant 0 : i32
      %dma_wait3A_859 = tpu.memref_slice %arg6[%run_scoped3A, %dma_wait3A_857, %dma_wait3A_858] : memref<2x32x768xf32, #tpu.memory_space<vmem>> -> memref<1x32x768xf32, #tpu.memory_space<vmem>>
      %dma_wait3A_860 = tpu.memref_squeeze %dma_wait3A_859 : memref<1x32x768xf32, #tpu.memory_space<vmem>> -> memref<32x768xf32, #tpu.memory_space<vmem>>
      %dma_wait3A_861 = arith.constant 0 : i32
      %dma_wait3A_862 = arith.constant 0 : i32
      %dma_wait3A_863 = tpu.memref_slice %arg7[%arg1, %run_scoped3A_37, %dma_wait3A_861, %dma_wait3A_862] : memref<16x2x32x768xf32, #tpu.memory_space<vmem_shared>> -> memref<1x1x32x768xf32, #tpu.memory_space<vmem_shared>>
      %dma_wait3A_864 = tpu.memref_squeeze %dma_wait3A_863 : memref<1x1x32x768xf32, #tpu.memory_space<vmem_shared>> -> memref<32x768xf32, #tpu.memory_space<vmem_shared>>
      %dma_wait3A_865 = arith.constant 0 : i32
      %dma_wait3A_866 = arith.constant 0 : i32
      %dma_wait3A_867 = tpu.memref_slice %arg7[%arg1, %run_scoped3A_37, %dma_wait3A_865, %dma_wait3A_866] : memref<16x2x32x768xf32, #tpu.memory_space<vmem_shared>> -> memref<1x1x32x768xf32, #tpu.memory_space<vmem_shared>>
      %dma_wait3A_868 = tpu.memref_squeeze %dma_wait3A_867 : memref<1x1x32x768xf32, #tpu.memory_space<vmem_shared>> -> memref<32x768xf32, #tpu.memory_space<vmem_shared>>
      %dma_wait3A_869 = arith.constant 0 : i32
      %dma_wait3A_870 = arith.constant 0 : i32
      %dma_wait3A_871 = tpu.memref_slice %arg6[%run_scoped3A, %dma_wait3A_869, %dma_wait3A_870] : memref<2x32x768xf32, #tpu.memory_space<vmem>> -> memref<1x32x768xf32, #tpu.memory_space<vmem>>
      %dma_wait3A_872 = tpu.memref_squeeze %dma_wait3A_871 : memref<1x32x768xf32, #tpu.memory_space<vmem>> -> memref<32x768xf32, #tpu.memory_space<vmem>>
      tpu.wait_dma2 semaphore(%run_scoped3A_840 : memref<!tpu.dma_semaphore, #tpu.memory_space<semaphore_mem>>) src(%dma_wait3A_872 : memref<32x768xf32, #tpu.memory_space<vmem>>) dst(%dma_wait3A_868 : memref<32x768xf32, #tpu.memory_space<vmem_shared>>)
      tpu.yield
    }) : () -> ()
    %add3A_38 = arith.constant 0 : i32
    %add3A_39 = arith.addi %mul3A_2, %add3A_38 : i32
    %dma_start3A_40 = arith.constant 0 : i32
    %dma_start3A_41 = arith.constant 0 : i32
    %dma_start3A_42 = tpu.memref_slice %arg4[%add3A_39, %dma_start3A_41] : memref<4096x3840xf32, #tpu.memory_space<hbm>> -> memref<32x768xf32, #tpu.memory_space<hbm>>
    %dma_start3A_43 = arith.constant 0 : i32
    %dma_start3A_44 = arith.constant 0 : i32
    %dma_start3A_45 = tpu.memref_slice %arg7[%arg1, %dma_start3A_40, %dma_start3A_43, %dma_start3A_44] : memref<16x2x32x768xf32, #tpu.memory_space<vmem_shared>> -> memref<1x1x32x768xf32, #tpu.memory_space<vmem_shared>>
    %dma_start3A_46 = tpu.memref_squeeze %dma_start3A_45 : memref<1x1x32x768xf32, #tpu.memory_space<vmem_shared>> -> memref<32x768xf32, #tpu.memory_space<vmem_shared>>
    tpu.enqueue_dma source(%dma_start3A_46 : memref<32x768xf32, #tpu.memory_space<vmem_shared>>) target(%dma_start3A_42 : memref<32x768xf32, #tpu.memory_space<hbm>>) target_semaphore(%arg10 : memref<!tpu.dma_semaphore, #tpu.memory_space<semaphore_mem>>)
    %dma_start3A_47 = arith.constant 0 : i32
    %dma_start3A_48 = arith.constant 0 : i32
    %dma_start3A_49 = arith.constant 0 : i32
    %dma_start3A_50 = arith.constant 0 : i32
    %dma_start3A_51 = tpu.memref_slice %arg6[%dma_start3A_48, %dma_start3A_49, %dma_start3A_50] : memref<2x32x768xf32, #tpu.memory_space<vmem>> -> memref<1x32x768xf32, #tpu.memory_space<vmem>>
    %dma_start3A_52 = tpu.memref_squeeze %dma_start3A_51 : memref<1x32x768xf32, #tpu.memory_space<vmem>> -> memref<32x768xf32, #tpu.memory_space<vmem>>
    %dma_start3A_53 = arith.constant 64 : i32
    %dma_start3A_54 = tpu.memref_slice %arg5[%dma_start3A_47, %dma_start3A_53] : memref<5x128xi32, #tpu.memory_space<vmem>> -> memref<1x32xi32, #tpu.memory_space<vmem>>
    %dma_start3A_55 = tpu.memref_squeeze %dma_start3A_54 : memref<1x32xi32, #tpu.memory_space<vmem>> -> memref<32xi32, #tpu.memory_space<vmem>>
    %dma_start3A_56 = arith.constant 0 : i32
    %dma_start3A_57 = arith.constant 0 : i32
    %dma_start3A_58 = tpu.memref_slice %arg2[%dma_start3A_56, %dma_start3A_57] : memref<848x768xf32, #tpu.memory_space<hbm>> -> memref<848x768xf32, #tpu.memory_space<hbm>>
    tpu.enqueue_indirect_dma source(%dma_start3A_58 : memref<848x768xf32, #tpu.memory_space<hbm>>) target(%dma_start3A_52 : memref<32x768xf32, #tpu.memory_space<vmem>>) offsets(%dma_start3A_55 : memref<32xi32, #tpu.memory_space<vmem>>) semaphore(%arg8 : memref<!tpu.dma_semaphore, #tpu.memory_space<semaphore_mem>>)
    %dma_wait3A_59 = arith.constant 0 : i32
    %dma_wait3A_60 = arith.constant 1 : i32
    %dma_wait3A_61 = arith.constant 0 : i32
    %dma_wait3A_62 = arith.constant 0 : i32
    %dma_wait3A_63 = tpu.memref_slice %arg6[%dma_wait3A_60, %dma_wait3A_61, %dma_wait3A_62] : memref<2x32x768xf32, #tpu.memory_space<vmem>> -> memref<1x32x768xf32, #tpu.memory_space<vmem>>
    %dma_wait3A_64 = tpu.memref_squeeze %dma_wait3A_63 : memref<1x32x768xf32, #tpu.memory_space<vmem>> -> memref<32x768xf32, #tpu.memory_space<vmem>>
    %dma_wait3A_65 = arith.constant 32 : i32
    %dma_wait3A_66 = tpu.memref_slice %arg5[%dma_wait3A_59, %dma_wait3A_65] : memref<5x128xi32, #tpu.memory_space<vmem>> -> memref<1x32xi32, #tpu.memory_space<vmem>>
    %dma_wait3A_67 = tpu.memref_squeeze %dma_wait3A_66 : memref<1x32xi32, #tpu.memory_space<vmem>> -> memref<32xi32, #tpu.memory_space<vmem>>
    %dma_wait3A_68 = arith.constant 0 : i32
    %dma_wait3A_69 = arith.constant 0 : i32
    %dma_wait3A_70 = tpu.memref_slice %arg2[%dma_wait3A_68, %dma_wait3A_69] : memref<848x768xf32, #tpu.memory_space<hbm>> -> memref<848x768xf32, #tpu.memory_space<hbm>>
    tpu.wait_indirect_dma semaphore(%arg9 : memref<!tpu.dma_semaphore, #tpu.memory_space<semaphore_mem>>) src(%dma_wait3A_70 : memref<848x768xf32, #tpu.memory_space<hbm>>) dst(%dma_wait3A_64 : memref<32x768xf32, #tpu.memory_space<vmem>>)
    %run_scoped3A_71 = arith.constant 1 : i32
    %run_scoped3A_72 = arith.constant 1 : i32
    "tpu.region"() ({
      %run_scoped3A_840 = tpu.sem_alloc : memref<!tpu.dma_semaphore, #tpu.memory_space<semaphore_mem>>
      %dma_start3A_841 = arith.constant 0 : i32
      %dma_start3A_842 = arith.constant 0 : i32
      %dma_start3A_843 = tpu.memref_slice %arg6[%run_scoped3A_71, %dma_start3A_841, %dma_start3A_842] : memref<2x32x768xf32, #tpu.memory_space<vmem>> -> memref<1x32x768xf32, #tpu.memory_space<vmem>>
      %dma_start3A_844 = tpu.memref_squeeze %dma_start3A_843 : memref<1x32x768xf32, #tpu.memory_space<vmem>> -> memref<32x768xf32, #tpu.memory_space<vmem>>
      %dma_start3A_845 = arith.constant 0 : i32
      %dma_start3A_846 = arith.constant 0 : i32
      %dma_start3A_847 = tpu.memref_slice %arg7[%arg1, %run_scoped3A_72, %dma_start3A_845, %dma_start3A_846] : memref<16x2x32x768xf32, #tpu.memory_space<vmem_shared>> -> memref<1x1x32x768xf32, #tpu.memory_space<vmem_shared>>
      %dma_start3A_848 = tpu.memref_squeeze %dma_start3A_847 : memref<1x1x32x768xf32, #tpu.memory_space<vmem_shared>> -> memref<32x768xf32, #tpu.memory_space<vmem_shared>>
      %dma_start3A_849 = arith.constant 0 : i32
      %dma_start3A_850 = arith.constant 0 : i32
      %dma_start3A_851 = tpu.memref_slice %arg7[%arg1, %run_scoped3A_72, %dma_start3A_849, %dma_start3A_850] : memref<16x2x32x768xf32, #tpu.memory_space<vmem_shared>> -> memref<1x1x32x768xf32, #tpu.memory_space<vmem_shared>>
      %dma_start3A_852 = tpu.memref_squeeze %dma_start3A_851 : memref<1x1x32x768xf32, #tpu.memory_space<vmem_shared>> -> memref<32x768xf32, #tpu.memory_space<vmem_shared>>
      %dma_start3A_853 = arith.constant 0 : i32
      %dma_start3A_854 = arith.constant 0 : i32
      %dma_start3A_855 = tpu.memref_slice %arg6[%run_scoped3A_71, %dma_start3A_853, %dma_start3A_854] : memref<2x32x768xf32, #tpu.memory_space<vmem>> -> memref<1x32x768xf32, #tpu.memory_space<vmem>>
      %dma_start3A_856 = tpu.memref_squeeze %dma_start3A_855 : memref<1x32x768xf32, #tpu.memory_space<vmem>> -> memref<32x768xf32, #tpu.memory_space<vmem>>
      tpu.enqueue_dma source(%dma_start3A_856 : memref<32x768xf32, #tpu.memory_space<vmem>>) target(%dma_start3A_852 : memref<32x768xf32, #tpu.memory_space<vmem_shared>>) target_semaphore(%run_scoped3A_840 : memref<!tpu.dma_semaphore, #tpu.memory_space<semaphore_mem>>)
      %dma_wait3A_857 = arith.constant 0 : i32
      %dma_wait3A_858 = arith.constant 0 : i32
      %dma_wait3A_859 = tpu.memref_slice %arg6[%run_scoped3A_71, %dma_wait3A_857, %dma_wait3A_858] : memref<2x32x768xf32, #tpu.memory_space<vmem>> -> memref<1x32x768xf32, #tpu.memory_space<vmem>>
      %dma_wait3A_860 = tpu.memref_squeeze %dma_wait3A_859 : memref<1x32x768xf32, #tpu.memory_space<vmem>> -> memref<32x768xf32, #tpu.memory_space<vmem>>
      %dma_wait3A_861 = arith.constant 0 : i32
      %dma_wait3A_862 = arith.constant 0 : i32
      %dma_wait3A_863 = tpu.memref_slice %arg7[%arg1, %run_scoped3A_72, %dma_wait3A_861, %dma_wait3A_862] : memref<16x2x32x768xf32, #tpu.memory_space<vmem_shared>> -> memref<1x1x32x768xf32, #tpu.memory_space<vmem_shared>>
      %dma_wait3A_864 = tpu.memref_squeeze %dma_wait3A_863 : memref<1x1x32x768xf32, #tpu.memory_space<vmem_shared>> -> memref<32x768xf32, #tpu.memory_space<vmem_shared>>
      %dma_wait3A_865 = arith.constant 0 : i32
      %dma_wait3A_866 = arith.constant 0 : i32
      %dma_wait3A_867 = tpu.memref_slice %arg7[%arg1, %run_scoped3A_72, %dma_wait3A_865, %dma_wait3A_866] : memref<16x2x32x768xf32, #tpu.memory_space<vmem_shared>> -> memref<1x1x32x768xf32, #tpu.memory_space<vmem_shared>>
      %dma_wait3A_868 = tpu.memref_squeeze %dma_wait3A_867 : memref<1x1x32x768xf32, #tpu.memory_space<vmem_shared>> -> memref<32x768xf32, #tpu.memory_space<vmem_shared>>
      %dma_wait3A_869 = arith.constant 0 : i32
      %dma_wait3A_870 = arith.constant 0 : i32
      %dma_wait3A_871 = tpu.memref_slice %arg6[%run_scoped3A_71, %dma_wait3A_869, %dma_wait3A_870] : memref<2x32x768xf32, #tpu.memory_space<vmem>> -> memref<1x32x768xf32, #tpu.memory_space<vmem>>
      %dma_wait3A_872 = tpu.memref_squeeze %dma_wait3A_871 : memref<1x32x768xf32, #tpu.memory_space<vmem>> -> memref<32x768xf32, #tpu.memory_space<vmem>>
      tpu.wait_dma2 semaphore(%run_scoped3A_840 : memref<!tpu.dma_semaphore, #tpu.memory_space<semaphore_mem>>) src(%dma_wait3A_872 : memref<32x768xf32, #tpu.memory_space<vmem>>) dst(%dma_wait3A_868 : memref<32x768xf32, #tpu.memory_space<vmem_shared>>)
      tpu.yield
    }) : () -> ()
    %add3A_73 = arith.constant 32 : i32
    %add3A_74 = arith.addi %mul3A_2, %add3A_73 : i32
    %dma_start3A_75 = arith.constant 1 : i32
    %dma_start3A_76 = arith.constant 0 : i32
    %dma_start3A_77 = tpu.memref_slice %arg4[%add3A_74, %dma_start3A_76] : memref<4096x3840xf32, #tpu.memory_space<hbm>> -> memref<32x768xf32, #tpu.memory_space<hbm>>
    %dma_start3A_78 = arith.constant 0 : i32
    %dma_start3A_79 = arith.constant 0 : i32
    %dma_start3A_80 = tpu.memref_slice %arg7[%arg1, %dma_start3A_75, %dma_start3A_78, %dma_start3A_79] : memref<16x2x32x768xf32, #tpu.memory_space<vmem_shared>> -> memref<1x1x32x768xf32, #tpu.memory_space<vmem_shared>>
    %dma_start3A_81 = tpu.memref_squeeze %dma_start3A_80 : memref<1x1x32x768xf32, #tpu.memory_space<vmem_shared>> -> memref<32x768xf32, #tpu.memory_space<vmem_shared>>
    tpu.enqueue_dma source(%dma_start3A_81 : memref<32x768xf32, #tpu.memory_space<vmem_shared>>) target(%dma_start3A_77 : memref<32x768xf32, #tpu.memory_space<hbm>>) target_semaphore(%arg11 : memref<!tpu.dma_semaphore, #tpu.memory_space<semaphore_mem>>)
    %dma_start3A_82 = arith.constant 0 : i32
    %dma_start3A_83 = arith.constant 1 : i32
    %dma_start3A_84 = arith.constant 0 : i32
    %dma_start3A_85 = arith.constant 0 : i32
    %dma_start3A_86 = tpu.memref_slice %arg6[%dma_start3A_83, %dma_start3A_84, %dma_start3A_85] : memref<2x32x768xf32, #tpu.memory_space<vmem>> -> memref<1x32x768xf32, #tpu.memory_space<vmem>>
    %dma_start3A_87 = tpu.memref_squeeze %dma_start3A_86 : memref<1x32x768xf32, #tpu.memory_space<vmem>> -> memref<32x768xf32, #tpu.memory_space<vmem>>
    %dma_start3A_88 = arith.constant 96 : i32
    %dma_start3A_89 = tpu.memref_slice %arg5[%dma_start3A_82, %dma_start3A_88] : memref<5x128xi32, #tpu.memory_space<vmem>> -> memref<1x32xi32, #tpu.memory_space<vmem>>
    %dma_start3A_90 = tpu.memref_squeeze %dma_start3A_89 : memref<1x32xi32, #tpu.memory_space<vmem>> -> memref<32xi32, #tpu.memory_space<vmem>>
    %dma_start3A_91 = arith.constant 0 : i32
    %dma_start3A_92 = arith.constant 0 : i32
    %dma_start3A_93 = tpu.memref_slice %arg2[%dma_start3A_91, %dma_start3A_92] : memref<848x768xf32, #tpu.memory_space<hbm>> -> memref<848x768xf32, #tpu.memory_space<hbm>>
    tpu.enqueue_indirect_dma source(%dma_start3A_93 : memref<848x768xf32, #tpu.memory_space<hbm>>) target(%dma_start3A_87 : memref<32x768xf32, #tpu.memory_space<vmem>>) offsets(%dma_start3A_90 : memref<32xi32, #tpu.memory_space<vmem>>) semaphore(%arg9 : memref<!tpu.dma_semaphore, #tpu.memory_space<semaphore_mem>>)
    %dma_wait3A_94 = arith.constant 0 : i32
    %dma_wait3A_95 = arith.constant 0 : i32
    %dma_wait3A_96 = arith.constant 0 : i32
    %dma_wait3A_97 = arith.constant 0 : i32
    %dma_wait3A_98 = tpu.memref_slice %arg6[%dma_wait3A_95, %dma_wait3A_96, %dma_wait3A_97] : memref<2x32x768xf32, #tpu.memory_space<vmem>> -> memref<1x32x768xf32, #tpu.memory_space<vmem>>
    %dma_wait3A_99 = tpu.memref_squeeze %dma_wait3A_98 : memref<1x32x768xf32, #tpu.memory_space<vmem>> -> memref<32x768xf32, #tpu.memory_space<vmem>>
    %dma_wait3A_100 = arith.constant 64 : i32
    %dma_wait3A_101 = tpu.memref_slice %arg5[%dma_wait3A_94, %dma_wait3A_100] : memref<5x128xi32, #tpu.memory_space<vmem>> -> memref<1x32xi32, #tpu.memory_space<vmem>>
    %dma_wait3A_102 = tpu.memref_squeeze %dma_wait3A_101 : memref<1x32xi32, #tpu.memory_space<vmem>> -> memref<32xi32, #tpu.memory_space<vmem>>
    %dma_wait3A_103 = arith.constant 0 : i32
    %dma_wait3A_104 = arith.constant 0 : i32
    %dma_wait3A_105 = tpu.memref_slice %arg2[%dma_wait3A_103, %dma_wait3A_104] : memref<848x768xf32, #tpu.memory_space<hbm>> -> memref<848x768xf32, #tpu.memory_space<hbm>>
    tpu.wait_indirect_dma semaphore(%arg8 : memref<!tpu.dma_semaphore, #tpu.memory_space<semaphore_mem>>) src(%dma_wait3A_105 : memref<848x768xf32, #tpu.memory_space<hbm>>) dst(%dma_wait3A_99 : memref<32x768xf32, #tpu.memory_space<vmem>>)
    %dma_wait3A_106 = arith.constant 0 : i32
    %dma_wait3A_107 = arith.constant 0 : i32
    %dma_wait3A_108 = tpu.memref_slice %arg4[%add3A_39, %dma_wait3A_107] : memref<4096x3840xf32, #tpu.memory_space<hbm>> -> memref<32x768xf32, #tpu.memory_space<hbm>>
    %dma_wait3A_109 = arith.constant 0 : i32
    %dma_wait3A_110 = arith.constant 0 : i32
    %dma_wait3A_111 = tpu.memref_slice %arg7[%arg1, %dma_wait3A_106, %dma_wait3A_109, %dma_wait3A_110] : memref<16x2x32x768xf32, #tpu.memory_space<vmem_shared>> -> memref<1x1x32x768xf32, #tpu.memory_space<vmem_shared>>
    %dma_wait3A_112 = tpu.memref_squeeze %dma_wait3A_111 : memref<1x1x32x768xf32, #tpu.memory_space<vmem_shared>> -> memref<32x768xf32, #tpu.memory_space<vmem_shared>>
    tpu.wait_dma2 semaphore(%arg10 : memref<!tpu.dma_semaphore, #tpu.memory_space<semaphore_mem>>) src(%dma_wait3A_112 : memref<32x768xf32, #tpu.memory_space<vmem_shared>>) dst(%dma_wait3A_108 : memref<32x768xf32, #tpu.memory_space<hbm>>)
    %run_scoped3A_113 = arith.constant 0 : i32
    %run_scoped3A_114 = arith.constant 0 : i32
    "tpu.region"() ({
      %run_scoped3A_840 = tpu.sem_alloc : memref<!tpu.dma_semaphore, #tpu.memory_space<semaphore_mem>>
      %dma_start3A_841 = arith.constant 0 : i32
      %dma_start3A_842 = arith.constant 0 : i32
      %dma_start3A_843 = tpu.memref_slice %arg6[%run_scoped3A_113, %dma_start3A_841, %dma_start3A_842] : memref<2x32x768xf32, #tpu.memory_space<vmem>> -> memref<1x32x768xf32, #tpu.memory_space<vmem>>
      %dma_start3A_844 = tpu.memref_squeeze %dma_start3A_843 : memref<1x32x768xf32, #tpu.memory_space<vmem>> -> memref<32x768xf32, #tpu.memory_space<vmem>>
      %dma_start3A_845 = arith.constant 0 : i32
      %dma_start3A_846 = arith.constant 0 : i32
      %dma_start3A_847 = tpu.memref_slice %arg7[%arg1, %run_scoped3A_114, %dma_start3A_845, %dma_start3A_846] : memref<16x2x32x768xf32, #tpu.memory_space<vmem_shared>> -> memref<1x1x32x768xf32, #tpu.memory_space<vmem_shared>>
      %dma_start3A_848 = tpu.memref_squeeze %dma_start3A_847 : memref<1x1x32x768xf32, #tpu.memory_space<vmem_shared>> -> memref<32x768xf32, #tpu.memory_space<vmem_shared>>
      %dma_start3A_849 = arith.constant 0 : i32
      %dma_start3A_850 = arith.constant 0 : i32
      %dma_start3A_851 = tpu.memref_slice %arg7[%arg1, %run_scoped3A_114, %dma_start3A_849, %dma_start3A_850] : memref<16x2x32x768xf32, #tpu.memory_space<vmem_shared>> -> memref<1x1x32x768xf32, #tpu.memory_space<vmem_shared>>
      %dma_start3A_852 = tpu.memref_squeeze %dma_start3A_851 : memref<1x1x32x768xf32, #tpu.memory_space<vmem_shared>> -> memref<32x768xf32, #tpu.memory_space<vmem_shared>>
      %dma_start3A_853 = arith.constant 0 : i32
      %dma_start3A_854 = arith.constant 0 : i32
      %dma_start3A_855 = tpu.memref_slice %arg6[%run_scoped3A_113, %dma_start3A_853, %dma_start3A_854] : memref<2x32x768xf32, #tpu.memory_space<vmem>> -> memref<1x32x768xf32, #tpu.memory_space<vmem>>
      %dma_start3A_856 = tpu.memref_squeeze %dma_start3A_855 : memref<1x32x768xf32, #tpu.memory_space<vmem>> -> memref<32x768xf32, #tpu.memory_space<vmem>>
      tpu.enqueue_dma source(%dma_start3A_856 : memref<32x768xf32, #tpu.memory_space<vmem>>) target(%dma_start3A_852 : memref<32x768xf32, #tpu.memory_space<vmem_shared>>) target_semaphore(%run_scoped3A_840 : memref<!tpu.dma_semaphore, #tpu.memory_space<semaphore_mem>>)
      %dma_wait3A_857 = arith.constant 0 : i32
      %dma_wait3A_858 = arith.constant 0 : i32
      %dma_wait3A_859 = tpu.memref_slice %arg6[%run_scoped3A_113, %dma_wait3A_857, %dma_wait3A_858] : memref<2x32x768xf32, #tpu.memory_space<vmem>> -> memref<1x32x768xf32, #tpu.memory_space<vmem>>
      %dma_wait3A_860 = tpu.memref_squeeze %dma_wait3A_859 : memref<1x32x768xf32, #tpu.memory_space<vmem>> -> memref<32x768xf32, #tpu.memory_space<vmem>>
      %dma_wait3A_861 = arith.constant 0 : i32
      %dma_wait3A_862 = arith.constant 0 : i32
      %dma_wait3A_863 = tpu.memref_slice %arg7[%arg1, %run_scoped3A_114, %dma_wait3A_861, %dma_wait3A_862] : memref<16x2x32x768xf32, #tpu.memory_space<vmem_shared>> -> memref<1x1x32x768xf32, #tpu.memory_space<vmem_shared>>
      %dma_wait3A_864 = tpu.memref_squeeze %dma_wait3A_863 : memref<1x1x32x768xf32, #tpu.memory_space<vmem_shared>> -> memref<32x768xf32, #tpu.memory_space<vmem_shared>>
      %dma_wait3A_865 = arith.constant 0 : i32
      %dma_wait3A_866 = arith.constant 0 : i32
      %dma_wait3A_867 = tpu.memref_slice %arg7[%arg1, %run_scoped3A_114, %dma_wait3A_865, %dma_wait3A_866] : memref<16x2x32x768xf32, #tpu.memory_space<vmem_shared>> -> memref<1x1x32x768xf32, #tpu.memory_space<vmem_shared>>
      %dma_wait3A_868 = tpu.memref_squeeze %dma_wait3A_867 : memref<1x1x32x768xf32, #tpu.memory_space<vmem_shared>> -> memref<32x768xf32, #tpu.memory_space<vmem_shared>>
      %dma_wait3A_869 = arith.constant 0 : i32
      %dma_wait3A_870 = arith.constant 0 : i32
      %dma_wait3A_871 = tpu.memref_slice %arg6[%run_scoped3A_113, %dma_wait3A_869, %dma_wait3A_870] : memref<2x32x768xf32, #tpu.memory_space<vmem>> -> memref<1x32x768xf32, #tpu.memory_space<vmem>>
      %dma_wait3A_872 = tpu.memref_squeeze %dma_wait3A_871 : memref<1x32x768xf32, #tpu.memory_space<vmem>> -> memref<32x768xf32, #tpu.memory_space<vmem>>
      tpu.wait_dma2 semaphore(%run_scoped3A_840 : memref<!tpu.dma_semaphore, #tpu.memory_space<semaphore_mem>>) src(%dma_wait3A_872 : memref<32x768xf32, #tpu.memory_space<vmem>>) dst(%dma_wait3A_868 : memref<32x768xf32, #tpu.memory_space<vmem_shared>>)
      tpu.yield
    }) : () -> ()
    %add3A_115 = arith.constant 64 : i32
    %add3A_116 = arith.addi %mul3A_2, %add3A_115 : i32
    %dma_start3A_117 = arith.constant 0 : i32
    %dma_start3A_118 = arith.constant 0 : i32
    %dma_start3A_119 = tpu.memref_slice %arg4[%add3A_116, %dma_start3A_118] : memref<4096x3840xf32, #tpu.memory_space<hbm>> -> memref<32x768xf32, #tpu.memory_space<hbm>>
    %dma_start3A_120 = arith.constant 0 : i32
    %dma_start3A_121 = arith.constant 0 : i32
    %dma_start3A_122 = tpu.memref_slice %arg7[%arg1, %dma_start3A_117, %dma_start3A_120, %dma_start3A_121] : memref<16x2x32x768xf32, #tpu.memory_space<vmem_shared>> -> memref<1x1x32x768xf32, #tpu.memory_space<vmem_shared>>
    %dma_start3A_123 = tpu.memref_squeeze %dma_start3A_122 : memref<1x1x32x768xf32, #tpu.memory_space<vmem_shared>> -> memref<32x768xf32, #tpu.memory_space<vmem_shared>>
    tpu.enqueue_dma source(%dma_start3A_123 : memref<32x768xf32, #tpu.memory_space<vmem_shared>>) target(%dma_start3A_119 : memref<32x768xf32, #tpu.memory_space<hbm>>) target_semaphore(%arg10 : memref<!tpu.dma_semaphore, #tpu.memory_space<semaphore_mem>>)
    %dma_start3A_124 = arith.constant 1 : i32
    %dma_start3A_125 = arith.constant 0 : i32
    %dma_start3A_126 = arith.constant 0 : i32
    %dma_start3A_127 = arith.constant 0 : i32
    %dma_start3A_128 = tpu.memref_slice %arg6[%dma_start3A_125, %dma_start3A_126, %dma_start3A_127] : memref<2x32x768xf32, #tpu.memory_space<vmem>> -> memref<1x32x768xf32, #tpu.memory_space<vmem>>
    %dma_start3A_129 = tpu.memref_squeeze %dma_start3A_128 : memref<1x32x768xf32, #tpu.memory_space<vmem>> -> memref<32x768xf32, #tpu.memory_space<vmem>>
    %dma_start3A_130 = arith.constant 0 : i32
    %dma_start3A_131 = tpu.memref_slice %arg5[%dma_start3A_124, %dma_start3A_130] : memref<5x128xi32, #tpu.memory_space<vmem>> -> memref<1x32xi32, #tpu.memory_space<vmem>>
    %dma_start3A_132 = tpu.memref_squeeze %dma_start3A_131 : memref<1x32xi32, #tpu.memory_space<vmem>> -> memref<32xi32, #tpu.memory_space<vmem>>
    %dma_start3A_133 = arith.constant 0 : i32
    %dma_start3A_134 = arith.constant 0 : i32
    %dma_start3A_135 = tpu.memref_slice %arg2[%dma_start3A_133, %dma_start3A_134] : memref<848x768xf32, #tpu.memory_space<hbm>> -> memref<848x768xf32, #tpu.memory_space<hbm>>
    tpu.enqueue_indirect_dma source(%dma_start3A_135 : memref<848x768xf32, #tpu.memory_space<hbm>>) target(%dma_start3A_129 : memref<32x768xf32, #tpu.memory_space<vmem>>) offsets(%dma_start3A_132 : memref<32xi32, #tpu.memory_space<vmem>>) semaphore(%arg8 : memref<!tpu.dma_semaphore, #tpu.memory_space<semaphore_mem>>)
    %dma_wait3A_136 = arith.constant 0 : i32
    %dma_wait3A_137 = arith.constant 1 : i32
    %dma_wait3A_138 = arith.constant 0 : i32
    %dma_wait3A_139 = arith.constant 0 : i32
    %dma_wait3A_140 = tpu.memref_slice %arg6[%dma_wait3A_137, %dma_wait3A_138, %dma_wait3A_139] : memref<2x32x768xf32, #tpu.memory_space<vmem>> -> memref<1x32x768xf32, #tpu.memory_space<vmem>>
    %dma_wait3A_141 = tpu.memref_squeeze %dma_wait3A_140 : memref<1x32x768xf32, #tpu.memory_space<vmem>> -> memref<32x768xf32, #tpu.memory_space<vmem>>
    %dma_wait3A_142 = arith.constant 96 : i32
    %dma_wait3A_143 = tpu.memref_slice %arg5[%dma_wait3A_136, %dma_wait3A_142] : memref<5x128xi32, #tpu.memory_space<vmem>> -> memref<1x32xi32, #tpu.memory_space<vmem>>
    %dma_wait3A_144 = tpu.memref_squeeze %dma_wait3A_143 : memref<1x32xi32, #tpu.memory_space<vmem>> -> memref<32xi32, #tpu.memory_space<vmem>>
    %dma_wait3A_145 = arith.constant 0 : i32
    %dma_wait3A_146 = arith.constant 0 : i32
    %dma_wait3A_147 = tpu.memref_slice %arg2[%dma_wait3A_145, %dma_wait3A_146] : memref<848x768xf32, #tpu.memory_space<hbm>> -> memref<848x768xf32, #tpu.memory_space<hbm>>
    tpu.wait_indirect_dma semaphore(%arg9 : memref<!tpu.dma_semaphore, #tpu.memory_space<semaphore_mem>>) src(%dma_wait3A_147 : memref<848x768xf32, #tpu.memory_space<hbm>>) dst(%dma_wait3A_141 : memref<32x768xf32, #tpu.memory_space<vmem>>)
    %dma_wait3A_148 = arith.constant 1 : i32
    %dma_wait3A_149 = arith.constant 0 : i32
    %dma_wait3A_150 = tpu.memref_slice %arg4[%add3A_74, %dma_wait3A_149] : memref<4096x3840xf32, #tpu.memory_space<hbm>> -> memref<32x768xf32, #tpu.memory_space<hbm>>
    %dma_wait3A_151 = arith.constant 0 : i32
    %dma_wait3A_152 = arith.constant 0 : i32
    %dma_wait3A_153 = tpu.memref_slice %arg7[%arg1, %dma_wait3A_148, %dma_wait3A_151, %dma_wait3A_152] : memref<16x2x32x768xf32, #tpu.memory_space<vmem_shared>> -> memref<1x1x32x768xf32, #tpu.memory_space<vmem_shared>>
    %dma_wait3A_154 = tpu.memref_squeeze %dma_wait3A_153 : memref<1x1x32x768xf32, #tpu.memory_space<vmem_shared>> -> memref<32x768xf32, #tpu.memory_space<vmem_shared>>
    tpu.wait_dma2 semaphore(%arg11 : memref<!tpu.dma_semaphore, #tpu.memory_space<semaphore_mem>>) src(%dma_wait3A_154 : memref<32x768xf32, #tpu.memory_space<vmem_shared>>) dst(%dma_wait3A_150 : memref<32x768xf32, #tpu.memory_space<hbm>>)
    %run_scoped3A_155 = arith.constant 1 : i32
    %run_scoped3A_156 = arith.constant 1 : i32
    "tpu.region"() ({
      %run_scoped3A_840 = tpu.sem_alloc : memref<!tpu.dma_semaphore, #tpu.memory_space<semaphore_mem>>
      %dma_start3A_841 = arith.constant 0 : i32
      %dma_start3A_842 = arith.constant 0 : i32
      %dma_start3A_843 = tpu.memref_slice %arg6[%run_scoped3A_155, %dma_start3A_841, %dma_start3A_842] : memref<2x32x768xf32, #tpu.memory_space<vmem>> -> memref<1x32x768xf32, #tpu.memory_space<vmem>>
      %dma_start3A_844 = tpu.memref_squeeze %dma_start3A_843 : memref<1x32x768xf32, #tpu.memory_space<vmem>> -> memref<32x768xf32, #tpu.memory_space<vmem>>
      %dma_start3A_845 = arith.constant 0 : i32
      %dma_start3A_846 = arith.constant 0 : i32
      %dma_start3A_847 = tpu.memref_slice %arg7[%arg1, %run_scoped3A_156, %dma_start3A_845, %dma_start3A_846] : memref<16x2x32x768xf32, #tpu.memory_space<vmem_shared>> -> memref<1x1x32x768xf32, #tpu.memory_space<vmem_shared>>
      %dma_start3A_848 = tpu.memref_squeeze %dma_start3A_847 : memref<1x1x32x768xf32, #tpu.memory_space<vmem_shared>> -> memref<32x768xf32, #tpu.memory_space<vmem_shared>>
      %dma_start3A_849 = arith.constant 0 : i32
      %dma_start3A_850 = arith.constant 0 : i32
      %dma_start3A_851 = tpu.memref_slice %arg7[%arg1, %run_scoped3A_156, %dma_start3A_849, %dma_start3A_850] : memref<16x2x32x768xf32, #tpu.memory_space<vmem_shared>> -> memref<1x1x32x768xf32, #tpu.memory_space<vmem_shared>>
      %dma_start3A_852 = tpu.memref_squeeze %dma_start3A_851 : memref<1x1x32x768xf32, #tpu.memory_space<vmem_shared>> -> memref<32x768xf32, #tpu.memory_space<vmem_shared>>
      %dma_start3A_853 = arith.constant 0 : i32
      %dma_start3A_854 = arith.constant 0 : i32
      %dma_start3A_855 = tpu.memref_slice %arg6[%run_scoped3A_155, %dma_start3A_853, %dma_start3A_854] : memref<2x32x768xf32, #tpu.memory_space<vmem>> -> memref<1x32x768xf32, #tpu.memory_space<vmem>>
      %dma_start3A_856 = tpu.memref_squeeze %dma_start3A_855 : memref<1x32x768xf32, #tpu.memory_space<vmem>> -> memref<32x768xf32, #tpu.memory_space<vmem>>
      tpu.enqueue_dma source(%dma_start3A_856 : memref<32x768xf32, #tpu.memory_space<vmem>>) target(%dma_start3A_852 : memref<32x768xf32, #tpu.memory_space<vmem_shared>>) target_semaphore(%run_scoped3A_840 : memref<!tpu.dma_semaphore, #tpu.memory_space<semaphore_mem>>)
      %dma_wait3A_857 = arith.constant 0 : i32
      %dma_wait3A_858 = arith.constant 0 : i32
      %dma_wait3A_859 = tpu.memref_slice %arg6[%run_scoped3A_155, %dma_wait3A_857, %dma_wait3A_858] : memref<2x32x768xf32, #tpu.memory_space<vmem>> -> memref<1x32x768xf32, #tpu.memory_space<vmem>>
      %dma_wait3A_860 = tpu.memref_squeeze %dma_wait3A_859 : memref<1x32x768xf32, #tpu.memory_space<vmem>> -> memref<32x768xf32, #tpu.memory_space<vmem>>
      %dma_wait3A_861 = arith.constant 0 : i32
      %dma_wait3A_862 = arith.constant 0 : i32
      %dma_wait3A_863 = tpu.memref_slice %arg7[%arg1, %run_scoped3A_156, %dma_wait3A_861, %dma_wait3A_862] : memref<16x2x32x768xf32, #tpu.memory_space<vmem_shared>> -> memref<1x1x32x768xf32, #tpu.memory_space<vmem_shared>>
      %dma_wait3A_864 = tpu.memref_squeeze %dma_wait3A_863 : memref<1x1x32x768xf32, #tpu.memory_space<vmem_shared>> -> memref<32x768xf32, #tpu.memory_space<vmem_shared>>
      %dma_wait3A_865 = arith.constant 0 : i32
      %dma_wait3A_866 = arith.constant 0 : i32
      %dma_wait3A_867 = tpu.memref_slice %arg7[%arg1, %run_scoped3A_156, %dma_wait3A_865, %dma_wait3A_866] : memref<16x2x32x768xf32, #tpu.memory_space<vmem_shared>> -> memref<1x1x32x768xf32, #tpu.memory_space<vmem_shared>>
      %dma_wait3A_868 = tpu.memref_squeeze %dma_wait3A_867 : memref<1x1x32x768xf32, #tpu.memory_space<vmem_shared>> -> memref<32x768xf32, #tpu.memory_space<vmem_shared>>
      %dma_wait3A_869 = arith.constant 0 : i32
      %dma_wait3A_870 = arith.constant 0 : i32
      %dma_wait3A_871 = tpu.memref_slice %arg6[%run_scoped3A_155, %dma_wait3A_869, %dma_wait3A_870] : memref<2x32x768xf32, #tpu.memory_space<vmem>> -> memref<1x32x768xf32, #tpu.memory_space<vmem>>
      %dma_wait3A_872 = tpu.memref_squeeze %dma_wait3A_871 : memref<1x32x768xf32, #tpu.memory_space<vmem>> -> memref<32x768xf32, #tpu.memory_space<vmem>>
      tpu.wait_dma2 semaphore(%run_scoped3A_840 : memref<!tpu.dma_semaphore, #tpu.memory_space<semaphore_mem>>) src(%dma_wait3A_872 : memref<32x768xf32, #tpu.memory_space<vmem>>) dst(%dma_wait3A_868 : memref<32x768xf32, #tpu.memory_space<vmem_shared>>)
      tpu.yield
    }) : () -> ()
    %add3A_157 = arith.constant 96 : i32
    %add3A_158 = arith.addi %mul3A_2, %add3A_157 : i32
    %dma_start3A_159 = arith.constant 1 : i32
    %dma_start3A_160 = arith.constant 0 : i32
    %dma_start3A_161 = tpu.memref_slice %arg4[%add3A_158, %dma_start3A_160] : memref<4096x3840xf32, #tpu.memory_space<hbm>> -> memref<32x768xf32, #tpu.memory_space<hbm>>
    %dma_start3A_162 = arith.constant 0 : i32
    %dma_start3A_163 = arith.constant 0 : i32
    %dma_start3A_164 = tpu.memref_slice %arg7[%arg1, %dma_start3A_159, %dma_start3A_162, %dma_start3A_163] : memref<16x2x32x768xf32, #tpu.memory_space<vmem_shared>> -> memref<1x1x32x768xf32, #tpu.memory_space<vmem_shared>>
    %dma_start3A_165 = tpu.memref_squeeze %dma_start3A_164 : memref<1x1x32x768xf32, #tpu.memory_space<vmem_shared>> -> memref<32x768xf32, #tpu.memory_space<vmem_shared>>
    tpu.enqueue_dma source(%dma_start3A_165 : memref<32x768xf32, #tpu.memory_space<vmem_shared>>) target(%dma_start3A_161 : memref<32x768xf32, #tpu.memory_space<hbm>>) target_semaphore(%arg11 : memref<!tpu.dma_semaphore, #tpu.memory_space<semaphore_mem>>)
    %dma_start3A_166 = arith.constant 1 : i32
    %dma_start3A_167 = arith.constant 1 : i32
    %dma_start3A_168 = arith.constant 0 : i32
    %dma_start3A_169 = arith.constant 0 : i32
    %dma_start3A_170 = tpu.memref_slice %arg6[%dma_start3A_167, %dma_start3A_168, %dma_start3A_169] : memref<2x32x768xf32, #tpu.memory_space<vmem>> -> memref<1x32x768xf32, #tpu.memory_space<vmem>>
    %dma_start3A_171 = tpu.memref_squeeze %dma_start3A_170 : memref<1x32x768xf32, #tpu.memory_space<vmem>> -> memref<32x768xf32, #tpu.memory_space<vmem>>
    %dma_start3A_172 = arith.constant 32 : i32
    %dma_start3A_173 = tpu.memref_slice %arg5[%dma_start3A_166, %dma_start3A_172] : memref<5x128xi32, #tpu.memory_space<vmem>> -> memref<1x32xi32, #tpu.memory_space<vmem>>
    %dma_start3A_174 = tpu.memref_squeeze %dma_start3A_173 : memref<1x32xi32, #tpu.memory_space<vmem>> -> memref<32xi32, #tpu.memory_space<vmem>>
    %dma_start3A_175 = arith.constant 0 : i32
    %dma_start3A_176 = arith.constant 0 : i32
    %dma_start3A_177 = tpu.memref_slice %arg2[%dma_start3A_175, %dma_start3A_176] : memref<848x768xf32, #tpu.memory_space<hbm>> -> memref<848x768xf32, #tpu.memory_space<hbm>>
    tpu.enqueue_indirect_dma source(%dma_start3A_177 : memref<848x768xf32, #tpu.memory_space<hbm>>) target(%dma_start3A_171 : memref<32x768xf32, #tpu.memory_space<vmem>>) offsets(%dma_start3A_174 : memref<32xi32, #tpu.memory_space<vmem>>) semaphore(%arg9 : memref<!tpu.dma_semaphore, #tpu.memory_space<semaphore_mem>>)
    %dma_wait3A_178 = arith.constant 1 : i32
    %dma_wait3A_179 = arith.constant 0 : i32
    %dma_wait3A_180 = arith.constant 0 : i32
    %dma_wait3A_181 = arith.constant 0 : i32
    %dma_wait3A_182 = tpu.memref_slice %arg6[%dma_wait3A_179, %dma_wait3A_180, %dma_wait3A_181] : memref<2x32x768xf32, #tpu.memory_space<vmem>> -> memref<1x32x768xf32, #tpu.memory_space<vmem>>
    %dma_wait3A_183 = tpu.memref_squeeze %dma_wait3A_182 : memref<1x32x768xf32, #tpu.memory_space<vmem>> -> memref<32x768xf32, #tpu.memory_space<vmem>>
    %dma_wait3A_184 = arith.constant 0 : i32
    %dma_wait3A_185 = tpu.memref_slice %arg5[%dma_wait3A_178, %dma_wait3A_184] : memref<5x128xi32, #tpu.memory_space<vmem>> -> memref<1x32xi32, #tpu.memory_space<vmem>>
    %dma_wait3A_186 = tpu.memref_squeeze %dma_wait3A_185 : memref<1x32xi32, #tpu.memory_space<vmem>> -> memref<32xi32, #tpu.memory_space<vmem>>
    %dma_wait3A_187 = arith.constant 0 : i32
    %dma_wait3A_188 = arith.constant 0 : i32
    %dma_wait3A_189 = tpu.memref_slice %arg2[%dma_wait3A_187, %dma_wait3A_188] : memref<848x768xf32, #tpu.memory_space<hbm>> -> memref<848x768xf32, #tpu.memory_space<hbm>>
    tpu.wait_indirect_dma semaphore(%arg8 : memref<!tpu.dma_semaphore, #tpu.memory_space<semaphore_mem>>) src(%dma_wait3A_189 : memref<848x768xf32, #tpu.memory_space<hbm>>) dst(%dma_wait3A_183 : memref<32x768xf32, #tpu.memory_space<vmem>>)
    %dma_wait3A_190 = arith.constant 0 : i32
    %dma_wait3A_191 = arith.constant 0 : i32
    %dma_wait3A_192 = tpu.memref_slice %arg4[%add3A_116, %dma_wait3A_191] : memref<4096x3840xf32, #tpu.memory_space<hbm>> -> memref<32x768xf32, #tpu.memory_space<hbm>>
    %dma_wait3A_193 = arith.constant 0 : i32
    %dma_wait3A_194 = arith.constant 0 : i32
    %dma_wait3A_195 = tpu.memref_slice %arg7[%arg1, %dma_wait3A_190, %dma_wait3A_193, %dma_wait3A_194] : memref<16x2x32x768xf32, #tpu.memory_space<vmem_shared>> -> memref<1x1x32x768xf32, #tpu.memory_space<vmem_shared>>
    %dma_wait3A_196 = tpu.memref_squeeze %dma_wait3A_195 : memref<1x1x32x768xf32, #tpu.memory_space<vmem_shared>> -> memref<32x768xf32, #tpu.memory_space<vmem_shared>>
    tpu.wait_dma2 semaphore(%arg10 : memref<!tpu.dma_semaphore, #tpu.memory_space<semaphore_mem>>) src(%dma_wait3A_196 : memref<32x768xf32, #tpu.memory_space<vmem_shared>>) dst(%dma_wait3A_192 : memref<32x768xf32, #tpu.memory_space<hbm>>)
    %run_scoped3A_197 = arith.constant 0 : i32
    %run_scoped3A_198 = arith.constant 0 : i32
    "tpu.region"() ({
      %run_scoped3A_840 = tpu.sem_alloc : memref<!tpu.dma_semaphore, #tpu.memory_space<semaphore_mem>>
      %dma_start3A_841 = arith.constant 0 : i32
      %dma_start3A_842 = arith.constant 0 : i32
      %dma_start3A_843 = tpu.memref_slice %arg6[%run_scoped3A_197, %dma_start3A_841, %dma_start3A_842] : memref<2x32x768xf32, #tpu.memory_space<vmem>> -> memref<1x32x768xf32, #tpu.memory_space<vmem>>
      %dma_start3A_844 = tpu.memref_squeeze %dma_start3A_843 : memref<1x32x768xf32, #tpu.memory_space<vmem>> -> memref<32x768xf32, #tpu.memory_space<vmem>>
      %dma_start3A_845 = arith.constant 0 : i32
      %dma_start3A_846 = arith.constant 0 : i32
      %dma_start3A_847 = tpu.memref_slice %arg7[%arg1, %run_scoped3A_198, %dma_start3A_845, %dma_start3A_846] : memref<16x2x32x768xf32, #tpu.memory_space<vmem_shared>> -> memref<1x1x32x768xf32, #tpu.memory_space<vmem_shared>>
      %dma_start3A_848 = tpu.memref_squeeze %dma_start3A_847 : memref<1x1x32x768xf32, #tpu.memory_space<vmem_shared>> -> memref<32x768xf32, #tpu.memory_space<vmem_shared>>
      %dma_start3A_849 = arith.constant 0 : i32
      %dma_start3A_850 = arith.constant 0 : i32
      %dma_start3A_851 = tpu.memref_slice %arg7[%arg1, %run_scoped3A_198, %dma_start3A_849, %dma_start3A_850] : memref<16x2x32x768xf32, #tpu.memory_space<vmem_shared>> -> memref<1x1x32x768xf32, #tpu.memory_space<vmem_shared>>
      %dma_start3A_852 = tpu.memref_squeeze %dma_start3A_851 : memref<1x1x32x768xf32, #tpu.memory_space<vmem_shared>> -> memref<32x768xf32, #tpu.memory_space<vmem_shared>>
      %dma_start3A_853 = arith.constant 0 : i32
      %dma_start3A_854 = arith.constant 0 : i32
      %dma_start3A_855 = tpu.memref_slice %arg6[%run_scoped3A_197, %dma_start3A_853, %dma_start3A_854] : memref<2x32x768xf32, #tpu.memory_space<vmem>> -> memref<1x32x768xf32, #tpu.memory_space<vmem>>
      %dma_start3A_856 = tpu.memref_squeeze %dma_start3A_855 : memref<1x32x768xf32, #tpu.memory_space<vmem>> -> memref<32x768xf32, #tpu.memory_space<vmem>>
      tpu.enqueue_dma source(%dma_start3A_856 : memref<32x768xf32, #tpu.memory_space<vmem>>) target(%dma_start3A_852 : memref<32x768xf32, #tpu.memory_space<vmem_shared>>) target_semaphore(%run_scoped3A_840 : memref<!tpu.dma_semaphore, #tpu.memory_space<semaphore_mem>>)
      %dma_wait3A_857 = arith.constant 0 : i32
      %dma_wait3A_858 = arith.constant 0 : i32
      %dma_wait3A_859 = tpu.memref_slice %arg6[%run_scoped3A_197, %dma_wait3A_857, %dma_wait3A_858] : memref<2x32x768xf32, #tpu.memory_space<vmem>> -> memref<1x32x768xf32, #tpu.memory_space<vmem>>
      %dma_wait3A_860 = tpu.memref_squeeze %dma_wait3A_859 : memref<1x32x768xf32, #tpu.memory_space<vmem>> -> memref<32x768xf32, #tpu.memory_space<vmem>>
      %dma_wait3A_861 = arith.constant 0 : i32
      %dma_wait3A_862 = arith.constant 0 : i32
      %dma_wait3A_863 = tpu.memref_slice %arg7[%arg1, %run_scoped3A_198, %dma_wait3A_861, %dma_wait3A_862] : memref<16x2x32x768xf32, #tpu.memory_space<vmem_shared>> -> memref<1x1x32x768xf32, #tpu.memory_space<vmem_shared>>
      %dma_wait3A_864 = tpu.memref_squeeze %dma_wait3A_863 : memref<1x1x32x768xf32, #tpu.memory_space<vmem_shared>> -> memref<32x768xf32, #tpu.memory_space<vmem_shared>>
      %dma_wait3A_865 = arith.constant 0 : i32
      %dma_wait3A_866 = arith.constant 0 : i32
      %dma_wait3A_867 = tpu.memref_slice %arg7[%arg1, %run_scoped3A_198, %dma_wait3A_865, %dma_wait3A_866] : memref<16x2x32x768xf32, #tpu.memory_space<vmem_shared>> -> memref<1x1x32x768xf32, #tpu.memory_space<vmem_shared>>
      %dma_wait3A_868 = tpu.memref_squeeze %dma_wait3A_867 : memref<1x1x32x768xf32, #tpu.memory_space<vmem_shared>> -> memref<32x768xf32, #tpu.memory_space<vmem_shared>>
      %dma_wait3A_869 = arith.constant 0 : i32
      %dma_wait3A_870 = arith.constant 0 : i32
      %dma_wait3A_871 = tpu.memref_slice %arg6[%run_scoped3A_197, %dma_wait3A_869, %dma_wait3A_870] : memref<2x32x768xf32, #tpu.memory_space<vmem>> -> memref<1x32x768xf32, #tpu.memory_space<vmem>>
      %dma_wait3A_872 = tpu.memref_squeeze %dma_wait3A_871 : memref<1x32x768xf32, #tpu.memory_space<vmem>> -> memref<32x768xf32, #tpu.memory_space<vmem>>
      tpu.wait_dma2 semaphore(%run_scoped3A_840 : memref<!tpu.dma_semaphore, #tpu.memory_space<semaphore_mem>>) src(%dma_wait3A_872 : memref<32x768xf32, #tpu.memory_space<vmem>>) dst(%dma_wait3A_868 : memref<32x768xf32, #tpu.memory_space<vmem_shared>>)
      tpu.yield
    }) : () -> ()
    %add3A_199 = arith.constant 0 : i32
    %add3A_200 = arith.addi %mul3A_2, %add3A_199 : i32
    %dma_start3A_201 = arith.constant 0 : i32
    %dma_start3A_202 = arith.constant 768 : i32
    %dma_start3A_203 = tpu.memref_slice %arg4[%add3A_200, %dma_start3A_202] : memref<4096x3840xf32, #tpu.memory_space<hbm>> -> memref<32x768xf32, #tpu.memory_space<hbm>>
    %dma_start3A_204 = arith.constant 0 : i32
    %dma_start3A_205 = arith.constant 0 : i32
    %dma_start3A_206 = tpu.memref_slice %arg7[%arg1, %dma_start3A_201, %dma_start3A_204, %dma_start3A_205] : memref<16x2x32x768xf32, #tpu.memory_space<vmem_shared>> -> memref<1x1x32x768xf32, #tpu.memory_space<vmem_shared>>
    %dma_start3A_207 = tpu.memref_squeeze %dma_start3A_206 : memref<1x1x32x768xf32, #tpu.memory_space<vmem_shared>> -> memref<32x768xf32, #tpu.memory_space<vmem_shared>>
    tpu.enqueue_dma source(%dma_start3A_207 : memref<32x768xf32, #tpu.memory_space<vmem_shared>>) target(%dma_start3A_203 : memref<32x768xf32, #tpu.memory_space<hbm>>) target_semaphore(%arg10 : memref<!tpu.dma_semaphore, #tpu.memory_space<semaphore_mem>>)
    %dma_start3A_208 = arith.constant 1 : i32
    %dma_start3A_209 = arith.constant 0 : i32
    %dma_start3A_210 = arith.constant 0 : i32
    %dma_start3A_211 = arith.constant 0 : i32
    %dma_start3A_212 = tpu.memref_slice %arg6[%dma_start3A_209, %dma_start3A_210, %dma_start3A_211] : memref<2x32x768xf32, #tpu.memory_space<vmem>> -> memref<1x32x768xf32, #tpu.memory_space<vmem>>
    %dma_start3A_213 = tpu.memref_squeeze %dma_start3A_212 : memref<1x32x768xf32, #tpu.memory_space<vmem>> -> memref<32x768xf32, #tpu.memory_space<vmem>>
    %dma_start3A_214 = arith.constant 64 : i32
    %dma_start3A_215 = tpu.memref_slice %arg5[%dma_start3A_208, %dma_start3A_214] : memref<5x128xi32, #tpu.memory_space<vmem>> -> memref<1x32xi32, #tpu.memory_space<vmem>>
    %dma_start3A_216 = tpu.memref_squeeze %dma_start3A_215 : memref<1x32xi32, #tpu.memory_space<vmem>> -> memref<32xi32, #tpu.memory_space<vmem>>
    %dma_start3A_217 = arith.constant 0 : i32
    %dma_start3A_218 = arith.constant 0 : i32
    %dma_start3A_219 = tpu.memref_slice %arg2[%dma_start3A_217, %dma_start3A_218] : memref<848x768xf32, #tpu.memory_space<hbm>> -> memref<848x768xf32, #tpu.memory_space<hbm>>
    tpu.enqueue_indirect_dma source(%dma_start3A_219 : memref<848x768xf32, #tpu.memory_space<hbm>>) target(%dma_start3A_213 : memref<32x768xf32, #tpu.memory_space<vmem>>) offsets(%dma_start3A_216 : memref<32xi32, #tpu.memory_space<vmem>>) semaphore(%arg8 : memref<!tpu.dma_semaphore, #tpu.memory_space<semaphore_mem>>)
    %dma_wait3A_220 = arith.constant 1 : i32
    %dma_wait3A_221 = arith.constant 1 : i32
    %dma_wait3A_222 = arith.constant 0 : i32
    %dma_wait3A_223 = arith.constant 0 : i32
    %dma_wait3A_224 = tpu.memref_slice %arg6[%dma_wait3A_221, %dma_wait3A_222, %dma_wait3A_223] : memref<2x32x768xf32, #tpu.memory_space<vmem>> -> memref<1x32x768xf32, #tpu.memory_space<vmem>>
    %dma_wait3A_225 = tpu.memref_squeeze %dma_wait3A_224 : memref<1x32x768xf32, #tpu.memory_space<vmem>> -> memref<32x768xf32, #tpu.memory_space<vmem>>
    %dma_wait3A_226 = arith.constant 32 : i32
    %dma_wait3A_227 = tpu.memref_slice %arg5[%dma_wait3A_220, %dma_wait3A_226] : memref<5x128xi32, #tpu.memory_space<vmem>> -> memref<1x32xi32, #tpu.memory_space<vmem>>
    %dma_wait3A_228 = tpu.memref_squeeze %dma_wait3A_227 : memref<1x32xi32, #tpu.memory_space<vmem>> -> memref<32xi32, #tpu.memory_space<vmem>>
    %dma_wait3A_229 = arith.constant 0 : i32
    %dma_wait3A_230 = arith.constant 0 : i32
    %dma_wait3A_231 = tpu.memref_slice %arg2[%dma_wait3A_229, %dma_wait3A_230] : memref<848x768xf32, #tpu.memory_space<hbm>> -> memref<848x768xf32, #tpu.memory_space<hbm>>
    tpu.wait_indirect_dma semaphore(%arg9 : memref<!tpu.dma_semaphore, #tpu.memory_space<semaphore_mem>>) src(%dma_wait3A_231 : memref<848x768xf32, #tpu.memory_space<hbm>>) dst(%dma_wait3A_225 : memref<32x768xf32, #tpu.memory_space<vmem>>)
    %dma_wait3A_232 = arith.constant 1 : i32
    %dma_wait3A_233 = arith.constant 0 : i32
    %dma_wait3A_234 = tpu.memref_slice %arg4[%add3A_158, %dma_wait3A_233] : memref<4096x3840xf32, #tpu.memory_space<hbm>> -> memref<32x768xf32, #tpu.memory_space<hbm>>
    %dma_wait3A_235 = arith.constant 0 : i32
    %dma_wait3A_236 = arith.constant 0 : i32
    %dma_wait3A_237 = tpu.memref_slice %arg7[%arg1, %dma_wait3A_232, %dma_wait3A_235, %dma_wait3A_236] : memref<16x2x32x768xf32, #tpu.memory_space<vmem_shared>> -> memref<1x1x32x768xf32, #tpu.memory_space<vmem_shared>>
    %dma_wait3A_238 = tpu.memref_squeeze %dma_wait3A_237 : memref<1x1x32x768xf32, #tpu.memory_space<vmem_shared>> -> memref<32x768xf32, #tpu.memory_space<vmem_shared>>
    tpu.wait_dma2 semaphore(%arg11 : memref<!tpu.dma_semaphore, #tpu.memory_space<semaphore_mem>>) src(%dma_wait3A_238 : memref<32x768xf32, #tpu.memory_space<vmem_shared>>) dst(%dma_wait3A_234 : memref<32x768xf32, #tpu.memory_space<hbm>>)
    %run_scoped3A_239 = arith.constant 1 : i32
    %run_scoped3A_240 = arith.constant 1 : i32
    "tpu.region"() ({
      %run_scoped3A_840 = tpu.sem_alloc : memref<!tpu.dma_semaphore, #tpu.memory_space<semaphore_mem>>
      %dma_start3A_841 = arith.constant 0 : i32
      %dma_start3A_842 = arith.constant 0 : i32
      %dma_start3A_843 = tpu.memref_slice %arg6[%run_scoped3A_239, %dma_start3A_841, %dma_start3A_842] : memref<2x32x768xf32, #tpu.memory_space<vmem>> -> memref<1x32x768xf32, #tpu.memory_space<vmem>>
      %dma_start3A_844 = tpu.memref_squeeze %dma_start3A_843 : memref<1x32x768xf32, #tpu.memory_space<vmem>> -> memref<32x768xf32, #tpu.memory_space<vmem>>
      %dma_start3A_845 = arith.constant 0 : i32
      %dma_start3A_846 = arith.constant 0 : i32
      %dma_start3A_847 = tpu.memref_slice %arg7[%arg1, %run_scoped3A_240, %dma_start3A_845, %dma_start3A_846] : memref<16x2x32x768xf32, #tpu.memory_space<vmem_shared>> -> memref<1x1x32x768xf32, #tpu.memory_space<vmem_shared>>
      %dma_start3A_848 = tpu.memref_squeeze %dma_start3A_847 : memref<1x1x32x768xf32, #tpu.memory_space<vmem_shared>> -> memref<32x768xf32, #tpu.memory_space<vmem_shared>>
      %dma_start3A_849 = arith.constant 0 : i32
      %dma_start3A_850 = arith.constant 0 : i32
      %dma_start3A_851 = tpu.memref_slice %arg7[%arg1, %run_scoped3A_240, %dma_start3A_849, %dma_start3A_850] : memref<16x2x32x768xf32, #tpu.memory_space<vmem_shared>> -> memref<1x1x32x768xf32, #tpu.memory_space<vmem_shared>>
      %dma_start3A_852 = tpu.memref_squeeze %dma_start3A_851 : memref<1x1x32x768xf32, #tpu.memory_space<vmem_shared>> -> memref<32x768xf32, #tpu.memory_space<vmem_shared>>
      %dma_start3A_853 = arith.constant 0 : i32
      %dma_start3A_854 = arith.constant 0 : i32
      %dma_start3A_855 = tpu.memref_slice %arg6[%run_scoped3A_239, %dma_start3A_853, %dma_start3A_854] : memref<2x32x768xf32, #tpu.memory_space<vmem>> -> memref<1x32x768xf32, #tpu.memory_space<vmem>>
      %dma_start3A_856 = tpu.memref_squeeze %dma_start3A_855 : memref<1x32x768xf32, #tpu.memory_space<vmem>> -> memref<32x768xf32, #tpu.memory_space<vmem>>
      tpu.enqueue_dma source(%dma_start3A_856 : memref<32x768xf32, #tpu.memory_space<vmem>>) target(%dma_start3A_852 : memref<32x768xf32, #tpu.memory_space<vmem_shared>>) target_semaphore(%run_scoped3A_840 : memref<!tpu.dma_semaphore, #tpu.memory_space<semaphore_mem>>)
      %dma_wait3A_857 = arith.constant 0 : i32
      %dma_wait3A_858 = arith.constant 0 : i32
      %dma_wait3A_859 = tpu.memref_slice %arg6[%run_scoped3A_239, %dma_wait3A_857, %dma_wait3A_858] : memref<2x32x768xf32, #tpu.memory_space<vmem>> -> memref<1x32x768xf32, #tpu.memory_space<vmem>>
      %dma_wait3A_860 = tpu.memref_squeeze %dma_wait3A_859 : memref<1x32x768xf32, #tpu.memory_space<vmem>> -> memref<32x768xf32, #tpu.memory_space<vmem>>
      %dma_wait3A_861 = arith.constant 0 : i32
      %dma_wait3A_862 = arith.constant 0 : i32
      %dma_wait3A_863 = tpu.memref_slice %arg7[%arg1, %run_scoped3A_240, %dma_wait3A_861, %dma_wait3A_862] : memref<16x2x32x768xf32, #tpu.memory_space<vmem_shared>> -> memref<1x1x32x768xf32, #tpu.memory_space<vmem_shared>>
      %dma_wait3A_864 = tpu.memref_squeeze %dma_wait3A_863 : memref<1x1x32x768xf32, #tpu.memory_space<vmem_shared>> -> memref<32x768xf32, #tpu.memory_space<vmem_shared>>
      %dma_wait3A_865 = arith.constant 0 : i32
      %dma_wait3A_866 = arith.constant 0 : i32
      %dma_wait3A_867 = tpu.memref_slice %arg7[%arg1, %run_scoped3A_240, %dma_wait3A_865, %dma_wait3A_866] : memref<16x2x32x768xf32, #tpu.memory_space<vmem_shared>> -> memref<1x1x32x768xf32, #tpu.memory_space<vmem_shared>>
      %dma_wait3A_868 = tpu.memref_squeeze %dma_wait3A_867 : memref<1x1x32x768xf32, #tpu.memory_space<vmem_shared>> -> memref<32x768xf32, #tpu.memory_space<vmem_shared>>
      %dma_wait3A_869 = arith.constant 0 : i32
      %dma_wait3A_870 = arith.constant 0 : i32
      %dma_wait3A_871 = tpu.memref_slice %arg6[%run_scoped3A_239, %dma_wait3A_869, %dma_wait3A_870] : memref<2x32x768xf32, #tpu.memory_space<vmem>> -> memref<1x32x768xf32, #tpu.memory_space<vmem>>
      %dma_wait3A_872 = tpu.memref_squeeze %dma_wait3A_871 : memref<1x32x768xf32, #tpu.memory_space<vmem>> -> memref<32x768xf32, #tpu.memory_space<vmem>>
      tpu.wait_dma2 semaphore(%run_scoped3A_840 : memref<!tpu.dma_semaphore, #tpu.memory_space<semaphore_mem>>) src(%dma_wait3A_872 : memref<32x768xf32, #tpu.memory_space<vmem>>) dst(%dma_wait3A_868 : memref<32x768xf32, #tpu.memory_space<vmem_shared>>)
      tpu.yield
    }) : () -> ()
    %add3A_241 = arith.constant 32 : i32
    %add3A_242 = arith.addi %mul3A_2, %add3A_241 : i32
    %dma_start3A_243 = arith.constant 1 : i32
    %dma_start3A_244 = arith.constant 768 : i32
    %dma_start3A_245 = tpu.memref_slice %arg4[%add3A_242, %dma_start3A_244] : memref<4096x3840xf32, #tpu.memory_space<hbm>> -> memref<32x768xf32, #tpu.memory_space<hbm>>
    %dma_start3A_246 = arith.constant 0 : i32
    %dma_start3A_247 = arith.constant 0 : i32
    %dma_start3A_248 = tpu.memref_slice %arg7[%arg1, %dma_start3A_243, %dma_start3A_246, %dma_start3A_247] : memref<16x2x32x768xf32, #tpu.memory_space<vmem_shared>> -> memref<1x1x32x768xf32, #tpu.memory_space<vmem_shared>>
    %dma_start3A_249 = tpu.memref_squeeze %dma_start3A_248 : memref<1x1x32x768xf32, #tpu.memory_space<vmem_shared>> -> memref<32x768xf32, #tpu.memory_space<vmem_shared>>
    tpu.enqueue_dma source(%dma_start3A_249 : memref<32x768xf32, #tpu.memory_space<vmem_shared>>) target(%dma_start3A_245 : memref<32x768xf32, #tpu.memory_space<hbm>>) target_semaphore(%arg11 : memref<!tpu.dma_semaphore, #tpu.memory_space<semaphore_mem>>)
    %dma_start3A_250 = arith.constant 1 : i32
    %dma_start3A_251 = arith.constant 1 : i32
    %dma_start3A_252 = arith.constant 0 : i32
    %dma_start3A_253 = arith.constant 0 : i32
    %dma_start3A_254 = tpu.memref_slice %arg6[%dma_start3A_251, %dma_start3A_252, %dma_start3A_253] : memref<2x32x768xf32, #tpu.memory_space<vmem>> -> memref<1x32x768xf32, #tpu.memory_space<vmem>>
    %dma_start3A_255 = tpu.memref_squeeze %dma_start3A_254 : memref<1x32x768xf32, #tpu.memory_space<vmem>> -> memref<32x768xf32, #tpu.memory_space<vmem>>
    %dma_start3A_256 = arith.constant 96 : i32
    %dma_start3A_257 = tpu.memref_slice %arg5[%dma_start3A_250, %dma_start3A_256] : memref<5x128xi32, #tpu.memory_space<vmem>> -> memref<1x32xi32, #tpu.memory_space<vmem>>
    %dma_start3A_258 = tpu.memref_squeeze %dma_start3A_257 : memref<1x32xi32, #tpu.memory_space<vmem>> -> memref<32xi32, #tpu.memory_space<vmem>>
    %dma_start3A_259 = arith.constant 0 : i32
    %dma_start3A_260 = arith.constant 0 : i32
    %dma_start3A_261 = tpu.memref_slice %arg2[%dma_start3A_259, %dma_start3A_260] : memref<848x768xf32, #tpu.memory_space<hbm>> -> memref<848x768xf32, #tpu.memory_space<hbm>>
    tpu.enqueue_indirect_dma source(%dma_start3A_261 : memref<848x768xf32, #tpu.memory_space<hbm>>) target(%dma_start3A_255 : memref<32x768xf32, #tpu.memory_space<vmem>>) offsets(%dma_start3A_258 : memref<32xi32, #tpu.memory_space<vmem>>) semaphore(%arg9 : memref<!tpu.dma_semaphore, #tpu.memory_space<semaphore_mem>>)
    %dma_wait3A_262 = arith.constant 1 : i32
    %dma_wait3A_263 = arith.constant 0 : i32
    %dma_wait3A_264 = arith.constant 0 : i32
    %dma_wait3A_265 = arith.constant 0 : i32
    %dma_wait3A_266 = tpu.memref_slice %arg6[%dma_wait3A_263, %dma_wait3A_264, %dma_wait3A_265] : memref<2x32x768xf32, #tpu.memory_space<vmem>> -> memref<1x32x768xf32, #tpu.memory_space<vmem>>
    %dma_wait3A_267 = tpu.memref_squeeze %dma_wait3A_266 : memref<1x32x768xf32, #tpu.memory_space<vmem>> -> memref<32x768xf32, #tpu.memory_space<vmem>>
    %dma_wait3A_268 = arith.constant 64 : i32
    %dma_wait3A_269 = tpu.memref_slice %arg5[%dma_wait3A_262, %dma_wait3A_268] : memref<5x128xi32, #tpu.memory_space<vmem>> -> memref<1x32xi32, #tpu.memory_space<vmem>>
    %dma_wait3A_270 = tpu.memref_squeeze %dma_wait3A_269 : memref<1x32xi32, #tpu.memory_space<vmem>> -> memref<32xi32, #tpu.memory_space<vmem>>
    %dma_wait3A_271 = arith.constant 0 : i32
    %dma_wait3A_272 = arith.constant 0 : i32
    %dma_wait3A_273 = tpu.memref_slice %arg2[%dma_wait3A_271, %dma_wait3A_272] : memref<848x768xf32, #tpu.memory_space<hbm>> -> memref<848x768xf32, #tpu.memory_space<hbm>>
    tpu.wait_indirect_dma semaphore(%arg8 : memref<!tpu.dma_semaphore, #tpu.memory_space<semaphore_mem>>) src(%dma_wait3A_273 : memref<848x768xf32, #tpu.memory_space<hbm>>) dst(%dma_wait3A_267 : memref<32x768xf32, #tpu.memory_space<vmem>>)
    %dma_wait3A_274 = arith.constant 0 : i32
    %dma_wait3A_275 = arith.constant 768 : i32
    %dma_wait3A_276 = tpu.memref_slice %arg4[%add3A_200, %dma_wait3A_275] : memref<4096x3840xf32, #tpu.memory_space<hbm>> -> memref<32x768xf32, #tpu.memory_space<hbm>>
    %dma_wait3A_277 = arith.constant 0 : i32
    %dma_wait3A_278 = arith.constant 0 : i32
    %dma_wait3A_279 = tpu.memref_slice %arg7[%arg1, %dma_wait3A_274, %dma_wait3A_277, %dma_wait3A_278] : memref<16x2x32x768xf32, #tpu.memory_space<vmem_shared>> -> memref<1x1x32x768xf32, #tpu.memory_space<vmem_shared>>
    %dma_wait3A_280 = tpu.memref_squeeze %dma_wait3A_279 : memref<1x1x32x768xf32, #tpu.memory_space<vmem_shared>> -> memref<32x768xf32, #tpu.memory_space<vmem_shared>>
    tpu.wait_dma2 semaphore(%arg10 : memref<!tpu.dma_semaphore, #tpu.memory_space<semaphore_mem>>) src(%dma_wait3A_280 : memref<32x768xf32, #tpu.memory_space<vmem_shared>>) dst(%dma_wait3A_276 : memref<32x768xf32, #tpu.memory_space<hbm>>)
    %run_scoped3A_281 = arith.constant 0 : i32
    %run_scoped3A_282 = arith.constant 0 : i32
    "tpu.region"() ({
      %run_scoped3A_840 = tpu.sem_alloc : memref<!tpu.dma_semaphore, #tpu.memory_space<semaphore_mem>>
      %dma_start3A_841 = arith.constant 0 : i32
      %dma_start3A_842 = arith.constant 0 : i32
      %dma_start3A_843 = tpu.memref_slice %arg6[%run_scoped3A_281, %dma_start3A_841, %dma_start3A_842] : memref<2x32x768xf32, #tpu.memory_space<vmem>> -> memref<1x32x768xf32, #tpu.memory_space<vmem>>
      %dma_start3A_844 = tpu.memref_squeeze %dma_start3A_843 : memref<1x32x768xf32, #tpu.memory_space<vmem>> -> memref<32x768xf32, #tpu.memory_space<vmem>>
      %dma_start3A_845 = arith.constant 0 : i32
      %dma_start3A_846 = arith.constant 0 : i32
      %dma_start3A_847 = tpu.memref_slice %arg7[%arg1, %run_scoped3A_282, %dma_start3A_845, %dma_start3A_846] : memref<16x2x32x768xf32, #tpu.memory_space<vmem_shared>> -> memref<1x1x32x768xf32, #tpu.memory_space<vmem_shared>>
      %dma_start3A_848 = tpu.memref_squeeze %dma_start3A_847 : memref<1x1x32x768xf32, #tpu.memory_space<vmem_shared>> -> memref<32x768xf32, #tpu.memory_space<vmem_shared>>
      %dma_start3A_849 = arith.constant 0 : i32
      %dma_start3A_850 = arith.constant 0 : i32
      %dma_start3A_851 = tpu.memref_slice %arg7[%arg1, %run_scoped3A_282, %dma_start3A_849, %dma_start3A_850] : memref<16x2x32x768xf32, #tpu.memory_space<vmem_shared>> -> memref<1x1x32x768xf32, #tpu.memory_space<vmem_shared>>
      %dma_start3A_852 = tpu.memref_squeeze %dma_start3A_851 : memref<1x1x32x768xf32, #tpu.memory_space<vmem_shared>> -> memref<32x768xf32, #tpu.memory_space<vmem_shared>>
      %dma_start3A_853 = arith.constant 0 : i32
      %dma_start3A_854 = arith.constant 0 : i32
      %dma_start3A_855 = tpu.memref_slice %arg6[%run_scoped3A_281, %dma_start3A_853, %dma_start3A_854] : memref<2x32x768xf32, #tpu.memory_space<vmem>> -> memref<1x32x768xf32, #tpu.memory_space<vmem>>
      %dma_start3A_856 = tpu.memref_squeeze %dma_start3A_855 : memref<1x32x768xf32, #tpu.memory_space<vmem>> -> memref<32x768xf32, #tpu.memory_space<vmem>>
      tpu.enqueue_dma source(%dma_start3A_856 : memref<32x768xf32, #tpu.memory_space<vmem>>) target(%dma_start3A_852 : memref<32x768xf32, #tpu.memory_space<vmem_shared>>) target_semaphore(%run_scoped3A_840 : memref<!tpu.dma_semaphore, #tpu.memory_space<semaphore_mem>>)
      %dma_wait3A_857 = arith.constant 0 : i32
      %dma_wait3A_858 = arith.constant 0 : i32
      %dma_wait3A_859 = tpu.memref_slice %arg6[%run_scoped3A_281, %dma_wait3A_857, %dma_wait3A_858] : memref<2x32x768xf32, #tpu.memory_space<vmem>> -> memref<1x32x768xf32, #tpu.memory_space<vmem>>
      %dma_wait3A_860 = tpu.memref_squeeze %dma_wait3A_859 : memref<1x32x768xf32, #tpu.memory_space<vmem>> -> memref<32x768xf32, #tpu.memory_space<vmem>>
      %dma_wait3A_861 = arith.constant 0 : i32
      %dma_wait3A_862 = arith.constant 0 : i32
      %dma_wait3A_863 = tpu.memref_slice %arg7[%arg1, %run_scoped3A_282, %dma_wait3A_861, %dma_wait3A_862] : memref<16x2x32x768xf32, #tpu.memory_space<vmem_shared>> -> memref<1x1x32x768xf32, #tpu.memory_space<vmem_shared>>
      %dma_wait3A_864 = tpu.memref_squeeze %dma_wait3A_863 : memref<1x1x32x768xf32, #tpu.memory_space<vmem_shared>> -> memref<32x768xf32, #tpu.memory_space<vmem_shared>>
      %dma_wait3A_865 = arith.constant 0 : i32
      %dma_wait3A_866 = arith.constant 0 : i32
      %dma_wait3A_867 = tpu.memref_slice %arg7[%arg1, %run_scoped3A_282, %dma_wait3A_865, %dma_wait3A_866] : memref<16x2x32x768xf32, #tpu.memory_space<vmem_shared>> -> memref<1x1x32x768xf32, #tpu.memory_space<vmem_shared>>
      %dma_wait3A_868 = tpu.memref_squeeze %dma_wait3A_867 : memref<1x1x32x768xf32, #tpu.memory_space<vmem_shared>> -> memref<32x768xf32, #tpu.memory_space<vmem_shared>>
      %dma_wait3A_869 = arith.constant 0 : i32
      %dma_wait3A_870 = arith.constant 0 : i32
      %dma_wait3A_871 = tpu.memref_slice %arg6[%run_scoped3A_281, %dma_wait3A_869, %dma_wait3A_870] : memref<2x32x768xf32, #tpu.memory_space<vmem>> -> memref<1x32x768xf32, #tpu.memory_space<vmem>>
      %dma_wait3A_872 = tpu.memref_squeeze %dma_wait3A_871 : memref<1x32x768xf32, #tpu.memory_space<vmem>> -> memref<32x768xf32, #tpu.memory_space<vmem>>
      tpu.wait_dma2 semaphore(%run_scoped3A_840 : memref<!tpu.dma_semaphore, #tpu.memory_space<semaphore_mem>>) src(%dma_wait3A_872 : memref<32x768xf32, #tpu.memory_space<vmem>>) dst(%dma_wait3A_868 : memref<32x768xf32, #tpu.memory_space<vmem_shared>>)
      tpu.yield
    }) : () -> ()
    %add3A_283 = arith.constant 64 : i32
    %add3A_284 = arith.addi %mul3A_2, %add3A_283 : i32
    %dma_start3A_285 = arith.constant 0 : i32
    %dma_start3A_286 = arith.constant 768 : i32
    %dma_start3A_287 = tpu.memref_slice %arg4[%add3A_284, %dma_start3A_286] : memref<4096x3840xf32, #tpu.memory_space<hbm>> -> memref<32x768xf32, #tpu.memory_space<hbm>>
    %dma_start3A_288 = arith.constant 0 : i32
    %dma_start3A_289 = arith.constant 0 : i32
    %dma_start3A_290 = tpu.memref_slice %arg7[%arg1, %dma_start3A_285, %dma_start3A_288, %dma_start3A_289] : memref<16x2x32x768xf32, #tpu.memory_space<vmem_shared>> -> memref<1x1x32x768xf32, #tpu.memory_space<vmem_shared>>
    %dma_start3A_291 = tpu.memref_squeeze %dma_start3A_290 : memref<1x1x32x768xf32, #tpu.memory_space<vmem_shared>> -> memref<32x768xf32, #tpu.memory_space<vmem_shared>>
    tpu.enqueue_dma source(%dma_start3A_291 : memref<32x768xf32, #tpu.memory_space<vmem_shared>>) target(%dma_start3A_287 : memref<32x768xf32, #tpu.memory_space<hbm>>) target_semaphore(%arg10 : memref<!tpu.dma_semaphore, #tpu.memory_space<semaphore_mem>>)
    %dma_start3A_292 = arith.constant 2 : i32
    %dma_start3A_293 = arith.constant 0 : i32
    %dma_start3A_294 = arith.constant 0 : i32
    %dma_start3A_295 = arith.constant 0 : i32
    %dma_start3A_296 = tpu.memref_slice %arg6[%dma_start3A_293, %dma_start3A_294, %dma_start3A_295] : memref<2x32x768xf32, #tpu.memory_space<vmem>> -> memref<1x32x768xf32, #tpu.memory_space<vmem>>
    %dma_start3A_297 = tpu.memref_squeeze %dma_start3A_296 : memref<1x32x768xf32, #tpu.memory_space<vmem>> -> memref<32x768xf32, #tpu.memory_space<vmem>>
    %dma_start3A_298 = arith.constant 0 : i32
    %dma_start3A_299 = tpu.memref_slice %arg5[%dma_start3A_292, %dma_start3A_298] : memref<5x128xi32, #tpu.memory_space<vmem>> -> memref<1x32xi32, #tpu.memory_space<vmem>>
    %dma_start3A_300 = tpu.memref_squeeze %dma_start3A_299 : memref<1x32xi32, #tpu.memory_space<vmem>> -> memref<32xi32, #tpu.memory_space<vmem>>
    %dma_start3A_301 = arith.constant 0 : i32
    %dma_start3A_302 = arith.constant 0 : i32
    %dma_start3A_303 = tpu.memref_slice %arg2[%dma_start3A_301, %dma_start3A_302] : memref<848x768xf32, #tpu.memory_space<hbm>> -> memref<848x768xf32, #tpu.memory_space<hbm>>
    tpu.enqueue_indirect_dma source(%dma_start3A_303 : memref<848x768xf32, #tpu.memory_space<hbm>>) target(%dma_start3A_297 : memref<32x768xf32, #tpu.memory_space<vmem>>) offsets(%dma_start3A_300 : memref<32xi32, #tpu.memory_space<vmem>>) semaphore(%arg8 : memref<!tpu.dma_semaphore, #tpu.memory_space<semaphore_mem>>)
    %dma_wait3A_304 = arith.constant 1 : i32
    %dma_wait3A_305 = arith.constant 1 : i32
    %dma_wait3A_306 = arith.constant 0 : i32
    %dma_wait3A_307 = arith.constant 0 : i32
    %dma_wait3A_308 = tpu.memref_slice %arg6[%dma_wait3A_305, %dma_wait3A_306, %dma_wait3A_307] : memref<2x32x768xf32, #tpu.memory_space<vmem>> -> memref<1x32x768xf32, #tpu.memory_space<vmem>>
    %dma_wait3A_309 = tpu.memref_squeeze %dma_wait3A_308 : memref<1x32x768xf32, #tpu.memory_space<vmem>> -> memref<32x768xf32, #tpu.memory_space<vmem>>
    %dma_wait3A_310 = arith.constant 96 : i32
    %dma_wait3A_311 = tpu.memref_slice %arg5[%dma_wait3A_304, %dma_wait3A_310] : memref<5x128xi32, #tpu.memory_space<vmem>> -> memref<1x32xi32, #tpu.memory_space<vmem>>
    %dma_wait3A_312 = tpu.memref_squeeze %dma_wait3A_311 : memref<1x32xi32, #tpu.memory_space<vmem>> -> memref<32xi32, #tpu.memory_space<vmem>>
    %dma_wait3A_313 = arith.constant 0 : i32
    %dma_wait3A_314 = arith.constant 0 : i32
    %dma_wait3A_315 = tpu.memref_slice %arg2[%dma_wait3A_313, %dma_wait3A_314] : memref<848x768xf32, #tpu.memory_space<hbm>> -> memref<848x768xf32, #tpu.memory_space<hbm>>
    tpu.wait_indirect_dma semaphore(%arg9 : memref<!tpu.dma_semaphore, #tpu.memory_space<semaphore_mem>>) src(%dma_wait3A_315 : memref<848x768xf32, #tpu.memory_space<hbm>>) dst(%dma_wait3A_309 : memref<32x768xf32, #tpu.memory_space<vmem>>)
    %dma_wait3A_316 = arith.constant 1 : i32
    %dma_wait3A_317 = arith.constant 768 : i32
    %dma_wait3A_318 = tpu.memref_slice %arg4[%add3A_242, %dma_wait3A_317] : memref<4096x3840xf32, #tpu.memory_space<hbm>> -> memref<32x768xf32, #tpu.memory_space<hbm>>
    %dma_wait3A_319 = arith.constant 0 : i32
    %dma_wait3A_320 = arith.constant 0 : i32
    %dma_wait3A_321 = tpu.memref_slice %arg7[%arg1, %dma_wait3A_316, %dma_wait3A_319, %dma_wait3A_320] : memref<16x2x32x768xf32, #tpu.memory_space<vmem_shared>> -> memref<1x1x32x768xf32, #tpu.memory_space<vmem_shared>>
    %dma_wait3A_322 = tpu.memref_squeeze %dma_wait3A_321 : memref<1x1x32x768xf32, #tpu.memory_space<vmem_shared>> -> memref<32x768xf32, #tpu.memory_space<vmem_shared>>
    tpu.wait_dma2 semaphore(%arg11 : memref<!tpu.dma_semaphore, #tpu.memory_space<semaphore_mem>>) src(%dma_wait3A_322 : memref<32x768xf32, #tpu.memory_space<vmem_shared>>) dst(%dma_wait3A_318 : memref<32x768xf32, #tpu.memory_space<hbm>>)
    %run_scoped3A_323 = arith.constant 1 : i32
    %run_scoped3A_324 = arith.constant 1 : i32
    "tpu.region"() ({
      %run_scoped3A_840 = tpu.sem_alloc : memref<!tpu.dma_semaphore, #tpu.memory_space<semaphore_mem>>
      %dma_start3A_841 = arith.constant 0 : i32
      %dma_start3A_842 = arith.constant 0 : i32
      %dma_start3A_843 = tpu.memref_slice %arg6[%run_scoped3A_323, %dma_start3A_841, %dma_start3A_842] : memref<2x32x768xf32, #tpu.memory_space<vmem>> -> memref<1x32x768xf32, #tpu.memory_space<vmem>>
      %dma_start3A_844 = tpu.memref_squeeze %dma_start3A_843 : memref<1x32x768xf32, #tpu.memory_space<vmem>> -> memref<32x768xf32, #tpu.memory_space<vmem>>
      %dma_start3A_845 = arith.constant 0 : i32
      %dma_start3A_846 = arith.constant 0 : i32
      %dma_start3A_847 = tpu.memref_slice %arg7[%arg1, %run_scoped3A_324, %dma_start3A_845, %dma_start3A_846] : memref<16x2x32x768xf32, #tpu.memory_space<vmem_shared>> -> memref<1x1x32x768xf32, #tpu.memory_space<vmem_shared>>
      %dma_start3A_848 = tpu.memref_squeeze %dma_start3A_847 : memref<1x1x32x768xf32, #tpu.memory_space<vmem_shared>> -> memref<32x768xf32, #tpu.memory_space<vmem_shared>>
      %dma_start3A_849 = arith.constant 0 : i32
      %dma_start3A_850 = arith.constant 0 : i32
      %dma_start3A_851 = tpu.memref_slice %arg7[%arg1, %run_scoped3A_324, %dma_start3A_849, %dma_start3A_850] : memref<16x2x32x768xf32, #tpu.memory_space<vmem_shared>> -> memref<1x1x32x768xf32, #tpu.memory_space<vmem_shared>>
      %dma_start3A_852 = tpu.memref_squeeze %dma_start3A_851 : memref<1x1x32x768xf32, #tpu.memory_space<vmem_shared>> -> memref<32x768xf32, #tpu.memory_space<vmem_shared>>
      %dma_start3A_853 = arith.constant 0 : i32
      %dma_start3A_854 = arith.constant 0 : i32
      %dma_start3A_855 = tpu.memref_slice %arg6[%run_scoped3A_323, %dma_start3A_853, %dma_start3A_854] : memref<2x32x768xf32, #tpu.memory_space<vmem>> -> memref<1x32x768xf32, #tpu.memory_space<vmem>>
      %dma_start3A_856 = tpu.memref_squeeze %dma_start3A_855 : memref<1x32x768xf32, #tpu.memory_space<vmem>> -> memref<32x768xf32, #tpu.memory_space<vmem>>
      tpu.enqueue_dma source(%dma_start3A_856 : memref<32x768xf32, #tpu.memory_space<vmem>>) target(%dma_start3A_852 : memref<32x768xf32, #tpu.memory_space<vmem_shared>>) target_semaphore(%run_scoped3A_840 : memref<!tpu.dma_semaphore, #tpu.memory_space<semaphore_mem>>)
      %dma_wait3A_857 = arith.constant 0 : i32
      %dma_wait3A_858 = arith.constant 0 : i32
      %dma_wait3A_859 = tpu.memref_slice %arg6[%run_scoped3A_323, %dma_wait3A_857, %dma_wait3A_858] : memref<2x32x768xf32, #tpu.memory_space<vmem>> -> memref<1x32x768xf32, #tpu.memory_space<vmem>>
      %dma_wait3A_860 = tpu.memref_squeeze %dma_wait3A_859 : memref<1x32x768xf32, #tpu.memory_space<vmem>> -> memref<32x768xf32, #tpu.memory_space<vmem>>
      %dma_wait3A_861 = arith.constant 0 : i32
      %dma_wait3A_862 = arith.constant 0 : i32
      %dma_wait3A_863 = tpu.memref_slice %arg7[%arg1, %run_scoped3A_324, %dma_wait3A_861, %dma_wait3A_862] : memref<16x2x32x768xf32, #tpu.memory_space<vmem_shared>> -> memref<1x1x32x768xf32, #tpu.memory_space<vmem_shared>>
      %dma_wait3A_864 = tpu.memref_squeeze %dma_wait3A_863 : memref<1x1x32x768xf32, #tpu.memory_space<vmem_shared>> -> memref<32x768xf32, #tpu.memory_space<vmem_shared>>
      %dma_wait3A_865 = arith.constant 0 : i32
      %dma_wait3A_866 = arith.constant 0 : i32
      %dma_wait3A_867 = tpu.memref_slice %arg7[%arg1, %run_scoped3A_324, %dma_wait3A_865, %dma_wait3A_866] : memref<16x2x32x768xf32, #tpu.memory_space<vmem_shared>> -> memref<1x1x32x768xf32, #tpu.memory_space<vmem_shared>>
      %dma_wait3A_868 = tpu.memref_squeeze %dma_wait3A_867 : memref<1x1x32x768xf32, #tpu.memory_space<vmem_shared>> -> memref<32x768xf32, #tpu.memory_space<vmem_shared>>
      %dma_wait3A_869 = arith.constant 0 : i32
      %dma_wait3A_870 = arith.constant 0 : i32
      %dma_wait3A_871 = tpu.memref_slice %arg6[%run_scoped3A_323, %dma_wait3A_869, %dma_wait3A_870] : memref<2x32x768xf32, #tpu.memory_space<vmem>> -> memref<1x32x768xf32, #tpu.memory_space<vmem>>
      %dma_wait3A_872 = tpu.memref_squeeze %dma_wait3A_871 : memref<1x32x768xf32, #tpu.memory_space<vmem>> -> memref<32x768xf32, #tpu.memory_space<vmem>>
      tpu.wait_dma2 semaphore(%run_scoped3A_840 : memref<!tpu.dma_semaphore, #tpu.memory_space<semaphore_mem>>) src(%dma_wait3A_872 : memref<32x768xf32, #tpu.memory_space<vmem>>) dst(%dma_wait3A_868 : memref<32x768xf32, #tpu.memory_space<vmem_shared>>)
      tpu.yield
    }) : () -> ()
    %add3A_325 = arith.constant 96 : i32
    %add3A_326 = arith.addi %mul3A_2, %add3A_325 : i32
    %dma_start3A_327 = arith.constant 1 : i32
    %dma_start3A_328 = arith.constant 768 : i32
    %dma_start3A_329 = tpu.memref_slice %arg4[%add3A_326, %dma_start3A_328] : memref<4096x3840xf32, #tpu.memory_space<hbm>> -> memref<32x768xf32, #tpu.memory_space<hbm>>
    %dma_start3A_330 = arith.constant 0 : i32
    %dma_start3A_331 = arith.constant 0 : i32
    %dma_start3A_332 = tpu.memref_slice %arg7[%arg1, %dma_start3A_327, %dma_start3A_330, %dma_start3A_331] : memref<16x2x32x768xf32, #tpu.memory_space<vmem_shared>> -> memref<1x1x32x768xf32, #tpu.memory_space<vmem_shared>>
    %dma_start3A_333 = tpu.memref_squeeze %dma_start3A_332 : memref<1x1x32x768xf32, #tpu.memory_space<vmem_shared>> -> memref<32x768xf32, #tpu.memory_space<vmem_shared>>
    tpu.enqueue_dma source(%dma_start3A_333 : memref<32x768xf32, #tpu.memory_space<vmem_shared>>) target(%dma_start3A_329 : memref<32x768xf32, #tpu.memory_space<hbm>>) target_semaphore(%arg11 : memref<!tpu.dma_semaphore, #tpu.memory_space<semaphore_mem>>)
    %dma_start3A_334 = arith.constant 2 : i32
    %dma_start3A_335 = arith.constant 1 : i32
    %dma_start3A_336 = arith.constant 0 : i32
    %dma_start3A_337 = arith.constant 0 : i32
    %dma_start3A_338 = tpu.memref_slice %arg6[%dma_start3A_335, %dma_start3A_336, %dma_start3A_337] : memref<2x32x768xf32, #tpu.memory_space<vmem>> -> memref<1x32x768xf32, #tpu.memory_space<vmem>>
    %dma_start3A_339 = tpu.memref_squeeze %dma_start3A_338 : memref<1x32x768xf32, #tpu.memory_space<vmem>> -> memref<32x768xf32, #tpu.memory_space<vmem>>
    %dma_start3A_340 = arith.constant 32 : i32
    %dma_start3A_341 = tpu.memref_slice %arg5[%dma_start3A_334, %dma_start3A_340] : memref<5x128xi32, #tpu.memory_space<vmem>> -> memref<1x32xi32, #tpu.memory_space<vmem>>
    %dma_start3A_342 = tpu.memref_squeeze %dma_start3A_341 : memref<1x32xi32, #tpu.memory_space<vmem>> -> memref<32xi32, #tpu.memory_space<vmem>>
    %dma_start3A_343 = arith.constant 0 : i32
    %dma_start3A_344 = arith.constant 0 : i32
    %dma_start3A_345 = tpu.memref_slice %arg2[%dma_start3A_343, %dma_start3A_344] : memref<848x768xf32, #tpu.memory_space<hbm>> -> memref<848x768xf32, #tpu.memory_space<hbm>>
    tpu.enqueue_indirect_dma source(%dma_start3A_345 : memref<848x768xf32, #tpu.memory_space<hbm>>) target(%dma_start3A_339 : memref<32x768xf32, #tpu.memory_space<vmem>>) offsets(%dma_start3A_342 : memref<32xi32, #tpu.memory_space<vmem>>) semaphore(%arg9 : memref<!tpu.dma_semaphore, #tpu.memory_space<semaphore_mem>>)
    %dma_wait3A_346 = arith.constant 2 : i32
    %dma_wait3A_347 = arith.constant 0 : i32
    %dma_wait3A_348 = arith.constant 0 : i32
    %dma_wait3A_349 = arith.constant 0 : i32
    %dma_wait3A_350 = tpu.memref_slice %arg6[%dma_wait3A_347, %dma_wait3A_348, %dma_wait3A_349] : memref<2x32x768xf32, #tpu.memory_space<vmem>> -> memref<1x32x768xf32, #tpu.memory_space<vmem>>
    %dma_wait3A_351 = tpu.memref_squeeze %dma_wait3A_350 : memref<1x32x768xf32, #tpu.memory_space<vmem>> -> memref<32x768xf32, #tpu.memory_space<vmem>>
    %dma_wait3A_352 = arith.constant 0 : i32
    %dma_wait3A_353 = tpu.memref_slice %arg5[%dma_wait3A_346, %dma_wait3A_352] : memref<5x128xi32, #tpu.memory_space<vmem>> -> memref<1x32xi32, #tpu.memory_space<vmem>>
    %dma_wait3A_354 = tpu.memref_squeeze %dma_wait3A_353 : memref<1x32xi32, #tpu.memory_space<vmem>> -> memref<32xi32, #tpu.memory_space<vmem>>
    %dma_wait3A_355 = arith.constant 0 : i32
    %dma_wait3A_356 = arith.constant 0 : i32
    %dma_wait3A_357 = tpu.memref_slice %arg2[%dma_wait3A_355, %dma_wait3A_356] : memref<848x768xf32, #tpu.memory_space<hbm>> -> memref<848x768xf32, #tpu.memory_space<hbm>>
    tpu.wait_indirect_dma semaphore(%arg8 : memref<!tpu.dma_semaphore, #tpu.memory_space<semaphore_mem>>) src(%dma_wait3A_357 : memref<848x768xf32, #tpu.memory_space<hbm>>) dst(%dma_wait3A_351 : memref<32x768xf32, #tpu.memory_space<vmem>>)
    %dma_wait3A_358 = arith.constant 0 : i32
    %dma_wait3A_359 = arith.constant 768 : i32
    %dma_wait3A_360 = tpu.memref_slice %arg4[%add3A_284, %dma_wait3A_359] : memref<4096x3840xf32, #tpu.memory_space<hbm>> -> memref<32x768xf32, #tpu.memory_space<hbm>>
    %dma_wait3A_361 = arith.constant 0 : i32
    %dma_wait3A_362 = arith.constant 0 : i32
    %dma_wait3A_363 = tpu.memref_slice %arg7[%arg1, %dma_wait3A_358, %dma_wait3A_361, %dma_wait3A_362] : memref<16x2x32x768xf32, #tpu.memory_space<vmem_shared>> -> memref<1x1x32x768xf32, #tpu.memory_space<vmem_shared>>
    %dma_wait3A_364 = tpu.memref_squeeze %dma_wait3A_363 : memref<1x1x32x768xf32, #tpu.memory_space<vmem_shared>> -> memref<32x768xf32, #tpu.memory_space<vmem_shared>>
    tpu.wait_dma2 semaphore(%arg10 : memref<!tpu.dma_semaphore, #tpu.memory_space<semaphore_mem>>) src(%dma_wait3A_364 : memref<32x768xf32, #tpu.memory_space<vmem_shared>>) dst(%dma_wait3A_360 : memref<32x768xf32, #tpu.memory_space<hbm>>)
    %run_scoped3A_365 = arith.constant 0 : i32
    %run_scoped3A_366 = arith.constant 0 : i32
    "tpu.region"() ({
      %run_scoped3A_840 = tpu.sem_alloc : memref<!tpu.dma_semaphore, #tpu.memory_space<semaphore_mem>>
      %dma_start3A_841 = arith.constant 0 : i32
      %dma_start3A_842 = arith.constant 0 : i32
      %dma_start3A_843 = tpu.memref_slice %arg6[%run_scoped3A_365, %dma_start3A_841, %dma_start3A_842] : memref<2x32x768xf32, #tpu.memory_space<vmem>> -> memref<1x32x768xf32, #tpu.memory_space<vmem>>
      %dma_start3A_844 = tpu.memref_squeeze %dma_start3A_843 : memref<1x32x768xf32, #tpu.memory_space<vmem>> -> memref<32x768xf32, #tpu.memory_space<vmem>>
      %dma_start3A_845 = arith.constant 0 : i32
      %dma_start3A_846 = arith.constant 0 : i32
      %dma_start3A_847 = tpu.memref_slice %arg7[%arg1, %run_scoped3A_366, %dma_start3A_845, %dma_start3A_846] : memref<16x2x32x768xf32, #tpu.memory_space<vmem_shared>> -> memref<1x1x32x768xf32, #tpu.memory_space<vmem_shared>>
      %dma_start3A_848 = tpu.memref_squeeze %dma_start3A_847 : memref<1x1x32x768xf32, #tpu.memory_space<vmem_shared>> -> memref<32x768xf32, #tpu.memory_space<vmem_shared>>
      %dma_start3A_849 = arith.constant 0 : i32
      %dma_start3A_850 = arith.constant 0 : i32
      %dma_start3A_851 = tpu.memref_slice %arg7[%arg1, %run_scoped3A_366, %dma_start3A_849, %dma_start3A_850] : memref<16x2x32x768xf32, #tpu.memory_space<vmem_shared>> -> memref<1x1x32x768xf32, #tpu.memory_space<vmem_shared>>
      %dma_start3A_852 = tpu.memref_squeeze %dma_start3A_851 : memref<1x1x32x768xf32, #tpu.memory_space<vmem_shared>> -> memref<32x768xf32, #tpu.memory_space<vmem_shared>>
      %dma_start3A_853 = arith.constant 0 : i32
      %dma_start3A_854 = arith.constant 0 : i32
      %dma_start3A_855 = tpu.memref_slice %arg6[%run_scoped3A_365, %dma_start3A_853, %dma_start3A_854] : memref<2x32x768xf32, #tpu.memory_space<vmem>> -> memref<1x32x768xf32, #tpu.memory_space<vmem>>
      %dma_start3A_856 = tpu.memref_squeeze %dma_start3A_855 : memref<1x32x768xf32, #tpu.memory_space<vmem>> -> memref<32x768xf32, #tpu.memory_space<vmem>>
      tpu.enqueue_dma source(%dma_start3A_856 : memref<32x768xf32, #tpu.memory_space<vmem>>) target(%dma_start3A_852 : memref<32x768xf32, #tpu.memory_space<vmem_shared>>) target_semaphore(%run_scoped3A_840 : memref<!tpu.dma_semaphore, #tpu.memory_space<semaphore_mem>>)
      %dma_wait3A_857 = arith.constant 0 : i32
      %dma_wait3A_858 = arith.constant 0 : i32
      %dma_wait3A_859 = tpu.memref_slice %arg6[%run_scoped3A_365, %dma_wait3A_857, %dma_wait3A_858] : memref<2x32x768xf32, #tpu.memory_space<vmem>> -> memref<1x32x768xf32, #tpu.memory_space<vmem>>
      %dma_wait3A_860 = tpu.memref_squeeze %dma_wait3A_859 : memref<1x32x768xf32, #tpu.memory_space<vmem>> -> memref<32x768xf32, #tpu.memory_space<vmem>>
      %dma_wait3A_861 = arith.constant 0 : i32
      %dma_wait3A_862 = arith.constant 0 : i32
      %dma_wait3A_863 = tpu.memref_slice %arg7[%arg1, %run_scoped3A_366, %dma_wait3A_861, %dma_wait3A_862] : memref<16x2x32x768xf32, #tpu.memory_space<vmem_shared>> -> memref<1x1x32x768xf32, #tpu.memory_space<vmem_shared>>
      %dma_wait3A_864 = tpu.memref_squeeze %dma_wait3A_863 : memref<1x1x32x768xf32, #tpu.memory_space<vmem_shared>> -> memref<32x768xf32, #tpu.memory_space<vmem_shared>>
      %dma_wait3A_865 = arith.constant 0 : i32
      %dma_wait3A_866 = arith.constant 0 : i32
      %dma_wait3A_867 = tpu.memref_slice %arg7[%arg1, %run_scoped3A_366, %dma_wait3A_865, %dma_wait3A_866] : memref<16x2x32x768xf32, #tpu.memory_space<vmem_shared>> -> memref<1x1x32x768xf32, #tpu.memory_space<vmem_shared>>
      %dma_wait3A_868 = tpu.memref_squeeze %dma_wait3A_867 : memref<1x1x32x768xf32, #tpu.memory_space<vmem_shared>> -> memref<32x768xf32, #tpu.memory_space<vmem_shared>>
      %dma_wait3A_869 = arith.constant 0 : i32
      %dma_wait3A_870 = arith.constant 0 : i32
      %dma_wait3A_871 = tpu.memref_slice %arg6[%run_scoped3A_365, %dma_wait3A_869, %dma_wait3A_870] : memref<2x32x768xf32, #tpu.memory_space<vmem>> -> memref<1x32x768xf32, #tpu.memory_space<vmem>>
      %dma_wait3A_872 = tpu.memref_squeeze %dma_wait3A_871 : memref<1x32x768xf32, #tpu.memory_space<vmem>> -> memref<32x768xf32, #tpu.memory_space<vmem>>
      tpu.wait_dma2 semaphore(%run_scoped3A_840 : memref<!tpu.dma_semaphore, #tpu.memory_space<semaphore_mem>>) src(%dma_wait3A_872 : memref<32x768xf32, #tpu.memory_space<vmem>>) dst(%dma_wait3A_868 : memref<32x768xf32, #tpu.memory_space<vmem_shared>>)
      tpu.yield
    }) : () -> ()
    %add3A_367 = arith.constant 0 : i32
    %add3A_368 = arith.addi %mul3A_2, %add3A_367 : i32
    %dma_start3A_369 = arith.constant 0 : i32
    %dma_start3A_370 = arith.constant 1536 : i32
    %dma_start3A_371 = tpu.memref_slice %arg4[%add3A_368, %dma_start3A_370] : memref<4096x3840xf32, #tpu.memory_space<hbm>> -> memref<32x768xf32, #tpu.memory_space<hbm>>
    %dma_start3A_372 = arith.constant 0 : i32
    %dma_start3A_373 = arith.constant 0 : i32
    %dma_start3A_374 = tpu.memref_slice %arg7[%arg1, %dma_start3A_369, %dma_start3A_372, %dma_start3A_373] : memref<16x2x32x768xf32, #tpu.memory_space<vmem_shared>> -> memref<1x1x32x768xf32, #tpu.memory_space<vmem_shared>>
    %dma_start3A_375 = tpu.memref_squeeze %dma_start3A_374 : memref<1x1x32x768xf32, #tpu.memory_space<vmem_shared>> -> memref<32x768xf32, #tpu.memory_space<vmem_shared>>
    tpu.enqueue_dma source(%dma_start3A_375 : memref<32x768xf32, #tpu.memory_space<vmem_shared>>) target(%dma_start3A_371 : memref<32x768xf32, #tpu.memory_space<hbm>>) target_semaphore(%arg10 : memref<!tpu.dma_semaphore, #tpu.memory_space<semaphore_mem>>)
    %dma_start3A_376 = arith.constant 2 : i32
    %dma_start3A_377 = arith.constant 0 : i32
    %dma_start3A_378 = arith.constant 0 : i32
    %dma_start3A_379 = arith.constant 0 : i32
    %dma_start3A_380 = tpu.memref_slice %arg6[%dma_start3A_377, %dma_start3A_378, %dma_start3A_379] : memref<2x32x768xf32, #tpu.memory_space<vmem>> -> memref<1x32x768xf32, #tpu.memory_space<vmem>>
    %dma_start3A_381 = tpu.memref_squeeze %dma_start3A_380 : memref<1x32x768xf32, #tpu.memory_space<vmem>> -> memref<32x768xf32, #tpu.memory_space<vmem>>
    %dma_start3A_382 = arith.constant 64 : i32
    %dma_start3A_383 = tpu.memref_slice %arg5[%dma_start3A_376, %dma_start3A_382] : memref<5x128xi32, #tpu.memory_space<vmem>> -> memref<1x32xi32, #tpu.memory_space<vmem>>
    %dma_start3A_384 = tpu.memref_squeeze %dma_start3A_383 : memref<1x32xi32, #tpu.memory_space<vmem>> -> memref<32xi32, #tpu.memory_space<vmem>>
    %dma_start3A_385 = arith.constant 0 : i32
    %dma_start3A_386 = arith.constant 0 : i32
    %dma_start3A_387 = tpu.memref_slice %arg2[%dma_start3A_385, %dma_start3A_386] : memref<848x768xf32, #tpu.memory_space<hbm>> -> memref<848x768xf32, #tpu.memory_space<hbm>>
    tpu.enqueue_indirect_dma source(%dma_start3A_387 : memref<848x768xf32, #tpu.memory_space<hbm>>) target(%dma_start3A_381 : memref<32x768xf32, #tpu.memory_space<vmem>>) offsets(%dma_start3A_384 : memref<32xi32, #tpu.memory_space<vmem>>) semaphore(%arg8 : memref<!tpu.dma_semaphore, #tpu.memory_space<semaphore_mem>>)
    %dma_wait3A_388 = arith.constant 2 : i32
    %dma_wait3A_389 = arith.constant 1 : i32
    %dma_wait3A_390 = arith.constant 0 : i32
    %dma_wait3A_391 = arith.constant 0 : i32
    %dma_wait3A_392 = tpu.memref_slice %arg6[%dma_wait3A_389, %dma_wait3A_390, %dma_wait3A_391] : memref<2x32x768xf32, #tpu.memory_space<vmem>> -> memref<1x32x768xf32, #tpu.memory_space<vmem>>
    %dma_wait3A_393 = tpu.memref_squeeze %dma_wait3A_392 : memref<1x32x768xf32, #tpu.memory_space<vmem>> -> memref<32x768xf32, #tpu.memory_space<vmem>>
    %dma_wait3A_394 = arith.constant 32 : i32
    %dma_wait3A_395 = tpu.memref_slice %arg5[%dma_wait3A_388, %dma_wait3A_394] : memref<5x128xi32, #tpu.memory_space<vmem>> -> memref<1x32xi32, #tpu.memory_space<vmem>>
    %dma_wait3A_396 = tpu.memref_squeeze %dma_wait3A_395 : memref<1x32xi32, #tpu.memory_space<vmem>> -> memref<32xi32, #tpu.memory_space<vmem>>
    %dma_wait3A_397 = arith.constant 0 : i32
    %dma_wait3A_398 = arith.constant 0 : i32
    %dma_wait3A_399 = tpu.memref_slice %arg2[%dma_wait3A_397, %dma_wait3A_398] : memref<848x768xf32, #tpu.memory_space<hbm>> -> memref<848x768xf32, #tpu.memory_space<hbm>>
    tpu.wait_indirect_dma semaphore(%arg9 : memref<!tpu.dma_semaphore, #tpu.memory_space<semaphore_mem>>) src(%dma_wait3A_399 : memref<848x768xf32, #tpu.memory_space<hbm>>) dst(%dma_wait3A_393 : memref<32x768xf32, #tpu.memory_space<vmem>>)
    %dma_wait3A_400 = arith.constant 1 : i32
    %dma_wait3A_401 = arith.constant 768 : i32
    %dma_wait3A_402 = tpu.memref_slice %arg4[%add3A_326, %dma_wait3A_401] : memref<4096x3840xf32, #tpu.memory_space<hbm>> -> memref<32x768xf32, #tpu.memory_space<hbm>>
    %dma_wait3A_403 = arith.constant 0 : i32
    %dma_wait3A_404 = arith.constant 0 : i32
    %dma_wait3A_405 = tpu.memref_slice %arg7[%arg1, %dma_wait3A_400, %dma_wait3A_403, %dma_wait3A_404] : memref<16x2x32x768xf32, #tpu.memory_space<vmem_shared>> -> memref<1x1x32x768xf32, #tpu.memory_space<vmem_shared>>
    %dma_wait3A_406 = tpu.memref_squeeze %dma_wait3A_405 : memref<1x1x32x768xf32, #tpu.memory_space<vmem_shared>> -> memref<32x768xf32, #tpu.memory_space<vmem_shared>>
    tpu.wait_dma2 semaphore(%arg11 : memref<!tpu.dma_semaphore, #tpu.memory_space<semaphore_mem>>) src(%dma_wait3A_406 : memref<32x768xf32, #tpu.memory_space<vmem_shared>>) dst(%dma_wait3A_402 : memref<32x768xf32, #tpu.memory_space<hbm>>)
    %run_scoped3A_407 = arith.constant 1 : i32
    %run_scoped3A_408 = arith.constant 1 : i32
    "tpu.region"() ({
      %run_scoped3A_840 = tpu.sem_alloc : memref<!tpu.dma_semaphore, #tpu.memory_space<semaphore_mem>>
      %dma_start3A_841 = arith.constant 0 : i32
      %dma_start3A_842 = arith.constant 0 : i32
      %dma_start3A_843 = tpu.memref_slice %arg6[%run_scoped3A_407, %dma_start3A_841, %dma_start3A_842] : memref<2x32x768xf32, #tpu.memory_space<vmem>> -> memref<1x32x768xf32, #tpu.memory_space<vmem>>
      %dma_start3A_844 = tpu.memref_squeeze %dma_start3A_843 : memref<1x32x768xf32, #tpu.memory_space<vmem>> -> memref<32x768xf32, #tpu.memory_space<vmem>>
      %dma_start3A_845 = arith.constant 0 : i32
      %dma_start3A_846 = arith.constant 0 : i32
      %dma_start3A_847 = tpu.memref_slice %arg7[%arg1, %run_scoped3A_408, %dma_start3A_845, %dma_start3A_846] : memref<16x2x32x768xf32, #tpu.memory_space<vmem_shared>> -> memref<1x1x32x768xf32, #tpu.memory_space<vmem_shared>>
      %dma_start3A_848 = tpu.memref_squeeze %dma_start3A_847 : memref<1x1x32x768xf32, #tpu.memory_space<vmem_shared>> -> memref<32x768xf32, #tpu.memory_space<vmem_shared>>
      %dma_start3A_849 = arith.constant 0 : i32
      %dma_start3A_850 = arith.constant 0 : i32
      %dma_start3A_851 = tpu.memref_slice %arg7[%arg1, %run_scoped3A_408, %dma_start3A_849, %dma_start3A_850] : memref<16x2x32x768xf32, #tpu.memory_space<vmem_shared>> -> memref<1x1x32x768xf32, #tpu.memory_space<vmem_shared>>
      %dma_start3A_852 = tpu.memref_squeeze %dma_start3A_851 : memref<1x1x32x768xf32, #tpu.memory_space<vmem_shared>> -> memref<32x768xf32, #tpu.memory_space<vmem_shared>>
      %dma_start3A_853 = arith.constant 0 : i32
      %dma_start3A_854 = arith.constant 0 : i32
      %dma_start3A_855 = tpu.memref_slice %arg6[%run_scoped3A_407, %dma_start3A_853, %dma_start3A_854] : memref<2x32x768xf32, #tpu.memory_space<vmem>> -> memref<1x32x768xf32, #tpu.memory_space<vmem>>
      %dma_start3A_856 = tpu.memref_squeeze %dma_start3A_855 : memref<1x32x768xf32, #tpu.memory_space<vmem>> -> memref<32x768xf32, #tpu.memory_space<vmem>>
      tpu.enqueue_dma source(%dma_start3A_856 : memref<32x768xf32, #tpu.memory_space<vmem>>) target(%dma_start3A_852 : memref<32x768xf32, #tpu.memory_space<vmem_shared>>) target_semaphore(%run_scoped3A_840 : memref<!tpu.dma_semaphore, #tpu.memory_space<semaphore_mem>>)
      %dma_wait3A_857 = arith.constant 0 : i32
      %dma_wait3A_858 = arith.constant 0 : i32
      %dma_wait3A_859 = tpu.memref_slice %arg6[%run_scoped3A_407, %dma_wait3A_857, %dma_wait3A_858] : memref<2x32x768xf32, #tpu.memory_space<vmem>> -> memref<1x32x768xf32, #tpu.memory_space<vmem>>
      %dma_wait3A_860 = tpu.memref_squeeze %dma_wait3A_859 : memref<1x32x768xf32, #tpu.memory_space<vmem>> -> memref<32x768xf32, #tpu.memory_space<vmem>>
      %dma_wait3A_861 = arith.constant 0 : i32
      %dma_wait3A_862 = arith.constant 0 : i32
      %dma_wait3A_863 = tpu.memref_slice %arg7[%arg1, %run_scoped3A_408, %dma_wait3A_861, %dma_wait3A_862] : memref<16x2x32x768xf32, #tpu.memory_space<vmem_shared>> -> memref<1x1x32x768xf32, #tpu.memory_space<vmem_shared>>
      %dma_wait3A_864 = tpu.memref_squeeze %dma_wait3A_863 : memref<1x1x32x768xf32, #tpu.memory_space<vmem_shared>> -> memref<32x768xf32, #tpu.memory_space<vmem_shared>>
      %dma_wait3A_865 = arith.constant 0 : i32
      %dma_wait3A_866 = arith.constant 0 : i32
      %dma_wait3A_867 = tpu.memref_slice %arg7[%arg1, %run_scoped3A_408, %dma_wait3A_865, %dma_wait3A_866] : memref<16x2x32x768xf32, #tpu.memory_space<vmem_shared>> -> memref<1x1x32x768xf32, #tpu.memory_space<vmem_shared>>
      %dma_wait3A_868 = tpu.memref_squeeze %dma_wait3A_867 : memref<1x1x32x768xf32, #tpu.memory_space<vmem_shared>> -> memref<32x768xf32, #tpu.memory_space<vmem_shared>>
      %dma_wait3A_869 = arith.constant 0 : i32
      %dma_wait3A_870 = arith.constant 0 : i32
      %dma_wait3A_871 = tpu.memref_slice %arg6[%run_scoped3A_407, %dma_wait3A_869, %dma_wait3A_870] : memref<2x32x768xf32, #tpu.memory_space<vmem>> -> memref<1x32x768xf32, #tpu.memory_space<vmem>>
      %dma_wait3A_872 = tpu.memref_squeeze %dma_wait3A_871 : memref<1x32x768xf32, #tpu.memory_space<vmem>> -> memref<32x768xf32, #tpu.memory_space<vmem>>
      tpu.wait_dma2 semaphore(%run_scoped3A_840 : memref<!tpu.dma_semaphore, #tpu.memory_space<semaphore_mem>>) src(%dma_wait3A_872 : memref<32x768xf32, #tpu.memory_space<vmem>>) dst(%dma_wait3A_868 : memref<32x768xf32, #tpu.memory_space<vmem_shared>>)
      tpu.yield
    }) : () -> ()
    %add3A_409 = arith.constant 32 : i32
    %add3A_410 = arith.addi %mul3A_2, %add3A_409 : i32
    %dma_start3A_411 = arith.constant 1 : i32
    %dma_start3A_412 = arith.constant 1536 : i32
    %dma_start3A_413 = tpu.memref_slice %arg4[%add3A_410, %dma_start3A_412] : memref<4096x3840xf32, #tpu.memory_space<hbm>> -> memref<32x768xf32, #tpu.memory_space<hbm>>
    %dma_start3A_414 = arith.constant 0 : i32
    %dma_start3A_415 = arith.constant 0 : i32
    %dma_start3A_416 = tpu.memref_slice %arg7[%arg1, %dma_start3A_411, %dma_start3A_414, %dma_start3A_415] : memref<16x2x32x768xf32, #tpu.memory_space<vmem_shared>> -> memref<1x1x32x768xf32, #tpu.memory_space<vmem_shared>>
    %dma_start3A_417 = tpu.memref_squeeze %dma_start3A_416 : memref<1x1x32x768xf32, #tpu.memory_space<vmem_shared>> -> memref<32x768xf32, #tpu.memory_space<vmem_shared>>
    tpu.enqueue_dma source(%dma_start3A_417 : memref<32x768xf32, #tpu.memory_space<vmem_shared>>) target(%dma_start3A_413 : memref<32x768xf32, #tpu.memory_space<hbm>>) target_semaphore(%arg11 : memref<!tpu.dma_semaphore, #tpu.memory_space<semaphore_mem>>)
    %dma_start3A_418 = arith.constant 2 : i32
    %dma_start3A_419 = arith.constant 1 : i32
    %dma_start3A_420 = arith.constant 0 : i32
    %dma_start3A_421 = arith.constant 0 : i32
    %dma_start3A_422 = tpu.memref_slice %arg6[%dma_start3A_419, %dma_start3A_420, %dma_start3A_421] : memref<2x32x768xf32, #tpu.memory_space<vmem>> -> memref<1x32x768xf32, #tpu.memory_space<vmem>>
    %dma_start3A_423 = tpu.memref_squeeze %dma_start3A_422 : memref<1x32x768xf32, #tpu.memory_space<vmem>> -> memref<32x768xf32, #tpu.memory_space<vmem>>
    %dma_start3A_424 = arith.constant 96 : i32
    %dma_start3A_425 = tpu.memref_slice %arg5[%dma_start3A_418, %dma_start3A_424] : memref<5x128xi32, #tpu.memory_space<vmem>> -> memref<1x32xi32, #tpu.memory_space<vmem>>
    %dma_start3A_426 = tpu.memref_squeeze %dma_start3A_425 : memref<1x32xi32, #tpu.memory_space<vmem>> -> memref<32xi32, #tpu.memory_space<vmem>>
    %dma_start3A_427 = arith.constant 0 : i32
    %dma_start3A_428 = arith.constant 0 : i32
    %dma_start3A_429 = tpu.memref_slice %arg2[%dma_start3A_427, %dma_start3A_428] : memref<848x768xf32, #tpu.memory_space<hbm>> -> memref<848x768xf32, #tpu.memory_space<hbm>>
    tpu.enqueue_indirect_dma source(%dma_start3A_429 : memref<848x768xf32, #tpu.memory_space<hbm>>) target(%dma_start3A_423 : memref<32x768xf32, #tpu.memory_space<vmem>>) offsets(%dma_start3A_426 : memref<32xi32, #tpu.memory_space<vmem>>) semaphore(%arg9 : memref<!tpu.dma_semaphore, #tpu.memory_space<semaphore_mem>>)
    %dma_wait3A_430 = arith.constant 2 : i32
    %dma_wait3A_431 = arith.constant 0 : i32
    %dma_wait3A_432 = arith.constant 0 : i32
    %dma_wait3A_433 = arith.constant 0 : i32
    %dma_wait3A_434 = tpu.memref_slice %arg6[%dma_wait3A_431, %dma_wait3A_432, %dma_wait3A_433] : memref<2x32x768xf32, #tpu.memory_space<vmem>> -> memref<1x32x768xf32, #tpu.memory_space<vmem>>
    %dma_wait3A_435 = tpu.memref_squeeze %dma_wait3A_434 : memref<1x32x768xf32, #tpu.memory_space<vmem>> -> memref<32x768xf32, #tpu.memory_space<vmem>>
    %dma_wait3A_436 = arith.constant 64 : i32
    %dma_wait3A_437 = tpu.memref_slice %arg5[%dma_wait3A_430, %dma_wait3A_436] : memref<5x128xi32, #tpu.memory_space<vmem>> -> memref<1x32xi32, #tpu.memory_space<vmem>>
    %dma_wait3A_438 = tpu.memref_squeeze %dma_wait3A_437 : memref<1x32xi32, #tpu.memory_space<vmem>> -> memref<32xi32, #tpu.memory_space<vmem>>
    %dma_wait3A_439 = arith.constant 0 : i32
    %dma_wait3A_440 = arith.constant 0 : i32
    %dma_wait3A_441 = tpu.memref_slice %arg2[%dma_wait3A_439, %dma_wait3A_440] : memref<848x768xf32, #tpu.memory_space<hbm>> -> memref<848x768xf32, #tpu.memory_space<hbm>>
    tpu.wait_indirect_dma semaphore(%arg8 : memref<!tpu.dma_semaphore, #tpu.memory_space<semaphore_mem>>) src(%dma_wait3A_441 : memref<848x768xf32, #tpu.memory_space<hbm>>) dst(%dma_wait3A_435 : memref<32x768xf32, #tpu.memory_space<vmem>>)
    %dma_wait3A_442 = arith.constant 0 : i32
    %dma_wait3A_443 = arith.constant 1536 : i32
    %dma_wait3A_444 = tpu.memref_slice %arg4[%add3A_368, %dma_wait3A_443] : memref<4096x3840xf32, #tpu.memory_space<hbm>> -> memref<32x768xf32, #tpu.memory_space<hbm>>
    %dma_wait3A_445 = arith.constant 0 : i32
    %dma_wait3A_446 = arith.constant 0 : i32
    %dma_wait3A_447 = tpu.memref_slice %arg7[%arg1, %dma_wait3A_442, %dma_wait3A_445, %dma_wait3A_446] : memref<16x2x32x768xf32, #tpu.memory_space<vmem_shared>> -> memref<1x1x32x768xf32, #tpu.memory_space<vmem_shared>>
    %dma_wait3A_448 = tpu.memref_squeeze %dma_wait3A_447 : memref<1x1x32x768xf32, #tpu.memory_space<vmem_shared>> -> memref<32x768xf32, #tpu.memory_space<vmem_shared>>
    tpu.wait_dma2 semaphore(%arg10 : memref<!tpu.dma_semaphore, #tpu.memory_space<semaphore_mem>>) src(%dma_wait3A_448 : memref<32x768xf32, #tpu.memory_space<vmem_shared>>) dst(%dma_wait3A_444 : memref<32x768xf32, #tpu.memory_space<hbm>>)
    %run_scoped3A_449 = arith.constant 0 : i32
    %run_scoped3A_450 = arith.constant 0 : i32
    "tpu.region"() ({
      %run_scoped3A_840 = tpu.sem_alloc : memref<!tpu.dma_semaphore, #tpu.memory_space<semaphore_mem>>
      %dma_start3A_841 = arith.constant 0 : i32
      %dma_start3A_842 = arith.constant 0 : i32
      %dma_start3A_843 = tpu.memref_slice %arg6[%run_scoped3A_449, %dma_start3A_841, %dma_start3A_842] : memref<2x32x768xf32, #tpu.memory_space<vmem>> -> memref<1x32x768xf32, #tpu.memory_space<vmem>>
      %dma_start3A_844 = tpu.memref_squeeze %dma_start3A_843 : memref<1x32x768xf32, #tpu.memory_space<vmem>> -> memref<32x768xf32, #tpu.memory_space<vmem>>
      %dma_start3A_845 = arith.constant 0 : i32
      %dma_start3A_846 = arith.constant 0 : i32
      %dma_start3A_847 = tpu.memref_slice %arg7[%arg1, %run_scoped3A_450, %dma_start3A_845, %dma_start3A_846] : memref<16x2x32x768xf32, #tpu.memory_space<vmem_shared>> -> memref<1x1x32x768xf32, #tpu.memory_space<vmem_shared>>
      %dma_start3A_848 = tpu.memref_squeeze %dma_start3A_847 : memref<1x1x32x768xf32, #tpu.memory_space<vmem_shared>> -> memref<32x768xf32, #tpu.memory_space<vmem_shared>>
      %dma_start3A_849 = arith.constant 0 : i32
      %dma_start3A_850 = arith.constant 0 : i32
      %dma_start3A_851 = tpu.memref_slice %arg7[%arg1, %run_scoped3A_450, %dma_start3A_849, %dma_start3A_850] : memref<16x2x32x768xf32, #tpu.memory_space<vmem_shared>> -> memref<1x1x32x768xf32, #tpu.memory_space<vmem_shared>>
      %dma_start3A_852 = tpu.memref_squeeze %dma_start3A_851 : memref<1x1x32x768xf32, #tpu.memory_space<vmem_shared>> -> memref<32x768xf32, #tpu.memory_space<vmem_shared>>
      %dma_start3A_853 = arith.constant 0 : i32
      %dma_start3A_854 = arith.constant 0 : i32
      %dma_start3A_855 = tpu.memref_slice %arg6[%run_scoped3A_449, %dma_start3A_853, %dma_start3A_854] : memref<2x32x768xf32, #tpu.memory_space<vmem>> -> memref<1x32x768xf32, #tpu.memory_space<vmem>>
      %dma_start3A_856 = tpu.memref_squeeze %dma_start3A_855 : memref<1x32x768xf32, #tpu.memory_space<vmem>> -> memref<32x768xf32, #tpu.memory_space<vmem>>
      tpu.enqueue_dma source(%dma_start3A_856 : memref<32x768xf32, #tpu.memory_space<vmem>>) target(%dma_start3A_852 : memref<32x768xf32, #tpu.memory_space<vmem_shared>>) target_semaphore(%run_scoped3A_840 : memref<!tpu.dma_semaphore, #tpu.memory_space<semaphore_mem>>)
      %dma_wait3A_857 = arith.constant 0 : i32
      %dma_wait3A_858 = arith.constant 0 : i32
      %dma_wait3A_859 = tpu.memref_slice %arg6[%run_scoped3A_449, %dma_wait3A_857, %dma_wait3A_858] : memref<2x32x768xf32, #tpu.memory_space<vmem>> -> memref<1x32x768xf32, #tpu.memory_space<vmem>>
      %dma_wait3A_860 = tpu.memref_squeeze %dma_wait3A_859 : memref<1x32x768xf32, #tpu.memory_space<vmem>> -> memref<32x768xf32, #tpu.memory_space<vmem>>
      %dma_wait3A_861 = arith.constant 0 : i32
      %dma_wait3A_862 = arith.constant 0 : i32
      %dma_wait3A_863 = tpu.memref_slice %arg7[%arg1, %run_scoped3A_450, %dma_wait3A_861, %dma_wait3A_862] : memref<16x2x32x768xf32, #tpu.memory_space<vmem_shared>> -> memref<1x1x32x768xf32, #tpu.memory_space<vmem_shared>>
      %dma_wait3A_864 = tpu.memref_squeeze %dma_wait3A_863 : memref<1x1x32x768xf32, #tpu.memory_space<vmem_shared>> -> memref<32x768xf32, #tpu.memory_space<vmem_shared>>
      %dma_wait3A_865 = arith.constant 0 : i32
      %dma_wait3A_866 = arith.constant 0 : i32
      %dma_wait3A_867 = tpu.memref_slice %arg7[%arg1, %run_scoped3A_450, %dma_wait3A_865, %dma_wait3A_866] : memref<16x2x32x768xf32, #tpu.memory_space<vmem_shared>> -> memref<1x1x32x768xf32, #tpu.memory_space<vmem_shared>>
      %dma_wait3A_868 = tpu.memref_squeeze %dma_wait3A_867 : memref<1x1x32x768xf32, #tpu.memory_space<vmem_shared>> -> memref<32x768xf32, #tpu.memory_space<vmem_shared>>
      %dma_wait3A_869 = arith.constant 0 : i32
      %dma_wait3A_870 = arith.constant 0 : i32
      %dma_wait3A_871 = tpu.memref_slice %arg6[%run_scoped3A_449, %dma_wait3A_869, %dma_wait3A_870] : memref<2x32x768xf32, #tpu.memory_space<vmem>> -> memref<1x32x768xf32, #tpu.memory_space<vmem>>
      %dma_wait3A_872 = tpu.memref_squeeze %dma_wait3A_871 : memref<1x32x768xf32, #tpu.memory_space<vmem>> -> memref<32x768xf32, #tpu.memory_space<vmem>>
      tpu.wait_dma2 semaphore(%run_scoped3A_840 : memref<!tpu.dma_semaphore, #tpu.memory_space<semaphore_mem>>) src(%dma_wait3A_872 : memref<32x768xf32, #tpu.memory_space<vmem>>) dst(%dma_wait3A_868 : memref<32x768xf32, #tpu.memory_space<vmem_shared>>)
      tpu.yield
    }) : () -> ()
    %add3A_451 = arith.constant 64 : i32
    %add3A_452 = arith.addi %mul3A_2, %add3A_451 : i32
    %dma_start3A_453 = arith.constant 0 : i32
    %dma_start3A_454 = arith.constant 1536 : i32
    %dma_start3A_455 = tpu.memref_slice %arg4[%add3A_452, %dma_start3A_454] : memref<4096x3840xf32, #tpu.memory_space<hbm>> -> memref<32x768xf32, #tpu.memory_space<hbm>>
    %dma_start3A_456 = arith.constant 0 : i32
    %dma_start3A_457 = arith.constant 0 : i32
    %dma_start3A_458 = tpu.memref_slice %arg7[%arg1, %dma_start3A_453, %dma_start3A_456, %dma_start3A_457] : memref<16x2x32x768xf32, #tpu.memory_space<vmem_shared>> -> memref<1x1x32x768xf32, #tpu.memory_space<vmem_shared>>
    %dma_start3A_459 = tpu.memref_squeeze %dma_start3A_458 : memref<1x1x32x768xf32, #tpu.memory_space<vmem_shared>> -> memref<32x768xf32, #tpu.memory_space<vmem_shared>>
    tpu.enqueue_dma source(%dma_start3A_459 : memref<32x768xf32, #tpu.memory_space<vmem_shared>>) target(%dma_start3A_455 : memref<32x768xf32, #tpu.memory_space<hbm>>) target_semaphore(%arg10 : memref<!tpu.dma_semaphore, #tpu.memory_space<semaphore_mem>>)
    %dma_start3A_460 = arith.constant 3 : i32
    %dma_start3A_461 = arith.constant 0 : i32
    %dma_start3A_462 = arith.constant 0 : i32
    %dma_start3A_463 = arith.constant 0 : i32
    %dma_start3A_464 = tpu.memref_slice %arg6[%dma_start3A_461, %dma_start3A_462, %dma_start3A_463] : memref<2x32x768xf32, #tpu.memory_space<vmem>> -> memref<1x32x768xf32, #tpu.memory_space<vmem>>
    %dma_start3A_465 = tpu.memref_squeeze %dma_start3A_464 : memref<1x32x768xf32, #tpu.memory_space<vmem>> -> memref<32x768xf32, #tpu.memory_space<vmem>>
    %dma_start3A_466 = arith.constant 0 : i32
    %dma_start3A_467 = tpu.memref_slice %arg5[%dma_start3A_460, %dma_start3A_466] : memref<5x128xi32, #tpu.memory_space<vmem>> -> memref<1x32xi32, #tpu.memory_space<vmem>>
    %dma_start3A_468 = tpu.memref_squeeze %dma_start3A_467 : memref<1x32xi32, #tpu.memory_space<vmem>> -> memref<32xi32, #tpu.memory_space<vmem>>
    %dma_start3A_469 = arith.constant 0 : i32
    %dma_start3A_470 = arith.constant 0 : i32
    %dma_start3A_471 = tpu.memref_slice %arg2[%dma_start3A_469, %dma_start3A_470] : memref<848x768xf32, #tpu.memory_space<hbm>> -> memref<848x768xf32, #tpu.memory_space<hbm>>
    tpu.enqueue_indirect_dma source(%dma_start3A_471 : memref<848x768xf32, #tpu.memory_space<hbm>>) target(%dma_start3A_465 : memref<32x768xf32, #tpu.memory_space<vmem>>) offsets(%dma_start3A_468 : memref<32xi32, #tpu.memory_space<vmem>>) semaphore(%arg8 : memref<!tpu.dma_semaphore, #tpu.memory_space<semaphore_mem>>)
    %dma_wait3A_472 = arith.constant 2 : i32
    %dma_wait3A_473 = arith.constant 1 : i32
    %dma_wait3A_474 = arith.constant 0 : i32
    %dma_wait3A_475 = arith.constant 0 : i32
    %dma_wait3A_476 = tpu.memref_slice %arg6[%dma_wait3A_473, %dma_wait3A_474, %dma_wait3A_475] : memref<2x32x768xf32, #tpu.memory_space<vmem>> -> memref<1x32x768xf32, #tpu.memory_space<vmem>>
    %dma_wait3A_477 = tpu.memref_squeeze %dma_wait3A_476 : memref<1x32x768xf32, #tpu.memory_space<vmem>> -> memref<32x768xf32, #tpu.memory_space<vmem>>
    %dma_wait3A_478 = arith.constant 96 : i32
    %dma_wait3A_479 = tpu.memref_slice %arg5[%dma_wait3A_472, %dma_wait3A_478] : memref<5x128xi32, #tpu.memory_space<vmem>> -> memref<1x32xi32, #tpu.memory_space<vmem>>
    %dma_wait3A_480 = tpu.memref_squeeze %dma_wait3A_479 : memref<1x32xi32, #tpu.memory_space<vmem>> -> memref<32xi32, #tpu.memory_space<vmem>>
    %dma_wait3A_481 = arith.constant 0 : i32
    %dma_wait3A_482 = arith.constant 0 : i32
    %dma_wait3A_483 = tpu.memref_slice %arg2[%dma_wait3A_481, %dma_wait3A_482] : memref<848x768xf32, #tpu.memory_space<hbm>> -> memref<848x768xf32, #tpu.memory_space<hbm>>
    tpu.wait_indirect_dma semaphore(%arg9 : memref<!tpu.dma_semaphore, #tpu.memory_space<semaphore_mem>>) src(%dma_wait3A_483 : memref<848x768xf32, #tpu.memory_space<hbm>>) dst(%dma_wait3A_477 : memref<32x768xf32, #tpu.memory_space<vmem>>)
    %dma_wait3A_484 = arith.constant 1 : i32
    %dma_wait3A_485 = arith.constant 1536 : i32
    %dma_wait3A_486 = tpu.memref_slice %arg4[%add3A_410, %dma_wait3A_485] : memref<4096x3840xf32, #tpu.memory_space<hbm>> -> memref<32x768xf32, #tpu.memory_space<hbm>>
    %dma_wait3A_487 = arith.constant 0 : i32
    %dma_wait3A_488 = arith.constant 0 : i32
    %dma_wait3A_489 = tpu.memref_slice %arg7[%arg1, %dma_wait3A_484, %dma_wait3A_487, %dma_wait3A_488] : memref<16x2x32x768xf32, #tpu.memory_space<vmem_shared>> -> memref<1x1x32x768xf32, #tpu.memory_space<vmem_shared>>
    %dma_wait3A_490 = tpu.memref_squeeze %dma_wait3A_489 : memref<1x1x32x768xf32, #tpu.memory_space<vmem_shared>> -> memref<32x768xf32, #tpu.memory_space<vmem_shared>>
    tpu.wait_dma2 semaphore(%arg11 : memref<!tpu.dma_semaphore, #tpu.memory_space<semaphore_mem>>) src(%dma_wait3A_490 : memref<32x768xf32, #tpu.memory_space<vmem_shared>>) dst(%dma_wait3A_486 : memref<32x768xf32, #tpu.memory_space<hbm>>)
    %run_scoped3A_491 = arith.constant 1 : i32
    %run_scoped3A_492 = arith.constant 1 : i32
    "tpu.region"() ({
      %run_scoped3A_840 = tpu.sem_alloc : memref<!tpu.dma_semaphore, #tpu.memory_space<semaphore_mem>>
      %dma_start3A_841 = arith.constant 0 : i32
      %dma_start3A_842 = arith.constant 0 : i32
      %dma_start3A_843 = tpu.memref_slice %arg6[%run_scoped3A_491, %dma_start3A_841, %dma_start3A_842] : memref<2x32x768xf32, #tpu.memory_space<vmem>> -> memref<1x32x768xf32, #tpu.memory_space<vmem>>
      %dma_start3A_844 = tpu.memref_squeeze %dma_start3A_843 : memref<1x32x768xf32, #tpu.memory_space<vmem>> -> memref<32x768xf32, #tpu.memory_space<vmem>>
      %dma_start3A_845 = arith.constant 0 : i32
      %dma_start3A_846 = arith.constant 0 : i32
      %dma_start3A_847 = tpu.memref_slice %arg7[%arg1, %run_scoped3A_492, %dma_start3A_845, %dma_start3A_846] : memref<16x2x32x768xf32, #tpu.memory_space<vmem_shared>> -> memref<1x1x32x768xf32, #tpu.memory_space<vmem_shared>>
      %dma_start3A_848 = tpu.memref_squeeze %dma_start3A_847 : memref<1x1x32x768xf32, #tpu.memory_space<vmem_shared>> -> memref<32x768xf32, #tpu.memory_space<vmem_shared>>
      %dma_start3A_849 = arith.constant 0 : i32
      %dma_start3A_850 = arith.constant 0 : i32
      %dma_start3A_851 = tpu.memref_slice %arg7[%arg1, %run_scoped3A_492, %dma_start3A_849, %dma_start3A_850] : memref<16x2x32x768xf32, #tpu.memory_space<vmem_shared>> -> memref<1x1x32x768xf32, #tpu.memory_space<vmem_shared>>
      %dma_start3A_852 = tpu.memref_squeeze %dma_start3A_851 : memref<1x1x32x768xf32, #tpu.memory_space<vmem_shared>> -> memref<32x768xf32, #tpu.memory_space<vmem_shared>>
      %dma_start3A_853 = arith.constant 0 : i32
      %dma_start3A_854 = arith.constant 0 : i32
      %dma_start3A_855 = tpu.memref_slice %arg6[%run_scoped3A_491, %dma_start3A_853, %dma_start3A_854] : memref<2x32x768xf32, #tpu.memory_space<vmem>> -> memref<1x32x768xf32, #tpu.memory_space<vmem>>
      %dma_start3A_856 = tpu.memref_squeeze %dma_start3A_855 : memref<1x32x768xf32, #tpu.memory_space<vmem>> -> memref<32x768xf32, #tpu.memory_space<vmem>>
      tpu.enqueue_dma source(%dma_start3A_856 : memref<32x768xf32, #tpu.memory_space<vmem>>) target(%dma_start3A_852 : memref<32x768xf32, #tpu.memory_space<vmem_shared>>) target_semaphore(%run_scoped3A_840 : memref<!tpu.dma_semaphore, #tpu.memory_space<semaphore_mem>>)
      %dma_wait3A_857 = arith.constant 0 : i32
      %dma_wait3A_858 = arith.constant 0 : i32
      %dma_wait3A_859 = tpu.memref_slice %arg6[%run_scoped3A_491, %dma_wait3A_857, %dma_wait3A_858] : memref<2x32x768xf32, #tpu.memory_space<vmem>> -> memref<1x32x768xf32, #tpu.memory_space<vmem>>
      %dma_wait3A_860 = tpu.memref_squeeze %dma_wait3A_859 : memref<1x32x768xf32, #tpu.memory_space<vmem>> -> memref<32x768xf32, #tpu.memory_space<vmem>>
      %dma_wait3A_861 = arith.constant 0 : i32
      %dma_wait3A_862 = arith.constant 0 : i32
      %dma_wait3A_863 = tpu.memref_slice %arg7[%arg1, %run_scoped3A_492, %dma_wait3A_861, %dma_wait3A_862] : memref<16x2x32x768xf32, #tpu.memory_space<vmem_shared>> -> memref<1x1x32x768xf32, #tpu.memory_space<vmem_shared>>
      %dma_wait3A_864 = tpu.memref_squeeze %dma_wait3A_863 : memref<1x1x32x768xf32, #tpu.memory_space<vmem_shared>> -> memref<32x768xf32, #tpu.memory_space<vmem_shared>>
      %dma_wait3A_865 = arith.constant 0 : i32
      %dma_wait3A_866 = arith.constant 0 : i32
      %dma_wait3A_867 = tpu.memref_slice %arg7[%arg1, %run_scoped3A_492, %dma_wait3A_865, %dma_wait3A_866] : memref<16x2x32x768xf32, #tpu.memory_space<vmem_shared>> -> memref<1x1x32x768xf32, #tpu.memory_space<vmem_shared>>
      %dma_wait3A_868 = tpu.memref_squeeze %dma_wait3A_867 : memref<1x1x32x768xf32, #tpu.memory_space<vmem_shared>> -> memref<32x768xf32, #tpu.memory_space<vmem_shared>>
      %dma_wait3A_869 = arith.constant 0 : i32
      %dma_wait3A_870 = arith.constant 0 : i32
      %dma_wait3A_871 = tpu.memref_slice %arg6[%run_scoped3A_491, %dma_wait3A_869, %dma_wait3A_870] : memref<2x32x768xf32, #tpu.memory_space<vmem>> -> memref<1x32x768xf32, #tpu.memory_space<vmem>>
      %dma_wait3A_872 = tpu.memref_squeeze %dma_wait3A_871 : memref<1x32x768xf32, #tpu.memory_space<vmem>> -> memref<32x768xf32, #tpu.memory_space<vmem>>
      tpu.wait_dma2 semaphore(%run_scoped3A_840 : memref<!tpu.dma_semaphore, #tpu.memory_space<semaphore_mem>>) src(%dma_wait3A_872 : memref<32x768xf32, #tpu.memory_space<vmem>>) dst(%dma_wait3A_868 : memref<32x768xf32, #tpu.memory_space<vmem_shared>>)
      tpu.yield
    }) : () -> ()
    %add3A_493 = arith.constant 96 : i32
    %add3A_494 = arith.addi %mul3A_2, %add3A_493 : i32
    %dma_start3A_495 = arith.constant 1 : i32
    %dma_start3A_496 = arith.constant 1536 : i32
    %dma_start3A_497 = tpu.memref_slice %arg4[%add3A_494, %dma_start3A_496] : memref<4096x3840xf32, #tpu.memory_space<hbm>> -> memref<32x768xf32, #tpu.memory_space<hbm>>
    %dma_start3A_498 = arith.constant 0 : i32
    %dma_start3A_499 = arith.constant 0 : i32
    %dma_start3A_500 = tpu.memref_slice %arg7[%arg1, %dma_start3A_495, %dma_start3A_498, %dma_start3A_499] : memref<16x2x32x768xf32, #tpu.memory_space<vmem_shared>> -> memref<1x1x32x768xf32, #tpu.memory_space<vmem_shared>>
    %dma_start3A_501 = tpu.memref_squeeze %dma_start3A_500 : memref<1x1x32x768xf32, #tpu.memory_space<vmem_shared>> -> memref<32x768xf32, #tpu.memory_space<vmem_shared>>
    tpu.enqueue_dma source(%dma_start3A_501 : memref<32x768xf32, #tpu.memory_space<vmem_shared>>) target(%dma_start3A_497 : memref<32x768xf32, #tpu.memory_space<hbm>>) target_semaphore(%arg11 : memref<!tpu.dma_semaphore, #tpu.memory_space<semaphore_mem>>)
    %dma_start3A_502 = arith.constant 3 : i32
    %dma_start3A_503 = arith.constant 1 : i32
    %dma_start3A_504 = arith.constant 0 : i32
    %dma_start3A_505 = arith.constant 0 : i32
    %dma_start3A_506 = tpu.memref_slice %arg6[%dma_start3A_503, %dma_start3A_504, %dma_start3A_505] : memref<2x32x768xf32, #tpu.memory_space<vmem>> -> memref<1x32x768xf32, #tpu.memory_space<vmem>>
    %dma_start3A_507 = tpu.memref_squeeze %dma_start3A_506 : memref<1x32x768xf32, #tpu.memory_space<vmem>> -> memref<32x768xf32, #tpu.memory_space<vmem>>
    %dma_start3A_508 = arith.constant 32 : i32
    %dma_start3A_509 = tpu.memref_slice %arg5[%dma_start3A_502, %dma_start3A_508] : memref<5x128xi32, #tpu.memory_space<vmem>> -> memref<1x32xi32, #tpu.memory_space<vmem>>
    %dma_start3A_510 = tpu.memref_squeeze %dma_start3A_509 : memref<1x32xi32, #tpu.memory_space<vmem>> -> memref<32xi32, #tpu.memory_space<vmem>>
    %dma_start3A_511 = arith.constant 0 : i32
    %dma_start3A_512 = arith.constant 0 : i32
    %dma_start3A_513 = tpu.memref_slice %arg2[%dma_start3A_511, %dma_start3A_512] : memref<848x768xf32, #tpu.memory_space<hbm>> -> memref<848x768xf32, #tpu.memory_space<hbm>>
    tpu.enqueue_indirect_dma source(%dma_start3A_513 : memref<848x768xf32, #tpu.memory_space<hbm>>) target(%dma_start3A_507 : memref<32x768xf32, #tpu.memory_space<vmem>>) offsets(%dma_start3A_510 : memref<32xi32, #tpu.memory_space<vmem>>) semaphore(%arg9 : memref<!tpu.dma_semaphore, #tpu.memory_space<semaphore_mem>>)
    %dma_wait3A_514 = arith.constant 3 : i32
    %dma_wait3A_515 = arith.constant 0 : i32
    %dma_wait3A_516 = arith.constant 0 : i32
    %dma_wait3A_517 = arith.constant 0 : i32
    %dma_wait3A_518 = tpu.memref_slice %arg6[%dma_wait3A_515, %dma_wait3A_516, %dma_wait3A_517] : memref<2x32x768xf32, #tpu.memory_space<vmem>> -> memref<1x32x768xf32, #tpu.memory_space<vmem>>
    %dma_wait3A_519 = tpu.memref_squeeze %dma_wait3A_518 : memref<1x32x768xf32, #tpu.memory_space<vmem>> -> memref<32x768xf32, #tpu.memory_space<vmem>>
    %dma_wait3A_520 = arith.constant 0 : i32
    %dma_wait3A_521 = tpu.memref_slice %arg5[%dma_wait3A_514, %dma_wait3A_520] : memref<5x128xi32, #tpu.memory_space<vmem>> -> memref<1x32xi32, #tpu.memory_space<vmem>>
    %dma_wait3A_522 = tpu.memref_squeeze %dma_wait3A_521 : memref<1x32xi32, #tpu.memory_space<vmem>> -> memref<32xi32, #tpu.memory_space<vmem>>
    %dma_wait3A_523 = arith.constant 0 : i32
    %dma_wait3A_524 = arith.constant 0 : i32
    %dma_wait3A_525 = tpu.memref_slice %arg2[%dma_wait3A_523, %dma_wait3A_524] : memref<848x768xf32, #tpu.memory_space<hbm>> -> memref<848x768xf32, #tpu.memory_space<hbm>>
    tpu.wait_indirect_dma semaphore(%arg8 : memref<!tpu.dma_semaphore, #tpu.memory_space<semaphore_mem>>) src(%dma_wait3A_525 : memref<848x768xf32, #tpu.memory_space<hbm>>) dst(%dma_wait3A_519 : memref<32x768xf32, #tpu.memory_space<vmem>>)
    %dma_wait3A_526 = arith.constant 0 : i32
    %dma_wait3A_527 = arith.constant 1536 : i32
    %dma_wait3A_528 = tpu.memref_slice %arg4[%add3A_452, %dma_wait3A_527] : memref<4096x3840xf32, #tpu.memory_space<hbm>> -> memref<32x768xf32, #tpu.memory_space<hbm>>
    %dma_wait3A_529 = arith.constant 0 : i32
    %dma_wait3A_530 = arith.constant 0 : i32
    %dma_wait3A_531 = tpu.memref_slice %arg7[%arg1, %dma_wait3A_526, %dma_wait3A_529, %dma_wait3A_530] : memref<16x2x32x768xf32, #tpu.memory_space<vmem_shared>> -> memref<1x1x32x768xf32, #tpu.memory_space<vmem_shared>>
    %dma_wait3A_532 = tpu.memref_squeeze %dma_wait3A_531 : memref<1x1x32x768xf32, #tpu.memory_space<vmem_shared>> -> memref<32x768xf32, #tpu.memory_space<vmem_shared>>
    tpu.wait_dma2 semaphore(%arg10 : memref<!tpu.dma_semaphore, #tpu.memory_space<semaphore_mem>>) src(%dma_wait3A_532 : memref<32x768xf32, #tpu.memory_space<vmem_shared>>) dst(%dma_wait3A_528 : memref<32x768xf32, #tpu.memory_space<hbm>>)
    %run_scoped3A_533 = arith.constant 0 : i32
    %run_scoped3A_534 = arith.constant 0 : i32
    "tpu.region"() ({
      %run_scoped3A_840 = tpu.sem_alloc : memref<!tpu.dma_semaphore, #tpu.memory_space<semaphore_mem>>
      %dma_start3A_841 = arith.constant 0 : i32
      %dma_start3A_842 = arith.constant 0 : i32
      %dma_start3A_843 = tpu.memref_slice %arg6[%run_scoped3A_533, %dma_start3A_841, %dma_start3A_842] : memref<2x32x768xf32, #tpu.memory_space<vmem>> -> memref<1x32x768xf32, #tpu.memory_space<vmem>>
      %dma_start3A_844 = tpu.memref_squeeze %dma_start3A_843 : memref<1x32x768xf32, #tpu.memory_space<vmem>> -> memref<32x768xf32, #tpu.memory_space<vmem>>
      %dma_start3A_845 = arith.constant 0 : i32
      %dma_start3A_846 = arith.constant 0 : i32
      %dma_start3A_847 = tpu.memref_slice %arg7[%arg1, %run_scoped3A_534, %dma_start3A_845, %dma_start3A_846] : memref<16x2x32x768xf32, #tpu.memory_space<vmem_shared>> -> memref<1x1x32x768xf32, #tpu.memory_space<vmem_shared>>
      %dma_start3A_848 = tpu.memref_squeeze %dma_start3A_847 : memref<1x1x32x768xf32, #tpu.memory_space<vmem_shared>> -> memref<32x768xf32, #tpu.memory_space<vmem_shared>>
      %dma_start3A_849 = arith.constant 0 : i32
      %dma_start3A_850 = arith.constant 0 : i32
      %dma_start3A_851 = tpu.memref_slice %arg7[%arg1, %run_scoped3A_534, %dma_start3A_849, %dma_start3A_850] : memref<16x2x32x768xf32, #tpu.memory_space<vmem_shared>> -> memref<1x1x32x768xf32, #tpu.memory_space<vmem_shared>>
      %dma_start3A_852 = tpu.memref_squeeze %dma_start3A_851 : memref<1x1x32x768xf32, #tpu.memory_space<vmem_shared>> -> memref<32x768xf32, #tpu.memory_space<vmem_shared>>
      %dma_start3A_853 = arith.constant 0 : i32
      %dma_start3A_854 = arith.constant 0 : i32
      %dma_start3A_855 = tpu.memref_slice %arg6[%run_scoped3A_533, %dma_start3A_853, %dma_start3A_854] : memref<2x32x768xf32, #tpu.memory_space<vmem>> -> memref<1x32x768xf32, #tpu.memory_space<vmem>>
      %dma_start3A_856 = tpu.memref_squeeze %dma_start3A_855 : memref<1x32x768xf32, #tpu.memory_space<vmem>> -> memref<32x768xf32, #tpu.memory_space<vmem>>
      tpu.enqueue_dma source(%dma_start3A_856 : memref<32x768xf32, #tpu.memory_space<vmem>>) target(%dma_start3A_852 : memref<32x768xf32, #tpu.memory_space<vmem_shared>>) target_semaphore(%run_scoped3A_840 : memref<!tpu.dma_semaphore, #tpu.memory_space<semaphore_mem>>)
      %dma_wait3A_857 = arith.constant 0 : i32
      %dma_wait3A_858 = arith.constant 0 : i32
      %dma_wait3A_859 = tpu.memref_slice %arg6[%run_scoped3A_533, %dma_wait3A_857, %dma_wait3A_858] : memref<2x32x768xf32, #tpu.memory_space<vmem>> -> memref<1x32x768xf32, #tpu.memory_space<vmem>>
      %dma_wait3A_860 = tpu.memref_squeeze %dma_wait3A_859 : memref<1x32x768xf32, #tpu.memory_space<vmem>> -> memref<32x768xf32, #tpu.memory_space<vmem>>
      %dma_wait3A_861 = arith.constant 0 : i32
      %dma_wait3A_862 = arith.constant 0 : i32
      %dma_wait3A_863 = tpu.memref_slice %arg7[%arg1, %run_scoped3A_534, %dma_wait3A_861, %dma_wait3A_862] : memref<16x2x32x768xf32, #tpu.memory_space<vmem_shared>> -> memref<1x1x32x768xf32, #tpu.memory_space<vmem_shared>>
      %dma_wait3A_864 = tpu.memref_squeeze %dma_wait3A_863 : memref<1x1x32x768xf32, #tpu.memory_space<vmem_shared>> -> memref<32x768xf32, #tpu.memory_space<vmem_shared>>
      %dma_wait3A_865 = arith.constant 0 : i32
      %dma_wait3A_866 = arith.constant 0 : i32
      %dma_wait3A_867 = tpu.memref_slice %arg7[%arg1, %run_scoped3A_534, %dma_wait3A_865, %dma_wait3A_866] : memref<16x2x32x768xf32, #tpu.memory_space<vmem_shared>> -> memref<1x1x32x768xf32, #tpu.memory_space<vmem_shared>>
      %dma_wait3A_868 = tpu.memref_squeeze %dma_wait3A_867 : memref<1x1x32x768xf32, #tpu.memory_space<vmem_shared>> -> memref<32x768xf32, #tpu.memory_space<vmem_shared>>
      %dma_wait3A_869 = arith.constant 0 : i32
      %dma_wait3A_870 = arith.constant 0 : i32
      %dma_wait3A_871 = tpu.memref_slice %arg6[%run_scoped3A_533, %dma_wait3A_869, %dma_wait3A_870] : memref<2x32x768xf32, #tpu.memory_space<vmem>> -> memref<1x32x768xf32, #tpu.memory_space<vmem>>
      %dma_wait3A_872 = tpu.memref_squeeze %dma_wait3A_871 : memref<1x32x768xf32, #tpu.memory_space<vmem>> -> memref<32x768xf32, #tpu.memory_space<vmem>>
      tpu.wait_dma2 semaphore(%run_scoped3A_840 : memref<!tpu.dma_semaphore, #tpu.memory_space<semaphore_mem>>) src(%dma_wait3A_872 : memref<32x768xf32, #tpu.memory_space<vmem>>) dst(%dma_wait3A_868 : memref<32x768xf32, #tpu.memory_space<vmem_shared>>)
      tpu.yield
    }) : () -> ()
    %add3A_535 = arith.constant 0 : i32
    %add3A_536 = arith.addi %mul3A_2, %add3A_535 : i32
    %dma_start3A_537 = arith.constant 0 : i32
    %dma_start3A_538 = arith.constant 2304 : i32
    %dma_start3A_539 = tpu.memref_slice %arg4[%add3A_536, %dma_start3A_538] : memref<4096x3840xf32, #tpu.memory_space<hbm>> -> memref<32x768xf32, #tpu.memory_space<hbm>>
    %dma_start3A_540 = arith.constant 0 : i32
    %dma_start3A_541 = arith.constant 0 : i32
    %dma_start3A_542 = tpu.memref_slice %arg7[%arg1, %dma_start3A_537, %dma_start3A_540, %dma_start3A_541] : memref<16x2x32x768xf32, #tpu.memory_space<vmem_shared>> -> memref<1x1x32x768xf32, #tpu.memory_space<vmem_shared>>
    %dma_start3A_543 = tpu.memref_squeeze %dma_start3A_542 : memref<1x1x32x768xf32, #tpu.memory_space<vmem_shared>> -> memref<32x768xf32, #tpu.memory_space<vmem_shared>>
    tpu.enqueue_dma source(%dma_start3A_543 : memref<32x768xf32, #tpu.memory_space<vmem_shared>>) target(%dma_start3A_539 : memref<32x768xf32, #tpu.memory_space<hbm>>) target_semaphore(%arg10 : memref<!tpu.dma_semaphore, #tpu.memory_space<semaphore_mem>>)
    %dma_start3A_544 = arith.constant 3 : i32
    %dma_start3A_545 = arith.constant 0 : i32
    %dma_start3A_546 = arith.constant 0 : i32
    %dma_start3A_547 = arith.constant 0 : i32
    %dma_start3A_548 = tpu.memref_slice %arg6[%dma_start3A_545, %dma_start3A_546, %dma_start3A_547] : memref<2x32x768xf32, #tpu.memory_space<vmem>> -> memref<1x32x768xf32, #tpu.memory_space<vmem>>
    %dma_start3A_549 = tpu.memref_squeeze %dma_start3A_548 : memref<1x32x768xf32, #tpu.memory_space<vmem>> -> memref<32x768xf32, #tpu.memory_space<vmem>>
    %dma_start3A_550 = arith.constant 64 : i32
    %dma_start3A_551 = tpu.memref_slice %arg5[%dma_start3A_544, %dma_start3A_550] : memref<5x128xi32, #tpu.memory_space<vmem>> -> memref<1x32xi32, #tpu.memory_space<vmem>>
    %dma_start3A_552 = tpu.memref_squeeze %dma_start3A_551 : memref<1x32xi32, #tpu.memory_space<vmem>> -> memref<32xi32, #tpu.memory_space<vmem>>
    %dma_start3A_553 = arith.constant 0 : i32
    %dma_start3A_554 = arith.constant 0 : i32
    %dma_start3A_555 = tpu.memref_slice %arg2[%dma_start3A_553, %dma_start3A_554] : memref<848x768xf32, #tpu.memory_space<hbm>> -> memref<848x768xf32, #tpu.memory_space<hbm>>
    tpu.enqueue_indirect_dma source(%dma_start3A_555 : memref<848x768xf32, #tpu.memory_space<hbm>>) target(%dma_start3A_549 : memref<32x768xf32, #tpu.memory_space<vmem>>) offsets(%dma_start3A_552 : memref<32xi32, #tpu.memory_space<vmem>>) semaphore(%arg8 : memref<!tpu.dma_semaphore, #tpu.memory_space<semaphore_mem>>)
    %dma_wait3A_556 = arith.constant 3 : i32
    %dma_wait3A_557 = arith.constant 1 : i32
    %dma_wait3A_558 = arith.constant 0 : i32
    %dma_wait3A_559 = arith.constant 0 : i32
    %dma_wait3A_560 = tpu.memref_slice %arg6[%dma_wait3A_557, %dma_wait3A_558, %dma_wait3A_559] : memref<2x32x768xf32, #tpu.memory_space<vmem>> -> memref<1x32x768xf32, #tpu.memory_space<vmem>>
    %dma_wait3A_561 = tpu.memref_squeeze %dma_wait3A_560 : memref<1x32x768xf32, #tpu.memory_space<vmem>> -> memref<32x768xf32, #tpu.memory_space<vmem>>
    %dma_wait3A_562 = arith.constant 32 : i32
    %dma_wait3A_563 = tpu.memref_slice %arg5[%dma_wait3A_556, %dma_wait3A_562] : memref<5x128xi32, #tpu.memory_space<vmem>> -> memref<1x32xi32, #tpu.memory_space<vmem>>
    %dma_wait3A_564 = tpu.memref_squeeze %dma_wait3A_563 : memref<1x32xi32, #tpu.memory_space<vmem>> -> memref<32xi32, #tpu.memory_space<vmem>>
    %dma_wait3A_565 = arith.constant 0 : i32
    %dma_wait3A_566 = arith.constant 0 : i32
    %dma_wait3A_567 = tpu.memref_slice %arg2[%dma_wait3A_565, %dma_wait3A_566] : memref<848x768xf32, #tpu.memory_space<hbm>> -> memref<848x768xf32, #tpu.memory_space<hbm>>
    tpu.wait_indirect_dma semaphore(%arg9 : memref<!tpu.dma_semaphore, #tpu.memory_space<semaphore_mem>>) src(%dma_wait3A_567 : memref<848x768xf32, #tpu.memory_space<hbm>>) dst(%dma_wait3A_561 : memref<32x768xf32, #tpu.memory_space<vmem>>)
    %dma_wait3A_568 = arith.constant 1 : i32
    %dma_wait3A_569 = arith.constant 1536 : i32
    %dma_wait3A_570 = tpu.memref_slice %arg4[%add3A_494, %dma_wait3A_569] : memref<4096x3840xf32, #tpu.memory_space<hbm>> -> memref<32x768xf32, #tpu.memory_space<hbm>>
    %dma_wait3A_571 = arith.constant 0 : i32
    %dma_wait3A_572 = arith.constant 0 : i32
    %dma_wait3A_573 = tpu.memref_slice %arg7[%arg1, %dma_wait3A_568, %dma_wait3A_571, %dma_wait3A_572] : memref<16x2x32x768xf32, #tpu.memory_space<vmem_shared>> -> memref<1x1x32x768xf32, #tpu.memory_space<vmem_shared>>
    %dma_wait3A_574 = tpu.memref_squeeze %dma_wait3A_573 : memref<1x1x32x768xf32, #tpu.memory_space<vmem_shared>> -> memref<32x768xf32, #tpu.memory_space<vmem_shared>>
    tpu.wait_dma2 semaphore(%arg11 : memref<!tpu.dma_semaphore, #tpu.memory_space<semaphore_mem>>) src(%dma_wait3A_574 : memref<32x768xf32, #tpu.memory_space<vmem_shared>>) dst(%dma_wait3A_570 : memref<32x768xf32, #tpu.memory_space<hbm>>)
    %run_scoped3A_575 = arith.constant 1 : i32
    %run_scoped3A_576 = arith.constant 1 : i32
    "tpu.region"() ({
      %run_scoped3A_840 = tpu.sem_alloc : memref<!tpu.dma_semaphore, #tpu.memory_space<semaphore_mem>>
      %dma_start3A_841 = arith.constant 0 : i32
      %dma_start3A_842 = arith.constant 0 : i32
      %dma_start3A_843 = tpu.memref_slice %arg6[%run_scoped3A_575, %dma_start3A_841, %dma_start3A_842] : memref<2x32x768xf32, #tpu.memory_space<vmem>> -> memref<1x32x768xf32, #tpu.memory_space<vmem>>
      %dma_start3A_844 = tpu.memref_squeeze %dma_start3A_843 : memref<1x32x768xf32, #tpu.memory_space<vmem>> -> memref<32x768xf32, #tpu.memory_space<vmem>>
      %dma_start3A_845 = arith.constant 0 : i32
      %dma_start3A_846 = arith.constant 0 : i32
      %dma_start3A_847 = tpu.memref_slice %arg7[%arg1, %run_scoped3A_576, %dma_start3A_845, %dma_start3A_846] : memref<16x2x32x768xf32, #tpu.memory_space<vmem_shared>> -> memref<1x1x32x768xf32, #tpu.memory_space<vmem_shared>>
      %dma_start3A_848 = tpu.memref_squeeze %dma_start3A_847 : memref<1x1x32x768xf32, #tpu.memory_space<vmem_shared>> -> memref<32x768xf32, #tpu.memory_space<vmem_shared>>
      %dma_start3A_849 = arith.constant 0 : i32
      %dma_start3A_850 = arith.constant 0 : i32
      %dma_start3A_851 = tpu.memref_slice %arg7[%arg1, %run_scoped3A_576, %dma_start3A_849, %dma_start3A_850] : memref<16x2x32x768xf32, #tpu.memory_space<vmem_shared>> -> memref<1x1x32x768xf32, #tpu.memory_space<vmem_shared>>
      %dma_start3A_852 = tpu.memref_squeeze %dma_start3A_851 : memref<1x1x32x768xf32, #tpu.memory_space<vmem_shared>> -> memref<32x768xf32, #tpu.memory_space<vmem_shared>>
      %dma_start3A_853 = arith.constant 0 : i32
      %dma_start3A_854 = arith.constant 0 : i32
      %dma_start3A_855 = tpu.memref_slice %arg6[%run_scoped3A_575, %dma_start3A_853, %dma_start3A_854] : memref<2x32x768xf32, #tpu.memory_space<vmem>> -> memref<1x32x768xf32, #tpu.memory_space<vmem>>
      %dma_start3A_856 = tpu.memref_squeeze %dma_start3A_855 : memref<1x32x768xf32, #tpu.memory_space<vmem>> -> memref<32x768xf32, #tpu.memory_space<vmem>>
      tpu.enqueue_dma source(%dma_start3A_856 : memref<32x768xf32, #tpu.memory_space<vmem>>) target(%dma_start3A_852 : memref<32x768xf32, #tpu.memory_space<vmem_shared>>) target_semaphore(%run_scoped3A_840 : memref<!tpu.dma_semaphore, #tpu.memory_space<semaphore_mem>>)
      %dma_wait3A_857 = arith.constant 0 : i32
      %dma_wait3A_858 = arith.constant 0 : i32
      %dma_wait3A_859 = tpu.memref_slice %arg6[%run_scoped3A_575, %dma_wait3A_857, %dma_wait3A_858] : memref<2x32x768xf32, #tpu.memory_space<vmem>> -> memref<1x32x768xf32, #tpu.memory_space<vmem>>
      %dma_wait3A_860 = tpu.memref_squeeze %dma_wait3A_859 : memref<1x32x768xf32, #tpu.memory_space<vmem>> -> memref<32x768xf32, #tpu.memory_space<vmem>>
      %dma_wait3A_861 = arith.constant 0 : i32
      %dma_wait3A_862 = arith.constant 0 : i32
      %dma_wait3A_863 = tpu.memref_slice %arg7[%arg1, %run_scoped3A_576, %dma_wait3A_861, %dma_wait3A_862] : memref<16x2x32x768xf32, #tpu.memory_space<vmem_shared>> -> memref<1x1x32x768xf32, #tpu.memory_space<vmem_shared>>
      %dma_wait3A_864 = tpu.memref_squeeze %dma_wait3A_863 : memref<1x1x32x768xf32, #tpu.memory_space<vmem_shared>> -> memref<32x768xf32, #tpu.memory_space<vmem_shared>>
      %dma_wait3A_865 = arith.constant 0 : i32
      %dma_wait3A_866 = arith.constant 0 : i32
      %dma_wait3A_867 = tpu.memref_slice %arg7[%arg1, %run_scoped3A_576, %dma_wait3A_865, %dma_wait3A_866] : memref<16x2x32x768xf32, #tpu.memory_space<vmem_shared>> -> memref<1x1x32x768xf32, #tpu.memory_space<vmem_shared>>
      %dma_wait3A_868 = tpu.memref_squeeze %dma_wait3A_867 : memref<1x1x32x768xf32, #tpu.memory_space<vmem_shared>> -> memref<32x768xf32, #tpu.memory_space<vmem_shared>>
      %dma_wait3A_869 = arith.constant 0 : i32
      %dma_wait3A_870 = arith.constant 0 : i32
      %dma_wait3A_871 = tpu.memref_slice %arg6[%run_scoped3A_575, %dma_wait3A_869, %dma_wait3A_870] : memref<2x32x768xf32, #tpu.memory_space<vmem>> -> memref<1x32x768xf32, #tpu.memory_space<vmem>>
      %dma_wait3A_872 = tpu.memref_squeeze %dma_wait3A_871 : memref<1x32x768xf32, #tpu.memory_space<vmem>> -> memref<32x768xf32, #tpu.memory_space<vmem>>
      tpu.wait_dma2 semaphore(%run_scoped3A_840 : memref<!tpu.dma_semaphore, #tpu.memory_space<semaphore_mem>>) src(%dma_wait3A_872 : memref<32x768xf32, #tpu.memory_space<vmem>>) dst(%dma_wait3A_868 : memref<32x768xf32, #tpu.memory_space<vmem_shared>>)
      tpu.yield
    }) : () -> ()
    %add3A_577 = arith.constant 32 : i32
    %add3A_578 = arith.addi %mul3A_2, %add3A_577 : i32
    %dma_start3A_579 = arith.constant 1 : i32
    %dma_start3A_580 = arith.constant 2304 : i32
    %dma_start3A_581 = tpu.memref_slice %arg4[%add3A_578, %dma_start3A_580] : memref<4096x3840xf32, #tpu.memory_space<hbm>> -> memref<32x768xf32, #tpu.memory_space<hbm>>
    %dma_start3A_582 = arith.constant 0 : i32
    %dma_start3A_583 = arith.constant 0 : i32
    %dma_start3A_584 = tpu.memref_slice %arg7[%arg1, %dma_start3A_579, %dma_start3A_582, %dma_start3A_583] : memref<16x2x32x768xf32, #tpu.memory_space<vmem_shared>> -> memref<1x1x32x768xf32, #tpu.memory_space<vmem_shared>>
    %dma_start3A_585 = tpu.memref_squeeze %dma_start3A_584 : memref<1x1x32x768xf32, #tpu.memory_space<vmem_shared>> -> memref<32x768xf32, #tpu.memory_space<vmem_shared>>
    tpu.enqueue_dma source(%dma_start3A_585 : memref<32x768xf32, #tpu.memory_space<vmem_shared>>) target(%dma_start3A_581 : memref<32x768xf32, #tpu.memory_space<hbm>>) target_semaphore(%arg11 : memref<!tpu.dma_semaphore, #tpu.memory_space<semaphore_mem>>)
    %dma_start3A_586 = arith.constant 3 : i32
    %dma_start3A_587 = arith.constant 1 : i32
    %dma_start3A_588 = arith.constant 0 : i32
    %dma_start3A_589 = arith.constant 0 : i32
    %dma_start3A_590 = tpu.memref_slice %arg6[%dma_start3A_587, %dma_start3A_588, %dma_start3A_589] : memref<2x32x768xf32, #tpu.memory_space<vmem>> -> memref<1x32x768xf32, #tpu.memory_space<vmem>>
    %dma_start3A_591 = tpu.memref_squeeze %dma_start3A_590 : memref<1x32x768xf32, #tpu.memory_space<vmem>> -> memref<32x768xf32, #tpu.memory_space<vmem>>
    %dma_start3A_592 = arith.constant 96 : i32
    %dma_start3A_593 = tpu.memref_slice %arg5[%dma_start3A_586, %dma_start3A_592] : memref<5x128xi32, #tpu.memory_space<vmem>> -> memref<1x32xi32, #tpu.memory_space<vmem>>
    %dma_start3A_594 = tpu.memref_squeeze %dma_start3A_593 : memref<1x32xi32, #tpu.memory_space<vmem>> -> memref<32xi32, #tpu.memory_space<vmem>>
    %dma_start3A_595 = arith.constant 0 : i32
    %dma_start3A_596 = arith.constant 0 : i32
    %dma_start3A_597 = tpu.memref_slice %arg2[%dma_start3A_595, %dma_start3A_596] : memref<848x768xf32, #tpu.memory_space<hbm>> -> memref<848x768xf32, #tpu.memory_space<hbm>>
    tpu.enqueue_indirect_dma source(%dma_start3A_597 : memref<848x768xf32, #tpu.memory_space<hbm>>) target(%dma_start3A_591 : memref<32x768xf32, #tpu.memory_space<vmem>>) offsets(%dma_start3A_594 : memref<32xi32, #tpu.memory_space<vmem>>) semaphore(%arg9 : memref<!tpu.dma_semaphore, #tpu.memory_space<semaphore_mem>>)
    %dma_wait3A_598 = arith.constant 3 : i32
    %dma_wait3A_599 = arith.constant 0 : i32
    %dma_wait3A_600 = arith.constant 0 : i32
    %dma_wait3A_601 = arith.constant 0 : i32
    %dma_wait3A_602 = tpu.memref_slice %arg6[%dma_wait3A_599, %dma_wait3A_600, %dma_wait3A_601] : memref<2x32x768xf32, #tpu.memory_space<vmem>> -> memref<1x32x768xf32, #tpu.memory_space<vmem>>
    %dma_wait3A_603 = tpu.memref_squeeze %dma_wait3A_602 : memref<1x32x768xf32, #tpu.memory_space<vmem>> -> memref<32x768xf32, #tpu.memory_space<vmem>>
    %dma_wait3A_604 = arith.constant 64 : i32
    %dma_wait3A_605 = tpu.memref_slice %arg5[%dma_wait3A_598, %dma_wait3A_604] : memref<5x128xi32, #tpu.memory_space<vmem>> -> memref<1x32xi32, #tpu.memory_space<vmem>>
    %dma_wait3A_606 = tpu.memref_squeeze %dma_wait3A_605 : memref<1x32xi32, #tpu.memory_space<vmem>> -> memref<32xi32, #tpu.memory_space<vmem>>
    %dma_wait3A_607 = arith.constant 0 : i32
    %dma_wait3A_608 = arith.constant 0 : i32
    %dma_wait3A_609 = tpu.memref_slice %arg2[%dma_wait3A_607, %dma_wait3A_608] : memref<848x768xf32, #tpu.memory_space<hbm>> -> memref<848x768xf32, #tpu.memory_space<hbm>>
    tpu.wait_indirect_dma semaphore(%arg8 : memref<!tpu.dma_semaphore, #tpu.memory_space<semaphore_mem>>) src(%dma_wait3A_609 : memref<848x768xf32, #tpu.memory_space<hbm>>) dst(%dma_wait3A_603 : memref<32x768xf32, #tpu.memory_space<vmem>>)
    %dma_wait3A_610 = arith.constant 0 : i32
    %dma_wait3A_611 = arith.constant 2304 : i32
    %dma_wait3A_612 = tpu.memref_slice %arg4[%add3A_536, %dma_wait3A_611] : memref<4096x3840xf32, #tpu.memory_space<hbm>> -> memref<32x768xf32, #tpu.memory_space<hbm>>
    %dma_wait3A_613 = arith.constant 0 : i32
    %dma_wait3A_614 = arith.constant 0 : i32
    %dma_wait3A_615 = tpu.memref_slice %arg7[%arg1, %dma_wait3A_610, %dma_wait3A_613, %dma_wait3A_614] : memref<16x2x32x768xf32, #tpu.memory_space<vmem_shared>> -> memref<1x1x32x768xf32, #tpu.memory_space<vmem_shared>>
    %dma_wait3A_616 = tpu.memref_squeeze %dma_wait3A_615 : memref<1x1x32x768xf32, #tpu.memory_space<vmem_shared>> -> memref<32x768xf32, #tpu.memory_space<vmem_shared>>
    tpu.wait_dma2 semaphore(%arg10 : memref<!tpu.dma_semaphore, #tpu.memory_space<semaphore_mem>>) src(%dma_wait3A_616 : memref<32x768xf32, #tpu.memory_space<vmem_shared>>) dst(%dma_wait3A_612 : memref<32x768xf32, #tpu.memory_space<hbm>>)
    %run_scoped3A_617 = arith.constant 0 : i32
    %run_scoped3A_618 = arith.constant 0 : i32
    "tpu.region"() ({
      %run_scoped3A_840 = tpu.sem_alloc : memref<!tpu.dma_semaphore, #tpu.memory_space<semaphore_mem>>
      %dma_start3A_841 = arith.constant 0 : i32
      %dma_start3A_842 = arith.constant 0 : i32
      %dma_start3A_843 = tpu.memref_slice %arg6[%run_scoped3A_617, %dma_start3A_841, %dma_start3A_842] : memref<2x32x768xf32, #tpu.memory_space<vmem>> -> memref<1x32x768xf32, #tpu.memory_space<vmem>>
      %dma_start3A_844 = tpu.memref_squeeze %dma_start3A_843 : memref<1x32x768xf32, #tpu.memory_space<vmem>> -> memref<32x768xf32, #tpu.memory_space<vmem>>
      %dma_start3A_845 = arith.constant 0 : i32
      %dma_start3A_846 = arith.constant 0 : i32
      %dma_start3A_847 = tpu.memref_slice %arg7[%arg1, %run_scoped3A_618, %dma_start3A_845, %dma_start3A_846] : memref<16x2x32x768xf32, #tpu.memory_space<vmem_shared>> -> memref<1x1x32x768xf32, #tpu.memory_space<vmem_shared>>
      %dma_start3A_848 = tpu.memref_squeeze %dma_start3A_847 : memref<1x1x32x768xf32, #tpu.memory_space<vmem_shared>> -> memref<32x768xf32, #tpu.memory_space<vmem_shared>>
      %dma_start3A_849 = arith.constant 0 : i32
      %dma_start3A_850 = arith.constant 0 : i32
      %dma_start3A_851 = tpu.memref_slice %arg7[%arg1, %run_scoped3A_618, %dma_start3A_849, %dma_start3A_850] : memref<16x2x32x768xf32, #tpu.memory_space<vmem_shared>> -> memref<1x1x32x768xf32, #tpu.memory_space<vmem_shared>>
      %dma_start3A_852 = tpu.memref_squeeze %dma_start3A_851 : memref<1x1x32x768xf32, #tpu.memory_space<vmem_shared>> -> memref<32x768xf32, #tpu.memory_space<vmem_shared>>
      %dma_start3A_853 = arith.constant 0 : i32
      %dma_start3A_854 = arith.constant 0 : i32
      %dma_start3A_855 = tpu.memref_slice %arg6[%run_scoped3A_617, %dma_start3A_853, %dma_start3A_854] : memref<2x32x768xf32, #tpu.memory_space<vmem>> -> memref<1x32x768xf32, #tpu.memory_space<vmem>>
      %dma_start3A_856 = tpu.memref_squeeze %dma_start3A_855 : memref<1x32x768xf32, #tpu.memory_space<vmem>> -> memref<32x768xf32, #tpu.memory_space<vmem>>
      tpu.enqueue_dma source(%dma_start3A_856 : memref<32x768xf32, #tpu.memory_space<vmem>>) target(%dma_start3A_852 : memref<32x768xf32, #tpu.memory_space<vmem_shared>>) target_semaphore(%run_scoped3A_840 : memref<!tpu.dma_semaphore, #tpu.memory_space<semaphore_mem>>)
      %dma_wait3A_857 = arith.constant 0 : i32
      %dma_wait3A_858 = arith.constant 0 : i32
      %dma_wait3A_859 = tpu.memref_slice %arg6[%run_scoped3A_617, %dma_wait3A_857, %dma_wait3A_858] : memref<2x32x768xf32, #tpu.memory_space<vmem>> -> memref<1x32x768xf32, #tpu.memory_space<vmem>>
      %dma_wait3A_860 = tpu.memref_squeeze %dma_wait3A_859 : memref<1x32x768xf32, #tpu.memory_space<vmem>> -> memref<32x768xf32, #tpu.memory_space<vmem>>
      %dma_wait3A_861 = arith.constant 0 : i32
      %dma_wait3A_862 = arith.constant 0 : i32
      %dma_wait3A_863 = tpu.memref_slice %arg7[%arg1, %run_scoped3A_618, %dma_wait3A_861, %dma_wait3A_862] : memref<16x2x32x768xf32, #tpu.memory_space<vmem_shared>> -> memref<1x1x32x768xf32, #tpu.memory_space<vmem_shared>>
      %dma_wait3A_864 = tpu.memref_squeeze %dma_wait3A_863 : memref<1x1x32x768xf32, #tpu.memory_space<vmem_shared>> -> memref<32x768xf32, #tpu.memory_space<vmem_shared>>
      %dma_wait3A_865 = arith.constant 0 : i32
      %dma_wait3A_866 = arith.constant 0 : i32
      %dma_wait3A_867 = tpu.memref_slice %arg7[%arg1, %run_scoped3A_618, %dma_wait3A_865, %dma_wait3A_866] : memref<16x2x32x768xf32, #tpu.memory_space<vmem_shared>> -> memref<1x1x32x768xf32, #tpu.memory_space<vmem_shared>>
      %dma_wait3A_868 = tpu.memref_squeeze %dma_wait3A_867 : memref<1x1x32x768xf32, #tpu.memory_space<vmem_shared>> -> memref<32x768xf32, #tpu.memory_space<vmem_shared>>
      %dma_wait3A_869 = arith.constant 0 : i32
      %dma_wait3A_870 = arith.constant 0 : i32
      %dma_wait3A_871 = tpu.memref_slice %arg6[%run_scoped3A_617, %dma_wait3A_869, %dma_wait3A_870] : memref<2x32x768xf32, #tpu.memory_space<vmem>> -> memref<1x32x768xf32, #tpu.memory_space<vmem>>
      %dma_wait3A_872 = tpu.memref_squeeze %dma_wait3A_871 : memref<1x32x768xf32, #tpu.memory_space<vmem>> -> memref<32x768xf32, #tpu.memory_space<vmem>>
      tpu.wait_dma2 semaphore(%run_scoped3A_840 : memref<!tpu.dma_semaphore, #tpu.memory_space<semaphore_mem>>) src(%dma_wait3A_872 : memref<32x768xf32, #tpu.memory_space<vmem>>) dst(%dma_wait3A_868 : memref<32x768xf32, #tpu.memory_space<vmem_shared>>)
      tpu.yield
    }) : () -> ()
    %add3A_619 = arith.constant 64 : i32
    %add3A_620 = arith.addi %mul3A_2, %add3A_619 : i32
    %dma_start3A_621 = arith.constant 0 : i32
    %dma_start3A_622 = arith.constant 2304 : i32
    %dma_start3A_623 = tpu.memref_slice %arg4[%add3A_620, %dma_start3A_622] : memref<4096x3840xf32, #tpu.memory_space<hbm>> -> memref<32x768xf32, #tpu.memory_space<hbm>>
    %dma_start3A_624 = arith.constant 0 : i32
    %dma_start3A_625 = arith.constant 0 : i32
    %dma_start3A_626 = tpu.memref_slice %arg7[%arg1, %dma_start3A_621, %dma_start3A_624, %dma_start3A_625] : memref<16x2x32x768xf32, #tpu.memory_space<vmem_shared>> -> memref<1x1x32x768xf32, #tpu.memory_space<vmem_shared>>
    %dma_start3A_627 = tpu.memref_squeeze %dma_start3A_626 : memref<1x1x32x768xf32, #tpu.memory_space<vmem_shared>> -> memref<32x768xf32, #tpu.memory_space<vmem_shared>>
    tpu.enqueue_dma source(%dma_start3A_627 : memref<32x768xf32, #tpu.memory_space<vmem_shared>>) target(%dma_start3A_623 : memref<32x768xf32, #tpu.memory_space<hbm>>) target_semaphore(%arg10 : memref<!tpu.dma_semaphore, #tpu.memory_space<semaphore_mem>>)
    %dma_start3A_628 = arith.constant 4 : i32
    %dma_start3A_629 = arith.constant 0 : i32
    %dma_start3A_630 = arith.constant 0 : i32
    %dma_start3A_631 = arith.constant 0 : i32
    %dma_start3A_632 = tpu.memref_slice %arg6[%dma_start3A_629, %dma_start3A_630, %dma_start3A_631] : memref<2x32x768xf32, #tpu.memory_space<vmem>> -> memref<1x32x768xf32, #tpu.memory_space<vmem>>
    %dma_start3A_633 = tpu.memref_squeeze %dma_start3A_632 : memref<1x32x768xf32, #tpu.memory_space<vmem>> -> memref<32x768xf32, #tpu.memory_space<vmem>>
    %dma_start3A_634 = arith.constant 0 : i32
    %dma_start3A_635 = tpu.memref_slice %arg5[%dma_start3A_628, %dma_start3A_634] : memref<5x128xi32, #tpu.memory_space<vmem>> -> memref<1x32xi32, #tpu.memory_space<vmem>>
    %dma_start3A_636 = tpu.memref_squeeze %dma_start3A_635 : memref<1x32xi32, #tpu.memory_space<vmem>> -> memref<32xi32, #tpu.memory_space<vmem>>
    %dma_start3A_637 = arith.constant 0 : i32
    %dma_start3A_638 = arith.constant 0 : i32
    %dma_start3A_639 = tpu.memref_slice %arg2[%dma_start3A_637, %dma_start3A_638] : memref<848x768xf32, #tpu.memory_space<hbm>> -> memref<848x768xf32, #tpu.memory_space<hbm>>
    tpu.enqueue_indirect_dma source(%dma_start3A_639 : memref<848x768xf32, #tpu.memory_space<hbm>>) target(%dma_start3A_633 : memref<32x768xf32, #tpu.memory_space<vmem>>) offsets(%dma_start3A_636 : memref<32xi32, #tpu.memory_space<vmem>>) semaphore(%arg8 : memref<!tpu.dma_semaphore, #tpu.memory_space<semaphore_mem>>)
    %dma_wait3A_640 = arith.constant 3 : i32
    %dma_wait3A_641 = arith.constant 1 : i32
    %dma_wait3A_642 = arith.constant 0 : i32
    %dma_wait3A_643 = arith.constant 0 : i32
    %dma_wait3A_644 = tpu.memref_slice %arg6[%dma_wait3A_641, %dma_wait3A_642, %dma_wait3A_643] : memref<2x32x768xf32, #tpu.memory_space<vmem>> -> memref<1x32x768xf32, #tpu.memory_space<vmem>>
    %dma_wait3A_645 = tpu.memref_squeeze %dma_wait3A_644 : memref<1x32x768xf32, #tpu.memory_space<vmem>> -> memref<32x768xf32, #tpu.memory_space<vmem>>
    %dma_wait3A_646 = arith.constant 96 : i32
    %dma_wait3A_647 = tpu.memref_slice %arg5[%dma_wait3A_640, %dma_wait3A_646] : memref<5x128xi32, #tpu.memory_space<vmem>> -> memref<1x32xi32, #tpu.memory_space<vmem>>
    %dma_wait3A_648 = tpu.memref_squeeze %dma_wait3A_647 : memref<1x32xi32, #tpu.memory_space<vmem>> -> memref<32xi32, #tpu.memory_space<vmem>>
    %dma_wait3A_649 = arith.constant 0 : i32
    %dma_wait3A_650 = arith.constant 0 : i32
    %dma_wait3A_651 = tpu.memref_slice %arg2[%dma_wait3A_649, %dma_wait3A_650] : memref<848x768xf32, #tpu.memory_space<hbm>> -> memref<848x768xf32, #tpu.memory_space<hbm>>
    tpu.wait_indirect_dma semaphore(%arg9 : memref<!tpu.dma_semaphore, #tpu.memory_space<semaphore_mem>>) src(%dma_wait3A_651 : memref<848x768xf32, #tpu.memory_space<hbm>>) dst(%dma_wait3A_645 : memref<32x768xf32, #tpu.memory_space<vmem>>)
    %dma_wait3A_652 = arith.constant 1 : i32
    %dma_wait3A_653 = arith.constant 2304 : i32
    %dma_wait3A_654 = tpu.memref_slice %arg4[%add3A_578, %dma_wait3A_653] : memref<4096x3840xf32, #tpu.memory_space<hbm>> -> memref<32x768xf32, #tpu.memory_space<hbm>>
    %dma_wait3A_655 = arith.constant 0 : i32
    %dma_wait3A_656 = arith.constant 0 : i32
    %dma_wait3A_657 = tpu.memref_slice %arg7[%arg1, %dma_wait3A_652, %dma_wait3A_655, %dma_wait3A_656] : memref<16x2x32x768xf32, #tpu.memory_space<vmem_shared>> -> memref<1x1x32x768xf32, #tpu.memory_space<vmem_shared>>
    %dma_wait3A_658 = tpu.memref_squeeze %dma_wait3A_657 : memref<1x1x32x768xf32, #tpu.memory_space<vmem_shared>> -> memref<32x768xf32, #tpu.memory_space<vmem_shared>>
    tpu.wait_dma2 semaphore(%arg11 : memref<!tpu.dma_semaphore, #tpu.memory_space<semaphore_mem>>) src(%dma_wait3A_658 : memref<32x768xf32, #tpu.memory_space<vmem_shared>>) dst(%dma_wait3A_654 : memref<32x768xf32, #tpu.memory_space<hbm>>)
    %run_scoped3A_659 = arith.constant 1 : i32
    %run_scoped3A_660 = arith.constant 1 : i32
    "tpu.region"() ({
      %run_scoped3A_840 = tpu.sem_alloc : memref<!tpu.dma_semaphore, #tpu.memory_space<semaphore_mem>>
      %dma_start3A_841 = arith.constant 0 : i32
      %dma_start3A_842 = arith.constant 0 : i32
      %dma_start3A_843 = tpu.memref_slice %arg6[%run_scoped3A_659, %dma_start3A_841, %dma_start3A_842] : memref<2x32x768xf32, #tpu.memory_space<vmem>> -> memref<1x32x768xf32, #tpu.memory_space<vmem>>
      %dma_start3A_844 = tpu.memref_squeeze %dma_start3A_843 : memref<1x32x768xf32, #tpu.memory_space<vmem>> -> memref<32x768xf32, #tpu.memory_space<vmem>>
      %dma_start3A_845 = arith.constant 0 : i32
      %dma_start3A_846 = arith.constant 0 : i32
      %dma_start3A_847 = tpu.memref_slice %arg7[%arg1, %run_scoped3A_660, %dma_start3A_845, %dma_start3A_846] : memref<16x2x32x768xf32, #tpu.memory_space<vmem_shared>> -> memref<1x1x32x768xf32, #tpu.memory_space<vmem_shared>>
      %dma_start3A_848 = tpu.memref_squeeze %dma_start3A_847 : memref<1x1x32x768xf32, #tpu.memory_space<vmem_shared>> -> memref<32x768xf32, #tpu.memory_space<vmem_shared>>
      %dma_start3A_849 = arith.constant 0 : i32
      %dma_start3A_850 = arith.constant 0 : i32
      %dma_start3A_851 = tpu.memref_slice %arg7[%arg1, %run_scoped3A_660, %dma_start3A_849, %dma_start3A_850] : memref<16x2x32x768xf32, #tpu.memory_space<vmem_shared>> -> memref<1x1x32x768xf32, #tpu.memory_space<vmem_shared>>
      %dma_start3A_852 = tpu.memref_squeeze %dma_start3A_851 : memref<1x1x32x768xf32, #tpu.memory_space<vmem_shared>> -> memref<32x768xf32, #tpu.memory_space<vmem_shared>>
      %dma_start3A_853 = arith.constant 0 : i32
      %dma_start3A_854 = arith.constant 0 : i32
      %dma_start3A_855 = tpu.memref_slice %arg6[%run_scoped3A_659, %dma_start3A_853, %dma_start3A_854] : memref<2x32x768xf32, #tpu.memory_space<vmem>> -> memref<1x32x768xf32, #tpu.memory_space<vmem>>
      %dma_start3A_856 = tpu.memref_squeeze %dma_start3A_855 : memref<1x32x768xf32, #tpu.memory_space<vmem>> -> memref<32x768xf32, #tpu.memory_space<vmem>>
      tpu.enqueue_dma source(%dma_start3A_856 : memref<32x768xf32, #tpu.memory_space<vmem>>) target(%dma_start3A_852 : memref<32x768xf32, #tpu.memory_space<vmem_shared>>) target_semaphore(%run_scoped3A_840 : memref<!tpu.dma_semaphore, #tpu.memory_space<semaphore_mem>>)
      %dma_wait3A_857 = arith.constant 0 : i32
      %dma_wait3A_858 = arith.constant 0 : i32
      %dma_wait3A_859 = tpu.memref_slice %arg6[%run_scoped3A_659, %dma_wait3A_857, %dma_wait3A_858] : memref<2x32x768xf32, #tpu.memory_space<vmem>> -> memref<1x32x768xf32, #tpu.memory_space<vmem>>
      %dma_wait3A_860 = tpu.memref_squeeze %dma_wait3A_859 : memref<1x32x768xf32, #tpu.memory_space<vmem>> -> memref<32x768xf32, #tpu.memory_space<vmem>>
      %dma_wait3A_861 = arith.constant 0 : i32
      %dma_wait3A_862 = arith.constant 0 : i32
      %dma_wait3A_863 = tpu.memref_slice %arg7[%arg1, %run_scoped3A_660, %dma_wait3A_861, %dma_wait3A_862] : memref<16x2x32x768xf32, #tpu.memory_space<vmem_shared>> -> memref<1x1x32x768xf32, #tpu.memory_space<vmem_shared>>
      %dma_wait3A_864 = tpu.memref_squeeze %dma_wait3A_863 : memref<1x1x32x768xf32, #tpu.memory_space<vmem_shared>> -> memref<32x768xf32, #tpu.memory_space<vmem_shared>>
      %dma_wait3A_865 = arith.constant 0 : i32
      %dma_wait3A_866 = arith.constant 0 : i32
      %dma_wait3A_867 = tpu.memref_slice %arg7[%arg1, %run_scoped3A_660, %dma_wait3A_865, %dma_wait3A_866] : memref<16x2x32x768xf32, #tpu.memory_space<vmem_shared>> -> memref<1x1x32x768xf32, #tpu.memory_space<vmem_shared>>
      %dma_wait3A_868 = tpu.memref_squeeze %dma_wait3A_867 : memref<1x1x32x768xf32, #tpu.memory_space<vmem_shared>> -> memref<32x768xf32, #tpu.memory_space<vmem_shared>>
      %dma_wait3A_869 = arith.constant 0 : i32
      %dma_wait3A_870 = arith.constant 0 : i32
      %dma_wait3A_871 = tpu.memref_slice %arg6[%run_scoped3A_659, %dma_wait3A_869, %dma_wait3A_870] : memref<2x32x768xf32, #tpu.memory_space<vmem>> -> memref<1x32x768xf32, #tpu.memory_space<vmem>>
      %dma_wait3A_872 = tpu.memref_squeeze %dma_wait3A_871 : memref<1x32x768xf32, #tpu.memory_space<vmem>> -> memref<32x768xf32, #tpu.memory_space<vmem>>
      tpu.wait_dma2 semaphore(%run_scoped3A_840 : memref<!tpu.dma_semaphore, #tpu.memory_space<semaphore_mem>>) src(%dma_wait3A_872 : memref<32x768xf32, #tpu.memory_space<vmem>>) dst(%dma_wait3A_868 : memref<32x768xf32, #tpu.memory_space<vmem_shared>>)
      tpu.yield
    }) : () -> ()
    %add3A_661 = arith.constant 96 : i32
    %add3A_662 = arith.addi %mul3A_2, %add3A_661 : i32
    %dma_start3A_663 = arith.constant 1 : i32
    %dma_start3A_664 = arith.constant 2304 : i32
    %dma_start3A_665 = tpu.memref_slice %arg4[%add3A_662, %dma_start3A_664] : memref<4096x3840xf32, #tpu.memory_space<hbm>> -> memref<32x768xf32, #tpu.memory_space<hbm>>
    %dma_start3A_666 = arith.constant 0 : i32
    %dma_start3A_667 = arith.constant 0 : i32
    %dma_start3A_668 = tpu.memref_slice %arg7[%arg1, %dma_start3A_663, %dma_start3A_666, %dma_start3A_667] : memref<16x2x32x768xf32, #tpu.memory_space<vmem_shared>> -> memref<1x1x32x768xf32, #tpu.memory_space<vmem_shared>>
    %dma_start3A_669 = tpu.memref_squeeze %dma_start3A_668 : memref<1x1x32x768xf32, #tpu.memory_space<vmem_shared>> -> memref<32x768xf32, #tpu.memory_space<vmem_shared>>
    tpu.enqueue_dma source(%dma_start3A_669 : memref<32x768xf32, #tpu.memory_space<vmem_shared>>) target(%dma_start3A_665 : memref<32x768xf32, #tpu.memory_space<hbm>>) target_semaphore(%arg11 : memref<!tpu.dma_semaphore, #tpu.memory_space<semaphore_mem>>)
    %dma_start3A_670 = arith.constant 4 : i32
    %dma_start3A_671 = arith.constant 1 : i32
    %dma_start3A_672 = arith.constant 0 : i32
    %dma_start3A_673 = arith.constant 0 : i32
    %dma_start3A_674 = tpu.memref_slice %arg6[%dma_start3A_671, %dma_start3A_672, %dma_start3A_673] : memref<2x32x768xf32, #tpu.memory_space<vmem>> -> memref<1x32x768xf32, #tpu.memory_space<vmem>>
    %dma_start3A_675 = tpu.memref_squeeze %dma_start3A_674 : memref<1x32x768xf32, #tpu.memory_space<vmem>> -> memref<32x768xf32, #tpu.memory_space<vmem>>
    %dma_start3A_676 = arith.constant 32 : i32
    %dma_start3A_677 = tpu.memref_slice %arg5[%dma_start3A_670, %dma_start3A_676] : memref<5x128xi32, #tpu.memory_space<vmem>> -> memref<1x32xi32, #tpu.memory_space<vmem>>
    %dma_start3A_678 = tpu.memref_squeeze %dma_start3A_677 : memref<1x32xi32, #tpu.memory_space<vmem>> -> memref<32xi32, #tpu.memory_space<vmem>>
    %dma_start3A_679 = arith.constant 0 : i32
    %dma_start3A_680 = arith.constant 0 : i32
    %dma_start3A_681 = tpu.memref_slice %arg2[%dma_start3A_679, %dma_start3A_680] : memref<848x768xf32, #tpu.memory_space<hbm>> -> memref<848x768xf32, #tpu.memory_space<hbm>>
    tpu.enqueue_indirect_dma source(%dma_start3A_681 : memref<848x768xf32, #tpu.memory_space<hbm>>) target(%dma_start3A_675 : memref<32x768xf32, #tpu.memory_space<vmem>>) offsets(%dma_start3A_678 : memref<32xi32, #tpu.memory_space<vmem>>) semaphore(%arg9 : memref<!tpu.dma_semaphore, #tpu.memory_space<semaphore_mem>>)
    %dma_wait3A_682 = arith.constant 4 : i32
    %dma_wait3A_683 = arith.constant 0 : i32
    %dma_wait3A_684 = arith.constant 0 : i32
    %dma_wait3A_685 = arith.constant 0 : i32
    %dma_wait3A_686 = tpu.memref_slice %arg6[%dma_wait3A_683, %dma_wait3A_684, %dma_wait3A_685] : memref<2x32x768xf32, #tpu.memory_space<vmem>> -> memref<1x32x768xf32, #tpu.memory_space<vmem>>
    %dma_wait3A_687 = tpu.memref_squeeze %dma_wait3A_686 : memref<1x32x768xf32, #tpu.memory_space<vmem>> -> memref<32x768xf32, #tpu.memory_space<vmem>>
    %dma_wait3A_688 = arith.constant 0 : i32
    %dma_wait3A_689 = tpu.memref_slice %arg5[%dma_wait3A_682, %dma_wait3A_688] : memref<5x128xi32, #tpu.memory_space<vmem>> -> memref<1x32xi32, #tpu.memory_space<vmem>>
    %dma_wait3A_690 = tpu.memref_squeeze %dma_wait3A_689 : memref<1x32xi32, #tpu.memory_space<vmem>> -> memref<32xi32, #tpu.memory_space<vmem>>
    %dma_wait3A_691 = arith.constant 0 : i32
    %dma_wait3A_692 = arith.constant 0 : i32
    %dma_wait3A_693 = tpu.memref_slice %arg2[%dma_wait3A_691, %dma_wait3A_692] : memref<848x768xf32, #tpu.memory_space<hbm>> -> memref<848x768xf32, #tpu.memory_space<hbm>>
    tpu.wait_indirect_dma semaphore(%arg8 : memref<!tpu.dma_semaphore, #tpu.memory_space<semaphore_mem>>) src(%dma_wait3A_693 : memref<848x768xf32, #tpu.memory_space<hbm>>) dst(%dma_wait3A_687 : memref<32x768xf32, #tpu.memory_space<vmem>>)
    %dma_wait3A_694 = arith.constant 0 : i32
    %dma_wait3A_695 = arith.constant 2304 : i32
    %dma_wait3A_696 = tpu.memref_slice %arg4[%add3A_620, %dma_wait3A_695] : memref<4096x3840xf32, #tpu.memory_space<hbm>> -> memref<32x768xf32, #tpu.memory_space<hbm>>
    %dma_wait3A_697 = arith.constant 0 : i32
    %dma_wait3A_698 = arith.constant 0 : i32
    %dma_wait3A_699 = tpu.memref_slice %arg7[%arg1, %dma_wait3A_694, %dma_wait3A_697, %dma_wait3A_698] : memref<16x2x32x768xf32, #tpu.memory_space<vmem_shared>> -> memref<1x1x32x768xf32, #tpu.memory_space<vmem_shared>>
    %dma_wait3A_700 = tpu.memref_squeeze %dma_wait3A_699 : memref<1x1x32x768xf32, #tpu.memory_space<vmem_shared>> -> memref<32x768xf32, #tpu.memory_space<vmem_shared>>
    tpu.wait_dma2 semaphore(%arg10 : memref<!tpu.dma_semaphore, #tpu.memory_space<semaphore_mem>>) src(%dma_wait3A_700 : memref<32x768xf32, #tpu.memory_space<vmem_shared>>) dst(%dma_wait3A_696 : memref<32x768xf32, #tpu.memory_space<hbm>>)
    %run_scoped3A_701 = arith.constant 0 : i32
    %run_scoped3A_702 = arith.constant 0 : i32
    "tpu.region"() ({
      %run_scoped3A_840 = tpu.sem_alloc : memref<!tpu.dma_semaphore, #tpu.memory_space<semaphore_mem>>
      %dma_start3A_841 = arith.constant 0 : i32
      %dma_start3A_842 = arith.constant 0 : i32
      %dma_start3A_843 = tpu.memref_slice %arg6[%run_scoped3A_701, %dma_start3A_841, %dma_start3A_842] : memref<2x32x768xf32, #tpu.memory_space<vmem>> -> memref<1x32x768xf32, #tpu.memory_space<vmem>>
      %dma_start3A_844 = tpu.memref_squeeze %dma_start3A_843 : memref<1x32x768xf32, #tpu.memory_space<vmem>> -> memref<32x768xf32, #tpu.memory_space<vmem>>
      %dma_start3A_845 = arith.constant 0 : i32
      %dma_start3A_846 = arith.constant 0 : i32
      %dma_start3A_847 = tpu.memref_slice %arg7[%arg1, %run_scoped3A_702, %dma_start3A_845, %dma_start3A_846] : memref<16x2x32x768xf32, #tpu.memory_space<vmem_shared>> -> memref<1x1x32x768xf32, #tpu.memory_space<vmem_shared>>
      %dma_start3A_848 = tpu.memref_squeeze %dma_start3A_847 : memref<1x1x32x768xf32, #tpu.memory_space<vmem_shared>> -> memref<32x768xf32, #tpu.memory_space<vmem_shared>>
      %dma_start3A_849 = arith.constant 0 : i32
      %dma_start3A_850 = arith.constant 0 : i32
      %dma_start3A_851 = tpu.memref_slice %arg7[%arg1, %run_scoped3A_702, %dma_start3A_849, %dma_start3A_850] : memref<16x2x32x768xf32, #tpu.memory_space<vmem_shared>> -> memref<1x1x32x768xf32, #tpu.memory_space<vmem_shared>>
      %dma_start3A_852 = tpu.memref_squeeze %dma_start3A_851 : memref<1x1x32x768xf32, #tpu.memory_space<vmem_shared>> -> memref<32x768xf32, #tpu.memory_space<vmem_shared>>
      %dma_start3A_853 = arith.constant 0 : i32
      %dma_start3A_854 = arith.constant 0 : i32
      %dma_start3A_855 = tpu.memref_slice %arg6[%run_scoped3A_701, %dma_start3A_853, %dma_start3A_854] : memref<2x32x768xf32, #tpu.memory_space<vmem>> -> memref<1x32x768xf32, #tpu.memory_space<vmem>>
      %dma_start3A_856 = tpu.memref_squeeze %dma_start3A_855 : memref<1x32x768xf32, #tpu.memory_space<vmem>> -> memref<32x768xf32, #tpu.memory_space<vmem>>
      tpu.enqueue_dma source(%dma_start3A_856 : memref<32x768xf32, #tpu.memory_space<vmem>>) target(%dma_start3A_852 : memref<32x768xf32, #tpu.memory_space<vmem_shared>>) target_semaphore(%run_scoped3A_840 : memref<!tpu.dma_semaphore, #tpu.memory_space<semaphore_mem>>)
      %dma_wait3A_857 = arith.constant 0 : i32
      %dma_wait3A_858 = arith.constant 0 : i32
      %dma_wait3A_859 = tpu.memref_slice %arg6[%run_scoped3A_701, %dma_wait3A_857, %dma_wait3A_858] : memref<2x32x768xf32, #tpu.memory_space<vmem>> -> memref<1x32x768xf32, #tpu.memory_space<vmem>>
      %dma_wait3A_860 = tpu.memref_squeeze %dma_wait3A_859 : memref<1x32x768xf32, #tpu.memory_space<vmem>> -> memref<32x768xf32, #tpu.memory_space<vmem>>
      %dma_wait3A_861 = arith.constant 0 : i32
      %dma_wait3A_862 = arith.constant 0 : i32
      %dma_wait3A_863 = tpu.memref_slice %arg7[%arg1, %run_scoped3A_702, %dma_wait3A_861, %dma_wait3A_862] : memref<16x2x32x768xf32, #tpu.memory_space<vmem_shared>> -> memref<1x1x32x768xf32, #tpu.memory_space<vmem_shared>>
      %dma_wait3A_864 = tpu.memref_squeeze %dma_wait3A_863 : memref<1x1x32x768xf32, #tpu.memory_space<vmem_shared>> -> memref<32x768xf32, #tpu.memory_space<vmem_shared>>
      %dma_wait3A_865 = arith.constant 0 : i32
      %dma_wait3A_866 = arith.constant 0 : i32
      %dma_wait3A_867 = tpu.memref_slice %arg7[%arg1, %run_scoped3A_702, %dma_wait3A_865, %dma_wait3A_866] : memref<16x2x32x768xf32, #tpu.memory_space<vmem_shared>> -> memref<1x1x32x768xf32, #tpu.memory_space<vmem_shared>>
      %dma_wait3A_868 = tpu.memref_squeeze %dma_wait3A_867 : memref<1x1x32x768xf32, #tpu.memory_space<vmem_shared>> -> memref<32x768xf32, #tpu.memory_space<vmem_shared>>
      %dma_wait3A_869 = arith.constant 0 : i32
      %dma_wait3A_870 = arith.constant 0 : i32
      %dma_wait3A_871 = tpu.memref_slice %arg6[%run_scoped3A_701, %dma_wait3A_869, %dma_wait3A_870] : memref<2x32x768xf32, #tpu.memory_space<vmem>> -> memref<1x32x768xf32, #tpu.memory_space<vmem>>
      %dma_wait3A_872 = tpu.memref_squeeze %dma_wait3A_871 : memref<1x32x768xf32, #tpu.memory_space<vmem>> -> memref<32x768xf32, #tpu.memory_space<vmem>>
      tpu.wait_dma2 semaphore(%run_scoped3A_840 : memref<!tpu.dma_semaphore, #tpu.memory_space<semaphore_mem>>) src(%dma_wait3A_872 : memref<32x768xf32, #tpu.memory_space<vmem>>) dst(%dma_wait3A_868 : memref<32x768xf32, #tpu.memory_space<vmem_shared>>)
      tpu.yield
    }) : () -> ()
    %add3A_703 = arith.constant 0 : i32
    %add3A_704 = arith.addi %mul3A_2, %add3A_703 : i32
    %dma_start3A_705 = arith.constant 0 : i32
    %dma_start3A_706 = arith.constant 3072 : i32
    %dma_start3A_707 = tpu.memref_slice %arg4[%add3A_704, %dma_start3A_706] : memref<4096x3840xf32, #tpu.memory_space<hbm>> -> memref<32x768xf32, #tpu.memory_space<hbm>>
    %dma_start3A_708 = arith.constant 0 : i32
    %dma_start3A_709 = arith.constant 0 : i32
    %dma_start3A_710 = tpu.memref_slice %arg7[%arg1, %dma_start3A_705, %dma_start3A_708, %dma_start3A_709] : memref<16x2x32x768xf32, #tpu.memory_space<vmem_shared>> -> memref<1x1x32x768xf32, #tpu.memory_space<vmem_shared>>
    %dma_start3A_711 = tpu.memref_squeeze %dma_start3A_710 : memref<1x1x32x768xf32, #tpu.memory_space<vmem_shared>> -> memref<32x768xf32, #tpu.memory_space<vmem_shared>>
    tpu.enqueue_dma source(%dma_start3A_711 : memref<32x768xf32, #tpu.memory_space<vmem_shared>>) target(%dma_start3A_707 : memref<32x768xf32, #tpu.memory_space<hbm>>) target_semaphore(%arg10 : memref<!tpu.dma_semaphore, #tpu.memory_space<semaphore_mem>>)
    %dma_start3A_712 = arith.constant 4 : i32
    %dma_start3A_713 = arith.constant 0 : i32
    %dma_start3A_714 = arith.constant 0 : i32
    %dma_start3A_715 = arith.constant 0 : i32
    %dma_start3A_716 = tpu.memref_slice %arg6[%dma_start3A_713, %dma_start3A_714, %dma_start3A_715] : memref<2x32x768xf32, #tpu.memory_space<vmem>> -> memref<1x32x768xf32, #tpu.memory_space<vmem>>
    %dma_start3A_717 = tpu.memref_squeeze %dma_start3A_716 : memref<1x32x768xf32, #tpu.memory_space<vmem>> -> memref<32x768xf32, #tpu.memory_space<vmem>>
    %dma_start3A_718 = arith.constant 64 : i32
    %dma_start3A_719 = tpu.memref_slice %arg5[%dma_start3A_712, %dma_start3A_718] : memref<5x128xi32, #tpu.memory_space<vmem>> -> memref<1x32xi32, #tpu.memory_space<vmem>>
    %dma_start3A_720 = tpu.memref_squeeze %dma_start3A_719 : memref<1x32xi32, #tpu.memory_space<vmem>> -> memref<32xi32, #tpu.memory_space<vmem>>
    %dma_start3A_721 = arith.constant 0 : i32
    %dma_start3A_722 = arith.constant 0 : i32
    %dma_start3A_723 = tpu.memref_slice %arg2[%dma_start3A_721, %dma_start3A_722] : memref<848x768xf32, #tpu.memory_space<hbm>> -> memref<848x768xf32, #tpu.memory_space<hbm>>
    tpu.enqueue_indirect_dma source(%dma_start3A_723 : memref<848x768xf32, #tpu.memory_space<hbm>>) target(%dma_start3A_717 : memref<32x768xf32, #tpu.memory_space<vmem>>) offsets(%dma_start3A_720 : memref<32xi32, #tpu.memory_space<vmem>>) semaphore(%arg8 : memref<!tpu.dma_semaphore, #tpu.memory_space<semaphore_mem>>)
    %dma_wait3A_724 = arith.constant 4 : i32
    %dma_wait3A_725 = arith.constant 1 : i32
    %dma_wait3A_726 = arith.constant 0 : i32
    %dma_wait3A_727 = arith.constant 0 : i32
    %dma_wait3A_728 = tpu.memref_slice %arg6[%dma_wait3A_725, %dma_wait3A_726, %dma_wait3A_727] : memref<2x32x768xf32, #tpu.memory_space<vmem>> -> memref<1x32x768xf32, #tpu.memory_space<vmem>>
    %dma_wait3A_729 = tpu.memref_squeeze %dma_wait3A_728 : memref<1x32x768xf32, #tpu.memory_space<vmem>> -> memref<32x768xf32, #tpu.memory_space<vmem>>
    %dma_wait3A_730 = arith.constant 32 : i32
    %dma_wait3A_731 = tpu.memref_slice %arg5[%dma_wait3A_724, %dma_wait3A_730] : memref<5x128xi32, #tpu.memory_space<vmem>> -> memref<1x32xi32, #tpu.memory_space<vmem>>
    %dma_wait3A_732 = tpu.memref_squeeze %dma_wait3A_731 : memref<1x32xi32, #tpu.memory_space<vmem>> -> memref<32xi32, #tpu.memory_space<vmem>>
    %dma_wait3A_733 = arith.constant 0 : i32
    %dma_wait3A_734 = arith.constant 0 : i32
    %dma_wait3A_735 = tpu.memref_slice %arg2[%dma_wait3A_733, %dma_wait3A_734] : memref<848x768xf32, #tpu.memory_space<hbm>> -> memref<848x768xf32, #tpu.memory_space<hbm>>
    tpu.wait_indirect_dma semaphore(%arg9 : memref<!tpu.dma_semaphore, #tpu.memory_space<semaphore_mem>>) src(%dma_wait3A_735 : memref<848x768xf32, #tpu.memory_space<hbm>>) dst(%dma_wait3A_729 : memref<32x768xf32, #tpu.memory_space<vmem>>)
    %dma_wait3A_736 = arith.constant 1 : i32
    %dma_wait3A_737 = arith.constant 2304 : i32
    %dma_wait3A_738 = tpu.memref_slice %arg4[%add3A_662, %dma_wait3A_737] : memref<4096x3840xf32, #tpu.memory_space<hbm>> -> memref<32x768xf32, #tpu.memory_space<hbm>>
    %dma_wait3A_739 = arith.constant 0 : i32
    %dma_wait3A_740 = arith.constant 0 : i32
    %dma_wait3A_741 = tpu.memref_slice %arg7[%arg1, %dma_wait3A_736, %dma_wait3A_739, %dma_wait3A_740] : memref<16x2x32x768xf32, #tpu.memory_space<vmem_shared>> -> memref<1x1x32x768xf32, #tpu.memory_space<vmem_shared>>
    %dma_wait3A_742 = tpu.memref_squeeze %dma_wait3A_741 : memref<1x1x32x768xf32, #tpu.memory_space<vmem_shared>> -> memref<32x768xf32, #tpu.memory_space<vmem_shared>>
    tpu.wait_dma2 semaphore(%arg11 : memref<!tpu.dma_semaphore, #tpu.memory_space<semaphore_mem>>) src(%dma_wait3A_742 : memref<32x768xf32, #tpu.memory_space<vmem_shared>>) dst(%dma_wait3A_738 : memref<32x768xf32, #tpu.memory_space<hbm>>)
    %run_scoped3A_743 = arith.constant 1 : i32
    %run_scoped3A_744 = arith.constant 1 : i32
    "tpu.region"() ({
      %run_scoped3A_840 = tpu.sem_alloc : memref<!tpu.dma_semaphore, #tpu.memory_space<semaphore_mem>>
      %dma_start3A_841 = arith.constant 0 : i32
      %dma_start3A_842 = arith.constant 0 : i32
      %dma_start3A_843 = tpu.memref_slice %arg6[%run_scoped3A_743, %dma_start3A_841, %dma_start3A_842] : memref<2x32x768xf32, #tpu.memory_space<vmem>> -> memref<1x32x768xf32, #tpu.memory_space<vmem>>
      %dma_start3A_844 = tpu.memref_squeeze %dma_start3A_843 : memref<1x32x768xf32, #tpu.memory_space<vmem>> -> memref<32x768xf32, #tpu.memory_space<vmem>>
      %dma_start3A_845 = arith.constant 0 : i32
      %dma_start3A_846 = arith.constant 0 : i32
      %dma_start3A_847 = tpu.memref_slice %arg7[%arg1, %run_scoped3A_744, %dma_start3A_845, %dma_start3A_846] : memref<16x2x32x768xf32, #tpu.memory_space<vmem_shared>> -> memref<1x1x32x768xf32, #tpu.memory_space<vmem_shared>>
      %dma_start3A_848 = tpu.memref_squeeze %dma_start3A_847 : memref<1x1x32x768xf32, #tpu.memory_space<vmem_shared>> -> memref<32x768xf32, #tpu.memory_space<vmem_shared>>
      %dma_start3A_849 = arith.constant 0 : i32
      %dma_start3A_850 = arith.constant 0 : i32
      %dma_start3A_851 = tpu.memref_slice %arg7[%arg1, %run_scoped3A_744, %dma_start3A_849, %dma_start3A_850] : memref<16x2x32x768xf32, #tpu.memory_space<vmem_shared>> -> memref<1x1x32x768xf32, #tpu.memory_space<vmem_shared>>
      %dma_start3A_852 = tpu.memref_squeeze %dma_start3A_851 : memref<1x1x32x768xf32, #tpu.memory_space<vmem_shared>> -> memref<32x768xf32, #tpu.memory_space<vmem_shared>>
      %dma_start3A_853 = arith.constant 0 : i32
      %dma_start3A_854 = arith.constant 0 : i32
      %dma_start3A_855 = tpu.memref_slice %arg6[%run_scoped3A_743, %dma_start3A_853, %dma_start3A_854] : memref<2x32x768xf32, #tpu.memory_space<vmem>> -> memref<1x32x768xf32, #tpu.memory_space<vmem>>
      %dma_start3A_856 = tpu.memref_squeeze %dma_start3A_855 : memref<1x32x768xf32, #tpu.memory_space<vmem>> -> memref<32x768xf32, #tpu.memory_space<vmem>>
      tpu.enqueue_dma source(%dma_start3A_856 : memref<32x768xf32, #tpu.memory_space<vmem>>) target(%dma_start3A_852 : memref<32x768xf32, #tpu.memory_space<vmem_shared>>) target_semaphore(%run_scoped3A_840 : memref<!tpu.dma_semaphore, #tpu.memory_space<semaphore_mem>>)
      %dma_wait3A_857 = arith.constant 0 : i32
      %dma_wait3A_858 = arith.constant 0 : i32
      %dma_wait3A_859 = tpu.memref_slice %arg6[%run_scoped3A_743, %dma_wait3A_857, %dma_wait3A_858] : memref<2x32x768xf32, #tpu.memory_space<vmem>> -> memref<1x32x768xf32, #tpu.memory_space<vmem>>
      %dma_wait3A_860 = tpu.memref_squeeze %dma_wait3A_859 : memref<1x32x768xf32, #tpu.memory_space<vmem>> -> memref<32x768xf32, #tpu.memory_space<vmem>>
      %dma_wait3A_861 = arith.constant 0 : i32
      %dma_wait3A_862 = arith.constant 0 : i32
      %dma_wait3A_863 = tpu.memref_slice %arg7[%arg1, %run_scoped3A_744, %dma_wait3A_861, %dma_wait3A_862] : memref<16x2x32x768xf32, #tpu.memory_space<vmem_shared>> -> memref<1x1x32x768xf32, #tpu.memory_space<vmem_shared>>
      %dma_wait3A_864 = tpu.memref_squeeze %dma_wait3A_863 : memref<1x1x32x768xf32, #tpu.memory_space<vmem_shared>> -> memref<32x768xf32, #tpu.memory_space<vmem_shared>>
      %dma_wait3A_865 = arith.constant 0 : i32
      %dma_wait3A_866 = arith.constant 0 : i32
      %dma_wait3A_867 = tpu.memref_slice %arg7[%arg1, %run_scoped3A_744, %dma_wait3A_865, %dma_wait3A_866] : memref<16x2x32x768xf32, #tpu.memory_space<vmem_shared>> -> memref<1x1x32x768xf32, #tpu.memory_space<vmem_shared>>
      %dma_wait3A_868 = tpu.memref_squeeze %dma_wait3A_867 : memref<1x1x32x768xf32, #tpu.memory_space<vmem_shared>> -> memref<32x768xf32, #tpu.memory_space<vmem_shared>>
      %dma_wait3A_869 = arith.constant 0 : i32
      %dma_wait3A_870 = arith.constant 0 : i32
      %dma_wait3A_871 = tpu.memref_slice %arg6[%run_scoped3A_743, %dma_wait3A_869, %dma_wait3A_870] : memref<2x32x768xf32, #tpu.memory_space<vmem>> -> memref<1x32x768xf32, #tpu.memory_space<vmem>>
      %dma_wait3A_872 = tpu.memref_squeeze %dma_wait3A_871 : memref<1x32x768xf32, #tpu.memory_space<vmem>> -> memref<32x768xf32, #tpu.memory_space<vmem>>
      tpu.wait_dma2 semaphore(%run_scoped3A_840 : memref<!tpu.dma_semaphore, #tpu.memory_space<semaphore_mem>>) src(%dma_wait3A_872 : memref<32x768xf32, #tpu.memory_space<vmem>>) dst(%dma_wait3A_868 : memref<32x768xf32, #tpu.memory_space<vmem_shared>>)
      tpu.yield
    }) : () -> ()
    %add3A_745 = arith.constant 32 : i32
    %add3A_746 = arith.addi %mul3A_2, %add3A_745 : i32
    %dma_start3A_747 = arith.constant 1 : i32
    %dma_start3A_748 = arith.constant 3072 : i32
    %dma_start3A_749 = tpu.memref_slice %arg4[%add3A_746, %dma_start3A_748] : memref<4096x3840xf32, #tpu.memory_space<hbm>> -> memref<32x768xf32, #tpu.memory_space<hbm>>
    %dma_start3A_750 = arith.constant 0 : i32
    %dma_start3A_751 = arith.constant 0 : i32
    %dma_start3A_752 = tpu.memref_slice %arg7[%arg1, %dma_start3A_747, %dma_start3A_750, %dma_start3A_751] : memref<16x2x32x768xf32, #tpu.memory_space<vmem_shared>> -> memref<1x1x32x768xf32, #tpu.memory_space<vmem_shared>>
    %dma_start3A_753 = tpu.memref_squeeze %dma_start3A_752 : memref<1x1x32x768xf32, #tpu.memory_space<vmem_shared>> -> memref<32x768xf32, #tpu.memory_space<vmem_shared>>
    tpu.enqueue_dma source(%dma_start3A_753 : memref<32x768xf32, #tpu.memory_space<vmem_shared>>) target(%dma_start3A_749 : memref<32x768xf32, #tpu.memory_space<hbm>>) target_semaphore(%arg11 : memref<!tpu.dma_semaphore, #tpu.memory_space<semaphore_mem>>)
    %dma_start3A_754 = arith.constant 4 : i32
    %dma_start3A_755 = arith.constant 1 : i32
    %dma_start3A_756 = arith.constant 0 : i32
    %dma_start3A_757 = arith.constant 0 : i32
    %dma_start3A_758 = tpu.memref_slice %arg6[%dma_start3A_755, %dma_start3A_756, %dma_start3A_757] : memref<2x32x768xf32, #tpu.memory_space<vmem>> -> memref<1x32x768xf32, #tpu.memory_space<vmem>>
    %dma_start3A_759 = tpu.memref_squeeze %dma_start3A_758 : memref<1x32x768xf32, #tpu.memory_space<vmem>> -> memref<32x768xf32, #tpu.memory_space<vmem>>
    %dma_start3A_760 = arith.constant 96 : i32
    %dma_start3A_761 = tpu.memref_slice %arg5[%dma_start3A_754, %dma_start3A_760] : memref<5x128xi32, #tpu.memory_space<vmem>> -> memref<1x32xi32, #tpu.memory_space<vmem>>
    %dma_start3A_762 = tpu.memref_squeeze %dma_start3A_761 : memref<1x32xi32, #tpu.memory_space<vmem>> -> memref<32xi32, #tpu.memory_space<vmem>>
    %dma_start3A_763 = arith.constant 0 : i32
    %dma_start3A_764 = arith.constant 0 : i32
    %dma_start3A_765 = tpu.memref_slice %arg2[%dma_start3A_763, %dma_start3A_764] : memref<848x768xf32, #tpu.memory_space<hbm>> -> memref<848x768xf32, #tpu.memory_space<hbm>>
    tpu.enqueue_indirect_dma source(%dma_start3A_765 : memref<848x768xf32, #tpu.memory_space<hbm>>) target(%dma_start3A_759 : memref<32x768xf32, #tpu.memory_space<vmem>>) offsets(%dma_start3A_762 : memref<32xi32, #tpu.memory_space<vmem>>) semaphore(%arg9 : memref<!tpu.dma_semaphore, #tpu.memory_space<semaphore_mem>>)
    %dma_wait3A_766 = arith.constant 4 : i32
    %dma_wait3A_767 = arith.constant 0 : i32
    %dma_wait3A_768 = arith.constant 0 : i32
    %dma_wait3A_769 = arith.constant 0 : i32
    %dma_wait3A_770 = tpu.memref_slice %arg6[%dma_wait3A_767, %dma_wait3A_768, %dma_wait3A_769] : memref<2x32x768xf32, #tpu.memory_space<vmem>> -> memref<1x32x768xf32, #tpu.memory_space<vmem>>
    %dma_wait3A_771 = tpu.memref_squeeze %dma_wait3A_770 : memref<1x32x768xf32, #tpu.memory_space<vmem>> -> memref<32x768xf32, #tpu.memory_space<vmem>>
    %dma_wait3A_772 = arith.constant 64 : i32
    %dma_wait3A_773 = tpu.memref_slice %arg5[%dma_wait3A_766, %dma_wait3A_772] : memref<5x128xi32, #tpu.memory_space<vmem>> -> memref<1x32xi32, #tpu.memory_space<vmem>>
    %dma_wait3A_774 = tpu.memref_squeeze %dma_wait3A_773 : memref<1x32xi32, #tpu.memory_space<vmem>> -> memref<32xi32, #tpu.memory_space<vmem>>
    %dma_wait3A_775 = arith.constant 0 : i32
    %dma_wait3A_776 = arith.constant 0 : i32
    %dma_wait3A_777 = tpu.memref_slice %arg2[%dma_wait3A_775, %dma_wait3A_776] : memref<848x768xf32, #tpu.memory_space<hbm>> -> memref<848x768xf32, #tpu.memory_space<hbm>>
    tpu.wait_indirect_dma semaphore(%arg8 : memref<!tpu.dma_semaphore, #tpu.memory_space<semaphore_mem>>) src(%dma_wait3A_777 : memref<848x768xf32, #tpu.memory_space<hbm>>) dst(%dma_wait3A_771 : memref<32x768xf32, #tpu.memory_space<vmem>>)
    %dma_wait3A_778 = arith.constant 0 : i32
    %dma_wait3A_779 = arith.constant 3072 : i32
    %dma_wait3A_780 = tpu.memref_slice %arg4[%add3A_704, %dma_wait3A_779] : memref<4096x3840xf32, #tpu.memory_space<hbm>> -> memref<32x768xf32, #tpu.memory_space<hbm>>
    %dma_wait3A_781 = arith.constant 0 : i32
    %dma_wait3A_782 = arith.constant 0 : i32
    %dma_wait3A_783 = tpu.memref_slice %arg7[%arg1, %dma_wait3A_778, %dma_wait3A_781, %dma_wait3A_782] : memref<16x2x32x768xf32, #tpu.memory_space<vmem_shared>> -> memref<1x1x32x768xf32, #tpu.memory_space<vmem_shared>>
    %dma_wait3A_784 = tpu.memref_squeeze %dma_wait3A_783 : memref<1x1x32x768xf32, #tpu.memory_space<vmem_shared>> -> memref<32x768xf32, #tpu.memory_space<vmem_shared>>
    tpu.wait_dma2 semaphore(%arg10 : memref<!tpu.dma_semaphore, #tpu.memory_space<semaphore_mem>>) src(%dma_wait3A_784 : memref<32x768xf32, #tpu.memory_space<vmem_shared>>) dst(%dma_wait3A_780 : memref<32x768xf32, #tpu.memory_space<hbm>>)
    %run_scoped3A_785 = arith.constant 0 : i32
    %run_scoped3A_786 = arith.constant 0 : i32
    "tpu.region"() ({
      %run_scoped3A_840 = tpu.sem_alloc : memref<!tpu.dma_semaphore, #tpu.memory_space<semaphore_mem>>
      %dma_start3A_841 = arith.constant 0 : i32
      %dma_start3A_842 = arith.constant 0 : i32
      %dma_start3A_843 = tpu.memref_slice %arg6[%run_scoped3A_785, %dma_start3A_841, %dma_start3A_842] : memref<2x32x768xf32, #tpu.memory_space<vmem>> -> memref<1x32x768xf32, #tpu.memory_space<vmem>>
      %dma_start3A_844 = tpu.memref_squeeze %dma_start3A_843 : memref<1x32x768xf32, #tpu.memory_space<vmem>> -> memref<32x768xf32, #tpu.memory_space<vmem>>
      %dma_start3A_845 = arith.constant 0 : i32
      %dma_start3A_846 = arith.constant 0 : i32
      %dma_start3A_847 = tpu.memref_slice %arg7[%arg1, %run_scoped3A_786, %dma_start3A_845, %dma_start3A_846] : memref<16x2x32x768xf32, #tpu.memory_space<vmem_shared>> -> memref<1x1x32x768xf32, #tpu.memory_space<vmem_shared>>
      %dma_start3A_848 = tpu.memref_squeeze %dma_start3A_847 : memref<1x1x32x768xf32, #tpu.memory_space<vmem_shared>> -> memref<32x768xf32, #tpu.memory_space<vmem_shared>>
      %dma_start3A_849 = arith.constant 0 : i32
      %dma_start3A_850 = arith.constant 0 : i32
      %dma_start3A_851 = tpu.memref_slice %arg7[%arg1, %run_scoped3A_786, %dma_start3A_849, %dma_start3A_850] : memref<16x2x32x768xf32, #tpu.memory_space<vmem_shared>> -> memref<1x1x32x768xf32, #tpu.memory_space<vmem_shared>>
      %dma_start3A_852 = tpu.memref_squeeze %dma_start3A_851 : memref<1x1x32x768xf32, #tpu.memory_space<vmem_shared>> -> memref<32x768xf32, #tpu.memory_space<vmem_shared>>
      %dma_start3A_853 = arith.constant 0 : i32
      %dma_start3A_854 = arith.constant 0 : i32
      %dma_start3A_855 = tpu.memref_slice %arg6[%run_scoped3A_785, %dma_start3A_853, %dma_start3A_854] : memref<2x32x768xf32, #tpu.memory_space<vmem>> -> memref<1x32x768xf32, #tpu.memory_space<vmem>>
      %dma_start3A_856 = tpu.memref_squeeze %dma_start3A_855 : memref<1x32x768xf32, #tpu.memory_space<vmem>> -> memref<32x768xf32, #tpu.memory_space<vmem>>
      tpu.enqueue_dma source(%dma_start3A_856 : memref<32x768xf32, #tpu.memory_space<vmem>>) target(%dma_start3A_852 : memref<32x768xf32, #tpu.memory_space<vmem_shared>>) target_semaphore(%run_scoped3A_840 : memref<!tpu.dma_semaphore, #tpu.memory_space<semaphore_mem>>)
      %dma_wait3A_857 = arith.constant 0 : i32
      %dma_wait3A_858 = arith.constant 0 : i32
      %dma_wait3A_859 = tpu.memref_slice %arg6[%run_scoped3A_785, %dma_wait3A_857, %dma_wait3A_858] : memref<2x32x768xf32, #tpu.memory_space<vmem>> -> memref<1x32x768xf32, #tpu.memory_space<vmem>>
      %dma_wait3A_860 = tpu.memref_squeeze %dma_wait3A_859 : memref<1x32x768xf32, #tpu.memory_space<vmem>> -> memref<32x768xf32, #tpu.memory_space<vmem>>
      %dma_wait3A_861 = arith.constant 0 : i32
      %dma_wait3A_862 = arith.constant 0 : i32
      %dma_wait3A_863 = tpu.memref_slice %arg7[%arg1, %run_scoped3A_786, %dma_wait3A_861, %dma_wait3A_862] : memref<16x2x32x768xf32, #tpu.memory_space<vmem_shared>> -> memref<1x1x32x768xf32, #tpu.memory_space<vmem_shared>>
      %dma_wait3A_864 = tpu.memref_squeeze %dma_wait3A_863 : memref<1x1x32x768xf32, #tpu.memory_space<vmem_shared>> -> memref<32x768xf32, #tpu.memory_space<vmem_shared>>
      %dma_wait3A_865 = arith.constant 0 : i32
      %dma_wait3A_866 = arith.constant 0 : i32
      %dma_wait3A_867 = tpu.memref_slice %arg7[%arg1, %run_scoped3A_786, %dma_wait3A_865, %dma_wait3A_866] : memref<16x2x32x768xf32, #tpu.memory_space<vmem_shared>> -> memref<1x1x32x768xf32, #tpu.memory_space<vmem_shared>>
      %dma_wait3A_868 = tpu.memref_squeeze %dma_wait3A_867 : memref<1x1x32x768xf32, #tpu.memory_space<vmem_shared>> -> memref<32x768xf32, #tpu.memory_space<vmem_shared>>
      %dma_wait3A_869 = arith.constant 0 : i32
      %dma_wait3A_870 = arith.constant 0 : i32
      %dma_wait3A_871 = tpu.memref_slice %arg6[%run_scoped3A_785, %dma_wait3A_869, %dma_wait3A_870] : memref<2x32x768xf32, #tpu.memory_space<vmem>> -> memref<1x32x768xf32, #tpu.memory_space<vmem>>
      %dma_wait3A_872 = tpu.memref_squeeze %dma_wait3A_871 : memref<1x32x768xf32, #tpu.memory_space<vmem>> -> memref<32x768xf32, #tpu.memory_space<vmem>>
      tpu.wait_dma2 semaphore(%run_scoped3A_840 : memref<!tpu.dma_semaphore, #tpu.memory_space<semaphore_mem>>) src(%dma_wait3A_872 : memref<32x768xf32, #tpu.memory_space<vmem>>) dst(%dma_wait3A_868 : memref<32x768xf32, #tpu.memory_space<vmem_shared>>)
      tpu.yield
    }) : () -> ()
    %add3A_787 = arith.constant 64 : i32
    %add3A_788 = arith.addi %mul3A_2, %add3A_787 : i32
    %dma_start3A_789 = arith.constant 0 : i32
    %dma_start3A_790 = arith.constant 3072 : i32
    %dma_start3A_791 = tpu.memref_slice %arg4[%add3A_788, %dma_start3A_790] : memref<4096x3840xf32, #tpu.memory_space<hbm>> -> memref<32x768xf32, #tpu.memory_space<hbm>>
    %dma_start3A_792 = arith.constant 0 : i32
    %dma_start3A_793 = arith.constant 0 : i32
    %dma_start3A_794 = tpu.memref_slice %arg7[%arg1, %dma_start3A_789, %dma_start3A_792, %dma_start3A_793] : memref<16x2x32x768xf32, #tpu.memory_space<vmem_shared>> -> memref<1x1x32x768xf32, #tpu.memory_space<vmem_shared>>
    %dma_start3A_795 = tpu.memref_squeeze %dma_start3A_794 : memref<1x1x32x768xf32, #tpu.memory_space<vmem_shared>> -> memref<32x768xf32, #tpu.memory_space<vmem_shared>>
    tpu.enqueue_dma source(%dma_start3A_795 : memref<32x768xf32, #tpu.memory_space<vmem_shared>>) target(%dma_start3A_791 : memref<32x768xf32, #tpu.memory_space<hbm>>) target_semaphore(%arg10 : memref<!tpu.dma_semaphore, #tpu.memory_space<semaphore_mem>>)
    %dma_wait3A_796 = arith.constant 4 : i32
    %dma_wait3A_797 = arith.constant 1 : i32
    %dma_wait3A_798 = arith.constant 0 : i32
    %dma_wait3A_799 = arith.constant 0 : i32
    %dma_wait3A_800 = tpu.memref_slice %arg6[%dma_wait3A_797, %dma_wait3A_798, %dma_wait3A_799] : memref<2x32x768xf32, #tpu.memory_space<vmem>> -> memref<1x32x768xf32, #tpu.memory_space<vmem>>
    %dma_wait3A_801 = tpu.memref_squeeze %dma_wait3A_800 : memref<1x32x768xf32, #tpu.memory_space<vmem>> -> memref<32x768xf32, #tpu.memory_space<vmem>>
    %dma_wait3A_802 = arith.constant 96 : i32
    %dma_wait3A_803 = tpu.memref_slice %arg5[%dma_wait3A_796, %dma_wait3A_802] : memref<5x128xi32, #tpu.memory_space<vmem>> -> memref<1x32xi32, #tpu.memory_space<vmem>>
    %dma_wait3A_804 = tpu.memref_squeeze %dma_wait3A_803 : memref<1x32xi32, #tpu.memory_space<vmem>> -> memref<32xi32, #tpu.memory_space<vmem>>
    %dma_wait3A_805 = arith.constant 0 : i32
    %dma_wait3A_806 = arith.constant 0 : i32
    %dma_wait3A_807 = tpu.memref_slice %arg2[%dma_wait3A_805, %dma_wait3A_806] : memref<848x768xf32, #tpu.memory_space<hbm>> -> memref<848x768xf32, #tpu.memory_space<hbm>>
    tpu.wait_indirect_dma semaphore(%arg9 : memref<!tpu.dma_semaphore, #tpu.memory_space<semaphore_mem>>) src(%dma_wait3A_807 : memref<848x768xf32, #tpu.memory_space<hbm>>) dst(%dma_wait3A_801 : memref<32x768xf32, #tpu.memory_space<vmem>>)
    %dma_wait3A_808 = arith.constant 1 : i32
    %dma_wait3A_809 = arith.constant 3072 : i32
    %dma_wait3A_810 = tpu.memref_slice %arg4[%add3A_746, %dma_wait3A_809] : memref<4096x3840xf32, #tpu.memory_space<hbm>> -> memref<32x768xf32, #tpu.memory_space<hbm>>
    %dma_wait3A_811 = arith.constant 0 : i32
    %dma_wait3A_812 = arith.constant 0 : i32
    %dma_wait3A_813 = tpu.memref_slice %arg7[%arg1, %dma_wait3A_808, %dma_wait3A_811, %dma_wait3A_812] : memref<16x2x32x768xf32, #tpu.memory_space<vmem_shared>> -> memref<1x1x32x768xf32, #tpu.memory_space<vmem_shared>>
    %dma_wait3A_814 = tpu.memref_squeeze %dma_wait3A_813 : memref<1x1x32x768xf32, #tpu.memory_space<vmem_shared>> -> memref<32x768xf32, #tpu.memory_space<vmem_shared>>
    tpu.wait_dma2 semaphore(%arg11 : memref<!tpu.dma_semaphore, #tpu.memory_space<semaphore_mem>>) src(%dma_wait3A_814 : memref<32x768xf32, #tpu.memory_space<vmem_shared>>) dst(%dma_wait3A_810 : memref<32x768xf32, #tpu.memory_space<hbm>>)
    %run_scoped3A_815 = arith.constant 1 : i32
    %run_scoped3A_816 = arith.constant 1 : i32
    "tpu.region"() ({
      %run_scoped3A_840 = tpu.sem_alloc : memref<!tpu.dma_semaphore, #tpu.memory_space<semaphore_mem>>
      %dma_start3A_841 = arith.constant 0 : i32
      %dma_start3A_842 = arith.constant 0 : i32
      %dma_start3A_843 = tpu.memref_slice %arg6[%run_scoped3A_815, %dma_start3A_841, %dma_start3A_842] : memref<2x32x768xf32, #tpu.memory_space<vmem>> -> memref<1x32x768xf32, #tpu.memory_space<vmem>>
      %dma_start3A_844 = tpu.memref_squeeze %dma_start3A_843 : memref<1x32x768xf32, #tpu.memory_space<vmem>> -> memref<32x768xf32, #tpu.memory_space<vmem>>
      %dma_start3A_845 = arith.constant 0 : i32
      %dma_start3A_846 = arith.constant 0 : i32
      %dma_start3A_847 = tpu.memref_slice %arg7[%arg1, %run_scoped3A_816, %dma_start3A_845, %dma_start3A_846] : memref<16x2x32x768xf32, #tpu.memory_space<vmem_shared>> -> memref<1x1x32x768xf32, #tpu.memory_space<vmem_shared>>
      %dma_start3A_848 = tpu.memref_squeeze %dma_start3A_847 : memref<1x1x32x768xf32, #tpu.memory_space<vmem_shared>> -> memref<32x768xf32, #tpu.memory_space<vmem_shared>>
      %dma_start3A_849 = arith.constant 0 : i32
      %dma_start3A_850 = arith.constant 0 : i32
      %dma_start3A_851 = tpu.memref_slice %arg7[%arg1, %run_scoped3A_816, %dma_start3A_849, %dma_start3A_850] : memref<16x2x32x768xf32, #tpu.memory_space<vmem_shared>> -> memref<1x1x32x768xf32, #tpu.memory_space<vmem_shared>>
      %dma_start3A_852 = tpu.memref_squeeze %dma_start3A_851 : memref<1x1x32x768xf32, #tpu.memory_space<vmem_shared>> -> memref<32x768xf32, #tpu.memory_space<vmem_shared>>
      %dma_start3A_853 = arith.constant 0 : i32
      %dma_start3A_854 = arith.constant 0 : i32
      %dma_start3A_855 = tpu.memref_slice %arg6[%run_scoped3A_815, %dma_start3A_853, %dma_start3A_854] : memref<2x32x768xf32, #tpu.memory_space<vmem>> -> memref<1x32x768xf32, #tpu.memory_space<vmem>>
      %dma_start3A_856 = tpu.memref_squeeze %dma_start3A_855 : memref<1x32x768xf32, #tpu.memory_space<vmem>> -> memref<32x768xf32, #tpu.memory_space<vmem>>
      tpu.enqueue_dma source(%dma_start3A_856 : memref<32x768xf32, #tpu.memory_space<vmem>>) target(%dma_start3A_852 : memref<32x768xf32, #tpu.memory_space<vmem_shared>>) target_semaphore(%run_scoped3A_840 : memref<!tpu.dma_semaphore, #tpu.memory_space<semaphore_mem>>)
      %dma_wait3A_857 = arith.constant 0 : i32
      %dma_wait3A_858 = arith.constant 0 : i32
      %dma_wait3A_859 = tpu.memref_slice %arg6[%run_scoped3A_815, %dma_wait3A_857, %dma_wait3A_858] : memref<2x32x768xf32, #tpu.memory_space<vmem>> -> memref<1x32x768xf32, #tpu.memory_space<vmem>>
      %dma_wait3A_860 = tpu.memref_squeeze %dma_wait3A_859 : memref<1x32x768xf32, #tpu.memory_space<vmem>> -> memref<32x768xf32, #tpu.memory_space<vmem>>
      %dma_wait3A_861 = arith.constant 0 : i32
      %dma_wait3A_862 = arith.constant 0 : i32
      %dma_wait3A_863 = tpu.memref_slice %arg7[%arg1, %run_scoped3A_816, %dma_wait3A_861, %dma_wait3A_862] : memref<16x2x32x768xf32, #tpu.memory_space<vmem_shared>> -> memref<1x1x32x768xf32, #tpu.memory_space<vmem_shared>>
      %dma_wait3A_864 = tpu.memref_squeeze %dma_wait3A_863 : memref<1x1x32x768xf32, #tpu.memory_space<vmem_shared>> -> memref<32x768xf32, #tpu.memory_space<vmem_shared>>
      %dma_wait3A_865 = arith.constant 0 : i32
      %dma_wait3A_866 = arith.constant 0 : i32
      %dma_wait3A_867 = tpu.memref_slice %arg7[%arg1, %run_scoped3A_816, %dma_wait3A_865, %dma_wait3A_866] : memref<16x2x32x768xf32, #tpu.memory_space<vmem_shared>> -> memref<1x1x32x768xf32, #tpu.memory_space<vmem_shared>>
      %dma_wait3A_868 = tpu.memref_squeeze %dma_wait3A_867 : memref<1x1x32x768xf32, #tpu.memory_space<vmem_shared>> -> memref<32x768xf32, #tpu.memory_space<vmem_shared>>
      %dma_wait3A_869 = arith.constant 0 : i32
      %dma_wait3A_870 = arith.constant 0 : i32
      %dma_wait3A_871 = tpu.memref_slice %arg6[%run_scoped3A_815, %dma_wait3A_869, %dma_wait3A_870] : memref<2x32x768xf32, #tpu.memory_space<vmem>> -> memref<1x32x768xf32, #tpu.memory_space<vmem>>
      %dma_wait3A_872 = tpu.memref_squeeze %dma_wait3A_871 : memref<1x32x768xf32, #tpu.memory_space<vmem>> -> memref<32x768xf32, #tpu.memory_space<vmem>>
      tpu.wait_dma2 semaphore(%run_scoped3A_840 : memref<!tpu.dma_semaphore, #tpu.memory_space<semaphore_mem>>) src(%dma_wait3A_872 : memref<32x768xf32, #tpu.memory_space<vmem>>) dst(%dma_wait3A_868 : memref<32x768xf32, #tpu.memory_space<vmem_shared>>)
      tpu.yield
    }) : () -> ()
    %add3A_817 = arith.constant 96 : i32
    %add3A_818 = arith.addi %mul3A_2, %add3A_817 : i32
    %dma_start3A_819 = arith.constant 1 : i32
    %dma_start3A_820 = arith.constant 3072 : i32
    %dma_start3A_821 = tpu.memref_slice %arg4[%add3A_818, %dma_start3A_820] : memref<4096x3840xf32, #tpu.memory_space<hbm>> -> memref<32x768xf32, #tpu.memory_space<hbm>>
    %dma_start3A_822 = arith.constant 0 : i32
    %dma_start3A_823 = arith.constant 0 : i32
    %dma_start3A_824 = tpu.memref_slice %arg7[%arg1, %dma_start3A_819, %dma_start3A_822, %dma_start3A_823] : memref<16x2x32x768xf32, #tpu.memory_space<vmem_shared>> -> memref<1x1x32x768xf32, #tpu.memory_space<vmem_shared>>
    %dma_start3A_825 = tpu.memref_squeeze %dma_start3A_824 : memref<1x1x32x768xf32, #tpu.memory_space<vmem_shared>> -> memref<32x768xf32, #tpu.memory_space<vmem_shared>>
    tpu.enqueue_dma source(%dma_start3A_825 : memref<32x768xf32, #tpu.memory_space<vmem_shared>>) target(%dma_start3A_821 : memref<32x768xf32, #tpu.memory_space<hbm>>) target_semaphore(%arg11 : memref<!tpu.dma_semaphore, #tpu.memory_space<semaphore_mem>>)
    %dma_wait3A_826 = arith.constant 0 : i32
    %dma_wait3A_827 = arith.constant 3072 : i32
    %dma_wait3A_828 = tpu.memref_slice %arg4[%add3A_788, %dma_wait3A_827] : memref<4096x3840xf32, #tpu.memory_space<hbm>> -> memref<32x768xf32, #tpu.memory_space<hbm>>
    %dma_wait3A_829 = arith.constant 0 : i32
    %dma_wait3A_830 = arith.constant 0 : i32
    %dma_wait3A_831 = tpu.memref_slice %arg7[%arg1, %dma_wait3A_826, %dma_wait3A_829, %dma_wait3A_830] : memref<16x2x32x768xf32, #tpu.memory_space<vmem_shared>> -> memref<1x1x32x768xf32, #tpu.memory_space<vmem_shared>>
    %dma_wait3A_832 = tpu.memref_squeeze %dma_wait3A_831 : memref<1x1x32x768xf32, #tpu.memory_space<vmem_shared>> -> memref<32x768xf32, #tpu.memory_space<vmem_shared>>
    tpu.wait_dma2 semaphore(%arg10 : memref<!tpu.dma_semaphore, #tpu.memory_space<semaphore_mem>>) src(%dma_wait3A_832 : memref<32x768xf32, #tpu.memory_space<vmem_shared>>) dst(%dma_wait3A_828 : memref<32x768xf32, #tpu.memory_space<hbm>>)
    %dma_wait3A_833 = arith.constant 1 : i32
    %dma_wait3A_834 = arith.constant 3072 : i32
    %dma_wait3A_835 = tpu.memref_slice %arg4[%add3A_818, %dma_wait3A_834] : memref<4096x3840xf32, #tpu.memory_space<hbm>> -> memref<32x768xf32, #tpu.memory_space<hbm>>
    %dma_wait3A_836 = arith.constant 0 : i32
    %dma_wait3A_837 = arith.constant 0 : i32
    %dma_wait3A_838 = tpu.memref_slice %arg7[%arg1, %dma_wait3A_833, %dma_wait3A_836, %dma_wait3A_837] : memref<16x2x32x768xf32, #tpu.memory_space<vmem_shared>> -> memref<1x1x32x768xf32, #tpu.memory_space<vmem_shared>>
    %dma_wait3A_839 = tpu.memref_squeeze %dma_wait3A_838 : memref<1x1x32x768xf32, #tpu.memory_space<vmem_shared>> -> memref<32x768xf32, #tpu.memory_space<vmem_shared>>
    tpu.wait_dma2 semaphore(%arg11 : memref<!tpu.dma_semaphore, #tpu.memory_space<semaphore_mem>>) src(%dma_wait3A_839 : memref<32x768xf32, #tpu.memory_space<vmem_shared>>) dst(%dma_wait3A_835 : memref<32x768xf32, #tpu.memory_space<hbm>>)
    return
  }
}

module attributes {stable_mosaic.version = 14 : i64} {
  func.func @_tc_pool_body(%arg0: memref<768x1024xf32, #tpu.memory_space<vmem>>, %arg1: memref<4096x8xi32, #tpu.memory_space<vmem>>, %arg2: memref<848x768xf32, #tpu.memory_space<vmem>>, %arg3: memref<5x4096xi32, #tpu.memory_space<vmem>>) attributes {dimension_semantics = [], scalar_prefetch = 0 : i64, scratch_operands = 0 : i64, tpu.core_type = #tpu.core_type<tc>} {
    %get3A = arith.constant 0 : index
    %get3A_0 = arith.constant 0 : index
    %get3A_1 = vector.load %arg0[%get3A, %get3A_0] : memref<768x1024xf32, #tpu.memory_space<vmem>>, vector<768x1024xf32>
    %iota3A = tpu.iota {dimensions = array<i32: 0>} : vector<848x1024xi32>
    %iota3A_2 = tpu.iota {dimensions = array<i32: 1>} : vector<848x1024xi32>
    %jit3A = arith.constant 29 : i32
    %div3A = vector.broadcast %jit3A : i32 to vector<848x1024xi32>
    %div3A_3 = arith.divsi %iota3A, %div3A : vector<848x1024xi32>
    %sign3A = arith.constant 0 : i32
    %sign3A_4 = vector.broadcast %sign3A : i32 to vector<848x1024xi32>
    %sign3A_5 = arith.cmpi sgt, %iota3A, %sign3A_4 : vector<848x1024xi32>
    %sign3A_6 = arith.extui %sign3A_5 : vector<848x1024xi1> to vector<848x1024xi32>
    %sign3A_7 = arith.constant 0 : i32
    %sign3A_8 = vector.broadcast %sign3A_7 : i32 to vector<848x1024xi32>
    %sign3A_9 = arith.cmpi slt, %iota3A, %sign3A_8 : vector<848x1024xi32>
    %sign3A_10 = arith.extui %sign3A_9 : vector<848x1024xi1> to vector<848x1024xi32>
    %sign3A_11 = arith.subi %sign3A_6, %sign3A_10 : vector<848x1024xi32>
    %sign3A_12 = arith.constant 0 : i32
    %sign3A_13 = arith.cmpi sgt, %jit3A, %sign3A_12 : i32
    %sign3A_14 = arith.extui %sign3A_13 : i1 to i32
    %sign3A_15 = arith.constant 0 : i32
    %sign3A_16 = arith.cmpi slt, %jit3A, %sign3A_15 : i32
    %sign3A_17 = arith.extui %sign3A_16 : i1 to i32
    %sign3A_18 = arith.subi %sign3A_14, %sign3A_17 : i32
    %ne3A = vector.broadcast %sign3A_18 : i32 to vector<848x1024xi32>
    %ne3A_19 = arith.cmpi ne, %sign3A_11, %ne3A : vector<848x1024xi32>
    %rem3A = vector.broadcast %jit3A : i32 to vector<848x1024xi32>
    %rem3A_20 = arith.remsi %iota3A, %rem3A : vector<848x1024xi32>
    %ne3A_21 = arith.constant 0 : i32
    %ne3A_22 = vector.broadcast %ne3A_21 : i32 to vector<848x1024xi32>
    %ne3A_23 = arith.cmpi ne, %rem3A_20, %ne3A_22 : vector<848x1024xi32>
    %and3A = arith.andi %ne3A_19, %ne3A_23 : vector<848x1024xi1>
    %sub3A = arith.constant 1 : i32
    %sub3A_24 = vector.broadcast %sub3A : i32 to vector<848x1024xi32>
    %sub3A_25 = arith.subi %div3A_3, %sub3A_24 : vector<848x1024xi32>
    %select_n3A = arith.select %and3A, %sub3A_25, %div3A_3 : vector<848x1024xi1>, vector<848x1024xi32>
    %jit3A_26 = arith.constant 29 : i32
    %eq3A = arith.constant 0 : i32
    %eq3A_27 = arith.cmpi eq, %jit3A_26, %eq3A : i32
    %jit3A_28 = arith.constant 1 : i32
    %select_n3A_29 = arith.select %eq3A_27, %jit3A_28, %jit3A_26 : i32
    %rem3A_30 = vector.broadcast %select_n3A_29 : i32 to vector<848x1024xi32>
    %rem3A_31 = arith.remsi %iota3A, %rem3A_30 : vector<848x1024xi32>
    %ne3A_32 = arith.constant 0 : i32
    %ne3A_33 = vector.broadcast %ne3A_32 : i32 to vector<848x1024xi32>
    %ne3A_34 = arith.cmpi ne, %rem3A_31, %ne3A_33 : vector<848x1024xi32>
    %lt3A = arith.constant 0 : i32
    %lt3A_35 = vector.broadcast %lt3A : i32 to vector<848x1024xi32>
    %lt3A_36 = arith.cmpi slt, %rem3A_31, %lt3A_35 : vector<848x1024xi32>
    %lt3A_37 = arith.constant 0 : i32
    %lt3A_38 = arith.cmpi slt, %select_n3A_29, %lt3A_37 : i32
    %ne3A_39 = vector.broadcast %lt3A_38 : i1 to vector<848x1024xi1>
    %ne3A_40 = vector.broadcast %ne3A_39 : vector<848x1024xi1> to vector<848x1024xi1>
    %ne3A_41 = arith.xori %lt3A_36, %ne3A_40 : vector<848x1024xi1>
    %and3A_42 = arith.andi %ne3A_41, %ne3A_34 : vector<848x1024xi1>
    %add3A = vector.broadcast %select_n3A_29 : i32 to vector<848x1024xi32>
    %add3A_43 = arith.addi %rem3A_31, %add3A : vector<848x1024xi32>
    %select_n3A_44 = arith.select %and3A_42, %add3A_43, %rem3A_31 : vector<848x1024xi1>, vector<848x1024xi32>
    %jit3A_45 = arith.constant 32 : i32
    %div3A_46 = vector.broadcast %jit3A_45 : i32 to vector<848x1024xi32>
    %div3A_47 = arith.divsi %iota3A_2, %div3A_46 : vector<848x1024xi32>
    %sign3A_48 = arith.constant 0 : i32
    %sign3A_49 = vector.broadcast %sign3A_48 : i32 to vector<848x1024xi32>
    %sign3A_50 = arith.cmpi sgt, %iota3A_2, %sign3A_49 : vector<848x1024xi32>
    %sign3A_51 = arith.extui %sign3A_50 : vector<848x1024xi1> to vector<848x1024xi32>
    %sign3A_52 = arith.constant 0 : i32
    %sign3A_53 = vector.broadcast %sign3A_52 : i32 to vector<848x1024xi32>
    %sign3A_54 = arith.cmpi slt, %iota3A_2, %sign3A_53 : vector<848x1024xi32>
    %sign3A_55 = arith.extui %sign3A_54 : vector<848x1024xi1> to vector<848x1024xi32>
    %sign3A_56 = arith.subi %sign3A_51, %sign3A_55 : vector<848x1024xi32>
    %sign3A_57 = arith.constant 0 : i32
    %sign3A_58 = arith.cmpi sgt, %jit3A_45, %sign3A_57 : i32
    %sign3A_59 = arith.extui %sign3A_58 : i1 to i32
    %sign3A_60 = arith.constant 0 : i32
    %sign3A_61 = arith.cmpi slt, %jit3A_45, %sign3A_60 : i32
    %sign3A_62 = arith.extui %sign3A_61 : i1 to i32
    %sign3A_63 = arith.subi %sign3A_59, %sign3A_62 : i32
    %ne3A_64 = vector.broadcast %sign3A_63 : i32 to vector<848x1024xi32>
    %ne3A_65 = arith.cmpi ne, %sign3A_56, %ne3A_64 : vector<848x1024xi32>
    %rem3A_66 = vector.broadcast %jit3A_45 : i32 to vector<848x1024xi32>
    %rem3A_67 = arith.remsi %iota3A_2, %rem3A_66 : vector<848x1024xi32>
    %ne3A_68 = arith.constant 0 : i32
    %ne3A_69 = vector.broadcast %ne3A_68 : i32 to vector<848x1024xi32>
    %ne3A_70 = arith.cmpi ne, %rem3A_67, %ne3A_69 : vector<848x1024xi32>
    %and3A_71 = arith.andi %ne3A_65, %ne3A_70 : vector<848x1024xi1>
    %sub3A_72 = arith.constant 1 : i32
    %sub3A_73 = vector.broadcast %sub3A_72 : i32 to vector<848x1024xi32>
    %sub3A_74 = arith.subi %div3A_47, %sub3A_73 : vector<848x1024xi32>
    %select_n3A_75 = arith.select %and3A_71, %sub3A_74, %div3A_47 : vector<848x1024xi1>, vector<848x1024xi32>
    %jit3A_76 = arith.constant 32 : i32
    %eq3A_77 = arith.constant 0 : i32
    %eq3A_78 = arith.cmpi eq, %jit3A_76, %eq3A_77 : i32
    %jit3A_79 = arith.constant 1 : i32
    %select_n3A_80 = arith.select %eq3A_78, %jit3A_79, %jit3A_76 : i32
    %rem3A_81 = vector.broadcast %select_n3A_80 : i32 to vector<848x1024xi32>
    %rem3A_82 = arith.remsi %iota3A_2, %rem3A_81 : vector<848x1024xi32>
    %ne3A_83 = arith.constant 0 : i32
    %ne3A_84 = vector.broadcast %ne3A_83 : i32 to vector<848x1024xi32>
    %ne3A_85 = arith.cmpi ne, %rem3A_82, %ne3A_84 : vector<848x1024xi32>
    %lt3A_86 = arith.constant 0 : i32
    %lt3A_87 = vector.broadcast %lt3A_86 : i32 to vector<848x1024xi32>
    %lt3A_88 = arith.cmpi slt, %rem3A_82, %lt3A_87 : vector<848x1024xi32>
    %lt3A_89 = arith.constant 0 : i32
    %lt3A_90 = arith.cmpi slt, %select_n3A_80, %lt3A_89 : i32
    %ne3A_91 = vector.broadcast %lt3A_90 : i1 to vector<848x1024xi1>
    %ne3A_92 = vector.broadcast %ne3A_91 : vector<848x1024xi1> to vector<848x1024xi1>
    %ne3A_93 = arith.xori %lt3A_88, %ne3A_92 : vector<848x1024xi1>
    %and3A_94 = arith.andi %ne3A_93, %ne3A_85 : vector<848x1024xi1>
    %add3A_95 = vector.broadcast %select_n3A_80 : i32 to vector<848x1024xi32>
    %add3A_96 = arith.addi %rem3A_82, %add3A_95 : vector<848x1024xi32>
    %select_n3A_97 = arith.select %and3A_94, %add3A_96, %rem3A_82 : vector<848x1024xi1>, vector<848x1024xi32>
    %sub3A_98 = arith.subi %select_n3A_75, %select_n3A : vector<848x1024xi32>
    %sub3A_99 = arith.subi %select_n3A_97, %select_n3A_44 : vector<848x1024xi32>
    %ge3A = arith.constant 0 : i32
    %ge3A_100 = vector.broadcast %ge3A : i32 to vector<848x1024xi32>
    %ge3A_101 = arith.cmpi sge, %sub3A_98, %ge3A_100 : vector<848x1024xi32>
    %lt3A_102 = arith.constant 4 : i32
    %lt3A_103 = vector.broadcast %lt3A_102 : i32 to vector<848x1024xi32>
    %lt3A_104 = arith.cmpi slt, %sub3A_98, %lt3A_103 : vector<848x1024xi32>
    %and3A_105 = arith.andi %ge3A_101, %lt3A_104 : vector<848x1024xi1>
    %ge3A_106 = arith.constant 0 : i32
    %ge3A_107 = vector.broadcast %ge3A_106 : i32 to vector<848x1024xi32>
    %ge3A_108 = arith.cmpi sge, %sub3A_99, %ge3A_107 : vector<848x1024xi32>
    %and3A_109 = arith.andi %and3A_105, %ge3A_108 : vector<848x1024xi1>
    %lt3A_110 = arith.constant 4 : i32
    %lt3A_111 = vector.broadcast %lt3A_110 : i32 to vector<848x1024xi32>
    %lt3A_112 = arith.cmpi slt, %sub3A_99, %lt3A_111 : vector<848x1024xi32>
    %and3A_113 = arith.andi %and3A_109, %lt3A_112 : vector<848x1024xi1>
    %convert_element_type3A = arith.extui %and3A_113 : vector<848x1024xi1> to vector<848x1024xi32>
    %convert_element_type3A_114 = arith.sitofp %convert_element_type3A : vector<848x1024xi32> to vector<848x1024xf32>
    %dot_general3A = arith.constant dense<0.000000e+00> : vector<848x768xf32>
    %dot_general3A_115 = tpu.matmul %convert_element_type3A_114, %get3A_1, %dot_general3A {dimension_numbers = #tpu.dot_dimension_numbers<[1], [1], [0], [0], [0, 0, 1, 0], [], []>, transpose_lhs_hint = false} : vector<848x1024xf32>, vector<768x1024xf32>, vector<848x768xf32> -> vector<848x768xf32>
    %mul3A = arith.constant 6.250000e-02 : f32
    %mul3A_116 = vector.broadcast %mul3A : f32 to vector<848x768xf32>
    %mul3A_117 = arith.mulf %dot_general3A_115, %mul3A_116 : vector<848x768xf32>
    %swap3A = arith.constant 0 : index
    %swap3A_118 = arith.constant 0 : index
    %swap3A_119 = vector.load %arg2[%swap3A, %swap3A_118] : memref<848x768xf32, #tpu.memory_space<vmem>>, vector<848x768xf32>
    tpu.vector_store %arg2[%swap3A, %swap3A_118], %mul3A_117 {strides = array<i32>} : memref<848x768xf32, #tpu.memory_space<vmem>>, vector<848x768xf32>,
    %get3A_120 = arith.constant 0 : index
    %get3A_121 = arith.constant 0 : index
    %get3A_122 = vector.load %arg1[%get3A_120, %get3A_121] : memref<4096x8xi32, #tpu.memory_space<vmem>>, vector<4096x8xi32>
    %transpose3A = tpu.transpose %get3A_122, [1, 0] : vector<4096x8xi32> -> vector<8x4096xi32>
    %slice3A = vector.extract_strided_slice %transpose3A {offsets = [0, 0], sizes = [1, 4096], strides = [1, 1]} : vector<8x4096xi32> to vector<1x4096xi32>
    %slice3A_123 = vector.extract_strided_slice %transpose3A {offsets = [1, 0], sizes = [1, 4096], strides = [1, 1]} : vector<8x4096xi32> to vector<1x4096xi32>
    %slice3A_124 = vector.extract_strided_slice %transpose3A {offsets = [2, 0], sizes = [1, 4096], strides = [1, 1]} : vector<8x4096xi32> to vector<1x4096xi32>
    %slice3A_125 = vector.extract_strided_slice %transpose3A {offsets = [3, 0], sizes = [1, 4096], strides = [1, 1]} : vector<8x4096xi32> to vector<1x4096xi32>
    %slice3A_126 = vector.extract_strided_slice %transpose3A {offsets = [4, 0], sizes = [1, 4096], strides = [1, 1]} : vector<8x4096xi32> to vector<1x4096xi32>
    %slice3A_127 = vector.extract_strided_slice %transpose3A {offsets = [5, 0], sizes = [1, 4096], strides = [1, 1]} : vector<8x4096xi32> to vector<1x4096xi32>
    %slice3A_128 = vector.extract_strided_slice %transpose3A {offsets = [6, 0], sizes = [1, 4096], strides = [1, 1]} : vector<8x4096xi32> to vector<1x4096xi32>
    %slice3A_129 = vector.extract_strided_slice %transpose3A {offsets = [7, 0], sizes = [1, 4096], strides = [1, 1]} : vector<8x4096xi32> to vector<1x4096xi32>
    %add3A_130 = arith.addi %slice3A, %slice3A_124 : vector<1x4096xi32>
    %add3A_131 = arith.addi %slice3A_123, %slice3A_125 : vector<1x4096xi32>
    %add3A_132 = arith.addi %slice3A_124, %slice3A_126 : vector<1x4096xi32>
    %add3A_133 = arith.addi %slice3A_125, %slice3A_127 : vector<1x4096xi32>
    %add3A_134 = arith.addi %slice3A_126, %slice3A_128 : vector<1x4096xi32>
    %add3A_135 = arith.addi %slice3A_127, %slice3A_129 : vector<1x4096xi32>
    %add3A_136 = arith.addi %slice3A_128, %slice3A : vector<1x4096xi32>
    %add3A_137 = arith.addi %slice3A_129, %slice3A_123 : vector<1x4096xi32>
    %add3A_138 = arith.addi %slice3A, %slice3A_124 : vector<1x4096xi32>
    %add3A_139 = arith.addi %add3A_138, %slice3A_126 : vector<1x4096xi32>
    %add3A_140 = arith.addi %add3A_139, %slice3A_128 : vector<1x4096xi32>
    %add3A_141 = arith.addi %slice3A_123, %slice3A_125 : vector<1x4096xi32>
    %add3A_142 = arith.addi %add3A_141, %slice3A_127 : vector<1x4096xi32>
    %add3A_143 = arith.addi %add3A_142, %slice3A_129 : vector<1x4096xi32>
    %add3A_144 = arith.constant 31 : i32
    %add3A_145 = vector.broadcast %add3A_144 : i32 to vector<1x4096xi32>
    %add3A_146 = arith.addi %add3A_130, %add3A_145 : vector<1x4096xi32>
    %shift_right_arithmetic3A = arith.constant 5 : i32
    %shift_right_arithmetic3A_147 = vector.broadcast %shift_right_arithmetic3A : i32 to vector<1x4096xi32>
    %shift_right_arithmetic3A_148 = arith.shrsi %add3A_146, %shift_right_arithmetic3A_147 : vector<1x4096xi32>
    %jit3A_149 = arith.constant 2 : i32
    %jit3A_150 = arith.constant 30 : i32
    %max3A = vector.broadcast %jit3A_149 : i32 to vector<1x4096xi32>
    %max3A_151 = arith.maxsi %max3A, %shift_right_arithmetic3A_148 : vector<1x4096xi32>
    %min3A = vector.broadcast %jit3A_150 : i32 to vector<1x4096xi32>
    %min3A_152 = arith.minsi %min3A, %max3A_151 : vector<1x4096xi32>
    %add3A_153 = arith.constant 31 : i32
    %add3A_154 = vector.broadcast %add3A_153 : i32 to vector<1x4096xi32>
    %add3A_155 = arith.addi %add3A_131, %add3A_154 : vector<1x4096xi32>
    %shift_right_arithmetic3A_156 = arith.constant 5 : i32
    %shift_right_arithmetic3A_157 = vector.broadcast %shift_right_arithmetic3A_156 : i32 to vector<1x4096xi32>
    %shift_right_arithmetic3A_158 = arith.shrsi %add3A_155, %shift_right_arithmetic3A_157 : vector<1x4096xi32>
    %jit3A_159 = arith.constant 2 : i32
    %jit3A_160 = arith.constant 30 : i32
    %max3A_161 = vector.broadcast %jit3A_159 : i32 to vector<1x4096xi32>
    %max3A_162 = arith.maxsi %max3A_161, %shift_right_arithmetic3A_158 : vector<1x4096xi32>
    %min3A_163 = vector.broadcast %jit3A_160 : i32 to vector<1x4096xi32>
    %min3A_164 = arith.minsi %min3A_163, %max3A_162 : vector<1x4096xi32>
    %sub3A_165 = arith.constant 2 : i32
    %sub3A_166 = vector.broadcast %sub3A_165 : i32 to vector<1x4096xi32>
    %sub3A_167 = arith.subi %min3A_164, %sub3A_166 : vector<1x4096xi32>
    %mul3A_168 = arith.constant 29 : i32
    %mul3A_169 = vector.broadcast %mul3A_168 : i32 to vector<1x4096xi32>
    %mul3A_170 = arith.muli %sub3A_167, %mul3A_169 : vector<1x4096xi32>
    %sub3A_171 = arith.constant 2 : i32
    %sub3A_172 = vector.broadcast %sub3A_171 : i32 to vector<1x4096xi32>
    %sub3A_173 = arith.subi %min3A_152, %sub3A_172 : vector<1x4096xi32>
    %add3A_174 = arith.addi %mul3A_170, %sub3A_173 : vector<1x4096xi32>
    %add3A_175 = arith.constant 31 : i32
    %add3A_176 = vector.broadcast %add3A_175 : i32 to vector<1x4096xi32>
    %add3A_177 = arith.addi %add3A_132, %add3A_176 : vector<1x4096xi32>
    %shift_right_arithmetic3A_178 = arith.constant 5 : i32
    %shift_right_arithmetic3A_179 = vector.broadcast %shift_right_arithmetic3A_178 : i32 to vector<1x4096xi32>
    %shift_right_arithmetic3A_180 = arith.shrsi %add3A_177, %shift_right_arithmetic3A_179 : vector<1x4096xi32>
    %jit3A_181 = arith.constant 2 : i32
    %jit3A_182 = arith.constant 30 : i32
    %max3A_183 = vector.broadcast %jit3A_181 : i32 to vector<1x4096xi32>
    %max3A_184 = arith.maxsi %max3A_183, %shift_right_arithmetic3A_180 : vector<1x4096xi32>
    %min3A_185 = vector.broadcast %jit3A_182 : i32 to vector<1x4096xi32>
    %min3A_186 = arith.minsi %min3A_185, %max3A_184 : vector<1x4096xi32>
    %add3A_187 = arith.constant 31 : i32
    %add3A_188 = vector.broadcast %add3A_187 : i32 to vector<1x4096xi32>
    %add3A_189 = arith.addi %add3A_133, %add3A_188 : vector<1x4096xi32>
    %shift_right_arithmetic3A_190 = arith.constant 5 : i32
    %shift_right_arithmetic3A_191 = vector.broadcast %shift_right_arithmetic3A_190 : i32 to vector<1x4096xi32>
    %shift_right_arithmetic3A_192 = arith.shrsi %add3A_189, %shift_right_arithmetic3A_191 : vector<1x4096xi32>
    %jit3A_193 = arith.constant 2 : i32
    %jit3A_194 = arith.constant 30 : i32
    %max3A_195 = vector.broadcast %jit3A_193 : i32 to vector<1x4096xi32>
    %max3A_196 = arith.maxsi %max3A_195, %shift_right_arithmetic3A_192 : vector<1x4096xi32>
    %min3A_197 = vector.broadcast %jit3A_194 : i32 to vector<1x4096xi32>
    %min3A_198 = arith.minsi %min3A_197, %max3A_196 : vector<1x4096xi32>
    %sub3A_199 = arith.constant 2 : i32
    %sub3A_200 = vector.broadcast %sub3A_199 : i32 to vector<1x4096xi32>
    %sub3A_201 = arith.subi %min3A_198, %sub3A_200 : vector<1x4096xi32>
    %mul3A_202 = arith.constant 29 : i32
    %mul3A_203 = vector.broadcast %mul3A_202 : i32 to vector<1x4096xi32>
    %mul3A_204 = arith.muli %sub3A_201, %mul3A_203 : vector<1x4096xi32>
    %sub3A_205 = arith.constant 2 : i32
    %sub3A_206 = vector.broadcast %sub3A_205 : i32 to vector<1x4096xi32>
    %sub3A_207 = arith.subi %min3A_186, %sub3A_206 : vector<1x4096xi32>
    %add3A_208 = arith.addi %mul3A_204, %sub3A_207 : vector<1x4096xi32>
    %add3A_209 = arith.constant 31 : i32
    %add3A_210 = vector.broadcast %add3A_209 : i32 to vector<1x4096xi32>
    %add3A_211 = arith.addi %add3A_134, %add3A_210 : vector<1x4096xi32>
    %shift_right_arithmetic3A_212 = arith.constant 5 : i32
    %shift_right_arithmetic3A_213 = vector.broadcast %shift_right_arithmetic3A_212 : i32 to vector<1x4096xi32>
    %shift_right_arithmetic3A_214 = arith.shrsi %add3A_211, %shift_right_arithmetic3A_213 : vector<1x4096xi32>
    %jit3A_215 = arith.constant 2 : i32
    %jit3A_216 = arith.constant 30 : i32
    %max3A_217 = vector.broadcast %jit3A_215 : i32 to vector<1x4096xi32>
    %max3A_218 = arith.maxsi %max3A_217, %shift_right_arithmetic3A_214 : vector<1x4096xi32>
    %min3A_219 = vector.broadcast %jit3A_216 : i32 to vector<1x4096xi32>
    %min3A_220 = arith.minsi %min3A_219, %max3A_218 : vector<1x4096xi32>
    %add3A_221 = arith.constant 31 : i32
    %add3A_222 = vector.broadcast %add3A_221 : i32 to vector<1x4096xi32>
    %add3A_223 = arith.addi %add3A_135, %add3A_222 : vector<1x4096xi32>
    %shift_right_arithmetic3A_224 = arith.constant 5 : i32
    %shift_right_arithmetic3A_225 = vector.broadcast %shift_right_arithmetic3A_224 : i32 to vector<1x4096xi32>
    %shift_right_arithmetic3A_226 = arith.shrsi %add3A_223, %shift_right_arithmetic3A_225 : vector<1x4096xi32>
    %jit3A_227 = arith.constant 2 : i32
    %jit3A_228 = arith.constant 30 : i32
    %max3A_229 = vector.broadcast %jit3A_227 : i32 to vector<1x4096xi32>
    %max3A_230 = arith.maxsi %max3A_229, %shift_right_arithmetic3A_226 : vector<1x4096xi32>
    %min3A_231 = vector.broadcast %jit3A_228 : i32 to vector<1x4096xi32>
    %min3A_232 = arith.minsi %min3A_231, %max3A_230 : vector<1x4096xi32>
    %sub3A_233 = arith.constant 2 : i32
    %sub3A_234 = vector.broadcast %sub3A_233 : i32 to vector<1x4096xi32>
    %sub3A_235 = arith.subi %min3A_232, %sub3A_234 : vector<1x4096xi32>
    %mul3A_236 = arith.constant 29 : i32
    %mul3A_237 = vector.broadcast %mul3A_236 : i32 to vector<1x4096xi32>
    %mul3A_238 = arith.muli %sub3A_235, %mul3A_237 : vector<1x4096xi32>
    %sub3A_239 = arith.constant 2 : i32
    %sub3A_240 = vector.broadcast %sub3A_239 : i32 to vector<1x4096xi32>
    %sub3A_241 = arith.subi %min3A_220, %sub3A_240 : vector<1x4096xi32>
    %add3A_242 = arith.addi %mul3A_238, %sub3A_241 : vector<1x4096xi32>
    %add3A_243 = arith.constant 31 : i32
    %add3A_244 = vector.broadcast %add3A_243 : i32 to vector<1x4096xi32>
    %add3A_245 = arith.addi %add3A_136, %add3A_244 : vector<1x4096xi32>
    %shift_right_arithmetic3A_246 = arith.constant 5 : i32
    %shift_right_arithmetic3A_247 = vector.broadcast %shift_right_arithmetic3A_246 : i32 to vector<1x4096xi32>
    %shift_right_arithmetic3A_248 = arith.shrsi %add3A_245, %shift_right_arithmetic3A_247 : vector<1x4096xi32>
    %jit3A_249 = arith.constant 2 : i32
    %jit3A_250 = arith.constant 30 : i32
    %max3A_251 = vector.broadcast %jit3A_249 : i32 to vector<1x4096xi32>
    %max3A_252 = arith.maxsi %max3A_251, %shift_right_arithmetic3A_248 : vector<1x4096xi32>
    %min3A_253 = vector.broadcast %jit3A_250 : i32 to vector<1x4096xi32>
    %min3A_254 = arith.minsi %min3A_253, %max3A_252 : vector<1x4096xi32>
    %add3A_255 = arith.constant 31 : i32
    %add3A_256 = vector.broadcast %add3A_255 : i32 to vector<1x4096xi32>
    %add3A_257 = arith.addi %add3A_137, %add3A_256 : vector<1x4096xi32>
    %shift_right_arithmetic3A_258 = arith.constant 5 : i32
    %shift_right_arithmetic3A_259 = vector.broadcast %shift_right_arithmetic3A_258 : i32 to vector<1x4096xi32>
    %shift_right_arithmetic3A_260 = arith.shrsi %add3A_257, %shift_right_arithmetic3A_259 : vector<1x4096xi32>
    %jit3A_261 = arith.constant 2 : i32
    %jit3A_262 = arith.constant 30 : i32
    %max3A_263 = vector.broadcast %jit3A_261 : i32 to vector<1x4096xi32>
    %max3A_264 = arith.maxsi %max3A_263, %shift_right_arithmetic3A_260 : vector<1x4096xi32>
    %min3A_265 = vector.broadcast %jit3A_262 : i32 to vector<1x4096xi32>
    %min3A_266 = arith.minsi %min3A_265, %max3A_264 : vector<1x4096xi32>
    %sub3A_267 = arith.constant 2 : i32
    %sub3A_268 = vector.broadcast %sub3A_267 : i32 to vector<1x4096xi32>
    %sub3A_269 = arith.subi %min3A_266, %sub3A_268 : vector<1x4096xi32>
    %mul3A_270 = arith.constant 29 : i32
    %mul3A_271 = vector.broadcast %mul3A_270 : i32 to vector<1x4096xi32>
    %mul3A_272 = arith.muli %sub3A_269, %mul3A_271 : vector<1x4096xi32>
    %sub3A_273 = arith.constant 2 : i32
    %sub3A_274 = vector.broadcast %sub3A_273 : i32 to vector<1x4096xi32>
    %sub3A_275 = arith.subi %min3A_254, %sub3A_274 : vector<1x4096xi32>
    %add3A_276 = arith.addi %mul3A_272, %sub3A_275 : vector<1x4096xi32>
    %add3A_277 = arith.constant 63 : i32
    %add3A_278 = vector.broadcast %add3A_277 : i32 to vector<1x4096xi32>
    %add3A_279 = arith.addi %add3A_140, %add3A_278 : vector<1x4096xi32>
    %shift_right_arithmetic3A_280 = arith.constant 6 : i32
    %shift_right_arithmetic3A_281 = vector.broadcast %shift_right_arithmetic3A_280 : i32 to vector<1x4096xi32>
    %shift_right_arithmetic3A_282 = arith.shrsi %add3A_279, %shift_right_arithmetic3A_281 : vector<1x4096xi32>
    %jit3A_283 = arith.constant 2 : i32
    %jit3A_284 = arith.constant 30 : i32
    %max3A_285 = vector.broadcast %jit3A_283 : i32 to vector<1x4096xi32>
    %max3A_286 = arith.maxsi %max3A_285, %shift_right_arithmetic3A_282 : vector<1x4096xi32>
    %min3A_287 = vector.broadcast %jit3A_284 : i32 to vector<1x4096xi32>
    %min3A_288 = arith.minsi %min3A_287, %max3A_286 : vector<1x4096xi32>
    %add3A_289 = arith.constant 63 : i32
    %add3A_290 = vector.broadcast %add3A_289 : i32 to vector<1x4096xi32>
    %add3A_291 = arith.addi %add3A_143, %add3A_290 : vector<1x4096xi32>
    %shift_right_arithmetic3A_292 = arith.constant 6 : i32
    %shift_right_arithmetic3A_293 = vector.broadcast %shift_right_arithmetic3A_292 : i32 to vector<1x4096xi32>
    %shift_right_arithmetic3A_294 = arith.shrsi %add3A_291, %shift_right_arithmetic3A_293 : vector<1x4096xi32>
    %jit3A_295 = arith.constant 2 : i32
    %jit3A_296 = arith.constant 30 : i32
    %max3A_297 = vector.broadcast %jit3A_295 : i32 to vector<1x4096xi32>
    %max3A_298 = arith.maxsi %max3A_297, %shift_right_arithmetic3A_294 : vector<1x4096xi32>
    %min3A_299 = vector.broadcast %jit3A_296 : i32 to vector<1x4096xi32>
    %min3A_300 = arith.minsi %min3A_299, %max3A_298 : vector<1x4096xi32>
    %sub3A_301 = arith.constant 2 : i32
    %sub3A_302 = vector.broadcast %sub3A_301 : i32 to vector<1x4096xi32>
    %sub3A_303 = arith.subi %min3A_300, %sub3A_302 : vector<1x4096xi32>
    %mul3A_304 = arith.constant 29 : i32
    %mul3A_305 = vector.broadcast %mul3A_304 : i32 to vector<1x4096xi32>
    %mul3A_306 = arith.muli %sub3A_303, %mul3A_305 : vector<1x4096xi32>
    %sub3A_307 = arith.constant 2 : i32
    %sub3A_308 = vector.broadcast %sub3A_307 : i32 to vector<1x4096xi32>
    %sub3A_309 = arith.subi %min3A_288, %sub3A_308 : vector<1x4096xi32>
    %add3A_310 = arith.addi %mul3A_306, %sub3A_309 : vector<1x4096xi32>
    %concatenate3A = tpu.concatenate %add3A_174, %add3A_208, %add3A_242, %add3A_276, %add3A_310 in 0 : vector<1x4096xi32>, vector<1x4096xi32>, vector<1x4096xi32>, vector<1x4096xi32>, vector<1x4096xi32> -> vector<5x4096xi32>
    %swap3A_311 = arith.constant 0 : index
    %swap3A_312 = arith.constant 0 : index
    %swap3A_313 = vector.load %arg3[%swap3A_311, %swap3A_312] : memref<5x4096xi32, #tpu.memory_space<vmem>>, vector<5x4096xi32>
    tpu.vector_store %arg3[%swap3A_311, %swap3A_312], %concatenate3A {strides = array<i32>} : memref<5x4096xi32, #tpu.memory_space<vmem>>, vector<5x4096xi32>,
    return
  }
}

</mosaic_0001>

<sc_bundles>
// kernel: kernel.4.cloned.1.call-start
scs
__scs_entry_jumppad:
0x0: {  	(pc) =	sbr.rel $0x88, $3  }
0x1: {  	(tag) =	ssettag $0x0;
	lr =	simm.s32 $0x1  }
0x2: {  	[smem:$0x3F9F] =	sst lr;
	_ =	strace $0xD0000000  }
0x3: {  	_ = 	snop  }
0x4: {  	_ = 	snop  }
0x5: {  	_ = 	snop  }
0x6: {  	_ = 	snop  }
0x7: {  	_ = 	snop  }
__scs_overlays_trampoline_lowered:
0x8: {  	[smem:$0x3FAE] =	sst s0  }
0x9: {  	[smem:$0x3FAF] =	sst s1  }
0xa: {  	[smem:$0x3FB0] =	sst s2  }
0xb: {  	[smem:$0x3FB1] =	sst s3  }
0xc: {  	[smem:$0x3FB2] =	sst s4  }
0xd: {  	[smem:$0x3FB3] =	sst s5  }
0xe: {  	[smem:$0x3FB4] =	sst s6  }
0xf: {  	[smem:$0x3FB5] =	sst s7  }
0x10: {  	[smem:$0x3FB6] =	sst s8  }
0x11: {  	[smem:$0x3FB7] =	sst s9;
	s0 =	simm.s32 @!p0 $0x0  }
0x12: {  	s1 =	sld [smem:$0x3F9D];
	s0 =	simm.s32 @p0 $0x1  }
0x13: {  	[smem:$0x3FB8] =	sst s0;
	s0 =	simm.s32 @!p1 $0x0  }
0x14: {  	s2 =	sld [smem:$0x3F9C];
	s0 =	simm.s32 @p1 $0x1  }
0x15: {  	[smem:$0x3FB9] =	sst s0;
	s0 =	simm.s32 @!p2 $0x0  }
0x16: {  	s3 =	sld [smem:$0x3FDB];
	s0 =	simm.s32 @p2 $0x1  }
0x17: {  	s4 =	simm.s32 $0x1BF5;
	[smem:$0x3FBB] =	sst s0  }
0x18: {  	s0 =	sld [smem:$0x3F9E];
	_ =	swait.ge [sflag:s4], $0x0  }
0x19: {  	s7 =	sld [smem:$0x3F9F]  }
0x1a: {  	s8 =	sadd.s32 $0xFFFFE003, lr  }
0x1b: {  	s9 =	sadd.s32 $0xFFFFFEF7, lr;
	s5 =	simm.s32 $0xFFFFFFFF;
	p2 =	slt.u32 s8, $0xFFFFF086  }
0x1c: {  	p1 =	slt.u32 s9, $0xF7A;
	s5 =	simm.s32 @!p2 $0x0  }
0x1d: {  	s5 =	simm.s32 @p1 $0x1;
	p0 =	seq.s32 s7, s2  }
0x1e: {  	s7 =	smul.u32 @!p0 $0xF7A, s2;
	p2 =	seq.s32 @!p0 s5, $0x0  }
0x1f: {  	s9 =	smul.u32 $0xF7A, s1;
	s8 =	simm.s32 @!p0 $0x1BF5;
	p2 =	por !p2, p0  }
0x20: {  	[sflag:s8] =	ssyncset.s32 @!p0 $0xFFFFF086;
	s6 =	sadd.s32 @!p0 s3, s7;
	s7 =	simm.s32 @!p0 $0x108  }
0x21: {  	s3 =	sadd.s32 s3, s9;
	s6 =	sadd.s32 @!p0 $0x88, s6;
	s7 =	simm.s32 @p2 $0x1082  }
0x22: {  	[simem:s7], [sflag:s8] =	dma.local @!p0 [hbm:s6], $0xF7A  }
0x23: {  	s9 =	sor.u32 $0xD0000000, s2;
	s6 =	simm.s32 $0x108;
	_ =	swait.ge @!p0 [sflag:s8], $0x0  }
0x24: {  	s3 =	sadd.s32 $0x88, s3;
	s6 =	simm.s32 @!p1 $0x1082;
	[sflag:s4] =	ssyncset.s32 $0xFFFFF086  }
0x25: {  	[simem:s6], [sflag:s4] =	dma.local [hbm:s3], $0xF7A  }
0x26: {  	[smem:$0x3F9F] =	sst s1;
	(tag) =	ssettag s2;
	_ =	strace s9  }
0x27: {  	s1 =	sld [smem:$0x3FAF]  }
0x28: {  	s2 =	sld [smem:$0x3FB0]  }
0x29: {  	s4 =	sld [smem:$0x3FB2]  }
0x2a: {  	p0 =	seq.s32 s5, $0x0;
	s5 =	sld [smem:$0x3FB3]  }
0x2b: {  	s6 =	sld [smem:$0x3FB4]  }
0x2c: {  	s7 =	sld [smem:$0x3FB5]  }
0x2d: {  	s3 =	simm.s32 $0x108;
	s8 =	sld [smem:$0x3FB6]  }
0x2e: {  	s3 =	simm.s32 @!p0 $0x1082;
	s9 =	sld [smem:$0x3FB7]  }
0x2f: {  	lr =	sadd.s32 s0, s3;
	s0 =	sld [smem:$0x3FAE]  }
0x30: {  	s3 =	sld [smem:$0x3FB1]  }
0x31: {  	[smem:$0x3FBA] =	sst s10  }
0x32: {  	s10 =	sld [smem:$0x3FB8];
	_ =	sdelay $0x3  }
0x33: {  	p0 =	seq.s32 s10, $0x1;
	s10 =	sld [smem:$0x3FBA];
	_ =	sdelay $0x3  }
0x34: {  	[smem:$0x3FBA] =	sst s10  }
0x35: {  	s10 =	sld [smem:$0x3FB9];
	_ =	sdelay $0x3  }
0x36: {  	p1 =	seq.s32 s10, $0x1;
	s10 =	sld [smem:$0x3FBA];
	_ =	sdelay $0x3  }
0x37: {  	[smem:$0x3FBA] =	sst s10  }
0x38: {  	s10 =	sld [smem:$0x3FBB]  }
0x39: {  	_ = 	snop;
	(pc) =	sbr.ind lr, $3  }
0x3a: {  	_ = 	snop  }
0x3b: {  	_ = 	snop  }
0x3c: {  	p2 =	seq.s32 s10, $0x1;
	s10 =	sld [smem:$0x3FBA]  }
0x3d: {  	_ =	shalt  }
0x3e: {  	_ =	shalt  }
0x3f: {  	_ =	shalt  }
0x40: {  	_ =	shalt  }
0x41: {  	_ =	shalt  }
0x42: {  	_ =	shalt  }
0x43: {  	_ =	shalt  }
0x44: {  	_ =	shalt  }
0x45: {  	_ =	shalt  }
0x46: {  	_ =	shalt  }
0x47: {  	_ =	shalt  }
0x48: {  	_ =	shalt  }
0x49: {  	_ =	shalt  }
0x4a: {  	_ =	shalt  }
0x4b: {  	_ =	shalt  }
0x4c: {  	_ =	shalt  }
0x4d: {  	_ =	shalt  }
0x4e: {  	_ =	shalt  }
0x4f: {  	_ =	shalt  }
0x50: {  	_ =	shalt  }
0x51: {  	_ =	shalt  }
0x52: {  	_ =	shalt  }
0x53: {  	_ =	shalt  }
0x54: {  	_ =	shalt  }
0x55: {  	_ =	shalt  }
0x56: {  	_ =	shalt  }
0x57: {  	_ =	shalt  }
0x58: {  	_ =	shalt  }
0x59: {  	_ =	shalt  }
0x5a: {  	_ =	shalt  }
0x5b: {  	_ =	shalt  }
0x5c: {  	_ =	shalt  }
0x5d: {  	_ =	shalt  }
0x5e: {  	_ =	shalt  }
0x5f: {  	_ =	shalt  }
0x60: {  	_ =	shalt  }
0x61: {  	_ =	shalt  }
0x62: {  	_ =	shalt  }
0x63: {  	_ =	shalt  }
0x64: {  	_ =	shalt  }
0x65: {  	_ =	shalt  }
0x66: {  	_ =	shalt  }
0x67: {  	_ =	shalt  }
0x68: {  	_ =	shalt  }
0x69: {  	_ =	shalt  }
0x6a: {  	_ =	shalt  }
0x6b: {  	_ =	shalt  }
0x6c: {  	_ =	shalt  }
0x6d: {  	_ =	shalt  }
0x6e: {  	_ =	shalt  }
0x6f: {  	_ =	shalt  }
0x70: {  	_ =	shalt  }
0x71: {  	_ =	shalt  }
0x72: {  	_ =	shalt  }
0x73: {  	_ =	shalt  }
0x74: {  	_ =	shalt  }
0x75: {  	_ =	shalt  }
0x76: {  	_ =	shalt  }
0x77: {  	_ =	shalt  }
0x78: {  	_ =	shalt  }
0x79: {  	_ =	shalt  }
0x7a: {  	_ =	shalt  }
0x7b: {  	_ =	shalt  }
0x7c: {  	_ =	shalt  }
0x7d: {  	_ =	shalt  }
0x7e: {  	_ =	shalt  }
0x7f: {  	_ =	shalt  }
0x80: {  	_ =	shalt  }
0x81: {  	_ =	shalt  }
0x82: {  	_ =	shalt  }
0x83: {  	_ =	shalt  }
0x84: {  	_ =	shalt  }
0x85: {  	_ =	shalt  }
0x86: {  	_ =	shalt  }
0x87: {  	_ =	shalt  }
.Lfunc_end0:
.L_simem_size_0:
called_computation_lowered:
.L_overlay_start_0:
0x88: {  	s2 =	sld [smem:$0x3FD9]  }
0x89: {  	s3 =	sld [smem:$0x3FFE];
	_ =	sdelay $0x1  }
0x8a: {  	s1 =	srdreg.scid  }
0x8b: {  	s0 =	sand.u32 $0x1, s1  }
0x8c: {  	s17 =	sshll.u32 s0, $0xA;
	s2 =	sadd.s32 s3, s2  }
0x8d: {  	s2 =	sadd.s32 s2, s17  }
0x8e: {  	[smem:$0x3FC6] =	sst s2  }
0x8f: {  	_ = 	snop  }
0x90: {  	s2 =	sld [smem:$0x3FD0];
	(tm) =	ssettm $0x1  }
0x91: {  	s18 =	sld [smem:$0x3FFB];
	_ =	sdelay $0x3  }
0x92: {  	_ =	strace s18  }
0x93: {  	s3 =	sld [smem:$0x3FFC];
	_ =	sdelay $0x3  }
0x94: {  	_ =	strace s3  }
0x95: {  	s3 =	sld [smem:$0x3FFD];
	_ =	sdelay $0x3  }
0x96: {  	_ =	strace s3  }
0x97: {  	_ =	strace $0x8FFFFFFF  }
0x98: {  	s19 =	sld [smem:$0x3FDB];
	_ =	sdelay $0x1  }
0x99: {  	s4 =	simm.s32 $_scs_section_size  }
0x9a: {  	s5 =	simm.s32 $_size__tile_overlayer_lowered;
	s6 =	simm.s32 $_tile_overlayer_lowered  }
0x9b: {  	s22 =	simm.s32 $0x1BFF;
	s21 =	sshll.u32 s6, $0x1;
	s3 =	sadd.s32 s4, s19  }
0x9c: {  	s7 =	simm.s32 $0x0;
	s20 =	sshll.u32 s5, $0x1;
	s5 =	sadd.s32 s21, s3  }
0x9d: {  	[timem:s7], [sflag:s22] =	dma.local [hbm:s5], s20  }
0x9e: {  	_ =	swait.ge [sflag:s22], s20  }
0x9f: {  	s4 =	ssub.s32 $0x0, s20;
	[sflag:s22] =	ssyncset.done $0x0  }
0xa0: {  	[sflag:s22] =	ssyncadd.s32 s4;
	_ =	sdelay $0x1  }
0xa1: {  	s23 =	simm.s32 $0x1B8B  }
0xa2: {  	_ =	swait.ge [sflag:s23], $0x1  }
0xa3: {  	[sflag:s23] =	ssyncset.done $0x0  }
0xa4: {  	s25 =	simm.s32 $0x1B8E;
	s24 =	sld [smem:$0x3FFE];
	[sflag:s23] =	ssyncadd.s32 $0xFFFFFFFF  }
0xa5: {  	s26 =	simm.s32 $execute0_lowered;
	[smem:$0x3FD2] =	sst s25  }
0xa6: {  	s5 =	sshll.u32 s26, $0x1;
	_ =	strace $0x80000046;
	[dreg:$0x1] =	wrdreg $0xFFFFFFFF  }
0xa7: {  	s28 =	simm.s32 $_size_execute0_lowered;
	s3 =	sadd.s32 s3, s5;
	[dreg:$0x0] =	wrdreg $0x0  }
0xa8: {  	s5 =	sshll.u32 s28, $0x1;
	[dreg:$0x2] =	wrdreg s3  }
0xa9: {  	[dreg:$0x3] =	wrdreg s5  }
0xaa: {  	[dreg:$0x4] =	wrdreg $0xC0  }
0xab: {  	_ =	task [dreg:s7], $0x5FFFF  }
0xac: {  	[dreg:$0x1] =	wrdreg $0xFFFFFFFF  }
0xad: {  	[dreg:$0x0] =	wrdreg $0x60  }
0xae: {  	[dreg:$0x2] =	wrdreg s24  }
0xaf: {  	[dreg:$0x3] =	wrdreg s2  }
0xb0: {  	[dreg:$0x4] =	wrdreg $0xC4000  }
0xb1: {  	[dreg:$0x5] =	wrdreg $0x9  }
0xb2: {  	_ =	task.clear_ibuf [dreg:s7], $0x6FFFF;
	_ =	strace $0x90000046  }
0xb3: {  	s29 =	simm.s32 $0x9;
	_ =	strace $0x80000048  }
0xb4: {  	_ =	swait.ge [sflag:s29], $0x1  }
0xb5: {  	[sflag:s29] =	ssyncadd.s32 $0xFFFFFFFF  }
0xb6: {  	_ =	strace $0x90000048  }
0xb7: {  	_ =	sfence  }
0xb8: {  	s30 =	sld [smem:$0x0];
	_ =	sdelay $0x2  }
0xb9: {  	s31 =	sshll.u32 s1, $0xD;
	s1 =	sshrl.u32 s1, $0x2  }
0xba: {  	s3 =	sand.u32 $0x4000, s31;
	s1 =	sadd.s32 s1, s30  }
0xbb: {  	s0 =	sor.u32 s3, s0;
	s1 =	sshll.u32 s1, $0x11  }
0xbc: {  	s0 =	sor.u32 s1, s0  }
0xbd: {  	s0 =	sadd.s32 $0x8F2B, s0  }
0xbe: {  	[sflag:s0] =	ssyncadd.remote.s32 $0x1  }
0xbf: {  	_ =	sfence.sel $0xFFFF  }
0xc0: {  	[dreg:$0x0] =	wrdreg $0xFFFFFFFF;
	(pc) =	sbr.abs _section_cstart, $3  }
0xc1: {  	[dreg:$0x1] =	wrdreg $0xFFFFFFFF  }
0xc2: {  	_ =	task.clear_ibuf [dreg:s7], $0x2FFFF;
	_ =	strace $0x9FFFFFFF  }
0xc3: {  	(tm) =	ssettm $0x7FFFFFFF  }
tec
execute0_lowered:
.L_overlay_start_1:
0x0: {  	(tag) =	ssettag $0x1  }
0x1: {  	s0 =	srdreg.scid  }
0x2: {  	s7 =	stileid.u32;
	s0 =	sand.u32 $0x1, s0  }
0x3: {  	s3 =	rddreg [dreg:$0x0];
	s1 =	sshll.u32 s7, $0x8;
	s2 =	sshll.u32 s0, $0x7  }
0x4: {  	s4 =	rddreg [dreg:$0x1];
	s1 =	sor.u32 s2, s1  }
0x5: {  	s8 =	rddreg [dreg:$0x2];
	s2 =	sshrl.u32 s1, $0x3  }
0x6: {  	s1 =	sadd.s32 s1, s3;
	s5 =	smul.u32 $0x7800, s2;
	s2 =	simm.s32 $0x0  }
0x7: {  	s30 =	simm.s32 $0x8000;
	s1 =	sadd.s32 $0x14800, s1;
	[smem:$0x7FF] =	sst s2  }
0x8: {  	s5 =	sshrl.u32 s5, $0x3;
	_ =	strace $0x80000047;
	[dreg:$0x19] =	wrdreg s1  }
0x9: {  	[dreg:$0x17] =	wrdreg s30;
	s10 =	sadd.s32 s4, s5  }
0xa: {  	s4 =	sadd.s32 $0x3C00, s10;
	[dreg:$0x18] =	wrdreg s10  }
0xb: {  	s9 =	sadd.s32 $0x7800, s10;
	[dreg:$0x4] =	wrdreg s4  }
0xc: {  	s11 =	sadd.s32 $0xB400, s10;
	[dreg:$0x5] =	wrdreg s9  }
0xd: {  	s12 =	sadd.s32 $0x300, s10;
	[dreg:$0x6] =	wrdreg s11  }
0xe: {  	s13 =	sadd.s32 $0x3F00, s10;
	[dreg:$0x7] =	wrdreg s12  }
0xf: {  	s14 =	sadd.s32 $0x7B00, s10;
	[dreg:$0x8] =	wrdreg s13  }
0x10: {  	s5 =	sadd.s32 $0xB700, s10;
	[dreg:$0x9] =	wrdreg s14  }
0x11: {  	s15 =	sadd.s32 $0x600, s10;
	[dreg:$0xa] =	wrdreg s5  }
0x12: {  	s16 =	sadd.s32 $0x4200, s10;
	[dreg:$0xb] =	wrdreg s15  }
0x13: {  	s31 =	simm.s32 $0x1;
	s17 =	sadd.s32 $0x7E00, s10;
	[dreg:$0xc] =	wrdreg s16  }
0x14: {  	s22 =	smul.u32 $0x30000, s7;
	s18 =	sadd.s32 $0xBA00, s10;
	[dreg:$0xd] =	wrdreg s17  }
0x15: {  	s7 =	sadd.s32 $0xC00, s3;
	s19 =	sadd.s32 $0x900, s10;
	[dreg:$0xe] =	wrdreg s18  }
0x16: {  	s0 =	ssub.s32 $0x2, s0;
	s20 =	sadd.s32 $0x4500, s10;
	[dreg:$0xf] =	wrdreg s19  }
0x17: {  	s6 =	sshrl.u32 s0, $0x1;
	s21 =	sadd.s32 $0x8100, s10;
	[dreg:$0x10] =	wrdreg s20  }
0x18: {  	s25 =	sshrl.u32 s22, $0x2;
	s23 =	sadd.s32 $0xBD00, s10;
	[dreg:$0x11] =	wrdreg s21  }
0x19: {  	s0 =	ssub.s32 s0, s6;
	s24 =	sadd.s32 $0xC00, s10;
	[dreg:$0x12] =	wrdreg s23  }
0x1a: {  	s6 =	sadd.s32 $0xB00, s3;
	s26 =	sadd.s32 $0x4800, s10;
	[dreg:$0x13] =	wrdreg s24  }
0x1b: {  	s1 =	smax.u32 s0, $0x1;
	s28 =	sadd.s32 $0x8400, s10;
	[dreg:$0x14] =	wrdreg s26  }
0x1c: {  	s29 =	sadd.s32 $0xC000, s10;
	s4 =	sadd.s32 $0xA00, s3;
	[dreg:$0x15] =	wrdreg s28  }
0x1d: {  	v2 =	vlaneseq.u32;
	s3 =	sadd.s32 s25, s8;
	[dreg:$0x16] =	wrdreg s29;
	s12 =	simm.s32 $0x5  }
0x1e: {  	vm0 =	vmmov $0xffff;
	v1 =	vshrl.u32 v2, $0x3;
	s18 =	simm.s32 $0x2;
	[dreg:$0x1b] =	wrdreg s3;
	s3 =	sadd.s32 $0x6000, s3  }
0x1f: {  	v0 =	vand.u32 $0x7, v2;
	v2 =	vor.u32 $0x8, v2;
	v1 =	vmul.u32 $0x8, v1;
	s19 =	simm.s32 $0x3;
	s20 =	simm.s32 $0x4;
	[dreg:$0x1c] =	wrdreg s3  }
.LBB2_1:
0x20: {  	s21 =	rddreg [dreg:$0x17]  }
0x21: {  	s22 =	rddreg [dreg:$0x19];
	s0 =	simm.s32 $0x400  }
0x22: {  	[tilespmem:s2], [sflag:$0x5] =	stream.strided.gather [hbm4b:s22+s0], $0x0, s21, s0, $0x38;
	[tilespmem:$0x18400] =	vst v63  }
0x23: {  	[dreg:$0x1a] =	wrdreg s1  }
0x24: {  	[tilespmem:s2], [sflag:$0x5] =	stream.linear.gather [hbm4b:s22+s2], $0x280, $0x38;
	[tilespmem:$0x18400] =	vst v63  }
0x25: {  	_ =	swait.ge [sflag:s12], $0x280  }
0x26: {  	[sflag:s12] =	ssyncset.done $0x0  }
0x27: {  	[sflag:s12] =	ssyncadd.s32 $0xFFFFFD80  }
0x28: {  	v3 =	vld [tilespmem:$0x0];
	_ =	sdelay $0x4  }
0x29: {  	v4 =	vshrl.u32 v3, $0x3  }
0x2a: {  	v4 =	vmul.u32 $0x30, v4  }
0x2b: {  	v3 =	vand.u32 $0x7, v3  }
0x2c: {  	v3 =	vor.u32 v3, v4  }
0x2d: {  	v4 =	vperm.xlane v3, v0;
	_ =	sdelay $0x1  }
0x2e: {  	v4 =	vadd.s32 v1, v4;
	_ =	sdelay $0x3  }
0x2f: {  	s5 =	simm.s32 $0x400;
	v3 =	vperm.xlane v3, v2  }
0x30: {  	[tilespmem:s5], [sflag:$0x1] =	stream.indirect_vreg.gather [hbm4b:s4+s2], $0x80, v4, vm0, $0xb8;
	[tilespmem:$0x18400] =	vst v63  }
0x31: {  	s8 =	simm.s32 $0xC00;
	v3 =	vadd.s32 v1, v3  }
0x32: {  	[tilespmem:s8], [sflag:$0x1] =	stream.indirect_vreg.gather [hbm4b:s6+s2], $0x80, v4, vm0, $0xb8;
	[tilespmem:$0x18400] =	vst v63  }
0x33: {  	s9 =	simm.s32 $0x1400  }
0x34: {  	[tilespmem:s9], [sflag:$0x1] =	stream.indirect_vreg.gather [hbm4b:s7+s2], $0x80, v4, vm0, $0xb8;
	[tilespmem:$0x18400] =	vst v63  }
0x35: {  	s10 =	simm.s32 $0x1C00  }
0x36: {  	[tilespmem:s10], [sflag:$0x1] =	stream.indirect_vreg.gather [hbm4b:s4+s2], $0x80, v3, vm0, $0xb8;
	[tilespmem:$0x18400] =	vst v63  }
0x37: {  	s11 =	simm.s32 $0x2400  }
0x38: {  	[tilespmem:s11], [sflag:$0x1] =	stream.indirect_vreg.gather [hbm4b:s6+s2], $0x80, v3, vm0, $0xb8;
	[tilespmem:$0x18400] =	vst v63  }
0x39: {  	s13 =	simm.s32 $0x2C00  }
0x3a: {  	[tilespmem:s13], [sflag:$0x1] =	stream.indirect_vreg.gather [hbm4b:s7+s2], $0x80, v3, vm0, $0xb8;
	[tilespmem:$0x18400] =	vst v63  }
0x3b: {  	v3 =	vld [tilespmem:$0x10];
	_ =	sdelay $0x4  }
0x3c: {  	v25 =	vshrl.u32 v3, $0x3  }
0x3d: {  	v4 =	vmul.u32 $0x30, v25  }
0x3e: {  	v3 =	vand.u32 $0x7, v3  }
0x3f: {  	v3 =	vor.u32 v3, v4  }
0x40: {  	v4 =	vperm.xlane v3, v0;
	_ =	sdelay $0x1  }
0x41: {  	v4 =	vadd.s32 v1, v4;
	_ =	sdelay $0x3  }
0x42: {  	s14 =	simm.s32 $0x3400;
	v3 =	vperm.xlane v3, v2  }
0x43: {  	[tilespmem:s14], [sflag:$0x1] =	stream.indirect_vreg.gather [hbm4b:s4+s2], $0x80, v4, vm0, $0xb8;
	[tilespmem:$0x18400] =	vst v63  }
0x44: {  	s15 =	simm.s32 $0x3C00;
	v3 =	vadd.s32 v1, v3  }
0x45: {  	[tilespmem:s15], [sflag:$0x1] =	stream.indirect_vreg.gather [hbm4b:s6+s2], $0x80, v4, vm0, $0xb8;
	[tilespmem:$0x18400] =	vst v63  }
0x46: {  	s16 =	simm.s32 $0x4400  }
0x47: {  	[tilespmem:s16], [sflag:$0x1] =	stream.indirect_vreg.gather [hbm4b:s7+s2], $0x80, v4, vm0, $0xb8;
	[tilespmem:$0x18400] =	vst v63  }
0x48: {  	s17 =	simm.s32 $0x4C00  }
0x49: {  	[tilespmem:s17], [sflag:$0x1] =	stream.indirect_vreg.gather [hbm4b:s4+s2], $0x80, v3, vm0, $0xb8;
	[tilespmem:$0x18400] =	vst v63  }
0x4a: {  	s21 =	simm.s32 $0x5400  }
0x4b: {  	[tilespmem:s21], [sflag:$0x1] =	stream.indirect_vreg.gather [hbm4b:s6+s2], $0x80, v3, vm0, $0xb8;
	[tilespmem:$0x18400] =	vst v63  }
0x4c: {  	s22 =	simm.s32 $0x5C00  }
0x4d: {  	[tilespmem:s22], [sflag:$0x1] =	stream.indirect_vreg.gather [hbm4b:s7+s2], $0x80, v3, vm0, $0xb8;
	[tilespmem:$0x18400] =	vst v63  }
0x4e: {  	v3 =	vld [tilespmem:$0x20];
	_ =	sdelay $0x4  }
0x4f: {  	v26 =	vshrl.u32 v3, $0x3  }
0x50: {  	v4 =	vmul.u32 $0x30, v26  }
0x51: {  	v3 =	vand.u32 $0x7, v3  }
0x52: {  	v3 =	vor.u32 v3, v4  }
0x53: {  	v4 =	vperm.xlane v3, v0;
	_ =	sdelay $0x1  }
0x54: {  	v4 =	vadd.s32 v1, v4;
	_ =	sdelay $0x3  }
0x55: {  	s23 =	simm.s32 $0x6400;
	v3 =	vperm.xlane v3, v2  }
0x56: {  	[tilespmem:s23], [sflag:$0x2] =	stream.indirect_vreg.gather [hbm4b:s4+s2], $0x80, v4, vm0, $0xb8;
	[tilespmem:$0x18400] =	vst v63  }
0x57: {  	s24 =	simm.s32 $0x6C00;
	v3 =	vadd.s32 v1, v3  }
0x58: {  	[tilespmem:s24], [sflag:$0x2] =	stream.indirect_vreg.gather [hbm4b:s6+s2], $0x80, v4, vm0, $0xb8;
	[tilespmem:$0x18400] =	vst v63  }
0x59: {  	s25 =	simm.s32 $0x7400  }
0x5a: {  	[tilespmem:s25], [sflag:$0x2] =	stream.indirect_vreg.gather [hbm4b:s7+s2], $0x80, v4, vm0, $0xb8;
	[tilespmem:$0x18400] =	vst v63  }
0x5b: {  	s0 =	simm.s32 $0x7C00  }
0x5c: {  	[tilespmem:s0], [sflag:$0x2] =	stream.indirect_vreg.gather [hbm4b:s4+s2], $0x80, v3, vm0, $0xb8;
	[tilespmem:$0x18400] =	vst v63  }
0x5d: {  	s9 =	simm.s32 $0x8400  }
0x5e: {  	[tilespmem:s9], [sflag:$0x2] =	stream.indirect_vreg.gather [hbm4b:s6+s2], $0x80, v3, vm0, $0xb8;
	[tilespmem:$0x18400] =	vst v63  }
0x5f: {  	s10 =	simm.s32 $0x8C00  }
0x60: {  	[tilespmem:s10], [sflag:$0x2] =	stream.indirect_vreg.gather [hbm4b:s7+s2], $0x80, v3, vm0, $0xb8;
	[tilespmem:$0x18400] =	vst v63  }
0x61: {  	v3 =	vld [tilespmem:$0x30];
	_ =	sdelay $0x4  }
0x62: {  	v27 =	vshrl.u32 v3, $0x3  }
0x63: {  	v4 =	vmul.u32 $0x30, v27  }
0x64: {  	v3 =	vand.u32 $0x7, v3  }
0x65: {  	v3 =	vor.u32 v3, v4  }
0x66: {  	v4 =	vperm.xlane v3, v0;
	_ =	sdelay $0x1  }
0x67: {  	v4 =	vadd.s32 v1, v4;
	_ =	sdelay $0x3  }
0x68: {  	s11 =	simm.s32 $0x9400;
	v3 =	vperm.xlane v3, v2  }
0x69: {  	[tilespmem:s11], [sflag:$0x2] =	stream.indirect_vreg.gather [hbm4b:s4+s2], $0x80, v4, vm0, $0xb8;
	[tilespmem:$0x18400] =	vst v63  }
0x6a: {  	s14 =	simm.s32 $0x9C00;
	v3 =	vadd.s32 v1, v3  }
0x6b: {  	[tilespmem:s14], [sflag:$0x2] =	stream.indirect_vreg.gather [hbm4b:s6+s2], $0x80, v4, vm0, $0xb8;
	[tilespmem:$0x18400] =	vst v63  }
0x6c: {  	s15 =	simm.s32 $0xA400  }
0x6d: {  	[tilespmem:s15], [sflag:$0x2] =	stream.indirect_vreg.gather [hbm4b:s7+s2], $0x80, v4, vm0, $0xb8;
	[tilespmem:$0x18400] =	vst v63  }
0x6e: {  	s16 =	simm.s32 $0xAC00  }
0x6f: {  	[tilespmem:s16], [sflag:$0x2] =	stream.indirect_vreg.gather [hbm4b:s4+s2], $0x80, v3, vm0, $0xb8;
	[tilespmem:$0x18400] =	vst v63  }
0x70: {  	s22 =	simm.s32 $0xB400  }
0x71: {  	[tilespmem:s22], [sflag:$0x2] =	stream.indirect_vreg.gather [hbm4b:s6+s2], $0x80, v3, vm0, $0xb8;
	[tilespmem:$0x18400] =	vst v63  }
0x72: {  	s23 =	simm.s32 $0xBC00  }
0x73: {  	[tilespmem:s23], [sflag:$0x2] =	stream.indirect_vreg.gather [hbm4b:s7+s2], $0x80, v3, vm0, $0xb8;
	[tilespmem:$0x18400] =	vst v63  }
0x74: {  	_ =	swait.ge [sflag:s31], $0x6000  }
0x75: {  	s24 =	simm.s32 $0x400;
	s25 =	stileid.u32;
	[sflag:s31] =	ssyncset.done $0x0  }
0x76: {  	s11 =	simm.s32 $0x300;
	s9 =	rddreg [dreg:$0x1b];
	[sflag:s31] =	ssyncadd.s32 $0xFFFFA000  }
0x77: {  	[spmem:s9] =	stream.linear.scatter [tilespmem:s24], [sflag:$0x5], $0x6000, $0x38;
	[tilespmem:$0x18400] =	vst v63  }
0x78: {  	s14 =	simm.s32 $0xF00;
	s23 =	sshll.u32 s25, $0x6;
	_ =	swait.ge [sflag:s12], $0x6000  }
0x79: {  	s15 =	simm.s32 $0x30;
	s21 =	sor.u32 $0x1C03, s23;
	[sflag:s12] =	ssyncset.done $0x0  }
0x7a: {  	s22 =	sshrl.u32 s9, $0x3;
	s25 =	rddreg [dreg:$0x18];
	[sflag:s12] =	ssyncadd.s32 $0xFFFFA000  }
0x7b: {  	[hbm:s25@s14], [sflag:s21] =	dma.strided [spmem:s22@s11], $0xC00, s15, $0x10   }
0x7c: {  	v3 =	vld [tilespmem:$0x40];
	_ =	sdelay $0x4  }
0x7d: {  	v28 =	vshrl.u32 v3, $0x3  }
0x7e: {  	v4 =	vmul.u32 $0x30, v28  }
0x7f: {  	v3 =	vand.u32 $0x7, v3  }
0x80: {  	v3 =	vor.u32 v3, v4  }
0x81: {  	v4 =	vperm.xlane v3, v0;
	_ =	sdelay $0x1  }
0x82: {  	v4 =	vadd.s32 v1, v4;
	_ =	sdelay $0x3  }
0x83: {  	v3 =	vperm.xlane v3, v2  }
0x84: {  	[tilespmem:s24], [sflag:$0x1] =	stream.indirect_vreg.gather [hbm4b:s4+s2], $0x80, v4, vm0, $0xb8;
	[tilespmem:$0x18400] =	vst v63  }
0x85: {  	s1 =	simm.s32 $0xC00;
	v3 =	vadd.s32 v1, v3  }
0x86: {  	[tilespmem:s1], [sflag:$0x1] =	stream.indirect_vreg.gather [hbm4b:s6+s2], $0x80, v4, vm0, $0xb8;
	[tilespmem:$0x18400] =	vst v63  }
0x87: {  	s3 =	simm.s32 $0x1400  }
0x88: {  	[tilespmem:s3], [sflag:$0x1] =	stream.indirect_vreg.gather [hbm4b:s7+s2], $0x80, v4, vm0, $0xb8;
	[tilespmem:$0x18400] =	vst v63  }
0x89: {  	s5 =	simm.s32 $0x1C00  }
0x8a: {  	[tilespmem:s5], [sflag:$0x1] =	stream.indirect_vreg.gather [hbm4b:s4+s2], $0x80, v3, vm0, $0xb8;
	[tilespmem:$0x18400] =	vst v63  }
0x8b: {  	s26 =	simm.s32 $0x2400  }
0x8c: {  	[tilespmem:s26], [sflag:$0x1] =	stream.indirect_vreg.gather [hbm4b:s6+s2], $0x80, v3, vm0, $0xb8;
	[tilespmem:$0x18400] =	vst v63  }
0x8d: {  	s24 =	simm.s32 $0x2C00  }
0x8e: {  	[tilespmem:s24], [sflag:$0x1] =	stream.indirect_vreg.gather [hbm4b:s7+s2], $0x80, v3, vm0, $0xb8;
	[tilespmem:$0x18400] =	vst v63  }
0x8f: {  	v3 =	vld [tilespmem:$0x50];
	_ =	sdelay $0x4  }
0x90: {  	v29 =	vshrl.u32 v3, $0x3  }
0x91: {  	v4 =	vmul.u32 $0x30, v29  }
0x92: {  	v3 =	vand.u32 $0x7, v3  }
0x93: {  	v3 =	vor.u32 v3, v4  }
0x94: {  	v4 =	vperm.xlane v3, v0;
	_ =	sdelay $0x1  }
0x95: {  	v4 =	vadd.s32 v1, v4;
	_ =	sdelay $0x3  }
0x96: {  	s16 =	simm.s32 $0x3400;
	v3 =	vperm.xlane v3, v2  }
0x97: {  	[tilespmem:s16], [sflag:$0x1] =	stream.indirect_vreg.gather [hbm4b:s4+s2], $0x80, v4, vm0, $0xb8;
	[tilespmem:$0x18400] =	vst v63  }
0x98: {  	s28 =	simm.s32 $0x3C00;
	v3 =	vadd.s32 v1, v3  }
0x99: {  	[tilespmem:s28], [sflag:$0x1] =	stream.indirect_vreg.gather [hbm4b:s6+s2], $0x80, v4, vm0, $0xb8;
	[tilespmem:$0x18400] =	vst v63  }
0x9a: {  	s29 =	simm.s32 $0x4400  }
0x9b: {  	[tilespmem:s29], [sflag:$0x1] =	stream.indirect_vreg.gather [hbm4b:s7+s2], $0x80, v4, vm0, $0xb8;
	[tilespmem:$0x18400] =	vst v63  }
0x9c: {  	s30 =	simm.s32 $0x4C00  }
0x9d: {  	[tilespmem:s30], [sflag:$0x1] =	stream.indirect_vreg.gather [hbm4b:s4+s2], $0x80, v3, vm0, $0xb8;
	[tilespmem:$0x18400] =	vst v63  }
0x9e: {  	s13 =	simm.s32 $0x5400  }
0x9f: {  	[tilespmem:s13], [sflag:$0x1] =	stream.indirect_vreg.gather [hbm4b:s6+s2], $0x80, v3, vm0, $0xb8;
	[tilespmem:$0x18400] =	vst v63  }
0xa0: {  	s8 =	simm.s32 $0x5C00  }
0xa1: {  	[tilespmem:s8], [sflag:$0x1] =	stream.indirect_vreg.gather [hbm4b:s7+s2], $0x80, v3, vm0, $0xb8;
	[tilespmem:$0x18400] =	vst v63  }
0xa2: {  	_ =	swait.ge [sflag:s18], $0x6000  }
0xa3: {  	[sflag:s18] =	ssyncset.done $0x0  }
0xa4: {  	s8 =	simm.s32 $0x6400;
	s3 =	rddreg [dreg:$0x1c];
	[sflag:s18] =	ssyncadd.s32 $0xFFFFA000  }
0xa5: {  	[spmem:s3] =	stream.linear.scatter [tilespmem:s8], [sflag:$0x5], $0x6000, $0x38;
	[tilespmem:$0x18400] =	vst v63  }
0xa6: {  	s23 =	sor.u32 $0x1C04, s23;
	s14 =	simm.s32 $0xF00;
	_ =	swait.ge [sflag:s12], $0x6000  }
0xa7: {  	s15 =	simm.s32 $0x30;
	s11 =	simm.s32 $0x300;
	[sflag:s12] =	ssyncset.done $0x0  }
0xa8: {  	s25 =	sshrl.u32 s3, $0x3;
	s13 =	rddreg [dreg:$0x4];
	[sflag:s12] =	ssyncadd.s32 $0xFFFFA000  }
0xa9: {  	[hbm:s13@s14], [sflag:s23] =	dma.strided [spmem:s25@s11], $0xC00, s15, $0x10   }
0xaa: {  	v3 =	vld [tilespmem:$0x60];
	_ =	sdelay $0x4  }
0xab: {  	v30 =	vshrl.u32 v3, $0x3  }
0xac: {  	v4 =	vmul.u32 $0x30, v30  }
0xad: {  	v3 =	vand.u32 $0x7, v3  }
0xae: {  	v3 =	vor.u32 v3, v4  }
0xaf: {  	v4 =	vperm.xlane v3, v0;
	_ =	sdelay $0x1  }
0xb0: {  	v4 =	vadd.s32 v1, v4;
	_ =	sdelay $0x3  }
0xb1: {  	v3 =	vperm.xlane v3, v2  }
0xb2: {  	[tilespmem:s8], [sflag:$0x2] =	stream.indirect_vreg.gather [hbm4b:s4+s2], $0x80, v4, vm0, $0xb8;
	[tilespmem:$0x18400] =	vst v63  }
0xb3: {  	v3 =	vadd.s32 v1, v3;
	s8 =	simm.s32 $0x6C00  }
0xb4: {  	[tilespmem:s8], [sflag:$0x2] =	stream.indirect_vreg.gather [hbm4b:s6+s2], $0x80, v4, vm0, $0xb8;
	[tilespmem:$0x18400] =	vst v63  }
0xb5: {  	s15 =	simm.s32 $0x7400  }
0xb6: {  	[tilespmem:s15], [sflag:$0x2] =	stream.indirect_vreg.gather [hbm4b:s7+s2], $0x80, v4, vm0, $0xb8;
	[tilespmem:$0x18400] =	vst v63  }
0xb7: {  	s11 =	simm.s32 $0x7C00  }
0xb8: {  	[tilespmem:s11], [sflag:$0x2] =	stream.indirect_vreg.gather [hbm4b:s4+s2], $0x80, v3, vm0, $0xb8;
	[tilespmem:$0x18400] =	vst v63  }
0xb9: {  	s13 =	simm.s32 $0x8400  }
0xba: {  	[tilespmem:s13], [sflag:$0x2] =	stream.indirect_vreg.gather [hbm4b:s6+s2], $0x80, v3, vm0, $0xb8;
	[tilespmem:$0x18400] =	vst v63  }
0xbb: {  	s17 =	simm.s32 $0x8C00  }
0xbc: {  	[tilespmem:s17], [sflag:$0x2] =	stream.indirect_vreg.gather [hbm4b:s7+s2], $0x80, v3, vm0, $0xb8;
	[tilespmem:$0x18400] =	vst v63  }
0xbd: {  	v3 =	vld [tilespmem:$0x70];
	_ =	sdelay $0x4  }
0xbe: {  	v31 =	vshrl.u32 v3, $0x3  }
0xbf: {  	v4 =	vmul.u32 $0x30, v31  }
0xc0: {  	v3 =	vand.u32 $0x7, v3  }
0xc1: {  	v3 =	vor.u32 v3, v4  }
0xc2: {  	v4 =	vperm.xlane v3, v0;
	_ =	sdelay $0x1  }
0xc3: {  	v4 =	vadd.s32 v1, v4;
	_ =	sdelay $0x3  }
0xc4: {  	s10 =	simm.s32 $0x9400;
	v3 =	vperm.xlane v3, v2  }
0xc5: {  	[tilespmem:s10], [sflag:$0x2] =	stream.indirect_vreg.gather [hbm4b:s4+s2], $0x80, v4, vm0, $0xb8;
	[tilespmem:$0x18400] =	vst v63  }
0xc6: {  	s17 =	simm.s32 $0x9C00;
	v3 =	vadd.s32 v1, v3  }
0xc7: {  	[tilespmem:s17], [sflag:$0x2] =	stream.indirect_vreg.gather [hbm4b:s6+s2], $0x80, v4, vm0, $0xb8;
	[tilespmem:$0x18400] =	vst v63  }
0xc8: {  	s10 =	simm.s32 $0xA400  }
0xc9: {  	[tilespmem:s10], [sflag:$0x2] =	stream.indirect_vreg.gather [hbm4b:s7+s2], $0x80, v4, vm0, $0xb8;
	[tilespmem:$0x18400] =	vst v63  }
0xca: {  	s28 =	simm.s32 $0xAC00  }
0xcb: {  	[tilespmem:s28], [sflag:$0x2] =	stream.indirect_vreg.gather [hbm4b:s4+s2], $0x80, v3, vm0, $0xb8;
	[tilespmem:$0x18400] =	vst v63  }
0xcc: {  	s29 =	simm.s32 $0xB400  }
0xcd: {  	[tilespmem:s29], [sflag:$0x2] =	stream.indirect_vreg.gather [hbm4b:s6+s2], $0x80, v3, vm0, $0xb8;
	[tilespmem:$0x18400] =	vst v63  }
0xce: {  	s30 =	simm.s32 $0xBC00  }
0xcf: {  	[tilespmem:s30], [sflag:$0x2] =	stream.indirect_vreg.gather [hbm4b:s7+s2], $0x80, v3, vm0, $0xb8;
	[tilespmem:$0x18400] =	vst v63  }
0xd0: {  	_ =	swait.ge [sflag:s31], $0x6000  }
0xd1: {  	[sflag:s31] =	ssyncset.done $0x0  }
0xd2: {  	[sflag:s31] =	ssyncadd.s32 $0xFFFFA000  }
0xd3: {  	_ =	swait.ge [sflag:s19], $0xC00  }
0xd4: {  	[sflag:s19] =	ssyncset.done $0x0  }
0xd5: {  	s0 =	simm.s32 $0x400;
	[sflag:s19] =	ssyncadd.s32 $0xFFFFF400  }
0xd6: {  	[spmem:s9] =	stream.linear.scatter [tilespmem:s0], [sflag:$0x5], $0x6000, $0x38;
	[tilespmem:$0x18400] =	vst v63  }
0xd7: {  	_ =	swait.ge [sflag:s12], $0x6000  }
0xd8: {  	s1 =	simm.s32 $0x300;
	s5 =	simm.s32 $0xF00;
	[sflag:s12] =	ssyncset.done $0x0  }
0xd9: {  	s14 =	simm.s32 $0x30;
	s26 =	rddreg [dreg:$0x5];
	[sflag:s12] =	ssyncadd.s32 $0xFFFFA000  }
0xda: {  	[hbm:s26@s5], [sflag:s21] =	dma.strided [spmem:s22@s1], $0xC00, s14, $0x10   }
0xdb: {  	v3 =	vld [tilespmem:$0x80];
	_ =	sdelay $0x4  }
0xdc: {  	v32 =	vshrl.u32 v3, $0x3  }
0xdd: {  	v4 =	vmul.u32 $0x30, v32  }
0xde: {  	v3 =	vand.u32 $0x7, v3  }
0xdf: {  	v3 =	vor.u32 v3, v4  }
0xe0: {  	v4 =	vperm.xlane v3, v0;
	_ =	sdelay $0x1  }
0xe1: {  	v4 =	vadd.s32 v1, v4;
	_ =	sdelay $0x3  }
0xe2: {  	v3 =	vperm.xlane v3, v2  }
0xe3: {  	[tilespmem:s0], [sflag:$0x1] =	stream.indirect_vreg.gather [hbm4b:s4+s2], $0x80, v4, vm0, $0xb8;
	[tilespmem:$0x18400] =	vst v63  }
0xe4: {  	s26 =	simm.s32 $0xC00;
	v3 =	vadd.s32 v1, v3  }
0xe5: {  	[tilespmem:s26], [sflag:$0x1] =	stream.indirect_vreg.gather [hbm4b:s6+s2], $0x80, v4, vm0, $0xb8;
	[tilespmem:$0x18400] =	vst v63  }
0xe6: {  	s5 =	simm.s32 $0x1400  }
0xe7: {  	[tilespmem:s5], [sflag:$0x1] =	stream.indirect_vreg.gather [hbm4b:s7+s2], $0x80, v4, vm0, $0xb8;
	[tilespmem:$0x18400] =	vst v63  }
0xe8: {  	s26 =	simm.s32 $0x1C00  }
0xe9: {  	[tilespmem:s26], [sflag:$0x1] =	stream.indirect_vreg.gather [hbm4b:s4+s2], $0x80, v3, vm0, $0xb8;
	[tilespmem:$0x18400] =	vst v63  }
0xea: {  	s5 =	simm.s32 $0x2400  }
0xeb: {  	[tilespmem:s5], [sflag:$0x1] =	stream.indirect_vreg.gather [hbm4b:s6+s2], $0x80, v3, vm0, $0xb8;
	[tilespmem:$0x18400] =	vst v63  }
0xec: {  	_ = 	snop  }
0xed: {  	[tilespmem:s24], [sflag:$0x1] =	stream.indirect_vreg.gather [hbm4b:s7+s2], $0x80, v3, vm0, $0xb8;
	[tilespmem:$0x18400] =	vst v63  }
0xee: {  	v3 =	vld [tilespmem:$0x90];
	_ =	sdelay $0x4  }
0xef: {  	v33 =	vshrl.u32 v3, $0x3  }
0xf0: {  	v4 =	vmul.u32 $0x30, v33  }
0xf1: {  	v3 =	vand.u32 $0x7, v3  }
0xf2: {  	v3 =	vor.u32 v3, v4  }
0xf3: {  	v4 =	vperm.xlane v3, v0;
	_ =	sdelay $0x1  }
0xf4: {  	v4 =	vadd.s32 v1, v4;
	_ =	sdelay $0x3  }
0xf5: {  	v3 =	vperm.xlane v3, v2  }
0xf6: {  	[tilespmem:s16], [sflag:$0x1] =	stream.indirect_vreg.gather [hbm4b:s4+s2], $0x80, v4, vm0, $0xb8;
	[tilespmem:$0x18400] =	vst v63  }
0xf7: {  	s24 =	simm.s32 $0x3C00;
	v3 =	vadd.s32 v1, v3  }
0xf8: {  	[tilespmem:s24], [sflag:$0x1] =	stream.indirect_vreg.gather [hbm4b:s6+s2], $0x80, v4, vm0, $0xb8;
	[tilespmem:$0x18400] =	vst v63  }
0xf9: {  	s26 =	simm.s32 $0x4400  }
0xfa: {  	[tilespmem:s26], [sflag:$0x1] =	stream.indirect_vreg.gather [hbm4b:s7+s2], $0x80, v4, vm0, $0xb8;
	[tilespmem:$0x18400] =	vst v63  }
0xfb: {  	s5 =	simm.s32 $0x4C00  }
0xfc: {  	[tilespmem:s5], [sflag:$0x1] =	stream.indirect_vreg.gather [hbm4b:s4+s2], $0x80, v3, vm0, $0xb8;
	[tilespmem:$0x18400] =	vst v63  }
0xfd: {  	s24 =	simm.s32 $0x5400  }
0xfe: {  	[tilespmem:s24], [sflag:$0x1] =	stream.indirect_vreg.gather [hbm4b:s6+s2], $0x80, v3, vm0, $0xb8;
	[tilespmem:$0x18400] =	vst v63  }
0xff: {  	s26 =	simm.s32 $0x5C00  }
0x100: {  	[tilespmem:s26], [sflag:$0x1] =	stream.indirect_vreg.gather [hbm4b:s7+s2], $0x80, v3, vm0, $0xb8;
	[tilespmem:$0x18400] =	vst v63  }
0x101: {  	_ =	swait.ge [sflag:s18], $0x6000  }
0x102: {  	[sflag:s18] =	ssyncset.done $0x0  }
0x103: {  	[sflag:s18] =	ssyncadd.s32 $0xFFFFA000  }
0x104: {  	_ =	swait.ge [sflag:s20], $0xC00  }
0x105: {  	[sflag:s20] =	ssyncset.done $0x0  }
0x106: {  	s24 =	simm.s32 $0x6400;
	[sflag:s20] =	ssyncadd.s32 $0xFFFFF400  }
0x107: {  	[spmem:s3] =	stream.linear.scatter [tilespmem:s24], [sflag:$0x5], $0x6000, $0x38;
	[tilespmem:$0x18400] =	vst v63  }
0x108: {  	_ =	swait.ge [sflag:s12], $0x6000  }
0x109: {  	[sflag:s12] =	ssyncset.done $0x0  }
0x10a: {  	s0 =	simm.s32 $0xF00;
	s5 =	rddreg [dreg:$0x6];
	[sflag:s12] =	ssyncadd.s32 $0xFFFFA000  }
0x10b: {  	[hbm:s5@s0], [sflag:s23] =	dma.strided [spmem:s25@s1], $0xC00, s14, $0x10   }
0x10c: {  	v3 =	vld [tilespmem:$0xA0];
	_ =	sdelay $0x4  }
0x10d: {  	v34 =	vshrl.u32 v3, $0x3  }
0x10e: {  	v4 =	vmul.u32 $0x30, v34  }
0x10f: {  	v3 =	vand.u32 $0x7, v3  }
0x110: {  	v3 =	vor.u32 v3, v4  }
0x111: {  	v4 =	vperm.xlane v3, v0;
	_ =	sdelay $0x1  }
0x112: {  	v4 =	vadd.s32 v1, v4;
	_ =	sdelay $0x3  }
0x113: {  	v3 =	vperm.xlane v3, v2  }
0x114: {  	[tilespmem:s24], [sflag:$0x2] =	stream.indirect_vreg.gather [hbm4b:s4+s2], $0x80, v4, vm0, $0xb8;
	[tilespmem:$0x18400] =	vst v63  }
0x115: {  	v3 =	vadd.s32 v1, v3  }
0x116: {  	[tilespmem:s8], [sflag:$0x2] =	stream.indirect_vreg.gather [hbm4b:s6+s2], $0x80, v4, vm0, $0xb8;
	[tilespmem:$0x18400] =	vst v63  }
0x117: {  	_ = 	snop  }
0x118: {  	[tilespmem:s15], [sflag:$0x2] =	stream.indirect_vreg.gather [hbm4b:s7+s2], $0x80, v4, vm0, $0xb8;
	[tilespmem:$0x18400] =	vst v63  }
0x119: {  	_ = 	snop  }
0x11a: {  	[tilespmem:s11], [sflag:$0x2] =	stream.indirect_vreg.gather [hbm4b:s4+s2], $0x80, v3, vm0, $0xb8;
	[tilespmem:$0x18400] =	vst v63  }
0x11b: {  	_ = 	snop  }
0x11c: {  	[tilespmem:s13], [sflag:$0x2] =	stream.indirect_vreg.gather [hbm4b:s6+s2], $0x80, v3, vm0, $0xb8;
	[tilespmem:$0x18400] =	vst v63  }
0x11d: {  	s8 =	simm.s32 $0x8C00  }
0x11e: {  	[tilespmem:s8], [sflag:$0x2] =	stream.indirect_vreg.gather [hbm4b:s7+s2], $0x80, v3, vm0, $0xb8;
	[tilespmem:$0x18400] =	vst v63  }
0x11f: {  	v3 =	vld [tilespmem:$0xB0];
	_ =	sdelay $0x4  }
0x120: {  	v35 =	vshrl.u32 v3, $0x3  }
0x121: {  	v4 =	vmul.u32 $0x30, v35  }
0x122: {  	v3 =	vand.u32 $0x7, v3  }
0x123: {  	v3 =	vor.u32 v3, v4  }
0x124: {  	v4 =	vperm.xlane v3, v0;
	_ =	sdelay $0x1  }
0x125: {  	v4 =	vadd.s32 v1, v4;
	_ =	sdelay $0x3  }
0x126: {  	s1 =	simm.s32 $0x9400;
	v3 =	vperm.xlane v3, v2  }
0x127: {  	[tilespmem:s1], [sflag:$0x2] =	stream.indirect_vreg.gather [hbm4b:s4+s2], $0x80, v4, vm0, $0xb8;
	[tilespmem:$0x18400] =	vst v63  }
0x128: {  	v3 =	vadd.s32 v1, v3  }
0x129: {  	[tilespmem:s17], [sflag:$0x2] =	stream.indirect_vreg.gather [hbm4b:s6+s2], $0x80, v4, vm0, $0xb8;
	[tilespmem:$0x18400] =	vst v63  }
0x12a: {  	_ = 	snop  }
0x12b: {  	[tilespmem:s10], [sflag:$0x2] =	stream.indirect_vreg.gather [hbm4b:s7+s2], $0x80, v4, vm0, $0xb8;
	[tilespmem:$0x18400] =	vst v63  }
0x12c: {  	_ = 	snop  }
0x12d: {  	[tilespmem:s28], [sflag:$0x2] =	stream.indirect_vreg.gather [hbm4b:s4+s2], $0x80, v3, vm0, $0xb8;
	[tilespmem:$0x18400] =	vst v63  }
0x12e: {  	_ = 	snop  }
0x12f: {  	[tilespmem:s29], [sflag:$0x2] =	stream.indirect_vreg.gather [hbm4b:s6+s2], $0x80, v3, vm0, $0xb8;
	[tilespmem:$0x18400] =	vst v63  }
0x130: {  	_ = 	snop  }
0x131: {  	[tilespmem:s30], [sflag:$0x2] =	stream.indirect_vreg.gather [hbm4b:s7+s2], $0x80, v3, vm0, $0xb8;
	[tilespmem:$0x18400] =	vst v63  }
0x132: {  	_ =	swait.ge [sflag:s31], $0x6000  }
0x133: {  	[sflag:s31] =	ssyncset.done $0x0  }
0x134: {  	[sflag:s31] =	ssyncadd.s32 $0xFFFFA000  }
0x135: {  	_ =	swait.ge [sflag:s19], $0xC00  }
0x136: {  	[sflag:s19] =	ssyncset.done $0x0  }
0x137: {  	s24 =	simm.s32 $0x400;
	[sflag:s19] =	ssyncadd.s32 $0xFFFFF400  }
0x138: {  	[spmem:s9] =	stream.linear.scatter [tilespmem:s24], [sflag:$0x5], $0x6000, $0x38;
	[tilespmem:$0x18400] =	vst v63  }
0x139: {  	_ =	swait.ge [sflag:s12], $0x6000  }
0x13a: {  	s5 =	simm.s32 $0x300;
	[sflag:s12] =	ssyncset.done $0x0  }
0x13b: {  	s28 =	simm.s32 $0x30;
	s30 =	rddreg [dreg:$0x7];
	[sflag:s12] =	ssyncadd.s32 $0xFFFFA000  }
0x13c: {  	[hbm:s30@s0], [sflag:s21] =	dma.strided [spmem:s22@s5], $0xC00, s28, $0x10   }
0x13d: {  	v3 =	vld [tilespmem:$0xC0];
	_ =	sdelay $0x4  }
0x13e: {  	v36 =	vshrl.u32 v3, $0x3  }
0x13f: {  	v4 =	vmul.u32 $0x30, v36  }
0x140: {  	v3 =	vand.u32 $0x7, v3  }
0x141: {  	v3 =	vor.u32 v3, v4  }
0x142: {  	v4 =	vperm.xlane v3, v0;
	_ =	sdelay $0x1  }
0x143: {  	v4 =	vadd.s32 v1, v4;
	_ =	sdelay $0x3  }
0x144: {  	v3 =	vperm.xlane v3, v2  }
0x145: {  	[tilespmem:s24], [sflag:$0x1] =	stream.indirect_vreg.gather [hbm4b:s4+s2], $0x80, v4, vm0, $0xb8;
	[tilespmem:$0x18400] =	vst v63  }
0x146: {  	s11 =	simm.s32 $0xC00;
	v3 =	vadd.s32 v1, v3  }
0x147: {  	[tilespmem:s11], [sflag:$0x1] =	stream.indirect_vreg.gather [hbm4b:s6+s2], $0x80, v4, vm0, $0xb8;
	[tilespmem:$0x18400] =	vst v63  }
0x148: {  	s5 =	simm.s32 $0x1400  }
0x149: {  	[tilespmem:s5], [sflag:$0x1] =	stream.indirect_vreg.gather [hbm4b:s7+s2], $0x80, v4, vm0, $0xb8;
	[tilespmem:$0x18400] =	vst v63  }
0x14a: {  	s13 =	simm.s32 $0x1C00  }
0x14b: {  	[tilespmem:s13], [sflag:$0x1] =	stream.indirect_vreg.gather [hbm4b:s4+s2], $0x80, v3, vm0, $0xb8;
	[tilespmem:$0x18400] =	vst v63  }
0x14c: {  	s11 =	simm.s32 $0x2400  }
0x14d: {  	[tilespmem:s11], [sflag:$0x1] =	stream.indirect_vreg.gather [hbm4b:s6+s2], $0x80, v3, vm0, $0xb8;
	[tilespmem:$0x18400] =	vst v63  }
0x14e: {  	s14 =	simm.s32 $0x2C00  }
0x14f: {  	[tilespmem:s14], [sflag:$0x1] =	stream.indirect_vreg.gather [hbm4b:s7+s2], $0x80, v3, vm0, $0xb8;
	[tilespmem:$0x18400] =	vst v63  }
0x150: {  	v3 =	vld [tilespmem:$0xD0];
	_ =	sdelay $0x4  }
0x151: {  	v37 =	vshrl.u32 v3, $0x3  }
0x152: {  	v4 =	vmul.u32 $0x30, v37  }
0x153: {  	v3 =	vand.u32 $0x7, v3  }
0x154: {  	v3 =	vor.u32 v3, v4  }
0x155: {  	v4 =	vperm.xlane v3, v0;
	_ =	sdelay $0x1  }
0x156: {  	v4 =	vadd.s32 v1, v4;
	_ =	sdelay $0x3  }
0x157: {  	s16 =	simm.s32 $0x3400;
	v3 =	vperm.xlane v3, v2  }
0x158: {  	[tilespmem:s16], [sflag:$0x1] =	stream.indirect_vreg.gather [hbm4b:s4+s2], $0x80, v4, vm0, $0xb8;
	[tilespmem:$0x18400] =	vst v63  }
0x159: {  	s15 =	simm.s32 $0x3C00;
	v3 =	vadd.s32 v1, v3  }
0x15a: {  	[tilespmem:s15], [sflag:$0x1] =	stream.indirect_vreg.gather [hbm4b:s6+s2], $0x80, v4, vm0, $0xb8;
	[tilespmem:$0x18400] =	vst v63  }
0x15b: {  	s15 =	simm.s32 $0x4400  }
0x15c: {  	[tilespmem:s15], [sflag:$0x1] =	stream.indirect_vreg.gather [hbm4b:s7+s2], $0x80, v4, vm0, $0xb8;
	[tilespmem:$0x18400] =	vst v63  }
0x15d: {  	s13 =	simm.s32 $0x4C00  }
0x15e: {  	[tilespmem:s13], [sflag:$0x1] =	stream.indirect_vreg.gather [hbm4b:s4+s2], $0x80, v3, vm0, $0xb8;
	[tilespmem:$0x18400] =	vst v63  }
0x15f: {  	s14 =	simm.s32 $0x5400  }
0x160: {  	[tilespmem:s14], [sflag:$0x1] =	stream.indirect_vreg.gather [hbm4b:s6+s2], $0x80, v3, vm0, $0xb8;
	[tilespmem:$0x18400] =	vst v63  }
0x161: {  	s24 =	simm.s32 $0x5C00  }
0x162: {  	[tilespmem:s24], [sflag:$0x1] =	stream.indirect_vreg.gather [hbm4b:s7+s2], $0x80, v3, vm0, $0xb8;
	[tilespmem:$0x18400] =	vst v63  }
0x163: {  	_ =	swait.ge [sflag:s18], $0x6000  }
0x164: {  	[sflag:s18] =	ssyncset.done $0x0  }
0x165: {  	[sflag:s18] =	ssyncadd.s32 $0xFFFFA000  }
0x166: {  	_ =	swait.ge [sflag:s20], $0xC00  }
0x167: {  	[sflag:s20] =	ssyncset.done $0x0  }
0x168: {  	s16 =	simm.s32 $0x6400;
	[sflag:s20] =	ssyncadd.s32 $0xFFFFF400  }
0x169: {  	[spmem:s3] =	stream.linear.scatter [tilespmem:s16], [sflag:$0x5], $0x6000, $0x38;
	[tilespmem:$0x18400] =	vst v63  }
0x16a: {  	_ =	swait.ge [sflag:s12], $0x6000  }
0x16b: {  	s26 =	simm.s32 $0xF00;
	[sflag:s12] =	ssyncset.done $0x0  }
0x16c: {  	s0 =	simm.s32 $0x300;
	s17 =	rddreg [dreg:$0x8];
	[sflag:s12] =	ssyncadd.s32 $0xFFFFA000  }
0x16d: {  	[hbm:s17@s26], [sflag:s23] =	dma.strided [spmem:s25@s0], $0xC00, s28, $0x10   }
0x16e: {  	v3 =	vld [tilespmem:$0xE0];
	_ =	sdelay $0x4  }
0x16f: {  	v38 =	vshrl.u32 v3, $0x3  }
0x170: {  	v4 =	vmul.u32 $0x30, v38  }
0x171: {  	v3 =	vand.u32 $0x7, v3  }
0x172: {  	v3 =	vor.u32 v3, v4  }
0x173: {  	v4 =	vperm.xlane v3, v0;
	_ =	sdelay $0x1  }
0x174: {  	v4 =	vadd.s32 v1, v4;
	_ =	sdelay $0x3  }
0x175: {  	v3 =	vperm.xlane v3, v2  }
0x176: {  	[tilespmem:s16], [sflag:$0x2] =	stream.indirect_vreg.gather [hbm4b:s4+s2], $0x80, v4, vm0, $0xb8;
	[tilespmem:$0x18400] =	vst v63  }
0x177: {  	s28 =	simm.s32 $0x6C00;
	v3 =	vadd.s32 v1, v3  }
0x178: {  	[tilespmem:s28], [sflag:$0x2] =	stream.indirect_vreg.gather [hbm4b:s6+s2], $0x80, v4, vm0, $0xb8;
	[tilespmem:$0x18400] =	vst v63  }
0x179: {  	s29 =	simm.s32 $0x7400  }
0x17a: {  	[tilespmem:s29], [sflag:$0x2] =	stream.indirect_vreg.gather [hbm4b:s7+s2], $0x80, v4, vm0, $0xb8;
	[tilespmem:$0x18400] =	vst v63  }
0x17b: {  	s30 =	simm.s32 $0x7C00  }
0x17c: {  	[tilespmem:s30], [sflag:$0x2] =	stream.indirect_vreg.gather [hbm4b:s4+s2], $0x80, v3, vm0, $0xb8;
	[tilespmem:$0x18400] =	vst v63  }
0x17d: {  	s16 =	simm.s32 $0x8400  }
0x17e: {  	[tilespmem:s16], [sflag:$0x2] =	stream.indirect_vreg.gather [hbm4b:s6+s2], $0x80, v3, vm0, $0xb8;
	[tilespmem:$0x18400] =	vst v63  }
0x17f: {  	_ = 	snop  }
0x180: {  	[tilespmem:s8], [sflag:$0x2] =	stream.indirect_vreg.gather [hbm4b:s7+s2], $0x80, v3, vm0, $0xb8;
	[tilespmem:$0x18400] =	vst v63  }
0x181: {  	v3 =	vld [tilespmem:$0xF0];
	_ =	sdelay $0x4  }
0x182: {  	v39 =	vshrl.u32 v3, $0x3  }
0x183: {  	v4 =	vmul.u32 $0x30, v39  }
0x184: {  	v3 =	vand.u32 $0x7, v3  }
0x185: {  	v3 =	vor.u32 v3, v4  }
0x186: {  	v4 =	vperm.xlane v3, v0;
	_ =	sdelay $0x1  }
0x187: {  	v4 =	vadd.s32 v1, v4;
	_ =	sdelay $0x3  }
0x188: {  	v3 =	vperm.xlane v3, v2  }
0x189: {  	[tilespmem:s1], [sflag:$0x2] =	stream.indirect_vreg.gather [hbm4b:s4+s2], $0x80, v4, vm0, $0xb8;
	[tilespmem:$0x18400] =	vst v63  }
0x18a: {  	s26 =	simm.s32 $0x9C00;
	v3 =	vadd.s32 v1, v3  }
0x18b: {  	[tilespmem:s26], [sflag:$0x2] =	stream.indirect_vreg.gather [hbm4b:s6+s2], $0x80, v4, vm0, $0xb8;
	[tilespmem:$0x18400] =	vst v63  }
0x18c: {  	s8 =	simm.s32 $0xA400  }
0x18d: {  	[tilespmem:s8], [sflag:$0x2] =	stream.indirect_vreg.gather [hbm4b:s7+s2], $0x80, v4, vm0, $0xb8;
	[tilespmem:$0x18400] =	vst v63  }
0x18e: {  	s1 =	simm.s32 $0xAC00  }
0x18f: {  	[tilespmem:s1], [sflag:$0x2] =	stream.indirect_vreg.gather [hbm4b:s4+s2], $0x80, v3, vm0, $0xb8;
	[tilespmem:$0x18400] =	vst v63  }
0x190: {  	s10 =	simm.s32 $0xB400  }
0x191: {  	[tilespmem:s10], [sflag:$0x2] =	stream.indirect_vreg.gather [hbm4b:s6+s2], $0x80, v3, vm0, $0xb8;
	[tilespmem:$0x18400] =	vst v63  }
0x192: {  	s17 =	simm.s32 $0xBC00  }
0x193: {  	[tilespmem:s17], [sflag:$0x2] =	stream.indirect_vreg.gather [hbm4b:s7+s2], $0x80, v3, vm0, $0xb8;
	[tilespmem:$0x18400] =	vst v63  }
0x194: {  	_ =	swait.ge [sflag:s31], $0x6000  }
0x195: {  	[sflag:s31] =	ssyncset.done $0x0  }
0x196: {  	[sflag:s31] =	ssyncadd.s32 $0xFFFFA000  }
0x197: {  	_ =	swait.ge [sflag:s19], $0xC00  }
0x198: {  	[sflag:s19] =	ssyncset.done $0x0  }
0x199: {  	s0 =	simm.s32 $0x400;
	[sflag:s19] =	ssyncadd.s32 $0xFFFFF400  }
0x19a: {  	[spmem:s9] =	stream.linear.scatter [tilespmem:s0], [sflag:$0x5], $0x6000, $0x38;
	[tilespmem:$0x18400] =	vst v63  }
0x19b: {  	_ =	swait.ge [sflag:s12], $0x6000  }
0x19c: {  	s1 =	simm.s32 $0xF00;
	s10 =	simm.s32 $0x30;
	[sflag:s12] =	ssyncset.done $0x0  }
0x19d: {  	s17 =	simm.s32 $0x300;
	s26 =	rddreg [dreg:$0x9];
	[sflag:s12] =	ssyncadd.s32 $0xFFFFA000  }
0x19e: {  	[hbm:s26@s1], [sflag:s21] =	dma.strided [spmem:s22@s17], $0xC00, s10, $0x10   }
0x19f: {  	v3 =	vld [tilespmem:$0x100];
	_ =	sdelay $0x4  }
0x1a0: {  	v40 =	vshrl.u32 v3, $0x3  }
0x1a1: {  	v4 =	vmul.u32 $0x30, v40  }
0x1a2: {  	v3 =	vand.u32 $0x7, v3  }
0x1a3: {  	v3 =	vor.u32 v3, v4  }
0x1a4: {  	v4 =	vperm.xlane v3, v0;
	_ =	sdelay $0x1  }
0x1a5: {  	v4 =	vadd.s32 v1, v4;
	_ =	sdelay $0x3  }
0x1a6: {  	v3 =	vperm.xlane v3, v2  }
0x1a7: {  	[tilespmem:s0], [sflag:$0x1] =	stream.indirect_vreg.gather [hbm4b:s4+s2], $0x80, v4, vm0, $0xb8;
	[tilespmem:$0x18400] =	vst v63  }
0x1a8: {  	s26 =	simm.s32 $0xC00;
	v3 =	vadd.s32 v1, v3  }
0x1a9: {  	[tilespmem:s26], [sflag:$0x1] =	stream.indirect_vreg.gather [hbm4b:s6+s2], $0x80, v4, vm0, $0xb8;
	[tilespmem:$0x18400] =	vst v63  }
0x1aa: {  	_ = 	snop  }
0x1ab: {  	[tilespmem:s5], [sflag:$0x1] =	stream.indirect_vreg.gather [hbm4b:s7+s2], $0x80, v4, vm0, $0xb8;
	[tilespmem:$0x18400] =	vst v63  }
0x1ac: {  	s5 =	simm.s32 $0x1C00  }
0x1ad: {  	[tilespmem:s5], [sflag:$0x1] =	stream.indirect_vreg.gather [hbm4b:s4+s2], $0x80, v3, vm0, $0xb8;
	[tilespmem:$0x18400] =	vst v63  }
0x1ae: {  	_ = 	snop  }
0x1af: {  	[tilespmem:s11], [sflag:$0x1] =	stream.indirect_vreg.gather [hbm4b:s6+s2], $0x80, v3, vm0, $0xb8;
	[tilespmem:$0x18400] =	vst v63  }
0x1b0: {  	s0 =	simm.s32 $0x2C00  }
0x1b1: {  	[tilespmem:s0], [sflag:$0x1] =	stream.indirect_vreg.gather [hbm4b:s7+s2], $0x80, v3, vm0, $0xb8;
	[tilespmem:$0x18400] =	vst v63  }
0x1b2: {  	v3 =	vld [tilespmem:$0x110];
	_ =	sdelay $0x4  }
0x1b3: {  	v41 =	vshrl.u32 v3, $0x3  }
0x1b4: {  	v4 =	vmul.u32 $0x30, v41  }
0x1b5: {  	v3 =	vand.u32 $0x7, v3  }
0x1b6: {  	v3 =	vor.u32 v3, v4  }
0x1b7: {  	v4 =	vperm.xlane v3, v0;
	_ =	sdelay $0x1  }
0x1b8: {  	v4 =	vadd.s32 v1, v4;
	_ =	sdelay $0x3  }
0x1b9: {  	s5 =	simm.s32 $0x3400;
	v3 =	vperm.xlane v3, v2  }
0x1ba: {  	[tilespmem:s5], [sflag:$0x1] =	stream.indirect_vreg.gather [hbm4b:s4+s2], $0x80, v4, vm0, $0xb8;
	[tilespmem:$0x18400] =	vst v63  }
0x1bb: {  	s26 =	simm.s32 $0x3C00;
	v3 =	vadd.s32 v1, v3  }
0x1bc: {  	[tilespmem:s26], [sflag:$0x1] =	stream.indirect_vreg.gather [hbm4b:s6+s2], $0x80, v4, vm0, $0xb8;
	[tilespmem:$0x18400] =	vst v63  }
0x1bd: {  	_ = 	snop  }
0x1be: {  	[tilespmem:s15], [sflag:$0x1] =	stream.indirect_vreg.gather [hbm4b:s7+s2], $0x80, v4, vm0, $0xb8;
	[tilespmem:$0x18400] =	vst v63  }
0x1bf: {  	_ = 	snop  }
0x1c0: {  	[tilespmem:s13], [sflag:$0x1] =	stream.indirect_vreg.gather [hbm4b:s4+s2], $0x80, v3, vm0, $0xb8;
	[tilespmem:$0x18400] =	vst v63  }
0x1c1: {  	_ = 	snop  }
0x1c2: {  	[tilespmem:s14], [sflag:$0x1] =	stream.indirect_vreg.gather [hbm4b:s6+s2], $0x80, v3, vm0, $0xb8;
	[tilespmem:$0x18400] =	vst v63  }
0x1c3: {  	_ = 	snop  }
0x1c4: {  	[tilespmem:s24], [sflag:$0x1] =	stream.indirect_vreg.gather [hbm4b:s7+s2], $0x80, v3, vm0, $0xb8;
	[tilespmem:$0x18400] =	vst v63  }
0x1c5: {  	_ =	swait.ge [sflag:s18], $0x6000  }
0x1c6: {  	[sflag:s18] =	ssyncset.done $0x0  }
0x1c7: {  	[sflag:s18] =	ssyncadd.s32 $0xFFFFA000  }
0x1c8: {  	_ =	swait.ge [sflag:s20], $0xC00  }
0x1c9: {  	[sflag:s20] =	ssyncset.done $0x0  }
0x1ca: {  	s13 =	simm.s32 $0x6400;
	[sflag:s20] =	ssyncadd.s32 $0xFFFFF400  }
0x1cb: {  	[spmem:s3] =	stream.linear.scatter [tilespmem:s13], [sflag:$0x5], $0x6000, $0x38;
	[tilespmem:$0x18400] =	vst v63  }
0x1cc: {  	_ =	swait.ge [sflag:s12], $0x6000  }
0x1cd: {  	[sflag:s12] =	ssyncset.done $0x0  }
0x1ce: {  	s15 =	rddreg [dreg:$0xa];
	[sflag:s12] =	ssyncadd.s32 $0xFFFFA000  }
0x1cf: {  	[hbm:s15@s1], [sflag:s23] =	dma.strided [spmem:s25@s17], $0xC00, s10, $0x10   }
0x1d0: {  	v3 =	vld [tilespmem:$0x120];
	_ =	sdelay $0x4  }
0x1d1: {  	v42 =	vshrl.u32 v3, $0x3  }
0x1d2: {  	v4 =	vmul.u32 $0x30, v42  }
0x1d3: {  	v3 =	vand.u32 $0x7, v3  }
0x1d4: {  	v3 =	vor.u32 v3, v4  }
0x1d5: {  	v4 =	vperm.xlane v3, v0;
	_ =	sdelay $0x1  }
0x1d6: {  	v4 =	vadd.s32 v1, v4;
	_ =	sdelay $0x3  }
0x1d7: {  	v3 =	vperm.xlane v3, v2  }
0x1d8: {  	[tilespmem:s13], [sflag:$0x2] =	stream.indirect_vreg.gather [hbm4b:s4+s2], $0x80, v4, vm0, $0xb8;
	[tilespmem:$0x18400] =	vst v63  }
0x1d9: {  	v3 =	vadd.s32 v1, v3  }
0x1da: {  	[tilespmem:s28], [sflag:$0x2] =	stream.indirect_vreg.gather [hbm4b:s6+s2], $0x80, v4, vm0, $0xb8;
	[tilespmem:$0x18400] =	vst v63  }
0x1db: {  	_ = 	snop  }
0x1dc: {  	[tilespmem:s29], [sflag:$0x2] =	stream.indirect_vreg.gather [hbm4b:s7+s2], $0x80, v4, vm0, $0xb8;
	[tilespmem:$0x18400] =	vst v63  }
0x1dd: {  	_ = 	snop  }
0x1de: {  	[tilespmem:s30], [sflag:$0x2] =	stream.indirect_vreg.gather [hbm4b:s4+s2], $0x80, v3, vm0, $0xb8;
	[tilespmem:$0x18400] =	vst v63  }
0x1df: {  	_ = 	snop  }
0x1e0: {  	[tilespmem:s16], [sflag:$0x2] =	stream.indirect_vreg.gather [hbm4b:s6+s2], $0x80, v3, vm0, $0xb8;
	[tilespmem:$0x18400] =	vst v63  }
0x1e1: {  	s1 =	simm.s32 $0x8C00  }
0x1e2: {  	[tilespmem:s1], [sflag:$0x2] =	stream.indirect_vreg.gather [hbm4b:s7+s2], $0x80, v3, vm0, $0xb8;
	[tilespmem:$0x18400] =	vst v63  }
0x1e3: {  	v3 =	vld [tilespmem:$0x130];
	_ =	sdelay $0x4  }
0x1e4: {  	v43 =	vshrl.u32 v3, $0x3  }
0x1e5: {  	v4 =	vmul.u32 $0x30, v43  }
0x1e6: {  	v3 =	vand.u32 $0x7, v3  }
0x1e7: {  	v3 =	vor.u32 v3, v4  }
0x1e8: {  	v4 =	vperm.xlane v3, v0;
	_ =	sdelay $0x1  }
0x1e9: {  	v4 =	vadd.s32 v1, v4;
	_ =	sdelay $0x3  }
0x1ea: {  	s15 =	simm.s32 $0x9400;
	v3 =	vperm.xlane v3, v2  }
0x1eb: {  	[tilespmem:s15], [sflag:$0x2] =	stream.indirect_vreg.gather [hbm4b:s4+s2], $0x80, v4, vm0, $0xb8;
	[tilespmem:$0x18400] =	vst v63  }
0x1ec: {  	s16 =	simm.s32 $0x9C00;
	v3 =	vadd.s32 v1, v3  }
0x1ed: {  	[tilespmem:s16], [sflag:$0x2] =	stream.indirect_vreg.gather [hbm4b:s6+s2], $0x80, v4, vm0, $0xb8;
	[tilespmem:$0x18400] =	vst v63  }
0x1ee: {  	_ = 	snop  }
0x1ef: {  	[tilespmem:s8], [sflag:$0x2] =	stream.indirect_vreg.gather [hbm4b:s7+s2], $0x80, v4, vm0, $0xb8;
	[tilespmem:$0x18400] =	vst v63  }
0x1f0: {  	s24 =	simm.s32 $0xAC00  }
0x1f1: {  	[tilespmem:s24], [sflag:$0x2] =	stream.indirect_vreg.gather [hbm4b:s4+s2], $0x80, v3, vm0, $0xb8;
	[tilespmem:$0x18400] =	vst v63  }
0x1f2: {  	s26 =	simm.s32 $0xB400  }
0x1f3: {  	[tilespmem:s26], [sflag:$0x2] =	stream.indirect_vreg.gather [hbm4b:s6+s2], $0x80, v3, vm0, $0xb8;
	[tilespmem:$0x18400] =	vst v63  }
0x1f4: {  	s28 =	simm.s32 $0xBC00  }
0x1f5: {  	[tilespmem:s28], [sflag:$0x2] =	stream.indirect_vreg.gather [hbm4b:s7+s2], $0x80, v3, vm0, $0xb8;
	[tilespmem:$0x18400] =	vst v63  }
0x1f6: {  	_ =	swait.ge [sflag:s31], $0x6000  }
0x1f7: {  	[sflag:s31] =	ssyncset.done $0x0  }
0x1f8: {  	[sflag:s31] =	ssyncadd.s32 $0xFFFFA000  }
0x1f9: {  	_ =	swait.ge [sflag:s19], $0xC00  }
0x1fa: {  	[sflag:s19] =	ssyncset.done $0x0  }
0x1fb: {  	s29 =	simm.s32 $0x400;
	[sflag:s19] =	ssyncadd.s32 $0xFFFFF400  }
0x1fc: {  	[spmem:s9] =	stream.linear.scatter [tilespmem:s29], [sflag:$0x5], $0x6000, $0x38;
	[tilespmem:$0x18400] =	vst v63  }
0x1fd: {  	_ =	swait.ge [sflag:s12], $0x6000  }
0x1fe: {  	s11 =	simm.s32 $0xF00;
	s17 =	simm.s32 $0x30;
	[sflag:s12] =	ssyncset.done $0x0  }
0x1ff: {  	s10 =	simm.s32 $0x300;
	s30 =	rddreg [dreg:$0xb];
	[sflag:s12] =	ssyncadd.s32 $0xFFFFA000  }
0x200: {  	[hbm:s30@s11], [sflag:s21] =	dma.strided [spmem:s22@s10], $0xC00, s17, $0x10   }
0x201: {  	v3 =	vld [tilespmem:$0x140];
	_ =	sdelay $0x4  }
0x202: {  	v44 =	vshrl.u32 v3, $0x3  }
0x203: {  	v4 =	vmul.u32 $0x30, v44  }
0x204: {  	v3 =	vand.u32 $0x7, v3  }
0x205: {  	v3 =	vor.u32 v3, v4  }
0x206: {  	v4 =	vperm.xlane v3, v0;
	_ =	sdelay $0x1  }
0x207: {  	v4 =	vadd.s32 v1, v4;
	_ =	sdelay $0x3  }
0x208: {  	v3 =	vperm.xlane v3, v2  }
0x209: {  	[tilespmem:s29], [sflag:$0x1] =	stream.indirect_vreg.gather [hbm4b:s4+s2], $0x80, v4, vm0, $0xb8;
	[tilespmem:$0x18400] =	vst v63  }
0x20a: {  	s16 =	simm.s32 $0xC00;
	v3 =	vadd.s32 v1, v3  }
0x20b: {  	[tilespmem:s16], [sflag:$0x1] =	stream.indirect_vreg.gather [hbm4b:s6+s2], $0x80, v4, vm0, $0xb8;
	[tilespmem:$0x18400] =	vst v63  }
0x20c: {  	s10 =	simm.s32 $0x1400  }
0x20d: {  	[tilespmem:s10], [sflag:$0x1] =	stream.indirect_vreg.gather [hbm4b:s7+s2], $0x80, v4, vm0, $0xb8;
	[tilespmem:$0x18400] =	vst v63  }
0x20e: {  	s11 =	simm.s32 $0x1C00  }
0x20f: {  	[tilespmem:s11], [sflag:$0x1] =	stream.indirect_vreg.gather [hbm4b:s4+s2], $0x80, v3, vm0, $0xb8;
	[tilespmem:$0x18400] =	vst v63  }
0x210: {  	s14 =	simm.s32 $0x2400  }
0x211: {  	[tilespmem:s14], [sflag:$0x1] =	stream.indirect_vreg.gather [hbm4b:s6+s2], $0x80, v3, vm0, $0xb8;
	[tilespmem:$0x18400] =	vst v63  }
0x212: {  	_ = 	snop  }
0x213: {  	[tilespmem:s0], [sflag:$0x1] =	stream.indirect_vreg.gather [hbm4b:s7+s2], $0x80, v3, vm0, $0xb8;
	[tilespmem:$0x18400] =	vst v63  }
0x214: {  	v3 =	vld [tilespmem:$0x150];
	_ =	sdelay $0x4  }
0x215: {  	v45 =	vshrl.u32 v3, $0x3  }
0x216: {  	v4 =	vmul.u32 $0x30, v45  }
0x217: {  	v3 =	vand.u32 $0x7, v3  }
0x218: {  	v3 =	vor.u32 v3, v4  }
0x219: {  	v4 =	vperm.xlane v3, v0;
	_ =	sdelay $0x1  }
0x21a: {  	v4 =	vadd.s32 v1, v4;
	_ =	sdelay $0x3  }
0x21b: {  	v3 =	vperm.xlane v3, v2  }
0x21c: {  	[tilespmem:s5], [sflag:$0x1] =	stream.indirect_vreg.gather [hbm4b:s4+s2], $0x80, v4, vm0, $0xb8;
	[tilespmem:$0x18400] =	vst v63  }
0x21d: {  	s8 =	simm.s32 $0x3C00;
	v3 =	vadd.s32 v1, v3  }
0x21e: {  	[tilespmem:s8], [sflag:$0x1] =	stream.indirect_vreg.gather [hbm4b:s6+s2], $0x80, v4, vm0, $0xb8;
	[tilespmem:$0x18400] =	vst v63  }
0x21f: {  	s26 =	simm.s32 $0x4400  }
0x220: {  	[tilespmem:s26], [sflag:$0x1] =	stream.indirect_vreg.gather [hbm4b:s7+s2], $0x80, v4, vm0, $0xb8;
	[tilespmem:$0x18400] =	vst v63  }
0x221: {  	s29 =	simm.s32 $0x4C00  }
0x222: {  	[tilespmem:s29], [sflag:$0x1] =	stream.indirect_vreg.gather [hbm4b:s4+s2], $0x80, v3, vm0, $0xb8;
	[tilespmem:$0x18400] =	vst v63  }
0x223: {  	s30 =	simm.s32 $0x5400  }
0x224: {  	[tilespmem:s30], [sflag:$0x1] =	stream.indirect_vreg.gather [hbm4b:s6+s2], $0x80, v3, vm0, $0xb8;
	[tilespmem:$0x18400] =	vst v63  }
0x225: {  	s5 =	simm.s32 $0x5C00  }
0x226: {  	[tilespmem:s5], [sflag:$0x1] =	stream.indirect_vreg.gather [hbm4b:s7+s2], $0x80, v3, vm0, $0xb8;
	[tilespmem:$0x18400] =	vst v63  }
0x227: {  	_ =	swait.ge [sflag:s18], $0x6000  }
0x228: {  	[sflag:s18] =	ssyncset.done $0x0  }
0x229: {  	[sflag:s18] =	ssyncadd.s32 $0xFFFFA000  }
0x22a: {  	_ =	swait.ge [sflag:s20], $0xC00  }
0x22b: {  	[sflag:s20] =	ssyncset.done $0x0  }
0x22c: {  	s0 =	simm.s32 $0x6400;
	[sflag:s20] =	ssyncadd.s32 $0xFFFFF400  }
0x22d: {  	[spmem:s3] =	stream.linear.scatter [tilespmem:s0], [sflag:$0x5], $0x6000, $0x38;
	[tilespmem:$0x18400] =	vst v63  }
0x22e: {  	_ =	swait.ge [sflag:s12], $0x6000  }
0x22f: {  	s24 =	simm.s32 $0x30;
	s28 =	simm.s32 $0x300;
	[sflag:s12] =	ssyncset.done $0x0  }
0x230: {  	s17 =	simm.s32 $0xF00;
	s8 =	rddreg [dreg:$0xc];
	[sflag:s12] =	ssyncadd.s32 $0xFFFFA000  }
0x231: {  	[hbm:s8@s17], [sflag:s23] =	dma.strided [spmem:s25@s28], $0xC00, s24, $0x10   }
0x232: {  	v3 =	vld [tilespmem:$0x160];
	_ =	sdelay $0x4  }
0x233: {  	v46 =	vshrl.u32 v3, $0x3  }
0x234: {  	v4 =	vmul.u32 $0x30, v46  }
0x235: {  	v3 =	vand.u32 $0x7, v3  }
0x236: {  	v3 =	vor.u32 v3, v4  }
0x237: {  	v4 =	vperm.xlane v3, v0;
	_ =	sdelay $0x1  }
0x238: {  	v4 =	vadd.s32 v1, v4;
	_ =	sdelay $0x3  }
0x239: {  	v3 =	vperm.xlane v3, v2  }
0x23a: {  	[tilespmem:s0], [sflag:$0x2] =	stream.indirect_vreg.gather [hbm4b:s4+s2], $0x80, v4, vm0, $0xb8;
	[tilespmem:$0x18400] =	vst v63  }
0x23b: {  	s24 =	simm.s32 $0x6C00;
	v3 =	vadd.s32 v1, v3  }
0x23c: {  	[tilespmem:s24], [sflag:$0x2] =	stream.indirect_vreg.gather [hbm4b:s6+s2], $0x80, v4, vm0, $0xb8;
	[tilespmem:$0x18400] =	vst v63  }
0x23d: {  	s26 =	simm.s32 $0x7400  }
0x23e: {  	[tilespmem:s26], [sflag:$0x2] =	stream.indirect_vreg.gather [hbm4b:s7+s2], $0x80, v4, vm0, $0xb8;
	[tilespmem:$0x18400] =	vst v63  }
0x23f: {  	s13 =	simm.s32 $0x7C00  }
0x240: {  	[tilespmem:s13], [sflag:$0x2] =	stream.indirect_vreg.gather [hbm4b:s4+s2], $0x80, v3, vm0, $0xb8;
	[tilespmem:$0x18400] =	vst v63  }
0x241: {  	s8 =	simm.s32 $0x8400  }
0x242: {  	[tilespmem:s8], [sflag:$0x2] =	stream.indirect_vreg.gather [hbm4b:s6+s2], $0x80, v3, vm0, $0xb8;
	[tilespmem:$0x18400] =	vst v63  }
0x243: {  	_ = 	snop  }
0x244: {  	[tilespmem:s1], [sflag:$0x2] =	stream.indirect_vreg.gather [hbm4b:s7+s2], $0x80, v3, vm0, $0xb8;
	[tilespmem:$0x18400] =	vst v63  }
0x245: {  	v3 =	vld [tilespmem:$0x170];
	_ =	sdelay $0x4  }
0x246: {  	v47 =	vshrl.u32 v3, $0x3  }
0x247: {  	v4 =	vmul.u32 $0x30, v47  }
0x248: {  	v3 =	vand.u32 $0x7, v3  }
0x249: {  	v3 =	vor.u32 v3, v4  }
0x24a: {  	v4 =	vperm.xlane v3, v0;
	_ =	sdelay $0x1  }
0x24b: {  	v4 =	vadd.s32 v1, v4;
	_ =	sdelay $0x3  }
0x24c: {  	v3 =	vperm.xlane v3, v2  }
0x24d: {  	[tilespmem:s15], [sflag:$0x2] =	stream.indirect_vreg.gather [hbm4b:s4+s2], $0x80, v4, vm0, $0xb8;
	[tilespmem:$0x18400] =	vst v63  }
0x24e: {  	v3 =	vadd.s32 v1, v3;
	s15 =	simm.s32 $0x9C00  }
0x24f: {  	[tilespmem:s15], [sflag:$0x2] =	stream.indirect_vreg.gather [hbm4b:s6+s2], $0x80, v4, vm0, $0xb8;
	[tilespmem:$0x18400] =	vst v63  }
0x250: {  	s28 =	simm.s32 $0xA400  }
0x251: {  	[tilespmem:s28], [sflag:$0x2] =	stream.indirect_vreg.gather [hbm4b:s7+s2], $0x80, v4, vm0, $0xb8;
	[tilespmem:$0x18400] =	vst v63  }
0x252: {  	s17 =	simm.s32 $0xAC00  }
0x253: {  	[tilespmem:s17], [sflag:$0x2] =	stream.indirect_vreg.gather [hbm4b:s4+s2], $0x80, v3, vm0, $0xb8;
	[tilespmem:$0x18400] =	vst v63  }
0x254: {  	s24 =	simm.s32 $0xB400  }
0x255: {  	[tilespmem:s24], [sflag:$0x2] =	stream.indirect_vreg.gather [hbm4b:s6+s2], $0x80, v3, vm0, $0xb8;
	[tilespmem:$0x18400] =	vst v63  }
0x256: {  	s28 =	simm.s32 $0xBC00  }
0x257: {  	[tilespmem:s28], [sflag:$0x2] =	stream.indirect_vreg.gather [hbm4b:s7+s2], $0x80, v3, vm0, $0xb8;
	[tilespmem:$0x18400] =	vst v63  }
0x258: {  	_ =	swait.ge [sflag:s31], $0x6000  }
0x259: {  	[sflag:s31] =	ssyncset.done $0x0  }
0x25a: {  	[sflag:s31] =	ssyncadd.s32 $0xFFFFA000  }
0x25b: {  	_ =	swait.ge [sflag:s19], $0xC00  }
0x25c: {  	[sflag:s19] =	ssyncset.done $0x0  }
0x25d: {  	s0 =	simm.s32 $0x400;
	[sflag:s19] =	ssyncadd.s32 $0xFFFFF400  }
0x25e: {  	[spmem:s9] =	stream.linear.scatter [tilespmem:s0], [sflag:$0x5], $0x6000, $0x38;
	[tilespmem:$0x18400] =	vst v63  }
0x25f: {  	_ =	swait.ge [sflag:s12], $0x6000  }
0x260: {  	s29 =	simm.s32 $0xF00;
	s30 =	simm.s32 $0x300;
	[sflag:s12] =	ssyncset.done $0x0  }
0x261: {  	s5 =	simm.s32 $0x30;
	s13 =	rddreg [dreg:$0xd];
	[sflag:s12] =	ssyncadd.s32 $0xFFFFA000  }
0x262: {  	[hbm:s13@s29], [sflag:s21] =	dma.strided [spmem:s22@s30], $0xC00, s5, $0x10   }
0x263: {  	v3 =	vld [tilespmem:$0x180];
	_ =	sdelay $0x4  }
0x264: {  	v48 =	vshrl.u32 v3, $0x3  }
0x265: {  	v4 =	vmul.u32 $0x30, v48  }
0x266: {  	v3 =	vand.u32 $0x7, v3  }
0x267: {  	v3 =	vor.u32 v3, v4  }
0x268: {  	v4 =	vperm.xlane v3, v0;
	_ =	sdelay $0x1  }
0x269: {  	v4 =	vadd.s32 v1, v4;
	_ =	sdelay $0x3  }
0x26a: {  	v3 =	vperm.xlane v3, v2  }
0x26b: {  	[tilespmem:s0], [sflag:$0x1] =	stream.indirect_vreg.gather [hbm4b:s4+s2], $0x80, v4, vm0, $0xb8;
	[tilespmem:$0x18400] =	vst v63  }
0x26c: {  	v3 =	vadd.s32 v1, v3  }
0x26d: {  	[tilespmem:s16], [sflag:$0x1] =	stream.indirect_vreg.gather [hbm4b:s6+s2], $0x80, v4, vm0, $0xb8;
	[tilespmem:$0x18400] =	vst v63  }
0x26e: {  	_ = 	snop  }
0x26f: {  	[tilespmem:s10], [sflag:$0x1] =	stream.indirect_vreg.gather [hbm4b:s7+s2], $0x80, v4, vm0, $0xb8;
	[tilespmem:$0x18400] =	vst v63  }
0x270: {  	_ = 	snop  }
0x271: {  	[tilespmem:s11], [sflag:$0x1] =	stream.indirect_vreg.gather [hbm4b:s4+s2], $0x80, v3, vm0, $0xb8;
	[tilespmem:$0x18400] =	vst v63  }
0x272: {  	_ = 	snop  }
0x273: {  	[tilespmem:s14], [sflag:$0x1] =	stream.indirect_vreg.gather [hbm4b:s6+s2], $0x80, v3, vm0, $0xb8;
	[tilespmem:$0x18400] =	vst v63  }
0x274: {  	s16 =	simm.s32 $0x2C00  }
0x275: {  	[tilespmem:s16], [sflag:$0x1] =	stream.indirect_vreg.gather [hbm4b:s7+s2], $0x80, v3, vm0, $0xb8;
	[tilespmem:$0x18400] =	vst v63  }
0x276: {  	v3 =	vld [tilespmem:$0x190];
	_ =	sdelay $0x4  }
0x277: {  	v49 =	vshrl.u32 v3, $0x3  }
0x278: {  	v4 =	vmul.u32 $0x30, v49  }
0x279: {  	v3 =	vand.u32 $0x7, v3  }
0x27a: {  	v3 =	vor.u32 v3, v4  }
0x27b: {  	v4 =	vperm.xlane v3, v0;
	_ =	sdelay $0x1  }
0x27c: {  	v4 =	vadd.s32 v1, v4;
	_ =	sdelay $0x3  }
0x27d: {  	s26 =	simm.s32 $0x3400;
	v3 =	vperm.xlane v3, v2  }
0x27e: {  	[tilespmem:s26], [sflag:$0x1] =	stream.indirect_vreg.gather [hbm4b:s4+s2], $0x80, v4, vm0, $0xb8;
	[tilespmem:$0x18400] =	vst v63  }
0x27f: {  	s14 =	simm.s32 $0x3C00;
	v3 =	vadd.s32 v1, v3  }
0x280: {  	[tilespmem:s14], [sflag:$0x1] =	stream.indirect_vreg.gather [hbm4b:s6+s2], $0x80, v4, vm0, $0xb8;
	[tilespmem:$0x18400] =	vst v63  }
0x281: {  	s30 =	simm.s32 $0x4400  }
0x282: {  	[tilespmem:s30], [sflag:$0x1] =	stream.indirect_vreg.gather [hbm4b:s7+s2], $0x80, v4, vm0, $0xb8;
	[tilespmem:$0x18400] =	vst v63  }
0x283: {  	s29 =	simm.s32 $0x4C00  }
0x284: {  	[tilespmem:s29], [sflag:$0x1] =	stream.indirect_vreg.gather [hbm4b:s4+s2], $0x80, v3, vm0, $0xb8;
	[tilespmem:$0x18400] =	vst v63  }
0x285: {  	s29 =	simm.s32 $0x5400  }
0x286: {  	[tilespmem:s29], [sflag:$0x1] =	stream.indirect_vreg.gather [hbm4b:s6+s2], $0x80, v3, vm0, $0xb8;
	[tilespmem:$0x18400] =	vst v63  }
0x287: {  	s10 =	simm.s32 $0x5C00  }
0x288: {  	[tilespmem:s10], [sflag:$0x1] =	stream.indirect_vreg.gather [hbm4b:s7+s2], $0x80, v3, vm0, $0xb8;
	[tilespmem:$0x18400] =	vst v63  }
0x289: {  	_ =	swait.ge [sflag:s18], $0x6000  }
0x28a: {  	[sflag:s18] =	ssyncset.done $0x0  }
0x28b: {  	[sflag:s18] =	ssyncadd.s32 $0xFFFFA000  }
0x28c: {  	_ =	swait.ge [sflag:s20], $0xC00  }
0x28d: {  	[sflag:s20] =	ssyncset.done $0x0  }
0x28e: {  	s1 =	simm.s32 $0x6400;
	[sflag:s20] =	ssyncadd.s32 $0xFFFFF400  }
0x28f: {  	[spmem:s3] =	stream.linear.scatter [tilespmem:s1], [sflag:$0x5], $0x6000, $0x38;
	[tilespmem:$0x18400] =	vst v63  }
0x290: {  	_ =	swait.ge [sflag:s12], $0x6000  }
0x291: {  	s13 =	simm.s32 $0x30;
	s0 =	simm.s32 $0xF00;
	[sflag:s12] =	ssyncset.done $0x0  }
0x292: {  	s16 =	simm.s32 $0x300;
	s5 =	rddreg [dreg:$0xe];
	[sflag:s12] =	ssyncadd.s32 $0xFFFFA000  }
0x293: {  	[hbm:s5@s0], [sflag:s23] =	dma.strided [spmem:s25@s16], $0xC00, s13, $0x10   }
0x294: {  	v3 =	vld [tilespmem:$0x1A0];
	_ =	sdelay $0x4  }
0x295: {  	v50 =	vshrl.u32 v3, $0x3  }
0x296: {  	v4 =	vmul.u32 $0x30, v50  }
0x297: {  	v3 =	vand.u32 $0x7, v3  }
0x298: {  	v3 =	vor.u32 v3, v4  }
0x299: {  	v4 =	vperm.xlane v3, v0;
	_ =	sdelay $0x1  }
0x29a: {  	v4 =	vadd.s32 v1, v4;
	_ =	sdelay $0x3  }
0x29b: {  	v3 =	vperm.xlane v3, v2  }
0x29c: {  	[tilespmem:s1], [sflag:$0x2] =	stream.indirect_vreg.gather [hbm4b:s4+s2], $0x80, v4, vm0, $0xb8;
	[tilespmem:$0x18400] =	vst v63  }
0x29d: {  	s26 =	simm.s32 $0x6C00;
	v3 =	vadd.s32 v1, v3  }
0x29e: {  	[tilespmem:s26], [sflag:$0x2] =	stream.indirect_vreg.gather [hbm4b:s6+s2], $0x80, v4, vm0, $0xb8;
	[tilespmem:$0x18400] =	vst v63  }
0x29f: {  	s11 =	simm.s32 $0x7400  }
0x2a0: {  	[tilespmem:s11], [sflag:$0x2] =	stream.indirect_vreg.gather [hbm4b:s7+s2], $0x80, v4, vm0, $0xb8;
	[tilespmem:$0x18400] =	vst v63  }
0x2a1: {  	s5 =	simm.s32 $0x7C00  }
0x2a2: {  	[tilespmem:s5], [sflag:$0x2] =	stream.indirect_vreg.gather [hbm4b:s4+s2], $0x80, v3, vm0, $0xb8;
	[tilespmem:$0x18400] =	vst v63  }
0x2a3: {  	_ = 	snop  }
0x2a4: {  	[tilespmem:s8], [sflag:$0x2] =	stream.indirect_vreg.gather [hbm4b:s6+s2], $0x80, v3, vm0, $0xb8;
	[tilespmem:$0x18400] =	vst v63  }
0x2a5: {  	s1 =	simm.s32 $0x8C00  }
0x2a6: {  	[tilespmem:s1], [sflag:$0x2] =	stream.indirect_vreg.gather [hbm4b:s7+s2], $0x80, v3, vm0, $0xb8;
	[tilespmem:$0x18400] =	vst v63  }
0x2a7: {  	v3 =	vld [tilespmem:$0x1B0];
	_ =	sdelay $0x4  }
0x2a8: {  	v51 =	vshrl.u32 v3, $0x3  }
0x2a9: {  	v4 =	vmul.u32 $0x30, v51  }
0x2aa: {  	v3 =	vand.u32 $0x7, v3  }
0x2ab: {  	v3 =	vor.u32 v3, v4  }
0x2ac: {  	v4 =	vperm.xlane v3, v0;
	_ =	sdelay $0x1  }
0x2ad: {  	v4 =	vadd.s32 v1, v4;
	_ =	sdelay $0x3  }
0x2ae: {  	s8 =	simm.s32 $0x9400;
	v3 =	vperm.xlane v3, v2  }
0x2af: {  	[tilespmem:s8], [sflag:$0x2] =	stream.indirect_vreg.gather [hbm4b:s4+s2], $0x80, v4, vm0, $0xb8;
	[tilespmem:$0x18400] =	vst v63  }
0x2b0: {  	v3 =	vadd.s32 v1, v3  }
0x2b1: {  	[tilespmem:s15], [sflag:$0x2] =	stream.indirect_vreg.gather [hbm4b:s6+s2], $0x80, v4, vm0, $0xb8;
	[tilespmem:$0x18400] =	vst v63  }
0x2b2: {  	s15 =	simm.s32 $0xA400  }
0x2b3: {  	[tilespmem:s15], [sflag:$0x2] =	stream.indirect_vreg.gather [hbm4b:s7+s2], $0x80, v4, vm0, $0xb8;
	[tilespmem:$0x18400] =	vst v63  }
0x2b4: {  	_ = 	snop  }
0x2b5: {  	[tilespmem:s17], [sflag:$0x2] =	stream.indirect_vreg.gather [hbm4b:s4+s2], $0x80, v3, vm0, $0xb8;
	[tilespmem:$0x18400] =	vst v63  }
0x2b6: {  	_ = 	snop  }
0x2b7: {  	[tilespmem:s24], [sflag:$0x2] =	stream.indirect_vreg.gather [hbm4b:s6+s2], $0x80, v3, vm0, $0xb8;
	[tilespmem:$0x18400] =	vst v63  }
0x2b8: {  	_ = 	snop  }
0x2b9: {  	[tilespmem:s28], [sflag:$0x2] =	stream.indirect_vreg.gather [hbm4b:s7+s2], $0x80, v3, vm0, $0xb8;
	[tilespmem:$0x18400] =	vst v63  }
0x2ba: {  	_ =	swait.ge [sflag:s31], $0x6000  }
0x2bb: {  	[sflag:s31] =	ssyncset.done $0x0  }
0x2bc: {  	[sflag:s31] =	ssyncadd.s32 $0xFFFFA000  }
0x2bd: {  	_ =	swait.ge [sflag:s19], $0xC00  }
0x2be: {  	[sflag:s19] =	ssyncset.done $0x0  }
0x2bf: {  	s24 =	simm.s32 $0x400;
	[sflag:s19] =	ssyncadd.s32 $0xFFFFF400  }
0x2c0: {  	[spmem:s9] =	stream.linear.scatter [tilespmem:s24], [sflag:$0x5], $0x6000, $0x38;
	[tilespmem:$0x18400] =	vst v63  }
0x2c1: {  	_ =	swait.ge [sflag:s12], $0x6000  }
0x2c2: {  	[sflag:s12] =	ssyncset.done $0x0  }
0x2c3: {  	s5 =	rddreg [dreg:$0xf];
	[sflag:s12] =	ssyncadd.s32 $0xFFFFA000  }
0x2c4: {  	[hbm:s5@s0], [sflag:s21] =	dma.strided [spmem:s22@s16], $0xC00, s13, $0x10   }
0x2c5: {  	v3 =	vld [tilespmem:$0x1C0];
	_ =	sdelay $0x4  }
0x2c6: {  	v52 =	vshrl.u32 v3, $0x3  }
0x2c7: {  	v4 =	vmul.u32 $0x30, v52  }
0x2c8: {  	v3 =	vand.u32 $0x7, v3  }
0x2c9: {  	v3 =	vor.u32 v3, v4  }
0x2ca: {  	v4 =	vperm.xlane v3, v0;
	_ =	sdelay $0x1  }
0x2cb: {  	v4 =	vadd.s32 v1, v4;
	_ =	sdelay $0x3  }
0x2cc: {  	v3 =	vperm.xlane v3, v2  }
0x2cd: {  	[tilespmem:s24], [sflag:$0x1] =	stream.indirect_vreg.gather [hbm4b:s4+s2], $0x80, v4, vm0, $0xb8;
	[tilespmem:$0x18400] =	vst v63  }
0x2ce: {  	s16 =	simm.s32 $0xC00;
	v3 =	vadd.s32 v1, v3  }
0x2cf: {  	[tilespmem:s16], [sflag:$0x1] =	stream.indirect_vreg.gather [hbm4b:s6+s2], $0x80, v4, vm0, $0xb8;
	[tilespmem:$0x18400] =	vst v63  }
0x2d0: {  	s17 =	simm.s32 $0x1400  }
0x2d1: {  	[tilespmem:s17], [sflag:$0x1] =	stream.indirect_vreg.gather [hbm4b:s7+s2], $0x80, v4, vm0, $0xb8;
	[tilespmem:$0x18400] =	vst v63  }
0x2d2: {  	s24 =	simm.s32 $0x1C00  }
0x2d3: {  	[tilespmem:s24], [sflag:$0x1] =	stream.indirect_vreg.gather [hbm4b:s4+s2], $0x80, v3, vm0, $0xb8;
	[tilespmem:$0x18400] =	vst v63  }
0x2d4: {  	s13 =	simm.s32 $0x2400  }
0x2d5: {  	[tilespmem:s13], [sflag:$0x1] =	stream.indirect_vreg.gather [hbm4b:s6+s2], $0x80, v3, vm0, $0xb8;
	[tilespmem:$0x18400] =	vst v63  }
0x2d6: {  	s13 =	simm.s32 $0x2C00  }
0x2d7: {  	[tilespmem:s13], [sflag:$0x1] =	stream.indirect_vreg.gather [hbm4b:s7+s2], $0x80, v3, vm0, $0xb8;
	[tilespmem:$0x18400] =	vst v63  }
0x2d8: {  	v3 =	vld [tilespmem:$0x1D0];
	_ =	sdelay $0x4  }
0x2d9: {  	v53 =	vshrl.u32 v3, $0x3  }
0x2da: {  	v4 =	vmul.u32 $0x30, v53  }
0x2db: {  	v3 =	vand.u32 $0x7, v3  }
0x2dc: {  	v3 =	vor.u32 v3, v4  }
0x2dd: {  	v4 =	vperm.xlane v3, v0;
	_ =	sdelay $0x1  }
0x2de: {  	v4 =	vadd.s32 v1, v4;
	_ =	sdelay $0x3  }
0x2df: {  	s26 =	simm.s32 $0x3400;
	v3 =	vperm.xlane v3, v2  }
0x2e0: {  	[tilespmem:s26], [sflag:$0x1] =	stream.indirect_vreg.gather [hbm4b:s4+s2], $0x80, v4, vm0, $0xb8;
	[tilespmem:$0x18400] =	vst v63  }
0x2e1: {  	v3 =	vadd.s32 v1, v3  }
0x2e2: {  	[tilespmem:s14], [sflag:$0x1] =	stream.indirect_vreg.gather [hbm4b:s6+s2], $0x80, v4, vm0, $0xb8;
	[tilespmem:$0x18400] =	vst v63  }
0x2e3: {  	_ = 	snop  }
0x2e4: {  	[tilespmem:s30], [sflag:$0x1] =	stream.indirect_vreg.gather [hbm4b:s7+s2], $0x80, v4, vm0, $0xb8;
	[tilespmem:$0x18400] =	vst v63  }
0x2e5: {  	s26 =	simm.s32 $0x4C00  }
0x2e6: {  	[tilespmem:s26], [sflag:$0x1] =	stream.indirect_vreg.gather [hbm4b:s4+s2], $0x80, v3, vm0, $0xb8;
	[tilespmem:$0x18400] =	vst v63  }
0x2e7: {  	_ = 	snop  }
0x2e8: {  	[tilespmem:s29], [sflag:$0x1] =	stream.indirect_vreg.gather [hbm4b:s6+s2], $0x80, v3, vm0, $0xb8;
	[tilespmem:$0x18400] =	vst v63  }
0x2e9: {  	_ = 	snop  }
0x2ea: {  	[tilespmem:s10], [sflag:$0x1] =	stream.indirect_vreg.gather [hbm4b:s7+s2], $0x80, v3, vm0, $0xb8;
	[tilespmem:$0x18400] =	vst v63  }
0x2eb: {  	_ =	swait.ge [sflag:s18], $0x6000  }
0x2ec: {  	[sflag:s18] =	ssyncset.done $0x0  }
0x2ed: {  	[sflag:s18] =	ssyncadd.s32 $0xFFFFA000  }
0x2ee: {  	_ =	swait.ge [sflag:s20], $0xC00  }
0x2ef: {  	[sflag:s20] =	ssyncset.done $0x0  }
0x2f0: {  	s30 =	simm.s32 $0x6400;
	[sflag:s20] =	ssyncadd.s32 $0xFFFFF400  }
0x2f1: {  	[spmem:s3] =	stream.linear.scatter [tilespmem:s30], [sflag:$0x5], $0x6000, $0x38;
	[tilespmem:$0x18400] =	vst v63  }
0x2f2: {  	_ =	swait.ge [sflag:s12], $0x6000  }
0x2f3: {  	s15 =	simm.s32 $0x300;
	s28 =	simm.s32 $0xF00;
	[sflag:s12] =	ssyncset.done $0x0  }
0x2f4: {  	s5 =	simm.s32 $0x30;
	s8 =	rddreg [dreg:$0x10];
	[sflag:s12] =	ssyncadd.s32 $0xFFFFA000  }
0x2f5: {  	[hbm:s8@s28], [sflag:s23] =	dma.strided [spmem:s25@s15], $0xC00, s5, $0x10   }
0x2f6: {  	v3 =	vld [tilespmem:$0x1E0];
	_ =	sdelay $0x4  }
0x2f7: {  	v54 =	vshrl.u32 v3, $0x3  }
0x2f8: {  	v4 =	vmul.u32 $0x30, v54  }
0x2f9: {  	v3 =	vand.u32 $0x7, v3  }
0x2fa: {  	v3 =	vor.u32 v3, v4  }
0x2fb: {  	v4 =	vperm.xlane v3, v0;
	_ =	sdelay $0x1  }
0x2fc: {  	v4 =	vadd.s32 v1, v4;
	_ =	sdelay $0x3  }
0x2fd: {  	v3 =	vperm.xlane v3, v2  }
0x2fe: {  	[tilespmem:s30], [sflag:$0x2] =	stream.indirect_vreg.gather [hbm4b:s4+s2], $0x80, v4, vm0, $0xb8;
	[tilespmem:$0x18400] =	vst v63  }
0x2ff: {  	s10 =	simm.s32 $0x6C00;
	v3 =	vadd.s32 v1, v3  }
0x300: {  	[tilespmem:s10], [sflag:$0x2] =	stream.indirect_vreg.gather [hbm4b:s6+s2], $0x80, v4, vm0, $0xb8;
	[tilespmem:$0x18400] =	vst v63  }
0x301: {  	_ = 	snop  }
0x302: {  	[tilespmem:s11], [sflag:$0x2] =	stream.indirect_vreg.gather [hbm4b:s7+s2], $0x80, v4, vm0, $0xb8;
	[tilespmem:$0x18400] =	vst v63  }
0x303: {  	s11 =	simm.s32 $0x7C00  }
0x304: {  	[tilespmem:s11], [sflag:$0x2] =	stream.indirect_vreg.gather [hbm4b:s4+s2], $0x80, v3, vm0, $0xb8;
	[tilespmem:$0x18400] =	vst v63  }
0x305: {  	s8 =	simm.s32 $0x8400  }
0x306: {  	[tilespmem:s8], [sflag:$0x2] =	stream.indirect_vreg.gather [hbm4b:s6+s2], $0x80, v3, vm0, $0xb8;
	[tilespmem:$0x18400] =	vst v63  }
0x307: {  	_ = 	snop  }
0x308: {  	[tilespmem:s1], [sflag:$0x2] =	stream.indirect_vreg.gather [hbm4b:s7+s2], $0x80, v3, vm0, $0xb8;
	[tilespmem:$0x18400] =	vst v63  }
0x309: {  	v3 =	vld [tilespmem:$0x1F0];
	_ =	sdelay $0x4  }
0x30a: {  	v55 =	vshrl.u32 v3, $0x3  }
0x30b: {  	v4 =	vmul.u32 $0x30, v55  }
0x30c: {  	v3 =	vand.u32 $0x7, v3  }
0x30d: {  	v3 =	vor.u32 v3, v4  }
0x30e: {  	v4 =	vperm.xlane v3, v0;
	_ =	sdelay $0x1  }
0x30f: {  	v4 =	vadd.s32 v1, v4;
	_ =	sdelay $0x3  }
0x310: {  	s14 =	simm.s32 $0x9400;
	v3 =	vperm.xlane v3, v2  }
0x311: {  	[tilespmem:s14], [sflag:$0x2] =	stream.indirect_vreg.gather [hbm4b:s4+s2], $0x80, v4, vm0, $0xb8;
	[tilespmem:$0x18400] =	vst v63  }
0x312: {  	s1 =	simm.s32 $0x9C00;
	v3 =	vadd.s32 v1, v3  }
0x313: {  	[tilespmem:s1], [sflag:$0x2] =	stream.indirect_vreg.gather [hbm4b:s6+s2], $0x80, v4, vm0, $0xb8;
	[tilespmem:$0x18400] =	vst v63  }
0x314: {  	s11 =	simm.s32 $0xA400  }
0x315: {  	[tilespmem:s11], [sflag:$0x2] =	stream.indirect_vreg.gather [hbm4b:s7+s2], $0x80, v4, vm0, $0xb8;
	[tilespmem:$0x18400] =	vst v63  }
0x316: {  	s14 =	simm.s32 $0xAC00  }
0x317: {  	[tilespmem:s14], [sflag:$0x2] =	stream.indirect_vreg.gather [hbm4b:s4+s2], $0x80, v3, vm0, $0xb8;
	[tilespmem:$0x18400] =	vst v63  }
0x318: {  	s29 =	simm.s32 $0xB400  }
0x319: {  	[tilespmem:s29], [sflag:$0x2] =	stream.indirect_vreg.gather [hbm4b:s6+s2], $0x80, v3, vm0, $0xb8;
	[tilespmem:$0x18400] =	vst v63  }
0x31a: {  	s30 =	simm.s32 $0xBC00  }
0x31b: {  	[tilespmem:s30], [sflag:$0x2] =	stream.indirect_vreg.gather [hbm4b:s7+s2], $0x80, v3, vm0, $0xb8;
	[tilespmem:$0x18400] =	vst v63  }
0x31c: {  	_ =	swait.ge [sflag:s31], $0x6000  }
0x31d: {  	[sflag:s31] =	ssyncset.done $0x0  }
0x31e: {  	[sflag:s31] =	ssyncadd.s32 $0xFFFFA000  }
0x31f: {  	_ =	swait.ge [sflag:s19], $0xC00  }
0x320: {  	[sflag:s19] =	ssyncset.done $0x0  }
0x321: {  	s0 =	simm.s32 $0x400;
	[sflag:s19] =	ssyncadd.s32 $0xFFFFF400  }
0x322: {  	[spmem:s9] =	stream.linear.scatter [tilespmem:s0], [sflag:$0x5], $0x6000, $0x38;
	[tilespmem:$0x18400] =	vst v63  }
0x323: {  	_ =	swait.ge [sflag:s12], $0x6000  }
0x324: {  	[sflag:s12] =	ssyncset.done $0x0  }
0x325: {  	s26 =	rddreg [dreg:$0x11];
	[sflag:s12] =	ssyncadd.s32 $0xFFFFA000  }
0x326: {  	[hbm:s26@s28], [sflag:s21] =	dma.strided [spmem:s22@s15], $0xC00, s5, $0x10   }
0x327: {  	v3 =	vld [tilespmem:$0x200];
	_ =	sdelay $0x4  }
0x328: {  	v56 =	vshrl.u32 v3, $0x3  }
0x329: {  	v4 =	vmul.u32 $0x30, v56  }
0x32a: {  	v3 =	vand.u32 $0x7, v3  }
0x32b: {  	v3 =	vor.u32 v3, v4  }
0x32c: {  	v4 =	vperm.xlane v3, v0;
	_ =	sdelay $0x1  }
0x32d: {  	v4 =	vadd.s32 v1, v4;
	_ =	sdelay $0x3  }
0x32e: {  	v3 =	vperm.xlane v3, v2  }
0x32f: {  	[tilespmem:s0], [sflag:$0x1] =	stream.indirect_vreg.gather [hbm4b:s4+s2], $0x80, v4, vm0, $0xb8;
	[tilespmem:$0x18400] =	vst v63  }
0x330: {  	v3 =	vadd.s32 v1, v3  }
0x331: {  	[tilespmem:s16], [sflag:$0x1] =	stream.indirect_vreg.gather [hbm4b:s6+s2], $0x80, v4, vm0, $0xb8;
	[tilespmem:$0x18400] =	vst v63  }
0x332: {  	_ = 	snop  }
0x333: {  	[tilespmem:s17], [sflag:$0x1] =	stream.indirect_vreg.gather [hbm4b:s7+s2], $0x80, v4, vm0, $0xb8;
	[tilespmem:$0x18400] =	vst v63  }
0x334: {  	_ = 	snop  }
0x335: {  	[tilespmem:s24], [sflag:$0x1] =	stream.indirect_vreg.gather [hbm4b:s4+s2], $0x80, v3, vm0, $0xb8;
	[tilespmem:$0x18400] =	vst v63  }
0x336: {  	s16 =	simm.s32 $0x2400  }
0x337: {  	[tilespmem:s16], [sflag:$0x1] =	stream.indirect_vreg.gather [hbm4b:s6+s2], $0x80, v3, vm0, $0xb8;
	[tilespmem:$0x18400] =	vst v63  }
0x338: {  	_ = 	snop  }
0x339: {  	[tilespmem:s13], [sflag:$0x1] =	stream.indirect_vreg.gather [hbm4b:s7+s2], $0x80, v3, vm0, $0xb8;
	[tilespmem:$0x18400] =	vst v63  }
0x33a: {  	v3 =	vld [tilespmem:$0x210];
	_ =	sdelay $0x4  }
0x33b: {  	v57 =	vshrl.u32 v3, $0x3  }
0x33c: {  	v4 =	vmul.u32 $0x30, v57  }
0x33d: {  	v3 =	vand.u32 $0x7, v3  }
0x33e: {  	v3 =	vor.u32 v3, v4  }
0x33f: {  	v4 =	vperm.xlane v3, v0;
	_ =	sdelay $0x1  }
0x340: {  	v4 =	vadd.s32 v1, v4;
	_ =	sdelay $0x3  }
0x341: {  	s17 =	simm.s32 $0x3400;
	v3 =	vperm.xlane v3, v2  }
0x342: {  	[tilespmem:s17], [sflag:$0x1] =	stream.indirect_vreg.gather [hbm4b:s4+s2], $0x80, v4, vm0, $0xb8;
	[tilespmem:$0x18400] =	vst v63  }
0x343: {  	s13 =	simm.s32 $0x3C00;
	v3 =	vadd.s32 v1, v3  }
0x344: {  	[tilespmem:s13], [sflag:$0x1] =	stream.indirect_vreg.gather [hbm4b:s6+s2], $0x80, v4, vm0, $0xb8;
	[tilespmem:$0x18400] =	vst v63  }
0x345: {  	s16 =	simm.s32 $0x4400  }
0x346: {  	[tilespmem:s16], [sflag:$0x1] =	stream.indirect_vreg.gather [hbm4b:s7+s2], $0x80, v4, vm0, $0xb8;
	[tilespmem:$0x18400] =	vst v63  }
0x347: {  	s17 =	simm.s32 $0x4C00  }
0x348: {  	[tilespmem:s17], [sflag:$0x1] =	stream.indirect_vreg.gather [hbm4b:s4+s2], $0x80, v3, vm0, $0xb8;
	[tilespmem:$0x18400] =	vst v63  }
0x349: {  	s24 =	simm.s32 $0x5400  }
0x34a: {  	[tilespmem:s24], [sflag:$0x1] =	stream.indirect_vreg.gather [hbm4b:s6+s2], $0x80, v3, vm0, $0xb8;
	[tilespmem:$0x18400] =	vst v63  }
0x34b: {  	s26 =	simm.s32 $0x5C00  }
0x34c: {  	[tilespmem:s26], [sflag:$0x1] =	stream.indirect_vreg.gather [hbm4b:s7+s2], $0x80, v3, vm0, $0xb8;
	[tilespmem:$0x18400] =	vst v63  }
0x34d: {  	_ =	swait.ge [sflag:s18], $0x6000  }
0x34e: {  	[sflag:s18] =	ssyncset.done $0x0  }
0x34f: {  	[sflag:s18] =	ssyncadd.s32 $0xFFFFA000  }
0x350: {  	_ =	swait.ge [sflag:s20], $0xC00  }
0x351: {  	[sflag:s20] =	ssyncset.done $0x0  }
0x352: {  	s0 =	simm.s32 $0x6400;
	[sflag:s20] =	ssyncadd.s32 $0xFFFFF400  }
0x353: {  	[spmem:s3] =	stream.linear.scatter [tilespmem:s0], [sflag:$0x5], $0x6000, $0x38;
	[tilespmem:$0x18400] =	vst v63  }
0x354: {  	_ =	swait.ge [sflag:s12], $0x6000  }
0x355: {  	[sflag:s12] =	ssyncset.done $0x0  }
0x356: {  	s24 =	rddreg [dreg:$0x12];
	[sflag:s12] =	ssyncadd.s32 $0xFFFFA000  }
0x357: {  	[hbm:s24@s28], [sflag:s23] =	dma.strided [spmem:s25@s15], $0xC00, s5, $0x10   }
0x358: {  	v3 =	vld [tilespmem:$0x220];
	_ =	sdelay $0x4  }
0x359: {  	v58 =	vshrl.u32 v3, $0x3  }
0x35a: {  	v4 =	vmul.u32 $0x30, v58  }
0x35b: {  	v3 =	vand.u32 $0x7, v3  }
0x35c: {  	v3 =	vor.u32 v3, v4  }
0x35d: {  	v4 =	vperm.xlane v3, v0;
	_ =	sdelay $0x1  }
0x35e: {  	v4 =	vadd.s32 v1, v4;
	_ =	sdelay $0x3  }
0x35f: {  	v3 =	vperm.xlane v3, v2  }
0x360: {  	[tilespmem:s0], [sflag:$0x2] =	stream.indirect_vreg.gather [hbm4b:s4+s2], $0x80, v4, vm0, $0xb8;
	[tilespmem:$0x18400] =	vst v63  }
0x361: {  	v3 =	vadd.s32 v1, v3  }
0x362: {  	[tilespmem:s10], [sflag:$0x2] =	stream.indirect_vreg.gather [hbm4b:s6+s2], $0x80, v4, vm0, $0xb8;
	[tilespmem:$0x18400] =	vst v63  }
0x363: {  	s26 =	simm.s32 $0x7400  }
0x364: {  	[tilespmem:s26], [sflag:$0x2] =	stream.indirect_vreg.gather [hbm4b:s7+s2], $0x80, v4, vm0, $0xb8;
	[tilespmem:$0x18400] =	vst v63  }
0x365: {  	s26 =	simm.s32 $0x7C00  }
0x366: {  	[tilespmem:s26], [sflag:$0x2] =	stream.indirect_vreg.gather [hbm4b:s4+s2], $0x80, v3, vm0, $0xb8;
	[tilespmem:$0x18400] =	vst v63  }
0x367: {  	_ = 	snop  }
0x368: {  	[tilespmem:s8], [sflag:$0x2] =	stream.indirect_vreg.gather [hbm4b:s6+s2], $0x80, v3, vm0, $0xb8;
	[tilespmem:$0x18400] =	vst v63  }
0x369: {  	s26 =	simm.s32 $0x8C00  }
0x36a: {  	[tilespmem:s26], [sflag:$0x2] =	stream.indirect_vreg.gather [hbm4b:s7+s2], $0x80, v3, vm0, $0xb8;
	[tilespmem:$0x18400] =	vst v63  }
0x36b: {  	v3 =	vld [tilespmem:$0x230];
	_ =	sdelay $0x4  }
0x36c: {  	v59 =	vshrl.u32 v3, $0x3  }
0x36d: {  	v4 =	vmul.u32 $0x30, v59  }
0x36e: {  	v3 =	vand.u32 $0x7, v3  }
0x36f: {  	v3 =	vor.u32 v3, v4  }
0x370: {  	v4 =	vperm.xlane v3, v0;
	_ =	sdelay $0x1  }
0x371: {  	v4 =	vadd.s32 v1, v4;
	_ =	sdelay $0x3  }
0x372: {  	s26 =	simm.s32 $0x9400;
	v3 =	vperm.xlane v3, v2  }
0x373: {  	[tilespmem:s26], [sflag:$0x2] =	stream.indirect_vreg.gather [hbm4b:s4+s2], $0x80, v4, vm0, $0xb8;
	[tilespmem:$0x18400] =	vst v63  }
0x374: {  	v3 =	vadd.s32 v1, v3  }
0x375: {  	[tilespmem:s1], [sflag:$0x2] =	stream.indirect_vreg.gather [hbm4b:s6+s2], $0x80, v4, vm0, $0xb8;
	[tilespmem:$0x18400] =	vst v63  }
0x376: {  	_ = 	snop  }
0x377: {  	[tilespmem:s11], [sflag:$0x2] =	stream.indirect_vreg.gather [hbm4b:s7+s2], $0x80, v4, vm0, $0xb8;
	[tilespmem:$0x18400] =	vst v63  }
0x378: {  	_ = 	snop  }
0x379: {  	[tilespmem:s14], [sflag:$0x2] =	stream.indirect_vreg.gather [hbm4b:s4+s2], $0x80, v3, vm0, $0xb8;
	[tilespmem:$0x18400] =	vst v63  }
0x37a: {  	_ = 	snop  }
0x37b: {  	[tilespmem:s29], [sflag:$0x2] =	stream.indirect_vreg.gather [hbm4b:s6+s2], $0x80, v3, vm0, $0xb8;
	[tilespmem:$0x18400] =	vst v63  }
0x37c: {  	_ = 	snop  }
0x37d: {  	[tilespmem:s30], [sflag:$0x2] =	stream.indirect_vreg.gather [hbm4b:s7+s2], $0x80, v3, vm0, $0xb8;
	[tilespmem:$0x18400] =	vst v63  }
0x37e: {  	_ =	swait.ge [sflag:s31], $0x6000  }
0x37f: {  	[sflag:s31] =	ssyncset.done $0x0  }
0x380: {  	[sflag:s31] =	ssyncadd.s32 $0xFFFFA000  }
0x381: {  	_ =	swait.ge [sflag:s19], $0xC00  }
0x382: {  	[sflag:s19] =	ssyncset.done $0x0  }
0x383: {  	s0 =	simm.s32 $0x400;
	[sflag:s19] =	ssyncadd.s32 $0xFFFFF400  }
0x384: {  	[spmem:s9] =	stream.linear.scatter [tilespmem:s0], [sflag:$0x5], $0x6000, $0x38;
	[tilespmem:$0x18400] =	vst v63  }
0x385: {  	_ =	swait.ge [sflag:s12], $0x6000  }
0x386: {  	[sflag:s12] =	ssyncset.done $0x0  }
0x387: {  	s1 =	rddreg [dreg:$0x13];
	[sflag:s12] =	ssyncadd.s32 $0xFFFFA000  }
0x388: {  	[hbm:s1@s28], [sflag:s21] =	dma.strided [spmem:s22@s15], $0xC00, s5, $0x10   }
0x389: {  	v3 =	vld [tilespmem:$0x240];
	_ =	sdelay $0x4  }
0x38a: {  	v60 =	vshrl.u32 v3, $0x3  }
0x38b: {  	v4 =	vmul.u32 $0x30, v60  }
0x38c: {  	v3 =	vand.u32 $0x7, v3  }
0x38d: {  	v3 =	vor.u32 v3, v4  }
0x38e: {  	v4 =	vperm.xlane v3, v0;
	_ =	sdelay $0x1  }
0x38f: {  	v4 =	vadd.s32 v1, v4;
	_ =	sdelay $0x3  }
0x390: {  	v3 =	vperm.xlane v3, v2  }
0x391: {  	[tilespmem:s0], [sflag:$0x1] =	stream.indirect_vreg.gather [hbm4b:s4+s2], $0x80, v4, vm0, $0xb8;
	[tilespmem:$0x18400] =	vst v63  }
0x392: {  	s26 =	simm.s32 $0xC00;
	v3 =	vadd.s32 v1, v3  }
0x393: {  	[tilespmem:s26], [sflag:$0x1] =	stream.indirect_vreg.gather [hbm4b:s6+s2], $0x80, v4, vm0, $0xb8;
	[tilespmem:$0x18400] =	vst v63  }
0x394: {  	s26 =	simm.s32 $0x1400  }
0x395: {  	[tilespmem:s26], [sflag:$0x1] =	stream.indirect_vreg.gather [hbm4b:s7+s2], $0x80, v4, vm0, $0xb8;
	[tilespmem:$0x18400] =	vst v63  }
0x396: {  	s26 =	simm.s32 $0x1C00  }
0x397: {  	[tilespmem:s26], [sflag:$0x1] =	stream.indirect_vreg.gather [hbm4b:s4+s2], $0x80, v3, vm0, $0xb8;
	[tilespmem:$0x18400] =	vst v63  }
0x398: {  	s26 =	simm.s32 $0x2400  }
0x399: {  	[tilespmem:s26], [sflag:$0x1] =	stream.indirect_vreg.gather [hbm4b:s6+s2], $0x80, v3, vm0, $0xb8;
	[tilespmem:$0x18400] =	vst v63  }
0x39a: {  	s26 =	simm.s32 $0x2C00  }
0x39b: {  	[tilespmem:s26], [sflag:$0x1] =	stream.indirect_vreg.gather [hbm4b:s7+s2], $0x80, v3, vm0, $0xb8;
	[tilespmem:$0x18400] =	vst v63  }
0x39c: {  	v3 =	vld [tilespmem:$0x250];
	_ =	sdelay $0x4  }
0x39d: {  	v61 =	vshrl.u32 v3, $0x3  }
0x39e: {  	v4 =	vmul.u32 $0x30, v61  }
0x39f: {  	v3 =	vand.u32 $0x7, v3  }
0x3a0: {  	v3 =	vor.u32 v3, v4  }
0x3a1: {  	v4 =	vperm.xlane v3, v0;
	_ =	sdelay $0x1  }
0x3a2: {  	v4 =	vadd.s32 v1, v4;
	_ =	sdelay $0x3  }
0x3a3: {  	s26 =	simm.s32 $0x3400;
	v3 =	vperm.xlane v3, v2  }
0x3a4: {  	[tilespmem:s26], [sflag:$0x1] =	stream.indirect_vreg.gather [hbm4b:s4+s2], $0x80, v4, vm0, $0xb8;
	[tilespmem:$0x18400] =	vst v63  }
0x3a5: {  	v3 =	vadd.s32 v1, v3  }
0x3a6: {  	[tilespmem:s13], [sflag:$0x1] =	stream.indirect_vreg.gather [hbm4b:s6+s2], $0x80, v4, vm0, $0xb8;
	[tilespmem:$0x18400] =	vst v63  }
0x3a7: {  	_ = 	snop  }
0x3a8: {  	[tilespmem:s16], [sflag:$0x1] =	stream.indirect_vreg.gather [hbm4b:s7+s2], $0x80, v4, vm0, $0xb8;
	[tilespmem:$0x18400] =	vst v63  }
0x3a9: {  	_ = 	snop  }
0x3aa: {  	[tilespmem:s17], [sflag:$0x1] =	stream.indirect_vreg.gather [hbm4b:s4+s2], $0x80, v3, vm0, $0xb8;
	[tilespmem:$0x18400] =	vst v63  }
0x3ab: {  	s13 =	simm.s32 $0x5400  }
0x3ac: {  	[tilespmem:s13], [sflag:$0x1] =	stream.indirect_vreg.gather [hbm4b:s6+s2], $0x80, v3, vm0, $0xb8;
	[tilespmem:$0x18400] =	vst v63  }
0x3ad: {  	s16 =	simm.s32 $0x5C00  }
0x3ae: {  	[tilespmem:s16], [sflag:$0x1] =	stream.indirect_vreg.gather [hbm4b:s7+s2], $0x80, v3, vm0, $0xb8;
	[tilespmem:$0x18400] =	vst v63  }
0x3af: {  	_ =	swait.ge [sflag:s18], $0x6000  }
0x3b0: {  	[sflag:s18] =	ssyncset.done $0x0  }
0x3b1: {  	[sflag:s18] =	ssyncadd.s32 $0xFFFFA000  }
0x3b2: {  	_ =	swait.ge [sflag:s20], $0xC00  }
0x3b3: {  	[sflag:s20] =	ssyncset.done $0x0  }
0x3b4: {  	s24 =	simm.s32 $0x6400;
	[sflag:s20] =	ssyncadd.s32 $0xFFFFF400  }
0x3b5: {  	[spmem:s3] =	stream.linear.scatter [tilespmem:s24], [sflag:$0x5], $0x6000, $0x38;
	[tilespmem:$0x18400] =	vst v63  }
0x3b6: {  	_ =	swait.ge [sflag:s12], $0x6000  }
0x3b7: {  	[sflag:s12] =	ssyncset.done $0x0  }
0x3b8: {  	s17 =	rddreg [dreg:$0x14];
	[sflag:s12] =	ssyncadd.s32 $0xFFFFA000  }
0x3b9: {  	[hbm:s17@s28], [sflag:s23] =	dma.strided [spmem:s25@s15], $0xC00, s5, $0x10   }
0x3ba: {  	v3 =	vld [tilespmem:$0x260];
	_ =	sdelay $0x4  }
0x3bb: {  	v62 =	vshrl.u32 v3, $0x3  }
0x3bc: {  	v4 =	vmul.u32 $0x30, v62  }
0x3bd: {  	v3 =	vand.u32 $0x7, v3  }
0x3be: {  	v3 =	vor.u32 v3, v4  }
0x3bf: {  	v4 =	vperm.xlane v3, v0;
	_ =	sdelay $0x1  }
0x3c0: {  	v4 =	vadd.s32 v1, v4;
	_ =	sdelay $0x3  }
0x3c1: {  	v3 =	vperm.xlane v3, v2  }
0x3c2: {  	[tilespmem:s24], [sflag:$0x2] =	stream.indirect_vreg.gather [hbm4b:s4+s2], $0x80, v4, vm0, $0xb8;
	[tilespmem:$0x18400] =	vst v63  }
0x3c3: {  	s10 =	simm.s32 $0x6C00;
	v3 =	vadd.s32 v1, v3  }
0x3c4: {  	[tilespmem:s10], [sflag:$0x2] =	stream.indirect_vreg.gather [hbm4b:s6+s2], $0x80, v4, vm0, $0xb8;
	[tilespmem:$0x18400] =	vst v63  }
0x3c5: {  	s26 =	simm.s32 $0x7400  }
0x3c6: {  	[tilespmem:s26], [sflag:$0x2] =	stream.indirect_vreg.gather [hbm4b:s7+s2], $0x80, v4, vm0, $0xb8;
	[tilespmem:$0x18400] =	vst v63  }
0x3c7: {  	s10 =	simm.s32 $0x7C00  }
0x3c8: {  	[tilespmem:s10], [sflag:$0x2] =	stream.indirect_vreg.gather [hbm4b:s4+s2], $0x80, v3, vm0, $0xb8;
	[tilespmem:$0x18400] =	vst v63  }
0x3c9: {  	s8 =	simm.s32 $0x8400  }
0x3ca: {  	[tilespmem:s8], [sflag:$0x2] =	stream.indirect_vreg.gather [hbm4b:s6+s2], $0x80, v3, vm0, $0xb8;
	[tilespmem:$0x18400] =	vst v63  }
0x3cb: {  	s16 =	simm.s32 $0x8C00  }
0x3cc: {  	[tilespmem:s16], [sflag:$0x2] =	stream.indirect_vreg.gather [hbm4b:s7+s2], $0x80, v3, vm0, $0xb8;
	[tilespmem:$0x18400] =	vst v63  }
0x3cd: {  	v3 =	vld [tilespmem:$0x270];
	_ =	sdelay $0x4  }
0x3ce: {  	v63 =	vshrl.u32 v3, $0x3  }
0x3cf: {  	v4 =	vmul.u32 $0x30, v63  }
0x3d0: {  	v3 =	vand.u32 $0x7, v3  }
0x3d1: {  	v3 =	vor.u32 v3, v4  }
0x3d2: {  	v4 =	vperm.xlane v3, v0;
	_ =	sdelay $0x1  }
0x3d3: {  	v4 =	vadd.s32 v1, v4;
	_ =	sdelay $0x3  }
0x3d4: {  	s17 =	simm.s32 $0x9400;
	v3 =	vperm.xlane v3, v2  }
0x3d5: {  	[tilespmem:s17], [sflag:$0x2] =	stream.indirect_vreg.gather [hbm4b:s4+s2], $0x80, v4, vm0, $0xb8;
	[tilespmem:$0x18400] =	vst v63  }
0x3d6: {  	s26 =	simm.s32 $0x9C00;
	v3 =	vadd.s32 v1, v3  }
0x3d7: {  	[tilespmem:s26], [sflag:$0x2] =	stream.indirect_vreg.gather [hbm4b:s6+s2], $0x80, v4, vm0, $0xb8;
	[tilespmem:$0x18400] =	vst v63  }
0x3d8: {  	s11 =	simm.s32 $0xA400  }
0x3d9: {  	[tilespmem:s11], [sflag:$0x2] =	stream.indirect_vreg.gather [hbm4b:s7+s2], $0x80, v4, vm0, $0xb8;
	[tilespmem:$0x18400] =	vst v63  }
0x3da: {  	s14 =	simm.s32 $0xAC00  }
0x3db: {  	[tilespmem:s14], [sflag:$0x2] =	stream.indirect_vreg.gather [hbm4b:s4+s2], $0x80, v3, vm0, $0xb8;
	[tilespmem:$0x18400] =	vst v63  }
0x3dc: {  	s29 =	simm.s32 $0xB400  }
0x3dd: {  	[tilespmem:s29], [sflag:$0x2] =	stream.indirect_vreg.gather [hbm4b:s6+s2], $0x80, v3, vm0, $0xb8;
	[tilespmem:$0x18400] =	vst v63  }
0x3de: {  	s30 =	simm.s32 $0xBC00  }
0x3df: {  	[tilespmem:s30], [sflag:$0x2] =	stream.indirect_vreg.gather [hbm4b:s7+s2], $0x80, v3, vm0, $0xb8;
	[tilespmem:$0x18400] =	vst v63  }
0x3e0: {  	s13 =	rddreg [dreg:$0x1a];
	_ =	swait.ge [sflag:s31], $0x6000  }
0x3e1: {  	[sflag:s31] =	ssyncset.done $0x0  }
0x3e2: {  	[sflag:s31] =	ssyncadd.s32 $0xFFFFA000  }
0x3e3: {  	_ =	swait.ge [sflag:s19], $0xC00  }
0x3e4: {  	[sflag:s19] =	ssyncset.done $0x0  }
0x3e5: {  	s0 =	simm.s32 $0x400;
	[sflag:s19] =	ssyncadd.s32 $0xFFFFF400  }
0x3e6: {  	[spmem:s9] =	stream.linear.scatter [tilespmem:s0], [sflag:$0x5], $0x6000, $0x38;
	[tilespmem:$0x18400] =	vst v63  }
0x3e7: {  	_ =	swait.ge [sflag:s12], $0x6000  }
0x3e8: {  	[sflag:s12] =	ssyncset.done $0x0  }
0x3e9: {  	s29 =	rddreg [dreg:$0x15];
	[sflag:s12] =	ssyncadd.s32 $0xFFFFA000  }
0x3ea: {  	[hbm:s29@s28], [sflag:s21] =	dma.strided [spmem:s22@s15], $0xC00, s5, $0x10   }
0x3eb: {  	_ =	swait.ge [sflag:s18], $0x6000  }
0x3ec: {  	[sflag:s18] =	ssyncset.done $0x0  }
0x3ed: {  	[sflag:s18] =	ssyncadd.s32 $0xFFFFA000  }
0x3ee: {  	_ =	swait.ge [sflag:s20], $0xC00  }
0x3ef: {  	[sflag:s20] =	ssyncset.done $0x0  }
0x3f0: {  	[sflag:s20] =	ssyncadd.s32 $0xFFFFF400  }
0x3f1: {  	[spmem:s3] =	stream.linear.scatter [tilespmem:s24], [sflag:$0x5], $0x6000, $0x38;
	[tilespmem:$0x18400] =	vst v63  }
0x3f2: {  	_ =	swait.ge [sflag:s12], $0x6000  }
0x3f3: {  	[sflag:s12] =	ssyncset.done $0x0  }
0x3f4: {  	s30 =	rddreg [dreg:$0x16];
	[sflag:s12] =	ssyncadd.s32 $0xFFFFA000  }
0x3f5: {  	[hbm:s30@s28], [sflag:s23] =	dma.strided [spmem:s25@s15], $0xC00, s5, $0x10   }
0x3f6: {  	p0 =	sne.s32 s13, $0x1;
	_ =	swait.ge [sflag:s19], $0xC00  }
.Ltmp0:
0x3f7: {  	[sflag:s19] =	ssyncset.done $0x0;
	(pc) =	sbr.rel @p0 .LBB2_1-.Ltmp0, $4  }
0x3f8: {  	[sflag:s19] =	ssyncadd.s32 $0xFFFFF400  }
0x3f9: {  	_ =	swait.ge [sflag:s20], $0xC00  }
0x3fa: {  	[sflag:s20] =	ssyncset.done $0x0  }
0x3fb: {  	s1 =	sadd.s32 $0xFFFFFFFF, s13;
	[sflag:s20] =	ssyncadd.s32 $0xFFFFF400  }
0x3fc: {  	_ =	sfence.sel $0x180000  }
0x3fd: {  	[bflag:$0x0] =	sbarrier.arrive $0xFFFF  }
0x3fe: {  	_ =	strace $0x90000047  }
0x3ff: {  	s0 =	stileid.u32;
	[bflag:$0x2] =	sbarrier.arrive $0xFFFF  }
0x400: {  	p0 =	sne.s32 s0, $0x0;
	s0 =	rddreg [dreg:$0x3]  }
0x401: {  	s0 =	sadd.s32 @!p0 $0x100000, s0  }
0x402: {  	[sflag:s0] =	ssyncadd.tile.s32 @!p0 $0x1;
	_ =	shalt  }
.Lfunc_end2:
_tile_overlayer_lowered:
.L_overlay_start_2:
0x403: {  	(tag) =	ssettag $0x2  }
0x404: {  	s0 =	rddreg [dreg:$0x0];
	s2 =	stileid.u32  }
0x405: {  	s1 =	rddreg [dreg:$0x1];
	p0 =	sne.s32 s2, $0x0  }
0x406: {  	s3 =	rddreg [dreg:$0x2];
	[bflag:$0x3] =	sbarrier.arrive $0xFFFF;
	s2 =	simm.s32 @!p0 $0x1C05  }
0x407: {  	[timem:s3], [sflag:s2] =	dma.local @!p0 [hbm:s0], s1  }
0x408: {  	s0 =	simm.s32 @!p0 $0x5  }
0x409: {  	_ =	swait.ge @!p0 [sflag:s0], s1  }
0x40a: {  	s1 =	ssub.s32 @!p0 $0x0, s1;
	[sflag:s0] =	ssyncset.done @!p0 $0x0  }
0x40b: {  	[sflag:s0] =	ssyncadd.s32 @!p0 s1  }
0x40c: {  	[bflag:$0x3] =	sbarrier.arrive $0xFFFF  }
0x40d: {  	_ =	shalt  }

</sc_bundles>
